<compile_context>
chip_gen: v7x
topology: tpu7x:2x2x1
jax: 0.10.2.dev20260603
libtpu: 0.0.44.dev20260713+nightly
codegen_flags: <defaults>
</compile_context>

<pallas_src>
import functools

import jax
import jax.numpy as jnp
from jax import lax
from jax.experimental import pallas as pl
from jax.experimental.pallas import tpu as pltpu
from jax.experimental.pallas import tpu_sc as plsc

_LANES = 16
_ROWS = 32


def _sc_scale_body(n_chunks, dim, scale, emb_hbm, out_hbm, a0, a1,
                   si0, si1, so0, so1):
    nc = 2
    wid = lax.axis_index("s") * nc + lax.axis_index("c")
    base = wid * (n_chunks * _ROWS)
    bufs = [a0, a1]
    sin, sout = [si0, si1], [so0, so1]

    def issue_in(c, b):
        pltpu.async_copy(emb_hbm.at[pl.ds(base + c * _ROWS, _ROWS)], bufs[b], sin[b])

    def wait_in(b):
        pltpu.make_async_copy(emb_hbm.at[pl.ds(base, _ROWS)], bufs[b], sin[b]).wait()

    def issue_out(c, b):
        pltpu.async_copy(bufs[b], out_hbm.at[pl.ds(base + c * _ROWS, _ROWS)], sout[b])

    def wait_out(b):
        pltpu.make_async_copy(bufs[b], out_hbm.at[pl.ds(base, _ROWS)], sout[b]).wait()

    def compute(b):
        buf = bufs[b]

        @plsc.parallel_loop(0, _ROWS)
        def _(r):
            for k in range(dim // _LANES):
                sl = pl.ds(k * _LANES, _LANES)
                buf[r, sl] = buf[r, sl] * scale

    issue_in(0, 0)
    issue_in(1, 1)
    wait_in(0)
    compute(0)
    issue_out(0, 0)
    wait_in(1)
    compute(1)
    issue_out(1, 1)

    def gbody(g, _):
        c0 = 2 * g
        wait_out(0)
        issue_in(c0, 0)
        wait_in(0)
        compute(0)
        issue_out(c0, 0)
        wait_out(1)
        issue_in(c0 + 1, 1)
        wait_in(1)
        compute(1)
        issue_out(c0 + 1, 1)
        return 0

    lax.fori_loop(1, n_chunks // 2, gbody, 0)
    wait_out(0)
    wait_out(1)


def kernel(x, emb):
    seq_len = x.shape[1]
    dim = emb.shape[1]
    scale = dim ** (-0.5)
    n_workers = 32
    n_chunks = seq_len // (n_workers * _ROWS)

    mesh = plsc.VectorSubcoreMesh(core_axis_name="c", subcore_axis_name="s")
    sc_call = pl.kernel(
        functools.partial(_sc_scale_body, n_chunks, dim, scale),
        mesh=mesh,
        out_type=jax.ShapeDtypeStruct((seq_len, dim), emb.dtype),
        scratch_types=[
            pltpu.VMEM((_ROWS, dim), jnp.float32),
            pltpu.VMEM((_ROWS, dim), jnp.float32),
            pltpu.SemaphoreType.DMA,
            pltpu.SemaphoreType.DMA,
            pltpu.SemaphoreType.DMA,
            pltpu.SemaphoreType.DMA,
        ],
    )
    return sc_call(emb[:seq_len])

# --- scband reference (transcript-rebuilt; emitter-appended) ---
"""Pipeline reference for scband-absolute-positional-embedding-40175124086879 (READ-ONLY COPY).

The authoritative reference and input builder live on the scoring server;
editing this copy changes nothing except your own understanding.
"""

import jax, jax.numpy as jnp
import numpy as np

DIM = 1024
MAX_SEQ_LEN = 8192

def setup_inputs(seed: int = 0) -> dict:
    key = jax.random.key(seed)
    k1, k2 = jax.random.split(key)
    x = jax.random.normal(k1, (2, 8192, DIM), dtype=jnp.float32)
    emb = jax.random.normal(k2, (MAX_SEQ_LEN, DIM), dtype=jnp.float32)
    return {"x": x, "emb": emb}

def reference(x, emb):
    scale = DIM ** (-0.5)
    pos = jnp.arange(x.shape[1])
    return jnp.take(emb, pos, axis=0) * scale

if __name__ == "__main__":
    import jax
    _d = setup_inputs()
    print(jax.jit(kernel)(*tuple(_d.values())))

</pallas_src>

<mosaic_0001>
#map = affine_map<(d0, d1) -> (0, 0)>
module attributes {stable_mosaic.version = 14 : i64} {
  func.func @_sc_scale_body(%arg0: i32, %arg1: i32, %arg2: memref<8192x1024xf32, #tpu.memory_space<hbm>>, %arg3: memref<8192x1024xf32, #tpu.memory_space<hbm>>, %arg4: memref<32x1024xf32, #tpu.memory_space<vmem>>, %arg5: memref<32x1024xf32, #tpu.memory_space<vmem>>, %arg6: memref<!tpu.dma_semaphore, #tpu.memory_space<semaphore_mem>>, %arg7: memref<!tpu.dma_semaphore, #tpu.memory_space<semaphore_mem>>, %arg8: memref<!tpu.dma_semaphore, #tpu.memory_space<semaphore_mem>>, %arg9: memref<!tpu.dma_semaphore, #tpu.memory_space<semaphore_mem>>) attributes {dimension_semantics = [#tpu.dimension_semantics<core_parallel>, #tpu.dimension_semantics<subcore_parallel>], iteration_bounds = array<i64: 2, 16>, scalar_prefetch = 0 : i64, scratch_operands = 6 : i64, tpu.core_type = #tpu.core_type<sc_vector_subcore>, window_params = [{transform_indices = #map}, {transform_indices = #map}]} {
    %mul3A = arith.constant 2 : i32
    %mul3A_0 = arith.muli %arg1, %mul3A : i32
    %add3A = arith.addi %mul3A_0, %arg0 : i32
    %mul3A_1 = arith.constant 256 : i32
    %mul3A_2 = arith.muli %add3A, %mul3A_1 : i32
    %add3A_3 = arith.constant 0 : i32
    %add3A_4 = arith.addi %mul3A_2, %add3A_3 : i32
    %dma_start3A = arith.constant 0 : i32
    %dma_start3A_5 = tpu.memref_slice %arg2[%add3A_4, %dma_start3A] : memref<8192x1024xf32, #tpu.memory_space<hbm>> -> memref<32x1024xf32, #tpu.memory_space<hbm>>
    %dma_start3A_6 = arith.constant 0 : i32
    %dma_start3A_7 = tpu.memref_slice %arg2[%add3A_4, %dma_start3A_6] : memref<8192x1024xf32, #tpu.memory_space<hbm>> -> memref<32x1024xf32, #tpu.memory_space<hbm>>
    tpu.enqueue_dma source(%dma_start3A_7 : memref<32x1024xf32, #tpu.memory_space<hbm>>) target(%arg4 : memref<32x1024xf32, #tpu.memory_space<vmem>>) target_semaphore(%arg6 : memref<!tpu.dma_semaphore, #tpu.memory_space<semaphore_mem>>)
    %add3A_8 = arith.constant 32 : i32
    %add3A_9 = arith.addi %mul3A_2, %add3A_8 : i32
    %dma_start3A_10 = arith.constant 0 : i32
    %dma_start3A_11 = tpu.memref_slice %arg2[%add3A_9, %dma_start3A_10] : memref<8192x1024xf32, #tpu.memory_space<hbm>> -> memref<32x1024xf32, #tpu.memory_space<hbm>>
    %dma_start3A_12 = arith.constant 0 : i32
    %dma_start3A_13 = tpu.memref_slice %arg2[%add3A_9, %dma_start3A_12] : memref<8192x1024xf32, #tpu.memory_space<hbm>> -> memref<32x1024xf32, #tpu.memory_space<hbm>>
    tpu.enqueue_dma source(%dma_start3A_13 : memref<32x1024xf32, #tpu.memory_space<hbm>>) target(%arg5 : memref<32x1024xf32, #tpu.memory_space<vmem>>) target_semaphore(%arg7 : memref<!tpu.dma_semaphore, #tpu.memory_space<semaphore_mem>>)
    %dma_wait3A = arith.constant 0 : i32
    %dma_wait3A_14 = tpu.memref_slice %arg2[%mul3A_2, %dma_wait3A] : memref<8192x1024xf32, #tpu.memory_space<hbm>> -> memref<32x1024xf32, #tpu.memory_space<hbm>>
    %dma_wait3A_15 = arith.constant 0 : i32
    %dma_wait3A_16 = tpu.memref_slice %arg2[%mul3A_2, %dma_wait3A_15] : memref<8192x1024xf32, #tpu.memory_space<hbm>> -> memref<32x1024xf32, #tpu.memory_space<hbm>>
    tpu.wait_dma2 semaphore(%arg6 : memref<!tpu.dma_semaphore, #tpu.memory_space<semaphore_mem>>) src(%dma_wait3A_16 : memref<32x1024xf32, #tpu.memory_space<hbm>>) dst(%arg4 : memref<32x1024xf32, #tpu.memory_space<vmem>>)
    %parallel_loop3A = arith.constant 0 : i32
    %parallel_loop3A_17 = arith.constant 32 : i32
    %parallel_loop3A_18 = arith.constant 1 : i32
    scf.for %parallel_loop3A_52 = %parallel_loop3A to %parallel_loop3A_17 step %parallel_loop3A_18  : i32 {
      %parallel_loop3A_53 = arith.index_cast %parallel_loop3A_52 : i32 to index
      %parallel_loop3A_54 = arith.constant 0 : index
      %parallel_loop3A_55 = tpu.vector_load %arg4[%parallel_loop3A_53, %parallel_loop3A_54] {strides = array<i32>} : memref<32x1024xf32, #tpu.memory_space<vmem>>, vector<1x16xf32>,
      %parallel_loop3A_56 = vector.shape_cast %parallel_loop3A_55 : vector<1x16xf32> to vector<16xf32>
      %parallel_loop3A_57 = arith.constant 3.125000e-02 : f32
      %parallel_loop3A_58 = vector.broadcast %parallel_loop3A_57 : f32 to vector<16xf32>
      %parallel_loop3A_59 = arith.mulf %parallel_loop3A_56, %parallel_loop3A_58 : vector<16xf32>
      %parallel_loop3A_60 = arith.index_cast %parallel_loop3A_52 : i32 to index
      %parallel_loop3A_61 = arith.constant 0 : index
      %parallel_loop3A_62 = tpu.vector_load %arg4[%parallel_loop3A_60, %parallel_loop3A_61] {strides = array<i32>} : memref<32x1024xf32, #tpu.memory_space<vmem>>, vector<1x16xf32>,
      %parallel_loop3A_63 = vector.shape_cast %parallel_loop3A_62 : vector<1x16xf32> to vector<16xf32>
      %parallel_loop3A_64 = vector.shape_cast %parallel_loop3A_59 : vector<16xf32> to vector<1x16xf32>
      tpu.vector_store %arg4[%parallel_loop3A_60, %parallel_loop3A_61], %parallel_loop3A_64 {strides = array<i32>} : memref<32x1024xf32, #tpu.memory_space<vmem>>, vector<1x16xf32>,
      %parallel_loop3A_65 = arith.index_cast %parallel_loop3A_52 : i32 to index
      %parallel_loop3A_66 = arith.constant 16 : index
      %parallel_loop3A_67 = tpu.vector_load %arg4[%parallel_loop3A_65, %parallel_loop3A_66] {strides = array<i32>} : memref<32x1024xf32, #tpu.memory_space<vmem>>, vector<1x16xf32>,
      %parallel_loop3A_68 = vector.shape_cast %parallel_loop3A_67 : vector<1x16xf32> to vector<16xf32>
      %parallel_loop3A_69 = arith.constant 3.125000e-02 : f32
      %parallel_loop3A_70 = vector.broadcast %parallel_loop3A_69 : f32 to vector<16xf32>
      %parallel_loop3A_71 = arith.mulf %parallel_loop3A_68, %parallel_loop3A_70 : vector<16xf32>
      %parallel_loop3A_72 = arith.index_cast %parallel_loop3A_52 : i32 to index
      %parallel_loop3A_73 = arith.constant 16 : index
      %parallel_loop3A_74 = tpu.vector_load %arg4[%parallel_loop3A_72, %parallel_loop3A_73] {strides = array<i32>} : memref<32x1024xf32, #tpu.memory_space<vmem>>, vector<1x16xf32>,
      %parallel_loop3A_75 = vector.shape_cast %parallel_loop3A_74 : vector<1x16xf32> to vector<16xf32>
      %parallel_loop3A_76 = vector.shape_cast %parallel_loop3A_71 : vector<16xf32> to vector<1x16xf32>
      tpu.vector_store %arg4[%parallel_loop3A_72, %parallel_loop3A_73], %parallel_loop3A_76 {strides = array<i32>} : memref<32x1024xf32, #tpu.memory_space<vmem>>, vector<1x16xf32>,
      %parallel_loop3A_77 = arith.index_cast %parallel_loop3A_52 : i32 to index
      %parallel_loop3A_78 = arith.constant 32 : index
      %parallel_loop3A_79 = tpu.vector_load %arg4[%parallel_loop3A_77, %parallel_loop3A_78] {strides = array<i32>} : memref<32x1024xf32, #tpu.memory_space<vmem>>, vector<1x16xf32>,
      %parallel_loop3A_80 = vector.shape_cast %parallel_loop3A_79 : vector<1x16xf32> to vector<16xf32>
      %parallel_loop3A_81 = arith.constant 3.125000e-02 : f32
      %parallel_loop3A_82 = vector.broadcast %parallel_loop3A_81 : f32 to vector<16xf32>
      %parallel_loop3A_83 = arith.mulf %parallel_loop3A_80, %parallel_loop3A_82 : vector<16xf32>
      %parallel_loop3A_84 = arith.index_cast %parallel_loop3A_52 : i32 to index
      %parallel_loop3A_85 = arith.constant 32 : index
      %parallel_loop3A_86 = tpu.vector_load %arg4[%parallel_loop3A_84, %parallel_loop3A_85] {strides = array<i32>} : memref<32x1024xf32, #tpu.memory_space<vmem>>, vector<1x16xf32>,
      %parallel_loop3A_87 = vector.shape_cast %parallel_loop3A_86 : vector<1x16xf32> to vector<16xf32>
      %parallel_loop3A_88 = vector.shape_cast %parallel_loop3A_83 : vector<16xf32> to vector<1x16xf32>
      tpu.vector_store %arg4[%parallel_loop3A_84, %parallel_loop3A_85], %parallel_loop3A_88 {strides = array<i32>} : memref<32x1024xf32, #tpu.memory_space<vmem>>, vector<1x16xf32>,
      %parallel_loop3A_89 = arith.index_cast %parallel_loop3A_52 : i32 to index
      %parallel_loop3A_90 = arith.constant 48 : index
      %parallel_loop3A_91 = tpu.vector_load %arg4[%parallel_loop3A_89, %parallel_loop3A_90] {strides = array<i32>} : memref<32x1024xf32, #tpu.memory_space<vmem>>, vector<1x16xf32>,
      %parallel_loop3A_92 = vector.shape_cast %parallel_loop3A_91 : vector<1x16xf32> to vector<16xf32>
      %parallel_loop3A_93 = arith.constant 3.125000e-02 : f32
      %parallel_loop3A_94 = vector.broadcast %parallel_loop3A_93 : f32 to vector<16xf32>
      %parallel_loop3A_95 = arith.mulf %parallel_loop3A_92, %parallel_loop3A_94 : vector<16xf32>
      %parallel_loop3A_96 = arith.index_cast %parallel_loop3A_52 : i32 to index
      %parallel_loop3A_97 = arith.constant 48 : index
      %parallel_loop3A_98 = tpu.vector_load %arg4[%parallel_loop3A_96, %parallel_loop3A_97] {strides = array<i32>} : memref<32x1024xf32, #tpu.memory_space<vmem>>, vector<1x16xf32>,
      %parallel_loop3A_99 = vector.shape_cast %parallel_loop3A_98 : vector<1x16xf32> to vector<16xf32>
      %parallel_loop3A_100 = vector.shape_cast %parallel_loop3A_95 : vector<16xf32> to vector<1x16xf32>
      tpu.vector_store %arg4[%parallel_loop3A_96, %parallel_loop3A_97], %parallel_loop3A_100 {strides = array<i32>} : memref<32x1024xf32, #tpu.memory_space<vmem>>, vector<1x16xf32>,
      %parallel_loop3A_101 = arith.index_cast %parallel_loop3A_52 : i32 to index
      %parallel_loop3A_102 = arith.constant 64 : index
      %parallel_loop3A_103 = tpu.vector_load %arg4[%parallel_loop3A_101, %parallel_loop3A_102] {strides = array<i32>} : memref<32x1024xf32, #tpu.memory_space<vmem>>, vector<1x16xf32>,
      %parallel_loop3A_104 = vector.shape_cast %parallel_loop3A_103 : vector<1x16xf32> to vector<16xf32>
      %parallel_loop3A_105 = arith.constant 3.125000e-02 : f32
      %parallel_loop3A_106 = vector.broadcast %parallel_loop3A_105 : f32 to vector<16xf32>
      %parallel_loop3A_107 = arith.mulf %parallel_loop3A_104, %parallel_loop3A_106 : vector<16xf32>
      %parallel_loop3A_108 = arith.index_cast %parallel_loop3A_52 : i32 to index
      %parallel_loop3A_109 = arith.constant 64 : index
      %parallel_loop3A_110 = tpu.vector_load %arg4[%parallel_loop3A_108, %parallel_loop3A_109] {strides = array<i32>} : memref<32x1024xf32, #tpu.memory_space<vmem>>, vector<1x16xf32>,
      %parallel_loop3A_111 = vector.shape_cast %parallel_loop3A_110 : vector<1x16xf32> to vector<16xf32>
      %parallel_loop3A_112 = vector.shape_cast %parallel_loop3A_107 : vector<16xf32> to vector<1x16xf32>
      tpu.vector_store %arg4[%parallel_loop3A_108, %parallel_loop3A_109], %parallel_loop3A_112 {strides = array<i32>} : memref<32x1024xf32, #tpu.memory_space<vmem>>, vector<1x16xf32>,
      %parallel_loop3A_113 = arith.index_cast %parallel_loop3A_52 : i32 to index
      %parallel_loop3A_114 = arith.constant 80 : index
      %parallel_loop3A_115 = tpu.vector_load %arg4[%parallel_loop3A_113, %parallel_loop3A_114] {strides = array<i32>} : memref<32x1024xf32, #tpu.memory_space<vmem>>, vector<1x16xf32>,
      %parallel_loop3A_116 = vector.shape_cast %parallel_loop3A_115 : vector<1x16xf32> to vector<16xf32>
      %parallel_loop3A_117 = arith.constant 3.125000e-02 : f32
      %parallel_loop3A_118 = vector.broadcast %parallel_loop3A_117 : f32 to vector<16xf32>
      %parallel_loop3A_119 = arith.mulf %parallel_loop3A_116, %parallel_loop3A_118 : vector<16xf32>
      %parallel_loop3A_120 = arith.index_cast %parallel_loop3A_52 : i32 to index
      %parallel_loop3A_121 = arith.constant 80 : index
      %parallel_loop3A_122 = tpu.vector_load %arg4[%parallel_loop3A_120, %parallel_loop3A_121] {strides = array<i32>} : memref<32x1024xf32, #tpu.memory_space<vmem>>, vector<1x16xf32>,
      %parallel_loop3A_123 = vector.shape_cast %parallel_loop3A_122 : vector<1x16xf32> to vector<16xf32>
      %parallel_loop3A_124 = vector.shape_cast %parallel_loop3A_119 : vector<16xf32> to vector<1x16xf32>
      tpu.vector_store %arg4[%parallel_loop3A_120, %parallel_loop3A_121], %parallel_loop3A_124 {strides = array<i32>} : memref<32x1024xf32, #tpu.memory_space<vmem>>, vector<1x16xf32>,
      %parallel_loop3A_125 = arith.index_cast %parallel_loop3A_52 : i32 to index
      %parallel_loop3A_126 = arith.constant 96 : index
      %parallel_loop3A_127 = tpu.vector_load %arg4[%parallel_loop3A_125, %parallel_loop3A_126] {strides = array<i32>} : memref<32x1024xf32, #tpu.memory_space<vmem>>, vector<1x16xf32>,
      %parallel_loop3A_128 = vector.shape_cast %parallel_loop3A_127 : vector<1x16xf32> to vector<16xf32>
      %parallel_loop3A_129 = arith.constant 3.125000e-02 : f32
      %parallel_loop3A_130 = vector.broadcast %parallel_loop3A_129 : f32 to vector<16xf32>
      %parallel_loop3A_131 = arith.mulf %parallel_loop3A_128, %parallel_loop3A_130 : vector<16xf32>
      %parallel_loop3A_132 = arith.index_cast %parallel_loop3A_52 : i32 to index
      %parallel_loop3A_133 = arith.constant 96 : index
      %parallel_loop3A_134 = tpu.vector_load %arg4[%parallel_loop3A_132, %parallel_loop3A_133] {strides = array<i32>} : memref<32x1024xf32, #tpu.memory_space<vmem>>, vector<1x16xf32>,
      %parallel_loop3A_135 = vector.shape_cast %parallel_loop3A_134 : vector<1x16xf32> to vector<16xf32>
      %parallel_loop3A_136 = vector.shape_cast %parallel_loop3A_131 : vector<16xf32> to vector<1x16xf32>
      tpu.vector_store %arg4[%parallel_loop3A_132, %parallel_loop3A_133], %parallel_loop3A_136 {strides = array<i32>} : memref<32x1024xf32, #tpu.memory_space<vmem>>, vector<1x16xf32>,
      %parallel_loop3A_137 = arith.index_cast %parallel_loop3A_52 : i32 to index
      %parallel_loop3A_138 = arith.constant 112 : index
      %parallel_loop3A_139 = tpu.vector_load %arg4[%parallel_loop3A_137, %parallel_loop3A_138] {strides = array<i32>} : memref<32x1024xf32, #tpu.memory_space<vmem>>, vector<1x16xf32>,
      %parallel_loop3A_140 = vector.shape_cast %parallel_loop3A_139 : vector<1x16xf32> to vector<16xf32>
      %parallel_loop3A_141 = arith.constant 3.125000e-02 : f32
      %parallel_loop3A_142 = vector.broadcast %parallel_loop3A_141 : f32 to vector<16xf32>
      %parallel_loop3A_143 = arith.mulf %parallel_loop3A_140, %parallel_loop3A_142 : vector<16xf32>
      %parallel_loop3A_144 = arith.index_cast %parallel_loop3A_52 : i32 to index
      %parallel_loop3A_145 = arith.constant 112 : index
      %parallel_loop3A_146 = tpu.vector_load %arg4[%parallel_loop3A_144, %parallel_loop3A_145] {strides = array<i32>} : memref<32x1024xf32, #tpu.memory_space<vmem>>, vector<1x16xf32>,
      %parallel_loop3A_147 = vector.shape_cast %parallel_loop3A_146 : vector<1x16xf32> to vector<16xf32>
      %parallel_loop3A_148 = vector.shape_cast %parallel_loop3A_143 : vector<16xf32> to vector<1x16xf32>
      tpu.vector_store %arg4[%parallel_loop3A_144, %parallel_loop3A_145], %parallel_loop3A_148 {strides = array<i32>} : memref<32x1024xf32, #tpu.memory_space<vmem>>, vector<1x16xf32>,
      %parallel_loop3A_149 = arith.index_cast %parallel_loop3A_52 : i32 to index
      %parallel_loop3A_150 = arith.constant 128 : index
      %parallel_loop3A_151 = tpu.vector_load %arg4[%parallel_loop3A_149, %parallel_loop3A_150] {strides = array<i32>} : memref<32x1024xf32, #tpu.memory_space<vmem>>, vector<1x16xf32>,
      %parallel_loop3A_152 = vector.shape_cast %parallel_loop3A_151 : vector<1x16xf32> to vector<16xf32>
      %parallel_loop3A_153 = arith.constant 3.125000e-02 : f32
      %parallel_loop3A_154 = vector.broadcast %parallel_loop3A_153 : f32 to vector<16xf32>
      %parallel_loop3A_155 = arith.mulf %parallel_loop3A_152, %parallel_loop3A_154 : vector<16xf32>
      %parallel_loop3A_156 = arith.index_cast %parallel_loop3A_52 : i32 to index
      %parallel_loop3A_157 = arith.constant 128 : index
      %parallel_loop3A_158 = tpu.vector_load %arg4[%parallel_loop3A_156, %parallel_loop3A_157] {strides = array<i32>} : memref<32x1024xf32, #tpu.memory_space<vmem>>, vector<1x16xf32>,
      %parallel_loop3A_159 = vector.shape_cast %parallel_loop3A_158 : vector<1x16xf32> to vector<16xf32>
      %parallel_loop3A_160 = vector.shape_cast %parallel_loop3A_155 : vector<16xf32> to vector<1x16xf32>
      tpu.vector_store %arg4[%parallel_loop3A_156, %parallel_loop3A_157], %parallel_loop3A_160 {strides = array<i32>} : memref<32x1024xf32, #tpu.memory_space<vmem>>, vector<1x16xf32>,
      %parallel_loop3A_161 = arith.index_cast %parallel_loop3A_52 : i32 to index
      %parallel_loop3A_162 = arith.constant 144 : index
      %parallel_loop3A_163 = tpu.vector_load %arg4[%parallel_loop3A_161, %parallel_loop3A_162] {strides = array<i32>} : memref<32x1024xf32, #tpu.memory_space<vmem>>, vector<1x16xf32>,
      %parallel_loop3A_164 = vector.shape_cast %parallel_loop3A_163 : vector<1x16xf32> to vector<16xf32>
      %parallel_loop3A_165 = arith.constant 3.125000e-02 : f32
      %parallel_loop3A_166 = vector.broadcast %parallel_loop3A_165 : f32 to vector<16xf32>
      %parallel_loop3A_167 = arith.mulf %parallel_loop3A_164, %parallel_loop3A_166 : vector<16xf32>
      %parallel_loop3A_168 = arith.index_cast %parallel_loop3A_52 : i32 to index
      %parallel_loop3A_169 = arith.constant 144 : index
      %parallel_loop3A_170 = tpu.vector_load %arg4[%parallel_loop3A_168, %parallel_loop3A_169] {strides = array<i32>} : memref<32x1024xf32, #tpu.memory_space<vmem>>, vector<1x16xf32>,
      %parallel_loop3A_171 = vector.shape_cast %parallel_loop3A_170 : vector<1x16xf32> to vector<16xf32>
      %parallel_loop3A_172 = vector.shape_cast %parallel_loop3A_167 : vector<16xf32> to vector<1x16xf32>
      tpu.vector_store %arg4[%parallel_loop3A_168, %parallel_loop3A_169], %parallel_loop3A_172 {strides = array<i32>} : memref<32x1024xf32, #tpu.memory_space<vmem>>, vector<1x16xf32>,
      %parallel_loop3A_173 = arith.index_cast %parallel_loop3A_52 : i32 to index
      %parallel_loop3A_174 = arith.constant 160 : index
      %parallel_loop3A_175 = tpu.vector_load %arg4[%parallel_loop3A_173, %parallel_loop3A_174] {strides = array<i32>} : memref<32x1024xf32, #tpu.memory_space<vmem>>, vector<1x16xf32>,
      %parallel_loop3A_176 = vector.shape_cast %parallel_loop3A_175 : vector<1x16xf32> to vector<16xf32>
      %parallel_loop3A_177 = arith.constant 3.125000e-02 : f32
      %parallel_loop3A_178 = vector.broadcast %parallel_loop3A_177 : f32 to vector<16xf32>
      %parallel_loop3A_179 = arith.mulf %parallel_loop3A_176, %parallel_loop3A_178 : vector<16xf32>
      %parallel_loop3A_180 = arith.index_cast %parallel_loop3A_52 : i32 to index
      %parallel_loop3A_181 = arith.constant 160 : index
      %parallel_loop3A_182 = tpu.vector_load %arg4[%parallel_loop3A_180, %parallel_loop3A_181] {strides = array<i32>} : memref<32x1024xf32, #tpu.memory_space<vmem>>, vector<1x16xf32>,
      %parallel_loop3A_183 = vector.shape_cast %parallel_loop3A_182 : vector<1x16xf32> to vector<16xf32>
      %parallel_loop3A_184 = vector.shape_cast %parallel_loop3A_179 : vector<16xf32> to vector<1x16xf32>
      tpu.vector_store %arg4[%parallel_loop3A_180, %parallel_loop3A_181], %parallel_loop3A_184 {strides = array<i32>} : memref<32x1024xf32, #tpu.memory_space<vmem>>, vector<1x16xf32>,
      %parallel_loop3A_185 = arith.index_cast %parallel_loop3A_52 : i32 to index
      %parallel_loop3A_186 = arith.constant 176 : index
      %parallel_loop3A_187 = tpu.vector_load %arg4[%parallel_loop3A_185, %parallel_loop3A_186] {strides = array<i32>} : memref<32x1024xf32, #tpu.memory_space<vmem>>, vector<1x16xf32>,
      %parallel_loop3A_188 = vector.shape_cast %parallel_loop3A_187 : vector<1x16xf32> to vector<16xf32>
      %parallel_loop3A_189 = arith.constant 3.125000e-02 : f32
      %parallel_loop3A_190 = vector.broadcast %parallel_loop3A_189 : f32 to vector<16xf32>
      %parallel_loop3A_191 = arith.mulf %parallel_loop3A_188, %parallel_loop3A_190 : vector<16xf32>
      %parallel_loop3A_192 = arith.index_cast %parallel_loop3A_52 : i32 to index
      %parallel_loop3A_193 = arith.constant 176 : index
      %parallel_loop3A_194 = tpu.vector_load %arg4[%parallel_loop3A_192, %parallel_loop3A_193] {strides = array<i32>} : memref<32x1024xf32, #tpu.memory_space<vmem>>, vector<1x16xf32>,
      %parallel_loop3A_195 = vector.shape_cast %parallel_loop3A_194 : vector<1x16xf32> to vector<16xf32>
      %parallel_loop3A_196 = vector.shape_cast %parallel_loop3A_191 : vector<16xf32> to vector<1x16xf32>
      tpu.vector_store %arg4[%parallel_loop3A_192, %parallel_loop3A_193], %parallel_loop3A_196 {strides = array<i32>} : memref<32x1024xf32, #tpu.memory_space<vmem>>, vector<1x16xf32>,
      %parallel_loop3A_197 = arith.index_cast %parallel_loop3A_52 : i32 to index
      %parallel_loop3A_198 = arith.constant 192 : index
      %parallel_loop3A_199 = tpu.vector_load %arg4[%parallel_loop3A_197, %parallel_loop3A_198] {strides = array<i32>} : memref<32x1024xf32, #tpu.memory_space<vmem>>, vector<1x16xf32>,
      %parallel_loop3A_200 = vector.shape_cast %parallel_loop3A_199 : vector<1x16xf32> to vector<16xf32>
      %parallel_loop3A_201 = arith.constant 3.125000e-02 : f32
      %parallel_loop3A_202 = vector.broadcast %parallel_loop3A_201 : f32 to vector<16xf32>
      %parallel_loop3A_203 = arith.mulf %parallel_loop3A_200, %parallel_loop3A_202 : vector<16xf32>
      %parallel_loop3A_204 = arith.index_cast %parallel_loop3A_52 : i32 to index
      %parallel_loop3A_205 = arith.constant 192 : index
      %parallel_loop3A_206 = tpu.vector_load %arg4[%parallel_loop3A_204, %parallel_loop3A_205] {strides = array<i32>} : memref<32x1024xf32, #tpu.memory_space<vmem>>, vector<1x16xf32>,
      %parallel_loop3A_207 = vector.shape_cast %parallel_loop3A_206 : vector<1x16xf32> to vector<16xf32>
      %parallel_loop3A_208 = vector.shape_cast %parallel_loop3A_203 : vector<16xf32> to vector<1x16xf32>
      tpu.vector_store %arg4[%parallel_loop3A_204, %parallel_loop3A_205], %parallel_loop3A_208 {strides = array<i32>} : memref<32x1024xf32, #tpu.memory_space<vmem>>, vector<1x16xf32>,
      %parallel_loop3A_209 = arith.index_cast %parallel_loop3A_52 : i32 to index
      %parallel_loop3A_210 = arith.constant 208 : index
      %parallel_loop3A_211 = tpu.vector_load %arg4[%parallel_loop3A_209, %parallel_loop3A_210] {strides = array<i32>} : memref<32x1024xf32, #tpu.memory_space<vmem>>, vector<1x16xf32>,
      %parallel_loop3A_212 = vector.shape_cast %parallel_loop3A_211 : vector<1x16xf32> to vector<16xf32>
      %parallel_loop3A_213 = arith.constant 3.125000e-02 : f32
      %parallel_loop3A_214 = vector.broadcast %parallel_loop3A_213 : f32 to vector<16xf32>
      %parallel_loop3A_215 = arith.mulf %parallel_loop3A_212, %parallel_loop3A_214 : vector<16xf32>
      %parallel_loop3A_216 = arith.index_cast %parallel_loop3A_52 : i32 to index
      %parallel_loop3A_217 = arith.constant 208 : index
      %parallel_loop3A_218 = tpu.vector_load %arg4[%parallel_loop3A_216, %parallel_loop3A_217] {strides = array<i32>} : memref<32x1024xf32, #tpu.memory_space<vmem>>, vector<1x16xf32>,
      %parallel_loop3A_219 = vector.shape_cast %parallel_loop3A_218 : vector<1x16xf32> to vector<16xf32>
      %parallel_loop3A_220 = vector.shape_cast %parallel_loop3A_215 : vector<16xf32> to vector<1x16xf32>
      tpu.vector_store %arg4[%parallel_loop3A_216, %parallel_loop3A_217], %parallel_loop3A_220 {strides = array<i32>} : memref<32x1024xf32, #tpu.memory_space<vmem>>, vector<1x16xf32>,
      %parallel_loop3A_221 = arith.index_cast %parallel_loop3A_52 : i32 to index
      %parallel_loop3A_222 = arith.constant 224 : index
      %parallel_loop3A_223 = tpu.vector_load %arg4[%parallel_loop3A_221, %parallel_loop3A_222] {strides = array<i32>} : memref<32x1024xf32, #tpu.memory_space<vmem>>, vector<1x16xf32>,
      %parallel_loop3A_224 = vector.shape_cast %parallel_loop3A_223 : vector<1x16xf32> to vector<16xf32>
      %parallel_loop3A_225 = arith.constant 3.125000e-02 : f32
      %parallel_loop3A_226 = vector.broadcast %parallel_loop3A_225 : f32 to vector<16xf32>
      %parallel_loop3A_227 = arith.mulf %parallel_loop3A_224, %parallel_loop3A_226 : vector<16xf32>
      %parallel_loop3A_228 = arith.index_cast %parallel_loop3A_52 : i32 to index
      %parallel_loop3A_229 = arith.constant 224 : index
      %parallel_loop3A_230 = tpu.vector_load %arg4[%parallel_loop3A_228, %parallel_loop3A_229] {strides = array<i32>} : memref<32x1024xf32, #tpu.memory_space<vmem>>, vector<1x16xf32>,
      %parallel_loop3A_231 = vector.shape_cast %parallel_loop3A_230 : vector<1x16xf32> to vector<16xf32>
      %parallel_loop3A_232 = vector.shape_cast %parallel_loop3A_227 : vector<16xf32> to vector<1x16xf32>
      tpu.vector_store %arg4[%parallel_loop3A_228, %parallel_loop3A_229], %parallel_loop3A_232 {strides = array<i32>} : memref<32x1024xf32, #tpu.memory_space<vmem>>, vector<1x16xf32>,
      %parallel_loop3A_233 = arith.index_cast %parallel_loop3A_52 : i32 to index
      %parallel_loop3A_234 = arith.constant 240 : index
      %parallel_loop3A_235 = tpu.vector_load %arg4[%parallel_loop3A_233, %parallel_loop3A_234] {strides = array<i32>} : memref<32x1024xf32, #tpu.memory_space<vmem>>, vector<1x16xf32>,
      %parallel_loop3A_236 = vector.shape_cast %parallel_loop3A_235 : vector<1x16xf32> to vector<16xf32>
      %parallel_loop3A_237 = arith.constant 3.125000e-02 : f32
      %parallel_loop3A_238 = vector.broadcast %parallel_loop3A_237 : f32 to vector<16xf32>
      %parallel_loop3A_239 = arith.mulf %parallel_loop3A_236, %parallel_loop3A_238 : vector<16xf32>
      %parallel_loop3A_240 = arith.index_cast %parallel_loop3A_52 : i32 to index
      %parallel_loop3A_241 = arith.constant 240 : index
      %parallel_loop3A_242 = tpu.vector_load %arg4[%parallel_loop3A_240, %parallel_loop3A_241] {strides = array<i32>} : memref<32x1024xf32, #tpu.memory_space<vmem>>, vector<1x16xf32>,
      %parallel_loop3A_243 = vector.shape_cast %parallel_loop3A_242 : vector<1x16xf32> to vector<16xf32>
      %parallel_loop3A_244 = vector.shape_cast %parallel_loop3A_239 : vector<16xf32> to vector<1x16xf32>
      tpu.vector_store %arg4[%parallel_loop3A_240, %parallel_loop3A_241], %parallel_loop3A_244 {strides = array<i32>} : memref<32x1024xf32, #tpu.memory_space<vmem>>, vector<1x16xf32>,
      %parallel_loop3A_245 = arith.index_cast %parallel_loop3A_52 : i32 to index
      %parallel_loop3A_246 = arith.constant 256 : index
      %parallel_loop3A_247 = tpu.vector_load %arg4[%parallel_loop3A_245, %parallel_loop3A_246] {strides = array<i32>} : memref<32x1024xf32, #tpu.memory_space<vmem>>, vector<1x16xf32>,
      %parallel_loop3A_248 = vector.shape_cast %parallel_loop3A_247 : vector<1x16xf32> to vector<16xf32>
      %parallel_loop3A_249 = arith.constant 3.125000e-02 : f32
      %parallel_loop3A_250 = vector.broadcast %parallel_loop3A_249 : f32 to vector<16xf32>
      %parallel_loop3A_251 = arith.mulf %parallel_loop3A_248, %parallel_loop3A_250 : vector<16xf32>
      %parallel_loop3A_252 = arith.index_cast %parallel_loop3A_52 : i32 to index
      %parallel_loop3A_253 = arith.constant 256 : index
      %parallel_loop3A_254 = tpu.vector_load %arg4[%parallel_loop3A_252, %parallel_loop3A_253] {strides = array<i32>} : memref<32x1024xf32, #tpu.memory_space<vmem>>, vector<1x16xf32>,
      %parallel_loop3A_255 = vector.shape_cast %parallel_loop3A_254 : vector<1x16xf32> to vector<16xf32>
      %parallel_loop3A_256 = vector.shape_cast %parallel_loop3A_251 : vector<16xf32> to vector<1x16xf32>
      tpu.vector_store %arg4[%parallel_loop3A_252, %parallel_loop3A_253], %parallel_loop3A_256 {strides = array<i32>} : memref<32x1024xf32, #tpu.memory_space<vmem>>, vector<1x16xf32>,
      %parallel_loop3A_257 = arith.index_cast %parallel_loop3A_52 : i32 to index
      %parallel_loop3A_258 = arith.constant 272 : index
      %parallel_loop3A_259 = tpu.vector_load %arg4[%parallel_loop3A_257, %parallel_loop3A_258] {strides = array<i32>} : memref<32x1024xf32, #tpu.memory_space<vmem>>, vector<1x16xf32>,
      %parallel_loop3A_260 = vector.shape_cast %parallel_loop3A_259 : vector<1x16xf32> to vector<16xf32>
      %parallel_loop3A_261 = arith.constant 3.125000e-02 : f32
      %parallel_loop3A_262 = vector.broadcast %parallel_loop3A_261 : f32 to vector<16xf32>
      %parallel_loop3A_263 = arith.mulf %parallel_loop3A_260, %parallel_loop3A_262 : vector<16xf32>
      %parallel_loop3A_264 = arith.index_cast %parallel_loop3A_52 : i32 to index
      %parallel_loop3A_265 = arith.constant 272 : index
      %parallel_loop3A_266 = tpu.vector_load %arg4[%parallel_loop3A_264, %parallel_loop3A_265] {strides = array<i32>} : memref<32x1024xf32, #tpu.memory_space<vmem>>, vector<1x16xf32>,
      %parallel_loop3A_267 = vector.shape_cast %parallel_loop3A_266 : vector<1x16xf32> to vector<16xf32>
      %parallel_loop3A_268 = vector.shape_cast %parallel_loop3A_263 : vector<16xf32> to vector<1x16xf32>
      tpu.vector_store %arg4[%parallel_loop3A_264, %parallel_loop3A_265], %parallel_loop3A_268 {strides = array<i32>} : memref<32x1024xf32, #tpu.memory_space<vmem>>, vector<1x16xf32>,
      %parallel_loop3A_269 = arith.index_cast %parallel_loop3A_52 : i32 to index
      %parallel_loop3A_270 = arith.constant 288 : index
      %parallel_loop3A_271 = tpu.vector_load %arg4[%parallel_loop3A_269, %parallel_loop3A_270] {strides = array<i32>} : memref<32x1024xf32, #tpu.memory_space<vmem>>, vector<1x16xf32>,
      %parallel_loop3A_272 = vector.shape_cast %parallel_loop3A_271 : vector<1x16xf32> to vector<16xf32>
      %parallel_loop3A_273 = arith.constant 3.125000e-02 : f32
      %parallel_loop3A_274 = vector.broadcast %parallel_loop3A_273 : f32 to vector<16xf32>
      %parallel_loop3A_275 = arith.mulf %parallel_loop3A_272, %parallel_loop3A_274 : vector<16xf32>
      %parallel_loop3A_276 = arith.index_cast %parallel_loop3A_52 : i32 to index
      %parallel_loop3A_277 = arith.constant 288 : index
      %parallel_loop3A_278 = tpu.vector_load %arg4[%parallel_loop3A_276, %parallel_loop3A_277] {strides = array<i32>} : memref<32x1024xf32, #tpu.memory_space<vmem>>, vector<1x16xf32>,
      %parallel_loop3A_279 = vector.shape_cast %parallel_loop3A_278 : vector<1x16xf32> to vector<16xf32>
      %parallel_loop3A_280 = vector.shape_cast %parallel_loop3A_275 : vector<16xf32> to vector<1x16xf32>
      tpu.vector_store %arg4[%parallel_loop3A_276, %parallel_loop3A_277], %parallel_loop3A_280 {strides = array<i32>} : memref<32x1024xf32, #tpu.memory_space<vmem>>, vector<1x16xf32>,
      %parallel_loop3A_281 = arith.index_cast %parallel_loop3A_52 : i32 to index
      %parallel_loop3A_282 = arith.constant 304 : index
      %parallel_loop3A_283 = tpu.vector_load %arg4[%parallel_loop3A_281, %parallel_loop3A_282] {strides = array<i32>} : memref<32x1024xf32, #tpu.memory_space<vmem>>, vector<1x16xf32>,
      %parallel_loop3A_284 = vector.shape_cast %parallel_loop3A_283 : vector<1x16xf32> to vector<16xf32>
      %parallel_loop3A_285 = arith.constant 3.125000e-02 : f32
      %parallel_loop3A_286 = vector.broadcast %parallel_loop3A_285 : f32 to vector<16xf32>
      %parallel_loop3A_287 = arith.mulf %parallel_loop3A_284, %parallel_loop3A_286 : vector<16xf32>
      %parallel_loop3A_288 = arith.index_cast %parallel_loop3A_52 : i32 to index
      %parallel_loop3A_289 = arith.constant 304 : index
      %parallel_loop3A_290 = tpu.vector_load %arg4[%parallel_loop3A_288, %parallel_loop3A_289] {strides = array<i32>} : memref<32x1024xf32, #tpu.memory_space<vmem>>, vector<1x16xf32>,
      %parallel_loop3A_291 = vector.shape_cast %parallel_loop3A_290 : vector<1x16xf32> to vector<16xf32>
      %parallel_loop3A_292 = vector.shape_cast %parallel_loop3A_287 : vector<16xf32> to vector<1x16xf32>
      tpu.vector_store %arg4[%parallel_loop3A_288, %parallel_loop3A_289], %parallel_loop3A_292 {strides = array<i32>} : memref<32x1024xf32, #tpu.memory_space<vmem>>, vector<1x16xf32>,
      %parallel_loop3A_293 = arith.index_cast %parallel_loop3A_52 : i32 to index
      %parallel_loop3A_294 = arith.constant 320 : index
      %parallel_loop3A_295 = tpu.vector_load %arg4[%parallel_loop3A_293, %parallel_loop3A_294] {strides = array<i32>} : memref<32x1024xf32, #tpu.memory_space<vmem>>, vector<1x16xf32>,
      %parallel_loop3A_296 = vector.shape_cast %parallel_loop3A_295 : vector<1x16xf32> to vector<16xf32>
      %parallel_loop3A_297 = arith.constant 3.125000e-02 : f32
      %parallel_loop3A_298 = vector.broadcast %parallel_loop3A_297 : f32 to vector<16xf32>
      %parallel_loop3A_299 = arith.mulf %parallel_loop3A_296, %parallel_loop3A_298 : vector<16xf32>
      %parallel_loop3A_300 = arith.index_cast %parallel_loop3A_52 : i32 to index
      %parallel_loop3A_301 = arith.constant 320 : index
      %parallel_loop3A_302 = tpu.vector_load %arg4[%parallel_loop3A_300, %parallel_loop3A_301] {strides = array<i32>} : memref<32x1024xf32, #tpu.memory_space<vmem>>, vector<1x16xf32>,
      %parallel_loop3A_303 = vector.shape_cast %parallel_loop3A_302 : vector<1x16xf32> to vector<16xf32>
      %parallel_loop3A_304 = vector.shape_cast %parallel_loop3A_299 : vector<16xf32> to vector<1x16xf32>
      tpu.vector_store %arg4[%parallel_loop3A_300, %parallel_loop3A_301], %parallel_loop3A_304 {strides = array<i32>} : memref<32x1024xf32, #tpu.memory_space<vmem>>, vector<1x16xf32>,
      %parallel_loop3A_305 = arith.index_cast %parallel_loop3A_52 : i32 to index
      %parallel_loop3A_306 = arith.constant 336 : index
      %parallel_loop3A_307 = tpu.vector_load %arg4[%parallel_loop3A_305, %parallel_loop3A_306] {strides = array<i32>} : memref<32x1024xf32, #tpu.memory_space<vmem>>, vector<1x16xf32>,
      %parallel_loop3A_308 = vector.shape_cast %parallel_loop3A_307 : vector<1x16xf32> to vector<16xf32>
      %parallel_loop3A_309 = arith.constant 3.125000e-02 : f32
      %parallel_loop3A_310 = vector.broadcast %parallel_loop3A_309 : f32 to vector<16xf32>
      %parallel_loop3A_311 = arith.mulf %parallel_loop3A_308, %parallel_loop3A_310 : vector<16xf32>
      %parallel_loop3A_312 = arith.index_cast %parallel_loop3A_52 : i32 to index
      %parallel_loop3A_313 = arith.constant 336 : index
      %parallel_loop3A_314 = tpu.vector_load %arg4[%parallel_loop3A_312, %parallel_loop3A_313] {strides = array<i32>} : memref<32x1024xf32, #tpu.memory_space<vmem>>, vector<1x16xf32>,
      %parallel_loop3A_315 = vector.shape_cast %parallel_loop3A_314 : vector<1x16xf32> to vector<16xf32>
      %parallel_loop3A_316 = vector.shape_cast %parallel_loop3A_311 : vector<16xf32> to vector<1x16xf32>
      tpu.vector_store %arg4[%parallel_loop3A_312, %parallel_loop3A_313], %parallel_loop3A_316 {strides = array<i32>} : memref<32x1024xf32, #tpu.memory_space<vmem>>, vector<1x16xf32>,
      %parallel_loop3A_317 = arith.index_cast %parallel_loop3A_52 : i32 to index
      %parallel_loop3A_318 = arith.constant 352 : index
      %parallel_loop3A_319 = tpu.vector_load %arg4[%parallel_loop3A_317, %parallel_loop3A_318] {strides = array<i32>} : memref<32x1024xf32, #tpu.memory_space<vmem>>, vector<1x16xf32>,
      %parallel_loop3A_320 = vector.shape_cast %parallel_loop3A_319 : vector<1x16xf32> to vector<16xf32>
      %parallel_loop3A_321 = arith.constant 3.125000e-02 : f32
      %parallel_loop3A_322 = vector.broadcast %parallel_loop3A_321 : f32 to vector<16xf32>
      %parallel_loop3A_323 = arith.mulf %parallel_loop3A_320, %parallel_loop3A_322 : vector<16xf32>
      %parallel_loop3A_324 = arith.index_cast %parallel_loop3A_52 : i32 to index
      %parallel_loop3A_325 = arith.constant 352 : index
      %parallel_loop3A_326 = tpu.vector_load %arg4[%parallel_loop3A_324, %parallel_loop3A_325] {strides = array<i32>} : memref<32x1024xf32, #tpu.memory_space<vmem>>, vector<1x16xf32>,
      %parallel_loop3A_327 = vector.shape_cast %parallel_loop3A_326 : vector<1x16xf32> to vector<16xf32>
      %parallel_loop3A_328 = vector.shape_cast %parallel_loop3A_323 : vector<16xf32> to vector<1x16xf32>
      tpu.vector_store %arg4[%parallel_loop3A_324, %parallel_loop3A_325], %parallel_loop3A_328 {strides = array<i32>} : memref<32x1024xf32, #tpu.memory_space<vmem>>, vector<1x16xf32>,
      %parallel_loop3A_329 = arith.index_cast %parallel_loop3A_52 : i32 to index
      %parallel_loop3A_330 = arith.constant 368 : index
      %parallel_loop3A_331 = tpu.vector_load %arg4[%parallel_loop3A_329, %parallel_loop3A_330] {strides = array<i32>} : memref<32x1024xf32, #tpu.memory_space<vmem>>, vector<1x16xf32>,
      %parallel_loop3A_332 = vector.shape_cast %parallel_loop3A_331 : vector<1x16xf32> to vector<16xf32>
      %parallel_loop3A_333 = arith.constant 3.125000e-02 : f32
      %parallel_loop3A_334 = vector.broadcast %parallel_loop3A_333 : f32 to vector<16xf32>
      %parallel_loop3A_335 = arith.mulf %parallel_loop3A_332, %parallel_loop3A_334 : vector<16xf32>
      %parallel_loop3A_336 = arith.index_cast %parallel_loop3A_52 : i32 to index
      %parallel_loop3A_337 = arith.constant 368 : index
      %parallel_loop3A_338 = tpu.vector_load %arg4[%parallel_loop3A_336, %parallel_loop3A_337] {strides = array<i32>} : memref<32x1024xf32, #tpu.memory_space<vmem>>, vector<1x16xf32>,
      %parallel_loop3A_339 = vector.shape_cast %parallel_loop3A_338 : vector<1x16xf32> to vector<16xf32>
      %parallel_loop3A_340 = vector.shape_cast %parallel_loop3A_335 : vector<16xf32> to vector<1x16xf32>
      tpu.vector_store %arg4[%parallel_loop3A_336, %parallel_loop3A_337], %parallel_loop3A_340 {strides = array<i32>} : memref<32x1024xf32, #tpu.memory_space<vmem>>, vector<1x16xf32>,
      %parallel_loop3A_341 = arith.index_cast %parallel_loop3A_52 : i32 to index
      %parallel_loop3A_342 = arith.constant 384 : index
      %parallel_loop3A_343 = tpu.vector_load %arg4[%parallel_loop3A_341, %parallel_loop3A_342] {strides = array<i32>} : memref<32x1024xf32, #tpu.memory_space<vmem>>, vector<1x16xf32>,
      %parallel_loop3A_344 = vector.shape_cast %parallel_loop3A_343 : vector<1x16xf32> to vector<16xf32>
      %parallel_loop3A_345 = arith.constant 3.125000e-02 : f32
      %parallel_loop3A_346 = vector.broadcast %parallel_loop3A_345 : f32 to vector<16xf32>
      %parallel_loop3A_347 = arith.mulf %parallel_loop3A_344, %parallel_loop3A_346 : vector<16xf32>
      %parallel_loop3A_348 = arith.index_cast %parallel_loop3A_52 : i32 to index
      %parallel_loop3A_349 = arith.constant 384 : index
      %parallel_loop3A_350 = tpu.vector_load %arg4[%parallel_loop3A_348, %parallel_loop3A_349] {strides = array<i32>} : memref<32x1024xf32, #tpu.memory_space<vmem>>, vector<1x16xf32>,
      %parallel_loop3A_351 = vector.shape_cast %parallel_loop3A_350 : vector<1x16xf32> to vector<16xf32>
      %parallel_loop3A_352 = vector.shape_cast %parallel_loop3A_347 : vector<16xf32> to vector<1x16xf32>
      tpu.vector_store %arg4[%parallel_loop3A_348, %parallel_loop3A_349], %parallel_loop3A_352 {strides = array<i32>} : memref<32x1024xf32, #tpu.memory_space<vmem>>, vector<1x16xf32>,
      %parallel_loop3A_353 = arith.index_cast %parallel_loop3A_52 : i32 to index
      %parallel_loop3A_354 = arith.constant 400 : index
      %parallel_loop3A_355 = tpu.vector_load %arg4[%parallel_loop3A_353, %parallel_loop3A_354] {strides = array<i32>} : memref<32x1024xf32, #tpu.memory_space<vmem>>, vector<1x16xf32>,
      %parallel_loop3A_356 = vector.shape_cast %parallel_loop3A_355 : vector<1x16xf32> to vector<16xf32>
      %parallel_loop3A_357 = arith.constant 3.125000e-02 : f32
      %parallel_loop3A_358 = vector.broadcast %parallel_loop3A_357 : f32 to vector<16xf32>
      %parallel_loop3A_359 = arith.mulf %parallel_loop3A_356, %parallel_loop3A_358 : vector<16xf32>
      %parallel_loop3A_360 = arith.index_cast %parallel_loop3A_52 : i32 to index
      %parallel_loop3A_361 = arith.constant 400 : index
      %parallel_loop3A_362 = tpu.vector_load %arg4[%parallel_loop3A_360, %parallel_loop3A_361] {strides = array<i32>} : memref<32x1024xf32, #tpu.memory_space<vmem>>, vector<1x16xf32>,
      %parallel_loop3A_363 = vector.shape_cast %parallel_loop3A_362 : vector<1x16xf32> to vector<16xf32>
      %parallel_loop3A_364 = vector.shape_cast %parallel_loop3A_359 : vector<16xf32> to vector<1x16xf32>
      tpu.vector_store %arg4[%parallel_loop3A_360, %parallel_loop3A_361], %parallel_loop3A_364 {strides = array<i32>} : memref<32x1024xf32, #tpu.memory_space<vmem>>, vector<1x16xf32>,
      %parallel_loop3A_365 = arith.index_cast %parallel_loop3A_52 : i32 to index
      %parallel_loop3A_366 = arith.constant 416 : index
      %parallel_loop3A_367 = tpu.vector_load %arg4[%parallel_loop3A_365, %parallel_loop3A_366] {strides = array<i32>} : memref<32x1024xf32, #tpu.memory_space<vmem>>, vector<1x16xf32>,
      %parallel_loop3A_368 = vector.shape_cast %parallel_loop3A_367 : vector<1x16xf32> to vector<16xf32>
      %parallel_loop3A_369 = arith.constant 3.125000e-02 : f32
      %parallel_loop3A_370 = vector.broadcast %parallel_loop3A_369 : f32 to vector<16xf32>
      %parallel_loop3A_371 = arith.mulf %parallel_loop3A_368, %parallel_loop3A_370 : vector<16xf32>
      %parallel_loop3A_372 = arith.index_cast %parallel_loop3A_52 : i32 to index
      %parallel_loop3A_373 = arith.constant 416 : index
      %parallel_loop3A_374 = tpu.vector_load %arg4[%parallel_loop3A_372, %parallel_loop3A_373] {strides = array<i32>} : memref<32x1024xf32, #tpu.memory_space<vmem>>, vector<1x16xf32>,
      %parallel_loop3A_375 = vector.shape_cast %parallel_loop3A_374 : vector<1x16xf32> to vector<16xf32>
      %parallel_loop3A_376 = vector.shape_cast %parallel_loop3A_371 : vector<16xf32> to vector<1x16xf32>
      tpu.vector_store %arg4[%parallel_loop3A_372, %parallel_loop3A_373], %parallel_loop3A_376 {strides = array<i32>} : memref<32x1024xf32, #tpu.memory_space<vmem>>, vector<1x16xf32>,
      %parallel_loop3A_377 = arith.index_cast %parallel_loop3A_52 : i32 to index
      %parallel_loop3A_378 = arith.constant 432 : index
      %parallel_loop3A_379 = tpu.vector_load %arg4[%parallel_loop3A_377, %parallel_loop3A_378] {strides = array<i32>} : memref<32x1024xf32, #tpu.memory_space<vmem>>, vector<1x16xf32>,
      %parallel_loop3A_380 = vector.shape_cast %parallel_loop3A_379 : vector<1x16xf32> to vector<16xf32>
      %parallel_loop3A_381 = arith.constant 3.125000e-02 : f32
      %parallel_loop3A_382 = vector.broadcast %parallel_loop3A_381 : f32 to vector<16xf32>
      %parallel_loop3A_383 = arith.mulf %parallel_loop3A_380, %parallel_loop3A_382 : vector<16xf32>
      %parallel_loop3A_384 = arith.index_cast %parallel_loop3A_52 : i32 to index
      %parallel_loop3A_385 = arith.constant 432 : index
      %parallel_loop3A_386 = tpu.vector_load %arg4[%parallel_loop3A_384, %parallel_loop3A_385] {strides = array<i32>} : memref<32x1024xf32, #tpu.memory_space<vmem>>, vector<1x16xf32>,
      %parallel_loop3A_387 = vector.shape_cast %parallel_loop3A_386 : vector<1x16xf32> to vector<16xf32>
      %parallel_loop3A_388 = vector.shape_cast %parallel_loop3A_383 : vector<16xf32> to vector<1x16xf32>
      tpu.vector_store %arg4[%parallel_loop3A_384, %parallel_loop3A_385], %parallel_loop3A_388 {strides = array<i32>} : memref<32x1024xf32, #tpu.memory_space<vmem>>, vector<1x16xf32>,
      %parallel_loop3A_389 = arith.index_cast %parallel_loop3A_52 : i32 to index
      %parallel_loop3A_390 = arith.constant 448 : index
      %parallel_loop3A_391 = tpu.vector_load %arg4[%parallel_loop3A_389, %parallel_loop3A_390] {strides = array<i32>} : memref<32x1024xf32, #tpu.memory_space<vmem>>, vector<1x16xf32>,
      %parallel_loop3A_392 = vector.shape_cast %parallel_loop3A_391 : vector<1x16xf32> to vector<16xf32>
      %parallel_loop3A_393 = arith.constant 3.125000e-02 : f32
      %parallel_loop3A_394 = vector.broadcast %parallel_loop3A_393 : f32 to vector<16xf32>
      %parallel_loop3A_395 = arith.mulf %parallel_loop3A_392, %parallel_loop3A_394 : vector<16xf32>
      %parallel_loop3A_396 = arith.index_cast %parallel_loop3A_52 : i32 to index
      %parallel_loop3A_397 = arith.constant 448 : index
      %parallel_loop3A_398 = tpu.vector_load %arg4[%parallel_loop3A_396, %parallel_loop3A_397] {strides = array<i32>} : memref<32x1024xf32, #tpu.memory_space<vmem>>, vector<1x16xf32>,
      %parallel_loop3A_399 = vector.shape_cast %parallel_loop3A_398 : vector<1x16xf32> to vector<16xf32>
      %parallel_loop3A_400 = vector.shape_cast %parallel_loop3A_395 : vector<16xf32> to vector<1x16xf32>
      tpu.vector_store %arg4[%parallel_loop3A_396, %parallel_loop3A_397], %parallel_loop3A_400 {strides = array<i32>} : memref<32x1024xf32, #tpu.memory_space<vmem>>, vector<1x16xf32>,
      %parallel_loop3A_401 = arith.index_cast %parallel_loop3A_52 : i32 to index
      %parallel_loop3A_402 = arith.constant 464 : index
      %parallel_loop3A_403 = tpu.vector_load %arg4[%parallel_loop3A_401, %parallel_loop3A_402] {strides = array<i32>} : memref<32x1024xf32, #tpu.memory_space<vmem>>, vector<1x16xf32>,
      %parallel_loop3A_404 = vector.shape_cast %parallel_loop3A_403 : vector<1x16xf32> to vector<16xf32>
      %parallel_loop3A_405 = arith.constant 3.125000e-02 : f32
      %parallel_loop3A_406 = vector.broadcast %parallel_loop3A_405 : f32 to vector<16xf32>
      %parallel_loop3A_407 = arith.mulf %parallel_loop3A_404, %parallel_loop3A_406 : vector<16xf32>
      %parallel_loop3A_408 = arith.index_cast %parallel_loop3A_52 : i32 to index
      %parallel_loop3A_409 = arith.constant 464 : index
      %parallel_loop3A_410 = tpu.vector_load %arg4[%parallel_loop3A_408, %parallel_loop3A_409] {strides = array<i32>} : memref<32x1024xf32, #tpu.memory_space<vmem>>, vector<1x16xf32>,
      %parallel_loop3A_411 = vector.shape_cast %parallel_loop3A_410 : vector<1x16xf32> to vector<16xf32>
      %parallel_loop3A_412 = vector.shape_cast %parallel_loop3A_407 : vector<16xf32> to vector<1x16xf32>
      tpu.vector_store %arg4[%parallel_loop3A_408, %parallel_loop3A_409], %parallel_loop3A_412 {strides = array<i32>} : memref<32x1024xf32, #tpu.memory_space<vmem>>, vector<1x16xf32>,
      %parallel_loop3A_413 = arith.index_cast %parallel_loop3A_52 : i32 to index
      %parallel_loop3A_414 = arith.constant 480 : index
      %parallel_loop3A_415 = tpu.vector_load %arg4[%parallel_loop3A_413, %parallel_loop3A_414] {strides = array<i32>} : memref<32x1024xf32, #tpu.memory_space<vmem>>, vector<1x16xf32>,
      %parallel_loop3A_416 = vector.shape_cast %parallel_loop3A_415 : vector<1x16xf32> to vector<16xf32>
      %parallel_loop3A_417 = arith.constant 3.125000e-02 : f32
      %parallel_loop3A_418 = vector.broadcast %parallel_loop3A_417 : f32 to vector<16xf32>
      %parallel_loop3A_419 = arith.mulf %parallel_loop3A_416, %parallel_loop3A_418 : vector<16xf32>
      %parallel_loop3A_420 = arith.index_cast %parallel_loop3A_52 : i32 to index
      %parallel_loop3A_421 = arith.constant 480 : index
      %parallel_loop3A_422 = tpu.vector_load %arg4[%parallel_loop3A_420, %parallel_loop3A_421] {strides = array<i32>} : memref<32x1024xf32, #tpu.memory_space<vmem>>, vector<1x16xf32>,
      %parallel_loop3A_423 = vector.shape_cast %parallel_loop3A_422 : vector<1x16xf32> to vector<16xf32>
      %parallel_loop3A_424 = vector.shape_cast %parallel_loop3A_419 : vector<16xf32> to vector<1x16xf32>
      tpu.vector_store %arg4[%parallel_loop3A_420, %parallel_loop3A_421], %parallel_loop3A_424 {strides = array<i32>} : memref<32x1024xf32, #tpu.memory_space<vmem>>, vector<1x16xf32>,
      %parallel_loop3A_425 = arith.index_cast %parallel_loop3A_52 : i32 to index
      %parallel_loop3A_426 = arith.constant 496 : index
      %parallel_loop3A_427 = tpu.vector_load %arg4[%parallel_loop3A_425, %parallel_loop3A_426] {strides = array<i32>} : memref<32x1024xf32, #tpu.memory_space<vmem>>, vector<1x16xf32>,
      %parallel_loop3A_428 = vector.shape_cast %parallel_loop3A_427 : vector<1x16xf32> to vector<16xf32>
      %parallel_loop3A_429 = arith.constant 3.125000e-02 : f32
      %parallel_loop3A_430 = vector.broadcast %parallel_loop3A_429 : f32 to vector<16xf32>
      %parallel_loop3A_431 = arith.mulf %parallel_loop3A_428, %parallel_loop3A_430 : vector<16xf32>
      %parallel_loop3A_432 = arith.index_cast %parallel_loop3A_52 : i32 to index
      %parallel_loop3A_433 = arith.constant 496 : index
      %parallel_loop3A_434 = tpu.vector_load %arg4[%parallel_loop3A_432, %parallel_loop3A_433] {strides = array<i32>} : memref<32x1024xf32, #tpu.memory_space<vmem>>, vector<1x16xf32>,
      %parallel_loop3A_435 = vector.shape_cast %parallel_loop3A_434 : vector<1x16xf32> to vector<16xf32>
      %parallel_loop3A_436 = vector.shape_cast %parallel_loop3A_431 : vector<16xf32> to vector<1x16xf32>
      tpu.vector_store %arg4[%parallel_loop3A_432, %parallel_loop3A_433], %parallel_loop3A_436 {strides = array<i32>} : memref<32x1024xf32, #tpu.memory_space<vmem>>, vector<1x16xf32>,
      %parallel_loop3A_437 = arith.index_cast %parallel_loop3A_52 : i32 to index
      %parallel_loop3A_438 = arith.constant 512 : index
      %parallel_loop3A_439 = tpu.vector_load %arg4[%parallel_loop3A_437, %parallel_loop3A_438] {strides = array<i32>} : memref<32x1024xf32, #tpu.memory_space<vmem>>, vector<1x16xf32>,
      %parallel_loop3A_440 = vector.shape_cast %parallel_loop3A_439 : vector<1x16xf32> to vector<16xf32>
      %parallel_loop3A_441 = arith.constant 3.125000e-02 : f32
      %parallel_loop3A_442 = vector.broadcast %parallel_loop3A_441 : f32 to vector<16xf32>
      %parallel_loop3A_443 = arith.mulf %parallel_loop3A_440, %parallel_loop3A_442 : vector<16xf32>
      %parallel_loop3A_444 = arith.index_cast %parallel_loop3A_52 : i32 to index
      %parallel_loop3A_445 = arith.constant 512 : index
      %parallel_loop3A_446 = tpu.vector_load %arg4[%parallel_loop3A_444, %parallel_loop3A_445] {strides = array<i32>} : memref<32x1024xf32, #tpu.memory_space<vmem>>, vector<1x16xf32>,
      %parallel_loop3A_447 = vector.shape_cast %parallel_loop3A_446 : vector<1x16xf32> to vector<16xf32>
      %parallel_loop3A_448 = vector.shape_cast %parallel_loop3A_443 : vector<16xf32> to vector<1x16xf32>
      tpu.vector_store %arg4[%parallel_loop3A_444, %parallel_loop3A_445], %parallel_loop3A_448 {strides = array<i32>} : memref<32x1024xf32, #tpu.memory_space<vmem>>, vector<1x16xf32>,
      %parallel_loop3A_449 = arith.index_cast %parallel_loop3A_52 : i32 to index
      %parallel_loop3A_450 = arith.constant 528 : index
      %parallel_loop3A_451 = tpu.vector_load %arg4[%parallel_loop3A_449, %parallel_loop3A_450] {strides = array<i32>} : memref<32x1024xf32, #tpu.memory_space<vmem>>, vector<1x16xf32>,
      %parallel_loop3A_452 = vector.shape_cast %parallel_loop3A_451 : vector<1x16xf32> to vector<16xf32>
      %parallel_loop3A_453 = arith.constant 3.125000e-02 : f32
      %parallel_loop3A_454 = vector.broadcast %parallel_loop3A_453 : f32 to vector<16xf32>
      %parallel_loop3A_455 = arith.mulf %parallel_loop3A_452, %parallel_loop3A_454 : vector<16xf32>
      %parallel_loop3A_456 = arith.index_cast %parallel_loop3A_52 : i32 to index
      %parallel_loop3A_457 = arith.constant 528 : index
      %parallel_loop3A_458 = tpu.vector_load %arg4[%parallel_loop3A_456, %parallel_loop3A_457] {strides = array<i32>} : memref<32x1024xf32, #tpu.memory_space<vmem>>, vector<1x16xf32>,
      %parallel_loop3A_459 = vector.shape_cast %parallel_loop3A_458 : vector<1x16xf32> to vector<16xf32>
      %parallel_loop3A_460 = vector.shape_cast %parallel_loop3A_455 : vector<16xf32> to vector<1x16xf32>
      tpu.vector_store %arg4[%parallel_loop3A_456, %parallel_loop3A_457], %parallel_loop3A_460 {strides = array<i32>} : memref<32x1024xf32, #tpu.memory_space<vmem>>, vector<1x16xf32>,
      %parallel_loop3A_461 = arith.index_cast %parallel_loop3A_52 : i32 to index
      %parallel_loop3A_462 = arith.constant 544 : index
      %parallel_loop3A_463 = tpu.vector_load %arg4[%parallel_loop3A_461, %parallel_loop3A_462] {strides = array<i32>} : memref<32x1024xf32, #tpu.memory_space<vmem>>, vector<1x16xf32>,
      %parallel_loop3A_464 = vector.shape_cast %parallel_loop3A_463 : vector<1x16xf32> to vector<16xf32>
      %parallel_loop3A_465 = arith.constant 3.125000e-02 : f32
      %parallel_loop3A_466 = vector.broadcast %parallel_loop3A_465 : f32 to vector<16xf32>
      %parallel_loop3A_467 = arith.mulf %parallel_loop3A_464, %parallel_loop3A_466 : vector<16xf32>
      %parallel_loop3A_468 = arith.index_cast %parallel_loop3A_52 : i32 to index
      %parallel_loop3A_469 = arith.constant 544 : index
      %parallel_loop3A_470 = tpu.vector_load %arg4[%parallel_loop3A_468, %parallel_loop3A_469] {strides = array<i32>} : memref<32x1024xf32, #tpu.memory_space<vmem>>, vector<1x16xf32>,
      %parallel_loop3A_471 = vector.shape_cast %parallel_loop3A_470 : vector<1x16xf32> to vector<16xf32>
      %parallel_loop3A_472 = vector.shape_cast %parallel_loop3A_467 : vector<16xf32> to vector<1x16xf32>
      tpu.vector_store %arg4[%parallel_loop3A_468, %parallel_loop3A_469], %parallel_loop3A_472 {strides = array<i32>} : memref<32x1024xf32, #tpu.memory_space<vmem>>, vector<1x16xf32>,
      %parallel_loop3A_473 = arith.index_cast %parallel_loop3A_52 : i32 to index
      %parallel_loop3A_474 = arith.constant 560 : index
      %parallel_loop3A_475 = tpu.vector_load %arg4[%parallel_loop3A_473, %parallel_loop3A_474] {strides = array<i32>} : memref<32x1024xf32, #tpu.memory_space<vmem>>, vector<1x16xf32>,
      %parallel_loop3A_476 = vector.shape_cast %parallel_loop3A_475 : vector<1x16xf32> to vector<16xf32>
      %parallel_loop3A_477 = arith.constant 3.125000e-02 : f32
      %parallel_loop3A_478 = vector.broadcast %parallel_loop3A_477 : f32 to vector<16xf32>
      %parallel_loop3A_479 = arith.mulf %parallel_loop3A_476, %parallel_loop3A_478 : vector<16xf32>
      %parallel_loop3A_480 = arith.index_cast %parallel_loop3A_52 : i32 to index
      %parallel_loop3A_481 = arith.constant 560 : index
      %parallel_loop3A_482 = tpu.vector_load %arg4[%parallel_loop3A_480, %parallel_loop3A_481] {strides = array<i32>} : memref<32x1024xf32, #tpu.memory_space<vmem>>, vector<1x16xf32>,
      %parallel_loop3A_483 = vector.shape_cast %parallel_loop3A_482 : vector<1x16xf32> to vector<16xf32>
      %parallel_loop3A_484 = vector.shape_cast %parallel_loop3A_479 : vector<16xf32> to vector<1x16xf32>
      tpu.vector_store %arg4[%parallel_loop3A_480, %parallel_loop3A_481], %parallel_loop3A_484 {strides = array<i32>} : memref<32x1024xf32, #tpu.memory_space<vmem>>, vector<1x16xf32>,
      %parallel_loop3A_485 = arith.index_cast %parallel_loop3A_52 : i32 to index
      %parallel_loop3A_486 = arith.constant 576 : index
      %parallel_loop3A_487 = tpu.vector_load %arg4[%parallel_loop3A_485, %parallel_loop3A_486] {strides = array<i32>} : memref<32x1024xf32, #tpu.memory_space<vmem>>, vector<1x16xf32>,
      %parallel_loop3A_488 = vector.shape_cast %parallel_loop3A_487 : vector<1x16xf32> to vector<16xf32>
      %parallel_loop3A_489 = arith.constant 3.125000e-02 : f32
      %parallel_loop3A_490 = vector.broadcast %parallel_loop3A_489 : f32 to vector<16xf32>
      %parallel_loop3A_491 = arith.mulf %parallel_loop3A_488, %parallel_loop3A_490 : vector<16xf32>
      %parallel_loop3A_492 = arith.index_cast %parallel_loop3A_52 : i32 to index
      %parallel_loop3A_493 = arith.constant 576 : index
      %parallel_loop3A_494 = tpu.vector_load %arg4[%parallel_loop3A_492, %parallel_loop3A_493] {strides = array<i32>} : memref<32x1024xf32, #tpu.memory_space<vmem>>, vector<1x16xf32>,
      %parallel_loop3A_495 = vector.shape_cast %parallel_loop3A_494 : vector<1x16xf32> to vector<16xf32>
      %parallel_loop3A_496 = vector.shape_cast %parallel_loop3A_491 : vector<16xf32> to vector<1x16xf32>
      tpu.vector_store %arg4[%parallel_loop3A_492, %parallel_loop3A_493], %parallel_loop3A_496 {strides = array<i32>} : memref<32x1024xf32, #tpu.memory_space<vmem>>, vector<1x16xf32>,
      %parallel_loop3A_497 = arith.index_cast %parallel_loop3A_52 : i32 to index
      %parallel_loop3A_498 = arith.constant 592 : index
      %parallel_loop3A_499 = tpu.vector_load %arg4[%parallel_loop3A_497, %parallel_loop3A_498] {strides = array<i32>} : memref<32x1024xf32, #tpu.memory_space<vmem>>, vector<1x16xf32>,
      %parallel_loop3A_500 = vector.shape_cast %parallel_loop3A_499 : vector<1x16xf32> to vector<16xf32>
      %parallel_loop3A_501 = arith.constant 3.125000e-02 : f32
      %parallel_loop3A_502 = vector.broadcast %parallel_loop3A_501 : f32 to vector<16xf32>
      %parallel_loop3A_503 = arith.mulf %parallel_loop3A_500, %parallel_loop3A_502 : vector<16xf32>
      %parallel_loop3A_504 = arith.index_cast %parallel_loop3A_52 : i32 to index
      %parallel_loop3A_505 = arith.constant 592 : index
      %parallel_loop3A_506 = tpu.vector_load %arg4[%parallel_loop3A_504, %parallel_loop3A_505] {strides = array<i32>} : memref<32x1024xf32, #tpu.memory_space<vmem>>, vector<1x16xf32>,
      %parallel_loop3A_507 = vector.shape_cast %parallel_loop3A_506 : vector<1x16xf32> to vector<16xf32>
      %parallel_loop3A_508 = vector.shape_cast %parallel_loop3A_503 : vector<16xf32> to vector<1x16xf32>
      tpu.vector_store %arg4[%parallel_loop3A_504, %parallel_loop3A_505], %parallel_loop3A_508 {strides = array<i32>} : memref<32x1024xf32, #tpu.memory_space<vmem>>, vector<1x16xf32>,
      %parallel_loop3A_509 = arith.index_cast %parallel_loop3A_52 : i32 to index
      %parallel_loop3A_510 = arith.constant 608 : index
      %parallel_loop3A_511 = tpu.vector_load %arg4[%parallel_loop3A_509, %parallel_loop3A_510] {strides = array<i32>} : memref<32x1024xf32, #tpu.memory_space<vmem>>, vector<1x16xf32>,
      %parallel_loop3A_512 = vector.shape_cast %parallel_loop3A_511 : vector<1x16xf32> to vector<16xf32>
      %parallel_loop3A_513 = arith.constant 3.125000e-02 : f32
      %parallel_loop3A_514 = vector.broadcast %parallel_loop3A_513 : f32 to vector<16xf32>
      %parallel_loop3A_515 = arith.mulf %parallel_loop3A_512, %parallel_loop3A_514 : vector<16xf32>
      %parallel_loop3A_516 = arith.index_cast %parallel_loop3A_52 : i32 to index
      %parallel_loop3A_517 = arith.constant 608 : index
      %parallel_loop3A_518 = tpu.vector_load %arg4[%parallel_loop3A_516, %parallel_loop3A_517] {strides = array<i32>} : memref<32x1024xf32, #tpu.memory_space<vmem>>, vector<1x16xf32>,
      %parallel_loop3A_519 = vector.shape_cast %parallel_loop3A_518 : vector<1x16xf32> to vector<16xf32>
      %parallel_loop3A_520 = vector.shape_cast %parallel_loop3A_515 : vector<16xf32> to vector<1x16xf32>
      tpu.vector_store %arg4[%parallel_loop3A_516, %parallel_loop3A_517], %parallel_loop3A_520 {strides = array<i32>} : memref<32x1024xf32, #tpu.memory_space<vmem>>, vector<1x16xf32>,
      %parallel_loop3A_521 = arith.index_cast %parallel_loop3A_52 : i32 to index
      %parallel_loop3A_522 = arith.constant 624 : index
      %parallel_loop3A_523 = tpu.vector_load %arg4[%parallel_loop3A_521, %parallel_loop3A_522] {strides = array<i32>} : memref<32x1024xf32, #tpu.memory_space<vmem>>, vector<1x16xf32>,
      %parallel_loop3A_524 = vector.shape_cast %parallel_loop3A_523 : vector<1x16xf32> to vector<16xf32>
      %parallel_loop3A_525 = arith.constant 3.125000e-02 : f32
      %parallel_loop3A_526 = vector.broadcast %parallel_loop3A_525 : f32 to vector<16xf32>
      %parallel_loop3A_527 = arith.mulf %parallel_loop3A_524, %parallel_loop3A_526 : vector<16xf32>
      %parallel_loop3A_528 = arith.index_cast %parallel_loop3A_52 : i32 to index
      %parallel_loop3A_529 = arith.constant 624 : index
      %parallel_loop3A_530 = tpu.vector_load %arg4[%parallel_loop3A_528, %parallel_loop3A_529] {strides = array<i32>} : memref<32x1024xf32, #tpu.memory_space<vmem>>, vector<1x16xf32>,
      %parallel_loop3A_531 = vector.shape_cast %parallel_loop3A_530 : vector<1x16xf32> to vector<16xf32>
      %parallel_loop3A_532 = vector.shape_cast %parallel_loop3A_527 : vector<16xf32> to vector<1x16xf32>
      tpu.vector_store %arg4[%parallel_loop3A_528, %parallel_loop3A_529], %parallel_loop3A_532 {strides = array<i32>} : memref<32x1024xf32, #tpu.memory_space<vmem>>, vector<1x16xf32>,
      %parallel_loop3A_533 = arith.index_cast %parallel_loop3A_52 : i32 to index
      %parallel_loop3A_534 = arith.constant 640 : index
      %parallel_loop3A_535 = tpu.vector_load %arg4[%parallel_loop3A_533, %parallel_loop3A_534] {strides = array<i32>} : memref<32x1024xf32, #tpu.memory_space<vmem>>, vector<1x16xf32>,
      %parallel_loop3A_536 = vector.shape_cast %parallel_loop3A_535 : vector<1x16xf32> to vector<16xf32>
      %parallel_loop3A_537 = arith.constant 3.125000e-02 : f32
      %parallel_loop3A_538 = vector.broadcast %parallel_loop3A_537 : f32 to vector<16xf32>
      %parallel_loop3A_539 = arith.mulf %parallel_loop3A_536, %parallel_loop3A_538 : vector<16xf32>
      %parallel_loop3A_540 = arith.index_cast %parallel_loop3A_52 : i32 to index
      %parallel_loop3A_541 = arith.constant 640 : index
      %parallel_loop3A_542 = tpu.vector_load %arg4[%parallel_loop3A_540, %parallel_loop3A_541] {strides = array<i32>} : memref<32x1024xf32, #tpu.memory_space<vmem>>, vector<1x16xf32>,
      %parallel_loop3A_543 = vector.shape_cast %parallel_loop3A_542 : vector<1x16xf32> to vector<16xf32>
      %parallel_loop3A_544 = vector.shape_cast %parallel_loop3A_539 : vector<16xf32> to vector<1x16xf32>
      tpu.vector_store %arg4[%parallel_loop3A_540, %parallel_loop3A_541], %parallel_loop3A_544 {strides = array<i32>} : memref<32x1024xf32, #tpu.memory_space<vmem>>, vector<1x16xf32>,
      %parallel_loop3A_545 = arith.index_cast %parallel_loop3A_52 : i32 to index
      %parallel_loop3A_546 = arith.constant 656 : index
      %parallel_loop3A_547 = tpu.vector_load %arg4[%parallel_loop3A_545, %parallel_loop3A_546] {strides = array<i32>} : memref<32x1024xf32, #tpu.memory_space<vmem>>, vector<1x16xf32>,
      %parallel_loop3A_548 = vector.shape_cast %parallel_loop3A_547 : vector<1x16xf32> to vector<16xf32>
      %parallel_loop3A_549 = arith.constant 3.125000e-02 : f32
      %parallel_loop3A_550 = vector.broadcast %parallel_loop3A_549 : f32 to vector<16xf32>
      %parallel_loop3A_551 = arith.mulf %parallel_loop3A_548, %parallel_loop3A_550 : vector<16xf32>
      %parallel_loop3A_552 = arith.index_cast %parallel_loop3A_52 : i32 to index
      %parallel_loop3A_553 = arith.constant 656 : index
      %parallel_loop3A_554 = tpu.vector_load %arg4[%parallel_loop3A_552, %parallel_loop3A_553] {strides = array<i32>} : memref<32x1024xf32, #tpu.memory_space<vmem>>, vector<1x16xf32>,
      %parallel_loop3A_555 = vector.shape_cast %parallel_loop3A_554 : vector<1x16xf32> to vector<16xf32>
      %parallel_loop3A_556 = vector.shape_cast %parallel_loop3A_551 : vector<16xf32> to vector<1x16xf32>
      tpu.vector_store %arg4[%parallel_loop3A_552, %parallel_loop3A_553], %parallel_loop3A_556 {strides = array<i32>} : memref<32x1024xf32, #tpu.memory_space<vmem>>, vector<1x16xf32>,
      %parallel_loop3A_557 = arith.index_cast %parallel_loop3A_52 : i32 to index
      %parallel_loop3A_558 = arith.constant 672 : index
      %parallel_loop3A_559 = tpu.vector_load %arg4[%parallel_loop3A_557, %parallel_loop3A_558] {strides = array<i32>} : memref<32x1024xf32, #tpu.memory_space<vmem>>, vector<1x16xf32>,
      %parallel_loop3A_560 = vector.shape_cast %parallel_loop3A_559 : vector<1x16xf32> to vector<16xf32>
      %parallel_loop3A_561 = arith.constant 3.125000e-02 : f32
      %parallel_loop3A_562 = vector.broadcast %parallel_loop3A_561 : f32 to vector<16xf32>
      %parallel_loop3A_563 = arith.mulf %parallel_loop3A_560, %parallel_loop3A_562 : vector<16xf32>
      %parallel_loop3A_564 = arith.index_cast %parallel_loop3A_52 : i32 to index
      %parallel_loop3A_565 = arith.constant 672 : index
      %parallel_loop3A_566 = tpu.vector_load %arg4[%parallel_loop3A_564, %parallel_loop3A_565] {strides = array<i32>} : memref<32x1024xf32, #tpu.memory_space<vmem>>, vector<1x16xf32>,
      %parallel_loop3A_567 = vector.shape_cast %parallel_loop3A_566 : vector<1x16xf32> to vector<16xf32>
      %parallel_loop3A_568 = vector.shape_cast %parallel_loop3A_563 : vector<16xf32> to vector<1x16xf32>
      tpu.vector_store %arg4[%parallel_loop3A_564, %parallel_loop3A_565], %parallel_loop3A_568 {strides = array<i32>} : memref<32x1024xf32, #tpu.memory_space<vmem>>, vector<1x16xf32>,
      %parallel_loop3A_569 = arith.index_cast %parallel_loop3A_52 : i32 to index
      %parallel_loop3A_570 = arith.constant 688 : index
      %parallel_loop3A_571 = tpu.vector_load %arg4[%parallel_loop3A_569, %parallel_loop3A_570] {strides = array<i32>} : memref<32x1024xf32, #tpu.memory_space<vmem>>, vector<1x16xf32>,
      %parallel_loop3A_572 = vector.shape_cast %parallel_loop3A_571 : vector<1x16xf32> to vector<16xf32>
      %parallel_loop3A_573 = arith.constant 3.125000e-02 : f32
      %parallel_loop3A_574 = vector.broadcast %parallel_loop3A_573 : f32 to vector<16xf32>
      %parallel_loop3A_575 = arith.mulf %parallel_loop3A_572, %parallel_loop3A_574 : vector<16xf32>
      %parallel_loop3A_576 = arith.index_cast %parallel_loop3A_52 : i32 to index
      %parallel_loop3A_577 = arith.constant 688 : index
      %parallel_loop3A_578 = tpu.vector_load %arg4[%parallel_loop3A_576, %parallel_loop3A_577] {strides = array<i32>} : memref<32x1024xf32, #tpu.memory_space<vmem>>, vector<1x16xf32>,
      %parallel_loop3A_579 = vector.shape_cast %parallel_loop3A_578 : vector<1x16xf32> to vector<16xf32>
      %parallel_loop3A_580 = vector.shape_cast %parallel_loop3A_575 : vector<16xf32> to vector<1x16xf32>
      tpu.vector_store %arg4[%parallel_loop3A_576, %parallel_loop3A_577], %parallel_loop3A_580 {strides = array<i32>} : memref<32x1024xf32, #tpu.memory_space<vmem>>, vector<1x16xf32>,
      %parallel_loop3A_581 = arith.index_cast %parallel_loop3A_52 : i32 to index
      %parallel_loop3A_582 = arith.constant 704 : index
      %parallel_loop3A_583 = tpu.vector_load %arg4[%parallel_loop3A_581, %parallel_loop3A_582] {strides = array<i32>} : memref<32x1024xf32, #tpu.memory_space<vmem>>, vector<1x16xf32>,
      %parallel_loop3A_584 = vector.shape_cast %parallel_loop3A_583 : vector<1x16xf32> to vector<16xf32>
      %parallel_loop3A_585 = arith.constant 3.125000e-02 : f32
      %parallel_loop3A_586 = vector.broadcast %parallel_loop3A_585 : f32 to vector<16xf32>
      %parallel_loop3A_587 = arith.mulf %parallel_loop3A_584, %parallel_loop3A_586 : vector<16xf32>
      %parallel_loop3A_588 = arith.index_cast %parallel_loop3A_52 : i32 to index
      %parallel_loop3A_589 = arith.constant 704 : index
      %parallel_loop3A_590 = tpu.vector_load %arg4[%parallel_loop3A_588, %parallel_loop3A_589] {strides = array<i32>} : memref<32x1024xf32, #tpu.memory_space<vmem>>, vector<1x16xf32>,
      %parallel_loop3A_591 = vector.shape_cast %parallel_loop3A_590 : vector<1x16xf32> to vector<16xf32>
      %parallel_loop3A_592 = vector.shape_cast %parallel_loop3A_587 : vector<16xf32> to vector<1x16xf32>
      tpu.vector_store %arg4[%parallel_loop3A_588, %parallel_loop3A_589], %parallel_loop3A_592 {strides = array<i32>} : memref<32x1024xf32, #tpu.memory_space<vmem>>, vector<1x16xf32>,
      %parallel_loop3A_593 = arith.index_cast %parallel_loop3A_52 : i32 to index
      %parallel_loop3A_594 = arith.constant 720 : index
      %parallel_loop3A_595 = tpu.vector_load %arg4[%parallel_loop3A_593, %parallel_loop3A_594] {strides = array<i32>} : memref<32x1024xf32, #tpu.memory_space<vmem>>, vector<1x16xf32>,
      %parallel_loop3A_596 = vector.shape_cast %parallel_loop3A_595 : vector<1x16xf32> to vector<16xf32>
      %parallel_loop3A_597 = arith.constant 3.125000e-02 : f32
      %parallel_loop3A_598 = vector.broadcast %parallel_loop3A_597 : f32 to vector<16xf32>
      %parallel_loop3A_599 = arith.mulf %parallel_loop3A_596, %parallel_loop3A_598 : vector<16xf32>
      %parallel_loop3A_600 = arith.index_cast %parallel_loop3A_52 : i32 to index
      %parallel_loop3A_601 = arith.constant 720 : index
      %parallel_loop3A_602 = tpu.vector_load %arg4[%parallel_loop3A_600, %parallel_loop3A_601] {strides = array<i32>} : memref<32x1024xf32, #tpu.memory_space<vmem>>, vector<1x16xf32>,
      %parallel_loop3A_603 = vector.shape_cast %parallel_loop3A_602 : vector<1x16xf32> to vector<16xf32>
      %parallel_loop3A_604 = vector.shape_cast %parallel_loop3A_599 : vector<16xf32> to vector<1x16xf32>
      tpu.vector_store %arg4[%parallel_loop3A_600, %parallel_loop3A_601], %parallel_loop3A_604 {strides = array<i32>} : memref<32x1024xf32, #tpu.memory_space<vmem>>, vector<1x16xf32>,
      %parallel_loop3A_605 = arith.index_cast %parallel_loop3A_52 : i32 to index
      %parallel_loop3A_606 = arith.constant 736 : index
      %parallel_loop3A_607 = tpu.vector_load %arg4[%parallel_loop3A_605, %parallel_loop3A_606] {strides = array<i32>} : memref<32x1024xf32, #tpu.memory_space<vmem>>, vector<1x16xf32>,
      %parallel_loop3A_608 = vector.shape_cast %parallel_loop3A_607 : vector<1x16xf32> to vector<16xf32>
      %parallel_loop3A_609 = arith.constant 3.125000e-02 : f32
      %parallel_loop3A_610 = vector.broadcast %parallel_loop3A_609 : f32 to vector<16xf32>
      %parallel_loop3A_611 = arith.mulf %parallel_loop3A_608, %parallel_loop3A_610 : vector<16xf32>
      %parallel_loop3A_612 = arith.index_cast %parallel_loop3A_52 : i32 to index
      %parallel_loop3A_613 = arith.constant 736 : index
      %parallel_loop3A_614 = tpu.vector_load %arg4[%parallel_loop3A_612, %parallel_loop3A_613] {strides = array<i32>} : memref<32x1024xf32, #tpu.memory_space<vmem>>, vector<1x16xf32>,
      %parallel_loop3A_615 = vector.shape_cast %parallel_loop3A_614 : vector<1x16xf32> to vector<16xf32>
      %parallel_loop3A_616 = vector.shape_cast %parallel_loop3A_611 : vector<16xf32> to vector<1x16xf32>
      tpu.vector_store %arg4[%parallel_loop3A_612, %parallel_loop3A_613], %parallel_loop3A_616 {strides = array<i32>} : memref<32x1024xf32, #tpu.memory_space<vmem>>, vector<1x16xf32>,
      %parallel_loop3A_617 = arith.index_cast %parallel_loop3A_52 : i32 to index
      %parallel_loop3A_618 = arith.constant 752 : index
      %parallel_loop3A_619 = tpu.vector_load %arg4[%parallel_loop3A_617, %parallel_loop3A_618] {strides = array<i32>} : memref<32x1024xf32, #tpu.memory_space<vmem>>, vector<1x16xf32>,
      %parallel_loop3A_620 = vector.shape_cast %parallel_loop3A_619 : vector<1x16xf32> to vector<16xf32>
      %parallel_loop3A_621 = arith.constant 3.125000e-02 : f32
      %parallel_loop3A_622 = vector.broadcast %parallel_loop3A_621 : f32 to vector<16xf32>
      %parallel_loop3A_623 = arith.mulf %parallel_loop3A_620, %parallel_loop3A_622 : vector<16xf32>
      %parallel_loop3A_624 = arith.index_cast %parallel_loop3A_52 : i32 to index
      %parallel_loop3A_625 = arith.constant 752 : index
      %parallel_loop3A_626 = tpu.vector_load %arg4[%parallel_loop3A_624, %parallel_loop3A_625] {strides = array<i32>} : memref<32x1024xf32, #tpu.memory_space<vmem>>, vector<1x16xf32>,
      %parallel_loop3A_627 = vector.shape_cast %parallel_loop3A_626 : vector<1x16xf32> to vector<16xf32>
      %parallel_loop3A_628 = vector.shape_cast %parallel_loop3A_623 : vector<16xf32> to vector<1x16xf32>
      tpu.vector_store %arg4[%parallel_loop3A_624, %parallel_loop3A_625], %parallel_loop3A_628 {strides = array<i32>} : memref<32x1024xf32, #tpu.memory_space<vmem>>, vector<1x16xf32>,
      %parallel_loop3A_629 = arith.index_cast %parallel_loop3A_52 : i32 to index
      %parallel_loop3A_630 = arith.constant 768 : index
      %parallel_loop3A_631 = tpu.vector_load %arg4[%parallel_loop3A_629, %parallel_loop3A_630] {strides = array<i32>} : memref<32x1024xf32, #tpu.memory_space<vmem>>, vector<1x16xf32>,
      %parallel_loop3A_632 = vector.shape_cast %parallel_loop3A_631 : vector<1x16xf32> to vector<16xf32>
      %parallel_loop3A_633 = arith.constant 3.125000e-02 : f32
      %parallel_loop3A_634 = vector.broadcast %parallel_loop3A_633 : f32 to vector<16xf32>
      %parallel_loop3A_635 = arith.mulf %parallel_loop3A_632, %parallel_loop3A_634 : vector<16xf32>
      %parallel_loop3A_636 = arith.index_cast %parallel_loop3A_52 : i32 to index
      %parallel_loop3A_637 = arith.constant 768 : index
      %parallel_loop3A_638 = tpu.vector_load %arg4[%parallel_loop3A_636, %parallel_loop3A_637] {strides = array<i32>} : memref<32x1024xf32, #tpu.memory_space<vmem>>, vector<1x16xf32>,
      %parallel_loop3A_639 = vector.shape_cast %parallel_loop3A_638 : vector<1x16xf32> to vector<16xf32>
      %parallel_loop3A_640 = vector.shape_cast %parallel_loop3A_635 : vector<16xf32> to vector<1x16xf32>
      tpu.vector_store %arg4[%parallel_loop3A_636, %parallel_loop3A_637], %parallel_loop3A_640 {strides = array<i32>} : memref<32x1024xf32, #tpu.memory_space<vmem>>, vector<1x16xf32>,
      %parallel_loop3A_641 = arith.index_cast %parallel_loop3A_52 : i32 to index
      %parallel_loop3A_642 = arith.constant 784 : index
      %parallel_loop3A_643 = tpu.vector_load %arg4[%parallel_loop3A_641, %parallel_loop3A_642] {strides = array<i32>} : memref<32x1024xf32, #tpu.memory_space<vmem>>, vector<1x16xf32>,
      %parallel_loop3A_644 = vector.shape_cast %parallel_loop3A_643 : vector<1x16xf32> to vector<16xf32>
      %parallel_loop3A_645 = arith.constant 3.125000e-02 : f32
      %parallel_loop3A_646 = vector.broadcast %parallel_loop3A_645 : f32 to vector<16xf32>
      %parallel_loop3A_647 = arith.mulf %parallel_loop3A_644, %parallel_loop3A_646 : vector<16xf32>
      %parallel_loop3A_648 = arith.index_cast %parallel_loop3A_52 : i32 to index
      %parallel_loop3A_649 = arith.constant 784 : index
      %parallel_loop3A_650 = tpu.vector_load %arg4[%parallel_loop3A_648, %parallel_loop3A_649] {strides = array<i32>} : memref<32x1024xf32, #tpu.memory_space<vmem>>, vector<1x16xf32>,
      %parallel_loop3A_651 = vector.shape_cast %parallel_loop3A_650 : vector<1x16xf32> to vector<16xf32>
      %parallel_loop3A_652 = vector.shape_cast %parallel_loop3A_647 : vector<16xf32> to vector<1x16xf32>
      tpu.vector_store %arg4[%parallel_loop3A_648, %parallel_loop3A_649], %parallel_loop3A_652 {strides = array<i32>} : memref<32x1024xf32, #tpu.memory_space<vmem>>, vector<1x16xf32>,
      %parallel_loop3A_653 = arith.index_cast %parallel_loop3A_52 : i32 to index
      %parallel_loop3A_654 = arith.constant 800 : index
      %parallel_loop3A_655 = tpu.vector_load %arg4[%parallel_loop3A_653, %parallel_loop3A_654] {strides = array<i32>} : memref<32x1024xf32, #tpu.memory_space<vmem>>, vector<1x16xf32>,
      %parallel_loop3A_656 = vector.shape_cast %parallel_loop3A_655 : vector<1x16xf32> to vector<16xf32>
      %parallel_loop3A_657 = arith.constant 3.125000e-02 : f32
      %parallel_loop3A_658 = vector.broadcast %parallel_loop3A_657 : f32 to vector<16xf32>
      %parallel_loop3A_659 = arith.mulf %parallel_loop3A_656, %parallel_loop3A_658 : vector<16xf32>
      %parallel_loop3A_660 = arith.index_cast %parallel_loop3A_52 : i32 to index
      %parallel_loop3A_661 = arith.constant 800 : index
      %parallel_loop3A_662 = tpu.vector_load %arg4[%parallel_loop3A_660, %parallel_loop3A_661] {strides = array<i32>} : memref<32x1024xf32, #tpu.memory_space<vmem>>, vector<1x16xf32>,
      %parallel_loop3A_663 = vector.shape_cast %parallel_loop3A_662 : vector<1x16xf32> to vector<16xf32>
      %parallel_loop3A_664 = vector.shape_cast %parallel_loop3A_659 : vector<16xf32> to vector<1x16xf32>
      tpu.vector_store %arg4[%parallel_loop3A_660, %parallel_loop3A_661], %parallel_loop3A_664 {strides = array<i32>} : memref<32x1024xf32, #tpu.memory_space<vmem>>, vector<1x16xf32>,
      %parallel_loop3A_665 = arith.index_cast %parallel_loop3A_52 : i32 to index
      %parallel_loop3A_666 = arith.constant 816 : index
      %parallel_loop3A_667 = tpu.vector_load %arg4[%parallel_loop3A_665, %parallel_loop3A_666] {strides = array<i32>} : memref<32x1024xf32, #tpu.memory_space<vmem>>, vector<1x16xf32>,
      %parallel_loop3A_668 = vector.shape_cast %parallel_loop3A_667 : vector<1x16xf32> to vector<16xf32>
      %parallel_loop3A_669 = arith.constant 3.125000e-02 : f32
      %parallel_loop3A_670 = vector.broadcast %parallel_loop3A_669 : f32 to vector<16xf32>
      %parallel_loop3A_671 = arith.mulf %parallel_loop3A_668, %parallel_loop3A_670 : vector<16xf32>
      %parallel_loop3A_672 = arith.index_cast %parallel_loop3A_52 : i32 to index
      %parallel_loop3A_673 = arith.constant 816 : index
      %parallel_loop3A_674 = tpu.vector_load %arg4[%parallel_loop3A_672, %parallel_loop3A_673] {strides = array<i32>} : memref<32x1024xf32, #tpu.memory_space<vmem>>, vector<1x16xf32>,
      %parallel_loop3A_675 = vector.shape_cast %parallel_loop3A_674 : vector<1x16xf32> to vector<16xf32>
      %parallel_loop3A_676 = vector.shape_cast %parallel_loop3A_671 : vector<16xf32> to vector<1x16xf32>
      tpu.vector_store %arg4[%parallel_loop3A_672, %parallel_loop3A_673], %parallel_loop3A_676 {strides = array<i32>} : memref<32x1024xf32, #tpu.memory_space<vmem>>, vector<1x16xf32>,
      %parallel_loop3A_677 = arith.index_cast %parallel_loop3A_52 : i32 to index
      %parallel_loop3A_678 = arith.constant 832 : index
      %parallel_loop3A_679 = tpu.vector_load %arg4[%parallel_loop3A_677, %parallel_loop3A_678] {strides = array<i32>} : memref<32x1024xf32, #tpu.memory_space<vmem>>, vector<1x16xf32>,
      %parallel_loop3A_680 = vector.shape_cast %parallel_loop3A_679 : vector<1x16xf32> to vector<16xf32>
      %parallel_loop3A_681 = arith.constant 3.125000e-02 : f32
      %parallel_loop3A_682 = vector.broadcast %parallel_loop3A_681 : f32 to vector<16xf32>
      %parallel_loop3A_683 = arith.mulf %parallel_loop3A_680, %parallel_loop3A_682 : vector<16xf32>
      %parallel_loop3A_684 = arith.index_cast %parallel_loop3A_52 : i32 to index
      %parallel_loop3A_685 = arith.constant 832 : index
      %parallel_loop3A_686 = tpu.vector_load %arg4[%parallel_loop3A_684, %parallel_loop3A_685] {strides = array<i32>} : memref<32x1024xf32, #tpu.memory_space<vmem>>, vector<1x16xf32>,
      %parallel_loop3A_687 = vector.shape_cast %parallel_loop3A_686 : vector<1x16xf32> to vector<16xf32>
      %parallel_loop3A_688 = vector.shape_cast %parallel_loop3A_683 : vector<16xf32> to vector<1x16xf32>
      tpu.vector_store %arg4[%parallel_loop3A_684, %parallel_loop3A_685], %parallel_loop3A_688 {strides = array<i32>} : memref<32x1024xf32, #tpu.memory_space<vmem>>, vector<1x16xf32>,
      %parallel_loop3A_689 = arith.index_cast %parallel_loop3A_52 : i32 to index
      %parallel_loop3A_690 = arith.constant 848 : index
      %parallel_loop3A_691 = tpu.vector_load %arg4[%parallel_loop3A_689, %parallel_loop3A_690] {strides = array<i32>} : memref<32x1024xf32, #tpu.memory_space<vmem>>, vector<1x16xf32>,
      %parallel_loop3A_692 = vector.shape_cast %parallel_loop3A_691 : vector<1x16xf32> to vector<16xf32>
      %parallel_loop3A_693 = arith.constant 3.125000e-02 : f32
      %parallel_loop3A_694 = vector.broadcast %parallel_loop3A_693 : f32 to vector<16xf32>
      %parallel_loop3A_695 = arith.mulf %parallel_loop3A_692, %parallel_loop3A_694 : vector<16xf32>
      %parallel_loop3A_696 = arith.index_cast %parallel_loop3A_52 : i32 to index
      %parallel_loop3A_697 = arith.constant 848 : index
      %parallel_loop3A_698 = tpu.vector_load %arg4[%parallel_loop3A_696, %parallel_loop3A_697] {strides = array<i32>} : memref<32x1024xf32, #tpu.memory_space<vmem>>, vector<1x16xf32>,
      %parallel_loop3A_699 = vector.shape_cast %parallel_loop3A_698 : vector<1x16xf32> to vector<16xf32>
      %parallel_loop3A_700 = vector.shape_cast %parallel_loop3A_695 : vector<16xf32> to vector<1x16xf32>
      tpu.vector_store %arg4[%parallel_loop3A_696, %parallel_loop3A_697], %parallel_loop3A_700 {strides = array<i32>} : memref<32x1024xf32, #tpu.memory_space<vmem>>, vector<1x16xf32>,
      %parallel_loop3A_701 = arith.index_cast %parallel_loop3A_52 : i32 to index
      %parallel_loop3A_702 = arith.constant 864 : index
      %parallel_loop3A_703 = tpu.vector_load %arg4[%parallel_loop3A_701, %parallel_loop3A_702] {strides = array<i32>} : memref<32x1024xf32, #tpu.memory_space<vmem>>, vector<1x16xf32>,
      %parallel_loop3A_704 = vector.shape_cast %parallel_loop3A_703 : vector<1x16xf32> to vector<16xf32>
      %parallel_loop3A_705 = arith.constant 3.125000e-02 : f32
      %parallel_loop3A_706 = vector.broadcast %parallel_loop3A_705 : f32 to vector<16xf32>
      %parallel_loop3A_707 = arith.mulf %parallel_loop3A_704, %parallel_loop3A_706 : vector<16xf32>
      %parallel_loop3A_708 = arith.index_cast %parallel_loop3A_52 : i32 to index
      %parallel_loop3A_709 = arith.constant 864 : index
      %parallel_loop3A_710 = tpu.vector_load %arg4[%parallel_loop3A_708, %parallel_loop3A_709] {strides = array<i32>} : memref<32x1024xf32, #tpu.memory_space<vmem>>, vector<1x16xf32>,
      %parallel_loop3A_711 = vector.shape_cast %parallel_loop3A_710 : vector<1x16xf32> to vector<16xf32>
      %parallel_loop3A_712 = vector.shape_cast %parallel_loop3A_707 : vector<16xf32> to vector<1x16xf32>
      tpu.vector_store %arg4[%parallel_loop3A_708, %parallel_loop3A_709], %parallel_loop3A_712 {strides = array<i32>} : memref<32x1024xf32, #tpu.memory_space<vmem>>, vector<1x16xf32>,
      %parallel_loop3A_713 = arith.index_cast %parallel_loop3A_52 : i32 to index
      %parallel_loop3A_714 = arith.constant 880 : index
      %parallel_loop3A_715 = tpu.vector_load %arg4[%parallel_loop3A_713, %parallel_loop3A_714] {strides = array<i32>} : memref<32x1024xf32, #tpu.memory_space<vmem>>, vector<1x16xf32>,
      %parallel_loop3A_716 = vector.shape_cast %parallel_loop3A_715 : vector<1x16xf32> to vector<16xf32>
      %parallel_loop3A_717 = arith.constant 3.125000e-02 : f32
      %parallel_loop3A_718 = vector.broadcast %parallel_loop3A_717 : f32 to vector<16xf32>
      %parallel_loop3A_719 = arith.mulf %parallel_loop3A_716, %parallel_loop3A_718 : vector<16xf32>
      %parallel_loop3A_720 = arith.index_cast %parallel_loop3A_52 : i32 to index
      %parallel_loop3A_721 = arith.constant 880 : index
      %parallel_loop3A_722 = tpu.vector_load %arg4[%parallel_loop3A_720, %parallel_loop3A_721] {strides = array<i32>} : memref<32x1024xf32, #tpu.memory_space<vmem>>, vector<1x16xf32>,
      %parallel_loop3A_723 = vector.shape_cast %parallel_loop3A_722 : vector<1x16xf32> to vector<16xf32>
      %parallel_loop3A_724 = vector.shape_cast %parallel_loop3A_719 : vector<16xf32> to vector<1x16xf32>
      tpu.vector_store %arg4[%parallel_loop3A_720, %parallel_loop3A_721], %parallel_loop3A_724 {strides = array<i32>} : memref<32x1024xf32, #tpu.memory_space<vmem>>, vector<1x16xf32>,
      %parallel_loop3A_725 = arith.index_cast %parallel_loop3A_52 : i32 to index
      %parallel_loop3A_726 = arith.constant 896 : index
      %parallel_loop3A_727 = tpu.vector_load %arg4[%parallel_loop3A_725, %parallel_loop3A_726] {strides = array<i32>} : memref<32x1024xf32, #tpu.memory_space<vmem>>, vector<1x16xf32>,
      %parallel_loop3A_728 = vector.shape_cast %parallel_loop3A_727 : vector<1x16xf32> to vector<16xf32>
      %parallel_loop3A_729 = arith.constant 3.125000e-02 : f32
      %parallel_loop3A_730 = vector.broadcast %parallel_loop3A_729 : f32 to vector<16xf32>
      %parallel_loop3A_731 = arith.mulf %parallel_loop3A_728, %parallel_loop3A_730 : vector<16xf32>
      %parallel_loop3A_732 = arith.index_cast %parallel_loop3A_52 : i32 to index
      %parallel_loop3A_733 = arith.constant 896 : index
      %parallel_loop3A_734 = tpu.vector_load %arg4[%parallel_loop3A_732, %parallel_loop3A_733] {strides = array<i32>} : memref<32x1024xf32, #tpu.memory_space<vmem>>, vector<1x16xf32>,
      %parallel_loop3A_735 = vector.shape_cast %parallel_loop3A_734 : vector<1x16xf32> to vector<16xf32>
      %parallel_loop3A_736 = vector.shape_cast %parallel_loop3A_731 : vector<16xf32> to vector<1x16xf32>
      tpu.vector_store %arg4[%parallel_loop3A_732, %parallel_loop3A_733], %parallel_loop3A_736 {strides = array<i32>} : memref<32x1024xf32, #tpu.memory_space<vmem>>, vector<1x16xf32>,
      %parallel_loop3A_737 = arith.index_cast %parallel_loop3A_52 : i32 to index
      %parallel_loop3A_738 = arith.constant 912 : index
      %parallel_loop3A_739 = tpu.vector_load %arg4[%parallel_loop3A_737, %parallel_loop3A_738] {strides = array<i32>} : memref<32x1024xf32, #tpu.memory_space<vmem>>, vector<1x16xf32>,
      %parallel_loop3A_740 = vector.shape_cast %parallel_loop3A_739 : vector<1x16xf32> to vector<16xf32>
      %parallel_loop3A_741 = arith.constant 3.125000e-02 : f32
      %parallel_loop3A_742 = vector.broadcast %parallel_loop3A_741 : f32 to vector<16xf32>
      %parallel_loop3A_743 = arith.mulf %parallel_loop3A_740, %parallel_loop3A_742 : vector<16xf32>
      %parallel_loop3A_744 = arith.index_cast %parallel_loop3A_52 : i32 to index
      %parallel_loop3A_745 = arith.constant 912 : index
      %parallel_loop3A_746 = tpu.vector_load %arg4[%parallel_loop3A_744, %parallel_loop3A_745] {strides = array<i32>} : memref<32x1024xf32, #tpu.memory_space<vmem>>, vector<1x16xf32>,
      %parallel_loop3A_747 = vector.shape_cast %parallel_loop3A_746 : vector<1x16xf32> to vector<16xf32>
      %parallel_loop3A_748 = vector.shape_cast %parallel_loop3A_743 : vector<16xf32> to vector<1x16xf32>
      tpu.vector_store %arg4[%parallel_loop3A_744, %parallel_loop3A_745], %parallel_loop3A_748 {strides = array<i32>} : memref<32x1024xf32, #tpu.memory_space<vmem>>, vector<1x16xf32>,
      %parallel_loop3A_749 = arith.index_cast %parallel_loop3A_52 : i32 to index
      %parallel_loop3A_750 = arith.constant 928 : index
      %parallel_loop3A_751 = tpu.vector_load %arg4[%parallel_loop3A_749, %parallel_loop3A_750] {strides = array<i32>} : memref<32x1024xf32, #tpu.memory_space<vmem>>, vector<1x16xf32>,
      %parallel_loop3A_752 = vector.shape_cast %parallel_loop3A_751 : vector<1x16xf32> to vector<16xf32>
      %parallel_loop3A_753 = arith.constant 3.125000e-02 : f32
      %parallel_loop3A_754 = vector.broadcast %parallel_loop3A_753 : f32 to vector<16xf32>
      %parallel_loop3A_755 = arith.mulf %parallel_loop3A_752, %parallel_loop3A_754 : vector<16xf32>
      %parallel_loop3A_756 = arith.index_cast %parallel_loop3A_52 : i32 to index
      %parallel_loop3A_757 = arith.constant 928 : index
      %parallel_loop3A_758 = tpu.vector_load %arg4[%parallel_loop3A_756, %parallel_loop3A_757] {strides = array<i32>} : memref<32x1024xf32, #tpu.memory_space<vmem>>, vector<1x16xf32>,
      %parallel_loop3A_759 = vector.shape_cast %parallel_loop3A_758 : vector<1x16xf32> to vector<16xf32>
      %parallel_loop3A_760 = vector.shape_cast %parallel_loop3A_755 : vector<16xf32> to vector<1x16xf32>
      tpu.vector_store %arg4[%parallel_loop3A_756, %parallel_loop3A_757], %parallel_loop3A_760 {strides = array<i32>} : memref<32x1024xf32, #tpu.memory_space<vmem>>, vector<1x16xf32>,
      %parallel_loop3A_761 = arith.index_cast %parallel_loop3A_52 : i32 to index
      %parallel_loop3A_762 = arith.constant 944 : index
      %parallel_loop3A_763 = tpu.vector_load %arg4[%parallel_loop3A_761, %parallel_loop3A_762] {strides = array<i32>} : memref<32x1024xf32, #tpu.memory_space<vmem>>, vector<1x16xf32>,
      %parallel_loop3A_764 = vector.shape_cast %parallel_loop3A_763 : vector<1x16xf32> to vector<16xf32>
      %parallel_loop3A_765 = arith.constant 3.125000e-02 : f32
      %parallel_loop3A_766 = vector.broadcast %parallel_loop3A_765 : f32 to vector<16xf32>
      %parallel_loop3A_767 = arith.mulf %parallel_loop3A_764, %parallel_loop3A_766 : vector<16xf32>
      %parallel_loop3A_768 = arith.index_cast %parallel_loop3A_52 : i32 to index
      %parallel_loop3A_769 = arith.constant 944 : index
      %parallel_loop3A_770 = tpu.vector_load %arg4[%parallel_loop3A_768, %parallel_loop3A_769] {strides = array<i32>} : memref<32x1024xf32, #tpu.memory_space<vmem>>, vector<1x16xf32>,
      %parallel_loop3A_771 = vector.shape_cast %parallel_loop3A_770 : vector<1x16xf32> to vector<16xf32>
      %parallel_loop3A_772 = vector.shape_cast %parallel_loop3A_767 : vector<16xf32> to vector<1x16xf32>
      tpu.vector_store %arg4[%parallel_loop3A_768, %parallel_loop3A_769], %parallel_loop3A_772 {strides = array<i32>} : memref<32x1024xf32, #tpu.memory_space<vmem>>, vector<1x16xf32>,
      %parallel_loop3A_773 = arith.index_cast %parallel_loop3A_52 : i32 to index
      %parallel_loop3A_774 = arith.constant 960 : index
      %parallel_loop3A_775 = tpu.vector_load %arg4[%parallel_loop3A_773, %parallel_loop3A_774] {strides = array<i32>} : memref<32x1024xf32, #tpu.memory_space<vmem>>, vector<1x16xf32>,
      %parallel_loop3A_776 = vector.shape_cast %parallel_loop3A_775 : vector<1x16xf32> to vector<16xf32>
      %parallel_loop3A_777 = arith.constant 3.125000e-02 : f32
      %parallel_loop3A_778 = vector.broadcast %parallel_loop3A_777 : f32 to vector<16xf32>
      %parallel_loop3A_779 = arith.mulf %parallel_loop3A_776, %parallel_loop3A_778 : vector<16xf32>
      %parallel_loop3A_780 = arith.index_cast %parallel_loop3A_52 : i32 to index
      %parallel_loop3A_781 = arith.constant 960 : index
      %parallel_loop3A_782 = tpu.vector_load %arg4[%parallel_loop3A_780, %parallel_loop3A_781] {strides = array<i32>} : memref<32x1024xf32, #tpu.memory_space<vmem>>, vector<1x16xf32>,
      %parallel_loop3A_783 = vector.shape_cast %parallel_loop3A_782 : vector<1x16xf32> to vector<16xf32>
      %parallel_loop3A_784 = vector.shape_cast %parallel_loop3A_779 : vector<16xf32> to vector<1x16xf32>
      tpu.vector_store %arg4[%parallel_loop3A_780, %parallel_loop3A_781], %parallel_loop3A_784 {strides = array<i32>} : memref<32x1024xf32, #tpu.memory_space<vmem>>, vector<1x16xf32>,
      %parallel_loop3A_785 = arith.index_cast %parallel_loop3A_52 : i32 to index
      %parallel_loop3A_786 = arith.constant 976 : index
      %parallel_loop3A_787 = tpu.vector_load %arg4[%parallel_loop3A_785, %parallel_loop3A_786] {strides = array<i32>} : memref<32x1024xf32, #tpu.memory_space<vmem>>, vector<1x16xf32>,
      %parallel_loop3A_788 = vector.shape_cast %parallel_loop3A_787 : vector<1x16xf32> to vector<16xf32>
      %parallel_loop3A_789 = arith.constant 3.125000e-02 : f32
      %parallel_loop3A_790 = vector.broadcast %parallel_loop3A_789 : f32 to vector<16xf32>
      %parallel_loop3A_791 = arith.mulf %parallel_loop3A_788, %parallel_loop3A_790 : vector<16xf32>
      %parallel_loop3A_792 = arith.index_cast %parallel_loop3A_52 : i32 to index
      %parallel_loop3A_793 = arith.constant 976 : index
      %parallel_loop3A_794 = tpu.vector_load %arg4[%parallel_loop3A_792, %parallel_loop3A_793] {strides = array<i32>} : memref<32x1024xf32, #tpu.memory_space<vmem>>, vector<1x16xf32>,
      %parallel_loop3A_795 = vector.shape_cast %parallel_loop3A_794 : vector<1x16xf32> to vector<16xf32>
      %parallel_loop3A_796 = vector.shape_cast %parallel_loop3A_791 : vector<16xf32> to vector<1x16xf32>
      tpu.vector_store %arg4[%parallel_loop3A_792, %parallel_loop3A_793], %parallel_loop3A_796 {strides = array<i32>} : memref<32x1024xf32, #tpu.memory_space<vmem>>, vector<1x16xf32>,
      %parallel_loop3A_797 = arith.index_cast %parallel_loop3A_52 : i32 to index
      %parallel_loop3A_798 = arith.constant 992 : index
      %parallel_loop3A_799 = tpu.vector_load %arg4[%parallel_loop3A_797, %parallel_loop3A_798] {strides = array<i32>} : memref<32x1024xf32, #tpu.memory_space<vmem>>, vector<1x16xf32>,
      %parallel_loop3A_800 = vector.shape_cast %parallel_loop3A_799 : vector<1x16xf32> to vector<16xf32>
      %parallel_loop3A_801 = arith.constant 3.125000e-02 : f32
      %parallel_loop3A_802 = vector.broadcast %parallel_loop3A_801 : f32 to vector<16xf32>
      %parallel_loop3A_803 = arith.mulf %parallel_loop3A_800, %parallel_loop3A_802 : vector<16xf32>
      %parallel_loop3A_804 = arith.index_cast %parallel_loop3A_52 : i32 to index
      %parallel_loop3A_805 = arith.constant 992 : index
      %parallel_loop3A_806 = tpu.vector_load %arg4[%parallel_loop3A_804, %parallel_loop3A_805] {strides = array<i32>} : memref<32x1024xf32, #tpu.memory_space<vmem>>, vector<1x16xf32>,
      %parallel_loop3A_807 = vector.shape_cast %parallel_loop3A_806 : vector<1x16xf32> to vector<16xf32>
      %parallel_loop3A_808 = vector.shape_cast %parallel_loop3A_803 : vector<16xf32> to vector<1x16xf32>
      tpu.vector_store %arg4[%parallel_loop3A_804, %parallel_loop3A_805], %parallel_loop3A_808 {strides = array<i32>} : memref<32x1024xf32, #tpu.memory_space<vmem>>, vector<1x16xf32>,
      %parallel_loop3A_809 = arith.index_cast %parallel_loop3A_52 : i32 to index
      %parallel_loop3A_810 = arith.constant 1008 : index
      %parallel_loop3A_811 = tpu.vector_load %arg4[%parallel_loop3A_809, %parallel_loop3A_810] {strides = array<i32>} : memref<32x1024xf32, #tpu.memory_space<vmem>>, vector<1x16xf32>,
      %parallel_loop3A_812 = vector.shape_cast %parallel_loop3A_811 : vector<1x16xf32> to vector<16xf32>
      %parallel_loop3A_813 = arith.constant 3.125000e-02 : f32
      %parallel_loop3A_814 = vector.broadcast %parallel_loop3A_813 : f32 to vector<16xf32>
      %parallel_loop3A_815 = arith.mulf %parallel_loop3A_812, %parallel_loop3A_814 : vector<16xf32>
      %parallel_loop3A_816 = arith.index_cast %parallel_loop3A_52 : i32 to index
      %parallel_loop3A_817 = arith.constant 1008 : index
      %parallel_loop3A_818 = tpu.vector_load %arg4[%parallel_loop3A_816, %parallel_loop3A_817] {strides = array<i32>} : memref<32x1024xf32, #tpu.memory_space<vmem>>, vector<1x16xf32>,
      %parallel_loop3A_819 = vector.shape_cast %parallel_loop3A_818 : vector<1x16xf32> to vector<16xf32>
      %parallel_loop3A_820 = vector.shape_cast %parallel_loop3A_815 : vector<16xf32> to vector<1x16xf32>
      tpu.vector_store %arg4[%parallel_loop3A_816, %parallel_loop3A_817], %parallel_loop3A_820 {strides = array<i32>} : memref<32x1024xf32, #tpu.memory_space<vmem>>, vector<1x16xf32>,
    } {sc.loop_unroll_factor = 1 : i64, sc.parallel_access}
    %add3A_19 = arith.constant 0 : i32
    %add3A_20 = arith.addi %mul3A_2, %add3A_19 : i32
    %dma_start3A_21 = arith.constant 0 : i32
    %dma_start3A_22 = tpu.memref_slice %arg3[%add3A_20, %dma_start3A_21] : memref<8192x1024xf32, #tpu.memory_space<hbm>> -> memref<32x1024xf32, #tpu.memory_space<hbm>>
    %dma_start3A_23 = arith.constant 0 : i32
    %dma_start3A_24 = tpu.memref_slice %arg3[%add3A_20, %dma_start3A_23] : memref<8192x1024xf32, #tpu.memory_space<hbm>> -> memref<32x1024xf32, #tpu.memory_space<hbm>>
    tpu.enqueue_dma source(%arg4 : memref<32x1024xf32, #tpu.memory_space<vmem>>) target(%dma_start3A_24 : memref<32x1024xf32, #tpu.memory_space<hbm>>) target_semaphore(%arg8 : memref<!tpu.dma_semaphore, #tpu.memory_space<semaphore_mem>>)
    %dma_wait3A_25 = arith.constant 0 : i32
    %dma_wait3A_26 = tpu.memref_slice %arg2[%mul3A_2, %dma_wait3A_25] : memref<8192x1024xf32, #tpu.memory_space<hbm>> -> memref<32x1024xf32, #tpu.memory_space<hbm>>
    %dma_wait3A_27 = arith.constant 0 : i32
    %dma_wait3A_28 = tpu.memref_slice %arg2[%mul3A_2, %dma_wait3A_27] : memref<8192x1024xf32, #tpu.memory_space<hbm>> -> memref<32x1024xf32, #tpu.memory_space<hbm>>
    tpu.wait_dma2 semaphore(%arg7 : memref<!tpu.dma_semaphore, #tpu.memory_space<semaphore_mem>>) src(%dma_wait3A_28 : memref<32x1024xf32, #tpu.memory_space<hbm>>) dst(%arg5 : memref<32x1024xf32, #tpu.memory_space<vmem>>)
    %parallel_loop3A_29 = arith.constant 0 : i32
    %parallel_loop3A_30 = arith.constant 32 : i32
    %parallel_loop3A_31 = arith.constant 1 : i32
    scf.for %parallel_loop3A_52 = %parallel_loop3A_29 to %parallel_loop3A_30 step %parallel_loop3A_31  : i32 {
      %parallel_loop3A_53 = arith.index_cast %parallel_loop3A_52 : i32 to index
      %parallel_loop3A_54 = arith.constant 0 : index
      %parallel_loop3A_55 = tpu.vector_load %arg5[%parallel_loop3A_53, %parallel_loop3A_54] {strides = array<i32>} : memref<32x1024xf32, #tpu.memory_space<vmem>>, vector<1x16xf32>,
      %parallel_loop3A_56 = vector.shape_cast %parallel_loop3A_55 : vector<1x16xf32> to vector<16xf32>
      %parallel_loop3A_57 = arith.constant 3.125000e-02 : f32
      %parallel_loop3A_58 = vector.broadcast %parallel_loop3A_57 : f32 to vector<16xf32>
      %parallel_loop3A_59 = arith.mulf %parallel_loop3A_56, %parallel_loop3A_58 : vector<16xf32>
      %parallel_loop3A_60 = arith.index_cast %parallel_loop3A_52 : i32 to index
      %parallel_loop3A_61 = arith.constant 0 : index
      %parallel_loop3A_62 = tpu.vector_load %arg5[%parallel_loop3A_60, %parallel_loop3A_61] {strides = array<i32>} : memref<32x1024xf32, #tpu.memory_space<vmem>>, vector<1x16xf32>,
      %parallel_loop3A_63 = vector.shape_cast %parallel_loop3A_62 : vector<1x16xf32> to vector<16xf32>
      %parallel_loop3A_64 = vector.shape_cast %parallel_loop3A_59 : vector<16xf32> to vector<1x16xf32>
      tpu.vector_store %arg5[%parallel_loop3A_60, %parallel_loop3A_61], %parallel_loop3A_64 {strides = array<i32>} : memref<32x1024xf32, #tpu.memory_space<vmem>>, vector<1x16xf32>,
      %parallel_loop3A_65 = arith.index_cast %parallel_loop3A_52 : i32 to index
      %parallel_loop3A_66 = arith.constant 16 : index
      %parallel_loop3A_67 = tpu.vector_load %arg5[%parallel_loop3A_65, %parallel_loop3A_66] {strides = array<i32>} : memref<32x1024xf32, #tpu.memory_space<vmem>>, vector<1x16xf32>,
      %parallel_loop3A_68 = vector.shape_cast %parallel_loop3A_67 : vector<1x16xf32> to vector<16xf32>
      %parallel_loop3A_69 = arith.constant 3.125000e-02 : f32
      %parallel_loop3A_70 = vector.broadcast %parallel_loop3A_69 : f32 to vector<16xf32>
      %parallel_loop3A_71 = arith.mulf %parallel_loop3A_68, %parallel_loop3A_70 : vector<16xf32>
      %parallel_loop3A_72 = arith.index_cast %parallel_loop3A_52 : i32 to index
      %parallel_loop3A_73 = arith.constant 16 : index
      %parallel_loop3A_74 = tpu.vector_load %arg5[%parallel_loop3A_72, %parallel_loop3A_73] {strides = array<i32>} : memref<32x1024xf32, #tpu.memory_space<vmem>>, vector<1x16xf32>,
      %parallel_loop3A_75 = vector.shape_cast %parallel_loop3A_74 : vector<1x16xf32> to vector<16xf32>
      %parallel_loop3A_76 = vector.shape_cast %parallel_loop3A_71 : vector<16xf32> to vector<1x16xf32>
      tpu.vector_store %arg5[%parallel_loop3A_72, %parallel_loop3A_73], %parallel_loop3A_76 {strides = array<i32>} : memref<32x1024xf32, #tpu.memory_space<vmem>>, vector<1x16xf32>,
      %parallel_loop3A_77 = arith.index_cast %parallel_loop3A_52 : i32 to index
      %parallel_loop3A_78 = arith.constant 32 : index
      %parallel_loop3A_79 = tpu.vector_load %arg5[%parallel_loop3A_77, %parallel_loop3A_78] {strides = array<i32>} : memref<32x1024xf32, #tpu.memory_space<vmem>>, vector<1x16xf32>,
      %parallel_loop3A_80 = vector.shape_cast %parallel_loop3A_79 : vector<1x16xf32> to vector<16xf32>
      %parallel_loop3A_81 = arith.constant 3.125000e-02 : f32
      %parallel_loop3A_82 = vector.broadcast %parallel_loop3A_81 : f32 to vector<16xf32>
      %parallel_loop3A_83 = arith.mulf %parallel_loop3A_80, %parallel_loop3A_82 : vector<16xf32>
      %parallel_loop3A_84 = arith.index_cast %parallel_loop3A_52 : i32 to index
      %parallel_loop3A_85 = arith.constant 32 : index
      %parallel_loop3A_86 = tpu.vector_load %arg5[%parallel_loop3A_84, %parallel_loop3A_85] {strides = array<i32>} : memref<32x1024xf32, #tpu.memory_space<vmem>>, vector<1x16xf32>,
      %parallel_loop3A_87 = vector.shape_cast %parallel_loop3A_86 : vector<1x16xf32> to vector<16xf32>
      %parallel_loop3A_88 = vector.shape_cast %parallel_loop3A_83 : vector<16xf32> to vector<1x16xf32>
      tpu.vector_store %arg5[%parallel_loop3A_84, %parallel_loop3A_85], %parallel_loop3A_88 {strides = array<i32>} : memref<32x1024xf32, #tpu.memory_space<vmem>>, vector<1x16xf32>,
      %parallel_loop3A_89 = arith.index_cast %parallel_loop3A_52 : i32 to index
      %parallel_loop3A_90 = arith.constant 48 : index
      %parallel_loop3A_91 = tpu.vector_load %arg5[%parallel_loop3A_89, %parallel_loop3A_90] {strides = array<i32>} : memref<32x1024xf32, #tpu.memory_space<vmem>>, vector<1x16xf32>,
      %parallel_loop3A_92 = vector.shape_cast %parallel_loop3A_91 : vector<1x16xf32> to vector<16xf32>
      %parallel_loop3A_93 = arith.constant 3.125000e-02 : f32
      %parallel_loop3A_94 = vector.broadcast %parallel_loop3A_93 : f32 to vector<16xf32>
      %parallel_loop3A_95 = arith.mulf %parallel_loop3A_92, %parallel_loop3A_94 : vector<16xf32>
      %parallel_loop3A_96 = arith.index_cast %parallel_loop3A_52 : i32 to index
      %parallel_loop3A_97 = arith.constant 48 : index
      %parallel_loop3A_98 = tpu.vector_load %arg5[%parallel_loop3A_96, %parallel_loop3A_97] {strides = array<i32>} : memref<32x1024xf32, #tpu.memory_space<vmem>>, vector<1x16xf32>,
      %parallel_loop3A_99 = vector.shape_cast %parallel_loop3A_98 : vector<1x16xf32> to vector<16xf32>
      %parallel_loop3A_100 = vector.shape_cast %parallel_loop3A_95 : vector<16xf32> to vector<1x16xf32>
      tpu.vector_store %arg5[%parallel_loop3A_96, %parallel_loop3A_97], %parallel_loop3A_100 {strides = array<i32>} : memref<32x1024xf32, #tpu.memory_space<vmem>>, vector<1x16xf32>,
      %parallel_loop3A_101 = arith.index_cast %parallel_loop3A_52 : i32 to index
      %parallel_loop3A_102 = arith.constant 64 : index
      %parallel_loop3A_103 = tpu.vector_load %arg5[%parallel_loop3A_101, %parallel_loop3A_102] {strides = array<i32>} : memref<32x1024xf32, #tpu.memory_space<vmem>>, vector<1x16xf32>,
      %parallel_loop3A_104 = vector.shape_cast %parallel_loop3A_103 : vector<1x16xf32> to vector<16xf32>
      %parallel_loop3A_105 = arith.constant 3.125000e-02 : f32
      %parallel_loop3A_106 = vector.broadcast %parallel_loop3A_105 : f32 to vector<16xf32>
      %parallel_loop3A_107 = arith.mulf %parallel_loop3A_104, %parallel_loop3A_106 : vector<16xf32>
      %parallel_loop3A_108 = arith.index_cast %parallel_loop3A_52 : i32 to index
      %parallel_loop3A_109 = arith.constant 64 : index
      %parallel_loop3A_110 = tpu.vector_load %arg5[%parallel_loop3A_108, %parallel_loop3A_109] {strides = array<i32>} : memref<32x1024xf32, #tpu.memory_space<vmem>>, vector<1x16xf32>,
      %parallel_loop3A_111 = vector.shape_cast %parallel_loop3A_110 : vector<1x16xf32> to vector<16xf32>
      %parallel_loop3A_112 = vector.shape_cast %parallel_loop3A_107 : vector<16xf32> to vector<1x16xf32>
      tpu.vector_store %arg5[%parallel_loop3A_108, %parallel_loop3A_109], %parallel_loop3A_112 {strides = array<i32>} : memref<32x1024xf32, #tpu.memory_space<vmem>>, vector<1x16xf32>,
      %parallel_loop3A_113 = arith.index_cast %parallel_loop3A_52 : i32 to index
      %parallel_loop3A_114 = arith.constant 80 : index
      %parallel_loop3A_115 = tpu.vector_load %arg5[%parallel_loop3A_113, %parallel_loop3A_114] {strides = array<i32>} : memref<32x1024xf32, #tpu.memory_space<vmem>>, vector<1x16xf32>,
      %parallel_loop3A_116 = vector.shape_cast %parallel_loop3A_115 : vector<1x16xf32> to vector<16xf32>
      %parallel_loop3A_117 = arith.constant 3.125000e-02 : f32
      %parallel_loop3A_118 = vector.broadcast %parallel_loop3A_117 : f32 to vector<16xf32>
      %parallel_loop3A_119 = arith.mulf %parallel_loop3A_116, %parallel_loop3A_118 : vector<16xf32>
      %parallel_loop3A_120 = arith.index_cast %parallel_loop3A_52 : i32 to index
      %parallel_loop3A_121 = arith.constant 80 : index
      %parallel_loop3A_122 = tpu.vector_load %arg5[%parallel_loop3A_120, %parallel_loop3A_121] {strides = array<i32>} : memref<32x1024xf32, #tpu.memory_space<vmem>>, vector<1x16xf32>,
      %parallel_loop3A_123 = vector.shape_cast %parallel_loop3A_122 : vector<1x16xf32> to vector<16xf32>
      %parallel_loop3A_124 = vector.shape_cast %parallel_loop3A_119 : vector<16xf32> to vector<1x16xf32>
      tpu.vector_store %arg5[%parallel_loop3A_120, %parallel_loop3A_121], %parallel_loop3A_124 {strides = array<i32>} : memref<32x1024xf32, #tpu.memory_space<vmem>>, vector<1x16xf32>,
      %parallel_loop3A_125 = arith.index_cast %parallel_loop3A_52 : i32 to index
      %parallel_loop3A_126 = arith.constant 96 : index
      %parallel_loop3A_127 = tpu.vector_load %arg5[%parallel_loop3A_125, %parallel_loop3A_126] {strides = array<i32>} : memref<32x1024xf32, #tpu.memory_space<vmem>>, vector<1x16xf32>,
      %parallel_loop3A_128 = vector.shape_cast %parallel_loop3A_127 : vector<1x16xf32> to vector<16xf32>
      %parallel_loop3A_129 = arith.constant 3.125000e-02 : f32
      %parallel_loop3A_130 = vector.broadcast %parallel_loop3A_129 : f32 to vector<16xf32>
      %parallel_loop3A_131 = arith.mulf %parallel_loop3A_128, %parallel_loop3A_130 : vector<16xf32>
      %parallel_loop3A_132 = arith.index_cast %parallel_loop3A_52 : i32 to index
      %parallel_loop3A_133 = arith.constant 96 : index
      %parallel_loop3A_134 = tpu.vector_load %arg5[%parallel_loop3A_132, %parallel_loop3A_133] {strides = array<i32>} : memref<32x1024xf32, #tpu.memory_space<vmem>>, vector<1x16xf32>,
      %parallel_loop3A_135 = vector.shape_cast %parallel_loop3A_134 : vector<1x16xf32> to vector<16xf32>
      %parallel_loop3A_136 = vector.shape_cast %parallel_loop3A_131 : vector<16xf32> to vector<1x16xf32>
      tpu.vector_store %arg5[%parallel_loop3A_132, %parallel_loop3A_133], %parallel_loop3A_136 {strides = array<i32>} : memref<32x1024xf32, #tpu.memory_space<vmem>>, vector<1x16xf32>,
      %parallel_loop3A_137 = arith.index_cast %parallel_loop3A_52 : i32 to index
      %parallel_loop3A_138 = arith.constant 112 : index
      %parallel_loop3A_139 = tpu.vector_load %arg5[%parallel_loop3A_137, %parallel_loop3A_138] {strides = array<i32>} : memref<32x1024xf32, #tpu.memory_space<vmem>>, vector<1x16xf32>,
      %parallel_loop3A_140 = vector.shape_cast %parallel_loop3A_139 : vector<1x16xf32> to vector<16xf32>
      %parallel_loop3A_141 = arith.constant 3.125000e-02 : f32
      %parallel_loop3A_142 = vector.broadcast %parallel_loop3A_141 : f32 to vector<16xf32>
      %parallel_loop3A_143 = arith.mulf %parallel_loop3A_140, %parallel_loop3A_142 : vector<16xf32>
      %parallel_loop3A_144 = arith.index_cast %parallel_loop3A_52 : i32 to index
      %parallel_loop3A_145 = arith.constant 112 : index
      %parallel_loop3A_146 = tpu.vector_load %arg5[%parallel_loop3A_144, %parallel_loop3A_145] {strides = array<i32>} : memref<32x1024xf32, #tpu.memory_space<vmem>>, vector<1x16xf32>,
      %parallel_loop3A_147 = vector.shape_cast %parallel_loop3A_146 : vector<1x16xf32> to vector<16xf32>
      %parallel_loop3A_148 = vector.shape_cast %parallel_loop3A_143 : vector<16xf32> to vector<1x16xf32>
      tpu.vector_store %arg5[%parallel_loop3A_144, %parallel_loop3A_145], %parallel_loop3A_148 {strides = array<i32>} : memref<32x1024xf32, #tpu.memory_space<vmem>>, vector<1x16xf32>,
      %parallel_loop3A_149 = arith.index_cast %parallel_loop3A_52 : i32 to index
      %parallel_loop3A_150 = arith.constant 128 : index
      %parallel_loop3A_151 = tpu.vector_load %arg5[%parallel_loop3A_149, %parallel_loop3A_150] {strides = array<i32>} : memref<32x1024xf32, #tpu.memory_space<vmem>>, vector<1x16xf32>,
      %parallel_loop3A_152 = vector.shape_cast %parallel_loop3A_151 : vector<1x16xf32> to vector<16xf32>
      %parallel_loop3A_153 = arith.constant 3.125000e-02 : f32
      %parallel_loop3A_154 = vector.broadcast %parallel_loop3A_153 : f32 to vector<16xf32>
      %parallel_loop3A_155 = arith.mulf %parallel_loop3A_152, %parallel_loop3A_154 : vector<16xf32>
      %parallel_loop3A_156 = arith.index_cast %parallel_loop3A_52 : i32 to index
      %parallel_loop3A_157 = arith.constant 128 : index
      %parallel_loop3A_158 = tpu.vector_load %arg5[%parallel_loop3A_156, %parallel_loop3A_157] {strides = array<i32>} : memref<32x1024xf32, #tpu.memory_space<vmem>>, vector<1x16xf32>,
      %parallel_loop3A_159 = vector.shape_cast %parallel_loop3A_158 : vector<1x16xf32> to vector<16xf32>
      %parallel_loop3A_160 = vector.shape_cast %parallel_loop3A_155 : vector<16xf32> to vector<1x16xf32>
      tpu.vector_store %arg5[%parallel_loop3A_156, %parallel_loop3A_157], %parallel_loop3A_160 {strides = array<i32>} : memref<32x1024xf32, #tpu.memory_space<vmem>>, vector<1x16xf32>,
      %parallel_loop3A_161 = arith.index_cast %parallel_loop3A_52 : i32 to index
      %parallel_loop3A_162 = arith.constant 144 : index
      %parallel_loop3A_163 = tpu.vector_load %arg5[%parallel_loop3A_161, %parallel_loop3A_162] {strides = array<i32>} : memref<32x1024xf32, #tpu.memory_space<vmem>>, vector<1x16xf32>,
      %parallel_loop3A_164 = vector.shape_cast %parallel_loop3A_163 : vector<1x16xf32> to vector<16xf32>
      %parallel_loop3A_165 = arith.constant 3.125000e-02 : f32
      %parallel_loop3A_166 = vector.broadcast %parallel_loop3A_165 : f32 to vector<16xf32>
      %parallel_loop3A_167 = arith.mulf %parallel_loop3A_164, %parallel_loop3A_166 : vector<16xf32>
      %parallel_loop3A_168 = arith.index_cast %parallel_loop3A_52 : i32 to index
      %parallel_loop3A_169 = arith.constant 144 : index
      %parallel_loop3A_170 = tpu.vector_load %arg5[%parallel_loop3A_168, %parallel_loop3A_169] {strides = array<i32>} : memref<32x1024xf32, #tpu.memory_space<vmem>>, vector<1x16xf32>,
      %parallel_loop3A_171 = vector.shape_cast %parallel_loop3A_170 : vector<1x16xf32> to vector<16xf32>
      %parallel_loop3A_172 = vector.shape_cast %parallel_loop3A_167 : vector<16xf32> to vector<1x16xf32>
      tpu.vector_store %arg5[%parallel_loop3A_168, %parallel_loop3A_169], %parallel_loop3A_172 {strides = array<i32>} : memref<32x1024xf32, #tpu.memory_space<vmem>>, vector<1x16xf32>,
      %parallel_loop3A_173 = arith.index_cast %parallel_loop3A_52 : i32 to index
      %parallel_loop3A_174 = arith.constant 160 : index
      %parallel_loop3A_175 = tpu.vector_load %arg5[%parallel_loop3A_173, %parallel_loop3A_174] {strides = array<i32>} : memref<32x1024xf32, #tpu.memory_space<vmem>>, vector<1x16xf32>,
      %parallel_loop3A_176 = vector.shape_cast %parallel_loop3A_175 : vector<1x16xf32> to vector<16xf32>
      %parallel_loop3A_177 = arith.constant 3.125000e-02 : f32
      %parallel_loop3A_178 = vector.broadcast %parallel_loop3A_177 : f32 to vector<16xf32>
      %parallel_loop3A_179 = arith.mulf %parallel_loop3A_176, %parallel_loop3A_178 : vector<16xf32>
      %parallel_loop3A_180 = arith.index_cast %parallel_loop3A_52 : i32 to index
      %parallel_loop3A_181 = arith.constant 160 : index
      %parallel_loop3A_182 = tpu.vector_load %arg5[%parallel_loop3A_180, %parallel_loop3A_181] {strides = array<i32>} : memref<32x1024xf32, #tpu.memory_space<vmem>>, vector<1x16xf32>,
      %parallel_loop3A_183 = vector.shape_cast %parallel_loop3A_182 : vector<1x16xf32> to vector<16xf32>
      %parallel_loop3A_184 = vector.shape_cast %parallel_loop3A_179 : vector<16xf32> to vector<1x16xf32>
      tpu.vector_store %arg5[%parallel_loop3A_180, %parallel_loop3A_181], %parallel_loop3A_184 {strides = array<i32>} : memref<32x1024xf32, #tpu.memory_space<vmem>>, vector<1x16xf32>,
      %parallel_loop3A_185 = arith.index_cast %parallel_loop3A_52 : i32 to index
      %parallel_loop3A_186 = arith.constant 176 : index
      %parallel_loop3A_187 = tpu.vector_load %arg5[%parallel_loop3A_185, %parallel_loop3A_186] {strides = array<i32>} : memref<32x1024xf32, #tpu.memory_space<vmem>>, vector<1x16xf32>,
      %parallel_loop3A_188 = vector.shape_cast %parallel_loop3A_187 : vector<1x16xf32> to vector<16xf32>
      %parallel_loop3A_189 = arith.constant 3.125000e-02 : f32
      %parallel_loop3A_190 = vector.broadcast %parallel_loop3A_189 : f32 to vector<16xf32>
      %parallel_loop3A_191 = arith.mulf %parallel_loop3A_188, %parallel_loop3A_190 : vector<16xf32>
      %parallel_loop3A_192 = arith.index_cast %parallel_loop3A_52 : i32 to index
      %parallel_loop3A_193 = arith.constant 176 : index
      %parallel_loop3A_194 = tpu.vector_load %arg5[%parallel_loop3A_192, %parallel_loop3A_193] {strides = array<i32>} : memref<32x1024xf32, #tpu.memory_space<vmem>>, vector<1x16xf32>,
      %parallel_loop3A_195 = vector.shape_cast %parallel_loop3A_194 : vector<1x16xf32> to vector<16xf32>
      %parallel_loop3A_196 = vector.shape_cast %parallel_loop3A_191 : vector<16xf32> to vector<1x16xf32>
      tpu.vector_store %arg5[%parallel_loop3A_192, %parallel_loop3A_193], %parallel_loop3A_196 {strides = array<i32>} : memref<32x1024xf32, #tpu.memory_space<vmem>>, vector<1x16xf32>,
      %parallel_loop3A_197 = arith.index_cast %parallel_loop3A_52 : i32 to index
      %parallel_loop3A_198 = arith.constant 192 : index
      %parallel_loop3A_199 = tpu.vector_load %arg5[%parallel_loop3A_197, %parallel_loop3A_198] {strides = array<i32>} : memref<32x1024xf32, #tpu.memory_space<vmem>>, vector<1x16xf32>,
      %parallel_loop3A_200 = vector.shape_cast %parallel_loop3A_199 : vector<1x16xf32> to vector<16xf32>
      %parallel_loop3A_201 = arith.constant 3.125000e-02 : f32
      %parallel_loop3A_202 = vector.broadcast %parallel_loop3A_201 : f32 to vector<16xf32>
      %parallel_loop3A_203 = arith.mulf %parallel_loop3A_200, %parallel_loop3A_202 : vector<16xf32>
      %parallel_loop3A_204 = arith.index_cast %parallel_loop3A_52 : i32 to index
      %parallel_loop3A_205 = arith.constant 192 : index
      %parallel_loop3A_206 = tpu.vector_load %arg5[%parallel_loop3A_204, %parallel_loop3A_205] {strides = array<i32>} : memref<32x1024xf32, #tpu.memory_space<vmem>>, vector<1x16xf32>,
      %parallel_loop3A_207 = vector.shape_cast %parallel_loop3A_206 : vector<1x16xf32> to vector<16xf32>
      %parallel_loop3A_208 = vector.shape_cast %parallel_loop3A_203 : vector<16xf32> to vector<1x16xf32>
      tpu.vector_store %arg5[%parallel_loop3A_204, %parallel_loop3A_205], %parallel_loop3A_208 {strides = array<i32>} : memref<32x1024xf32, #tpu.memory_space<vmem>>, vector<1x16xf32>,
      %parallel_loop3A_209 = arith.index_cast %parallel_loop3A_52 : i32 to index
      %parallel_loop3A_210 = arith.constant 208 : index
      %parallel_loop3A_211 = tpu.vector_load %arg5[%parallel_loop3A_209, %parallel_loop3A_210] {strides = array<i32>} : memref<32x1024xf32, #tpu.memory_space<vmem>>, vector<1x16xf32>,
      %parallel_loop3A_212 = vector.shape_cast %parallel_loop3A_211 : vector<1x16xf32> to vector<16xf32>
      %parallel_loop3A_213 = arith.constant 3.125000e-02 : f32
      %parallel_loop3A_214 = vector.broadcast %parallel_loop3A_213 : f32 to vector<16xf32>
      %parallel_loop3A_215 = arith.mulf %parallel_loop3A_212, %parallel_loop3A_214 : vector<16xf32>
      %parallel_loop3A_216 = arith.index_cast %parallel_loop3A_52 : i32 to index
      %parallel_loop3A_217 = arith.constant 208 : index
      %parallel_loop3A_218 = tpu.vector_load %arg5[%parallel_loop3A_216, %parallel_loop3A_217] {strides = array<i32>} : memref<32x1024xf32, #tpu.memory_space<vmem>>, vector<1x16xf32>,
      %parallel_loop3A_219 = vector.shape_cast %parallel_loop3A_218 : vector<1x16xf32> to vector<16xf32>
      %parallel_loop3A_220 = vector.shape_cast %parallel_loop3A_215 : vector<16xf32> to vector<1x16xf32>
      tpu.vector_store %arg5[%parallel_loop3A_216, %parallel_loop3A_217], %parallel_loop3A_220 {strides = array<i32>} : memref<32x1024xf32, #tpu.memory_space<vmem>>, vector<1x16xf32>,
      %parallel_loop3A_221 = arith.index_cast %parallel_loop3A_52 : i32 to index
      %parallel_loop3A_222 = arith.constant 224 : index
      %parallel_loop3A_223 = tpu.vector_load %arg5[%parallel_loop3A_221, %parallel_loop3A_222] {strides = array<i32>} : memref<32x1024xf32, #tpu.memory_space<vmem>>, vector<1x16xf32>,
      %parallel_loop3A_224 = vector.shape_cast %parallel_loop3A_223 : vector<1x16xf32> to vector<16xf32>
      %parallel_loop3A_225 = arith.constant 3.125000e-02 : f32
      %parallel_loop3A_226 = vector.broadcast %parallel_loop3A_225 : f32 to vector<16xf32>
      %parallel_loop3A_227 = arith.mulf %parallel_loop3A_224, %parallel_loop3A_226 : vector<16xf32>
      %parallel_loop3A_228 = arith.index_cast %parallel_loop3A_52 : i32 to index
      %parallel_loop3A_229 = arith.constant 224 : index
      %parallel_loop3A_230 = tpu.vector_load %arg5[%parallel_loop3A_228, %parallel_loop3A_229] {strides = array<i32>} : memref<32x1024xf32, #tpu.memory_space<vmem>>, vector<1x16xf32>,
      %parallel_loop3A_231 = vector.shape_cast %parallel_loop3A_230 : vector<1x16xf32> to vector<16xf32>
      %parallel_loop3A_232 = vector.shape_cast %parallel_loop3A_227 : vector<16xf32> to vector<1x16xf32>
      tpu.vector_store %arg5[%parallel_loop3A_228, %parallel_loop3A_229], %parallel_loop3A_232 {strides = array<i32>} : memref<32x1024xf32, #tpu.memory_space<vmem>>, vector<1x16xf32>,
      %parallel_loop3A_233 = arith.index_cast %parallel_loop3A_52 : i32 to index
      %parallel_loop3A_234 = arith.constant 240 : index
      %parallel_loop3A_235 = tpu.vector_load %arg5[%parallel_loop3A_233, %parallel_loop3A_234] {strides = array<i32>} : memref<32x1024xf32, #tpu.memory_space<vmem>>, vector<1x16xf32>,
      %parallel_loop3A_236 = vector.shape_cast %parallel_loop3A_235 : vector<1x16xf32> to vector<16xf32>
      %parallel_loop3A_237 = arith.constant 3.125000e-02 : f32
      %parallel_loop3A_238 = vector.broadcast %parallel_loop3A_237 : f32 to vector<16xf32>
      %parallel_loop3A_239 = arith.mulf %parallel_loop3A_236, %parallel_loop3A_238 : vector<16xf32>
      %parallel_loop3A_240 = arith.index_cast %parallel_loop3A_52 : i32 to index
      %parallel_loop3A_241 = arith.constant 240 : index
      %parallel_loop3A_242 = tpu.vector_load %arg5[%parallel_loop3A_240, %parallel_loop3A_241] {strides = array<i32>} : memref<32x1024xf32, #tpu.memory_space<vmem>>, vector<1x16xf32>,
      %parallel_loop3A_243 = vector.shape_cast %parallel_loop3A_242 : vector<1x16xf32> to vector<16xf32>
      %parallel_loop3A_244 = vector.shape_cast %parallel_loop3A_239 : vector<16xf32> to vector<1x16xf32>
      tpu.vector_store %arg5[%parallel_loop3A_240, %parallel_loop3A_241], %parallel_loop3A_244 {strides = array<i32>} : memref<32x1024xf32, #tpu.memory_space<vmem>>, vector<1x16xf32>,
      %parallel_loop3A_245 = arith.index_cast %parallel_loop3A_52 : i32 to index
      %parallel_loop3A_246 = arith.constant 256 : index
      %parallel_loop3A_247 = tpu.vector_load %arg5[%parallel_loop3A_245, %parallel_loop3A_246] {strides = array<i32>} : memref<32x1024xf32, #tpu.memory_space<vmem>>, vector<1x16xf32>,
      %parallel_loop3A_248 = vector.shape_cast %parallel_loop3A_247 : vector<1x16xf32> to vector<16xf32>
      %parallel_loop3A_249 = arith.constant 3.125000e-02 : f32
      %parallel_loop3A_250 = vector.broadcast %parallel_loop3A_249 : f32 to vector<16xf32>
      %parallel_loop3A_251 = arith.mulf %parallel_loop3A_248, %parallel_loop3A_250 : vector<16xf32>
      %parallel_loop3A_252 = arith.index_cast %parallel_loop3A_52 : i32 to index
      %parallel_loop3A_253 = arith.constant 256 : index
      %parallel_loop3A_254 = tpu.vector_load %arg5[%parallel_loop3A_252, %parallel_loop3A_253] {strides = array<i32>} : memref<32x1024xf32, #tpu.memory_space<vmem>>, vector<1x16xf32>,
      %parallel_loop3A_255 = vector.shape_cast %parallel_loop3A_254 : vector<1x16xf32> to vector<16xf32>
      %parallel_loop3A_256 = vector.shape_cast %parallel_loop3A_251 : vector<16xf32> to vector<1x16xf32>
      tpu.vector_store %arg5[%parallel_loop3A_252, %parallel_loop3A_253], %parallel_loop3A_256 {strides = array<i32>} : memref<32x1024xf32, #tpu.memory_space<vmem>>, vector<1x16xf32>,
      %parallel_loop3A_257 = arith.index_cast %parallel_loop3A_52 : i32 to index
      %parallel_loop3A_258 = arith.constant 272 : index
      %parallel_loop3A_259 = tpu.vector_load %arg5[%parallel_loop3A_257, %parallel_loop3A_258] {strides = array<i32>} : memref<32x1024xf32, #tpu.memory_space<vmem>>, vector<1x16xf32>,
      %parallel_loop3A_260 = vector.shape_cast %parallel_loop3A_259 : vector<1x16xf32> to vector<16xf32>
      %parallel_loop3A_261 = arith.constant 3.125000e-02 : f32
      %parallel_loop3A_262 = vector.broadcast %parallel_loop3A_261 : f32 to vector<16xf32>
      %parallel_loop3A_263 = arith.mulf %parallel_loop3A_260, %parallel_loop3A_262 : vector<16xf32>
      %parallel_loop3A_264 = arith.index_cast %parallel_loop3A_52 : i32 to index
      %parallel_loop3A_265 = arith.constant 272 : index
      %parallel_loop3A_266 = tpu.vector_load %arg5[%parallel_loop3A_264, %parallel_loop3A_265] {strides = array<i32>} : memref<32x1024xf32, #tpu.memory_space<vmem>>, vector<1x16xf32>,
      %parallel_loop3A_267 = vector.shape_cast %parallel_loop3A_266 : vector<1x16xf32> to vector<16xf32>
      %parallel_loop3A_268 = vector.shape_cast %parallel_loop3A_263 : vector<16xf32> to vector<1x16xf32>
      tpu.vector_store %arg5[%parallel_loop3A_264, %parallel_loop3A_265], %parallel_loop3A_268 {strides = array<i32>} : memref<32x1024xf32, #tpu.memory_space<vmem>>, vector<1x16xf32>,
      %parallel_loop3A_269 = arith.index_cast %parallel_loop3A_52 : i32 to index
      %parallel_loop3A_270 = arith.constant 288 : index
      %parallel_loop3A_271 = tpu.vector_load %arg5[%parallel_loop3A_269, %parallel_loop3A_270] {strides = array<i32>} : memref<32x1024xf32, #tpu.memory_space<vmem>>, vector<1x16xf32>,
      %parallel_loop3A_272 = vector.shape_cast %parallel_loop3A_271 : vector<1x16xf32> to vector<16xf32>
      %parallel_loop3A_273 = arith.constant 3.125000e-02 : f32
      %parallel_loop3A_274 = vector.broadcast %parallel_loop3A_273 : f32 to vector<16xf32>
      %parallel_loop3A_275 = arith.mulf %parallel_loop3A_272, %parallel_loop3A_274 : vector<16xf32>
      %parallel_loop3A_276 = arith.index_cast %parallel_loop3A_52 : i32 to index
      %parallel_loop3A_277 = arith.constant 288 : index
      %parallel_loop3A_278 = tpu.vector_load %arg5[%parallel_loop3A_276, %parallel_loop3A_277] {strides = array<i32>} : memref<32x1024xf32, #tpu.memory_space<vmem>>, vector<1x16xf32>,
      %parallel_loop3A_279 = vector.shape_cast %parallel_loop3A_278 : vector<1x16xf32> to vector<16xf32>
      %parallel_loop3A_280 = vector.shape_cast %parallel_loop3A_275 : vector<16xf32> to vector<1x16xf32>
      tpu.vector_store %arg5[%parallel_loop3A_276, %parallel_loop3A_277], %parallel_loop3A_280 {strides = array<i32>} : memref<32x1024xf32, #tpu.memory_space<vmem>>, vector<1x16xf32>,
      %parallel_loop3A_281 = arith.index_cast %parallel_loop3A_52 : i32 to index
      %parallel_loop3A_282 = arith.constant 304 : index
      %parallel_loop3A_283 = tpu.vector_load %arg5[%parallel_loop3A_281, %parallel_loop3A_282] {strides = array<i32>} : memref<32x1024xf32, #tpu.memory_space<vmem>>, vector<1x16xf32>,
      %parallel_loop3A_284 = vector.shape_cast %parallel_loop3A_283 : vector<1x16xf32> to vector<16xf32>
      %parallel_loop3A_285 = arith.constant 3.125000e-02 : f32
      %parallel_loop3A_286 = vector.broadcast %parallel_loop3A_285 : f32 to vector<16xf32>
      %parallel_loop3A_287 = arith.mulf %parallel_loop3A_284, %parallel_loop3A_286 : vector<16xf32>
      %parallel_loop3A_288 = arith.index_cast %parallel_loop3A_52 : i32 to index
      %parallel_loop3A_289 = arith.constant 304 : index
      %parallel_loop3A_290 = tpu.vector_load %arg5[%parallel_loop3A_288, %parallel_loop3A_289] {strides = array<i32>} : memref<32x1024xf32, #tpu.memory_space<vmem>>, vector<1x16xf32>,
      %parallel_loop3A_291 = vector.shape_cast %parallel_loop3A_290 : vector<1x16xf32> to vector<16xf32>
      %parallel_loop3A_292 = vector.shape_cast %parallel_loop3A_287 : vector<16xf32> to vector<1x16xf32>
      tpu.vector_store %arg5[%parallel_loop3A_288, %parallel_loop3A_289], %parallel_loop3A_292 {strides = array<i32>} : memref<32x1024xf32, #tpu.memory_space<vmem>>, vector<1x16xf32>,
      %parallel_loop3A_293 = arith.index_cast %parallel_loop3A_52 : i32 to index
      %parallel_loop3A_294 = arith.constant 320 : index
      %parallel_loop3A_295 = tpu.vector_load %arg5[%parallel_loop3A_293, %parallel_loop3A_294] {strides = array<i32>} : memref<32x1024xf32, #tpu.memory_space<vmem>>, vector<1x16xf32>,
      %parallel_loop3A_296 = vector.shape_cast %parallel_loop3A_295 : vector<1x16xf32> to vector<16xf32>
      %parallel_loop3A_297 = arith.constant 3.125000e-02 : f32
      %parallel_loop3A_298 = vector.broadcast %parallel_loop3A_297 : f32 to vector<16xf32>
      %parallel_loop3A_299 = arith.mulf %parallel_loop3A_296, %parallel_loop3A_298 : vector<16xf32>
      %parallel_loop3A_300 = arith.index_cast %parallel_loop3A_52 : i32 to index
      %parallel_loop3A_301 = arith.constant 320 : index
      %parallel_loop3A_302 = tpu.vector_load %arg5[%parallel_loop3A_300, %parallel_loop3A_301] {strides = array<i32>} : memref<32x1024xf32, #tpu.memory_space<vmem>>, vector<1x16xf32>,
      %parallel_loop3A_303 = vector.shape_cast %parallel_loop3A_302 : vector<1x16xf32> to vector<16xf32>
      %parallel_loop3A_304 = vector.shape_cast %parallel_loop3A_299 : vector<16xf32> to vector<1x16xf32>
      tpu.vector_store %arg5[%parallel_loop3A_300, %parallel_loop3A_301], %parallel_loop3A_304 {strides = array<i32>} : memref<32x1024xf32, #tpu.memory_space<vmem>>, vector<1x16xf32>,
      %parallel_loop3A_305 = arith.index_cast %parallel_loop3A_52 : i32 to index
      %parallel_loop3A_306 = arith.constant 336 : index
      %parallel_loop3A_307 = tpu.vector_load %arg5[%parallel_loop3A_305, %parallel_loop3A_306] {strides = array<i32>} : memref<32x1024xf32, #tpu.memory_space<vmem>>, vector<1x16xf32>,
      %parallel_loop3A_308 = vector.shape_cast %parallel_loop3A_307 : vector<1x16xf32> to vector<16xf32>
      %parallel_loop3A_309 = arith.constant 3.125000e-02 : f32
      %parallel_loop3A_310 = vector.broadcast %parallel_loop3A_309 : f32 to vector<16xf32>
      %parallel_loop3A_311 = arith.mulf %parallel_loop3A_308, %parallel_loop3A_310 : vector<16xf32>
      %parallel_loop3A_312 = arith.index_cast %parallel_loop3A_52 : i32 to index
      %parallel_loop3A_313 = arith.constant 336 : index
      %parallel_loop3A_314 = tpu.vector_load %arg5[%parallel_loop3A_312, %parallel_loop3A_313] {strides = array<i32>} : memref<32x1024xf32, #tpu.memory_space<vmem>>, vector<1x16xf32>,
      %parallel_loop3A_315 = vector.shape_cast %parallel_loop3A_314 : vector<1x16xf32> to vector<16xf32>
      %parallel_loop3A_316 = vector.shape_cast %parallel_loop3A_311 : vector<16xf32> to vector<1x16xf32>
      tpu.vector_store %arg5[%parallel_loop3A_312, %parallel_loop3A_313], %parallel_loop3A_316 {strides = array<i32>} : memref<32x1024xf32, #tpu.memory_space<vmem>>, vector<1x16xf32>,
      %parallel_loop3A_317 = arith.index_cast %parallel_loop3A_52 : i32 to index
      %parallel_loop3A_318 = arith.constant 352 : index
      %parallel_loop3A_319 = tpu.vector_load %arg5[%parallel_loop3A_317, %parallel_loop3A_318] {strides = array<i32>} : memref<32x1024xf32, #tpu.memory_space<vmem>>, vector<1x16xf32>,
      %parallel_loop3A_320 = vector.shape_cast %parallel_loop3A_319 : vector<1x16xf32> to vector<16xf32>
      %parallel_loop3A_321 = arith.constant 3.125000e-02 : f32
      %parallel_loop3A_322 = vector.broadcast %parallel_loop3A_321 : f32 to vector<16xf32>
      %parallel_loop3A_323 = arith.mulf %parallel_loop3A_320, %parallel_loop3A_322 : vector<16xf32>
      %parallel_loop3A_324 = arith.index_cast %parallel_loop3A_52 : i32 to index
      %parallel_loop3A_325 = arith.constant 352 : index
      %parallel_loop3A_326 = tpu.vector_load %arg5[%parallel_loop3A_324, %parallel_loop3A_325] {strides = array<i32>} : memref<32x1024xf32, #tpu.memory_space<vmem>>, vector<1x16xf32>,
      %parallel_loop3A_327 = vector.shape_cast %parallel_loop3A_326 : vector<1x16xf32> to vector<16xf32>
      %parallel_loop3A_328 = vector.shape_cast %parallel_loop3A_323 : vector<16xf32> to vector<1x16xf32>
      tpu.vector_store %arg5[%parallel_loop3A_324, %parallel_loop3A_325], %parallel_loop3A_328 {strides = array<i32>} : memref<32x1024xf32, #tpu.memory_space<vmem>>, vector<1x16xf32>,
      %parallel_loop3A_329 = arith.index_cast %parallel_loop3A_52 : i32 to index
      %parallel_loop3A_330 = arith.constant 368 : index
      %parallel_loop3A_331 = tpu.vector_load %arg5[%parallel_loop3A_329, %parallel_loop3A_330] {strides = array<i32>} : memref<32x1024xf32, #tpu.memory_space<vmem>>, vector<1x16xf32>,
      %parallel_loop3A_332 = vector.shape_cast %parallel_loop3A_331 : vector<1x16xf32> to vector<16xf32>
      %parallel_loop3A_333 = arith.constant 3.125000e-02 : f32
      %parallel_loop3A_334 = vector.broadcast %parallel_loop3A_333 : f32 to vector<16xf32>
      %parallel_loop3A_335 = arith.mulf %parallel_loop3A_332, %parallel_loop3A_334 : vector<16xf32>
      %parallel_loop3A_336 = arith.index_cast %parallel_loop3A_52 : i32 to index
      %parallel_loop3A_337 = arith.constant 368 : index
      %parallel_loop3A_338 = tpu.vector_load %arg5[%parallel_loop3A_336, %parallel_loop3A_337] {strides = array<i32>} : memref<32x1024xf32, #tpu.memory_space<vmem>>, vector<1x16xf32>,
      %parallel_loop3A_339 = vector.shape_cast %parallel_loop3A_338 : vector<1x16xf32> to vector<16xf32>
      %parallel_loop3A_340 = vector.shape_cast %parallel_loop3A_335 : vector<16xf32> to vector<1x16xf32>
      tpu.vector_store %arg5[%parallel_loop3A_336, %parallel_loop3A_337], %parallel_loop3A_340 {strides = array<i32>} : memref<32x1024xf32, #tpu.memory_space<vmem>>, vector<1x16xf32>,
      %parallel_loop3A_341 = arith.index_cast %parallel_loop3A_52 : i32 to index
      %parallel_loop3A_342 = arith.constant 384 : index
      %parallel_loop3A_343 = tpu.vector_load %arg5[%parallel_loop3A_341, %parallel_loop3A_342] {strides = array<i32>} : memref<32x1024xf32, #tpu.memory_space<vmem>>, vector<1x16xf32>,
      %parallel_loop3A_344 = vector.shape_cast %parallel_loop3A_343 : vector<1x16xf32> to vector<16xf32>
      %parallel_loop3A_345 = arith.constant 3.125000e-02 : f32
      %parallel_loop3A_346 = vector.broadcast %parallel_loop3A_345 : f32 to vector<16xf32>
      %parallel_loop3A_347 = arith.mulf %parallel_loop3A_344, %parallel_loop3A_346 : vector<16xf32>
      %parallel_loop3A_348 = arith.index_cast %parallel_loop3A_52 : i32 to index
      %parallel_loop3A_349 = arith.constant 384 : index
      %parallel_loop3A_350 = tpu.vector_load %arg5[%parallel_loop3A_348, %parallel_loop3A_349] {strides = array<i32>} : memref<32x1024xf32, #tpu.memory_space<vmem>>, vector<1x16xf32>,
      %parallel_loop3A_351 = vector.shape_cast %parallel_loop3A_350 : vector<1x16xf32> to vector<16xf32>
      %parallel_loop3A_352 = vector.shape_cast %parallel_loop3A_347 : vector<16xf32> to vector<1x16xf32>
      tpu.vector_store %arg5[%parallel_loop3A_348, %parallel_loop3A_349], %parallel_loop3A_352 {strides = array<i32>} : memref<32x1024xf32, #tpu.memory_space<vmem>>, vector<1x16xf32>,
      %parallel_loop3A_353 = arith.index_cast %parallel_loop3A_52 : i32 to index
      %parallel_loop3A_354 = arith.constant 400 : index
      %parallel_loop3A_355 = tpu.vector_load %arg5[%parallel_loop3A_353, %parallel_loop3A_354] {strides = array<i32>} : memref<32x1024xf32, #tpu.memory_space<vmem>>, vector<1x16xf32>,
      %parallel_loop3A_356 = vector.shape_cast %parallel_loop3A_355 : vector<1x16xf32> to vector<16xf32>
      %parallel_loop3A_357 = arith.constant 3.125000e-02 : f32
      %parallel_loop3A_358 = vector.broadcast %parallel_loop3A_357 : f32 to vector<16xf32>
      %parallel_loop3A_359 = arith.mulf %parallel_loop3A_356, %parallel_loop3A_358 : vector<16xf32>
      %parallel_loop3A_360 = arith.index_cast %parallel_loop3A_52 : i32 to index
      %parallel_loop3A_361 = arith.constant 400 : index
      %parallel_loop3A_362 = tpu.vector_load %arg5[%parallel_loop3A_360, %parallel_loop3A_361] {strides = array<i32>} : memref<32x1024xf32, #tpu.memory_space<vmem>>, vector<1x16xf32>,
      %parallel_loop3A_363 = vector.shape_cast %parallel_loop3A_362 : vector<1x16xf32> to vector<16xf32>
      %parallel_loop3A_364 = vector.shape_cast %parallel_loop3A_359 : vector<16xf32> to vector<1x16xf32>
      tpu.vector_store %arg5[%parallel_loop3A_360, %parallel_loop3A_361], %parallel_loop3A_364 {strides = array<i32>} : memref<32x1024xf32, #tpu.memory_space<vmem>>, vector<1x16xf32>,
      %parallel_loop3A_365 = arith.index_cast %parallel_loop3A_52 : i32 to index
      %parallel_loop3A_366 = arith.constant 416 : index
      %parallel_loop3A_367 = tpu.vector_load %arg5[%parallel_loop3A_365, %parallel_loop3A_366] {strides = array<i32>} : memref<32x1024xf32, #tpu.memory_space<vmem>>, vector<1x16xf32>,
      %parallel_loop3A_368 = vector.shape_cast %parallel_loop3A_367 : vector<1x16xf32> to vector<16xf32>
      %parallel_loop3A_369 = arith.constant 3.125000e-02 : f32
      %parallel_loop3A_370 = vector.broadcast %parallel_loop3A_369 : f32 to vector<16xf32>
      %parallel_loop3A_371 = arith.mulf %parallel_loop3A_368, %parallel_loop3A_370 : vector<16xf32>
      %parallel_loop3A_372 = arith.index_cast %parallel_loop3A_52 : i32 to index
      %parallel_loop3A_373 = arith.constant 416 : index
      %parallel_loop3A_374 = tpu.vector_load %arg5[%parallel_loop3A_372, %parallel_loop3A_373] {strides = array<i32>} : memref<32x1024xf32, #tpu.memory_space<vmem>>, vector<1x16xf32>,
      %parallel_loop3A_375 = vector.shape_cast %parallel_loop3A_374 : vector<1x16xf32> to vector<16xf32>
      %parallel_loop3A_376 = vector.shape_cast %parallel_loop3A_371 : vector<16xf32> to vector<1x16xf32>
      tpu.vector_store %arg5[%parallel_loop3A_372, %parallel_loop3A_373], %parallel_loop3A_376 {strides = array<i32>} : memref<32x1024xf32, #tpu.memory_space<vmem>>, vector<1x16xf32>,
      %parallel_loop3A_377 = arith.index_cast %parallel_loop3A_52 : i32 to index
      %parallel_loop3A_378 = arith.constant 432 : index
      %parallel_loop3A_379 = tpu.vector_load %arg5[%parallel_loop3A_377, %parallel_loop3A_378] {strides = array<i32>} : memref<32x1024xf32, #tpu.memory_space<vmem>>, vector<1x16xf32>,
      %parallel_loop3A_380 = vector.shape_cast %parallel_loop3A_379 : vector<1x16xf32> to vector<16xf32>
      %parallel_loop3A_381 = arith.constant 3.125000e-02 : f32
      %parallel_loop3A_382 = vector.broadcast %parallel_loop3A_381 : f32 to vector<16xf32>
      %parallel_loop3A_383 = arith.mulf %parallel_loop3A_380, %parallel_loop3A_382 : vector<16xf32>
      %parallel_loop3A_384 = arith.index_cast %parallel_loop3A_52 : i32 to index
      %parallel_loop3A_385 = arith.constant 432 : index
      %parallel_loop3A_386 = tpu.vector_load %arg5[%parallel_loop3A_384, %parallel_loop3A_385] {strides = array<i32>} : memref<32x1024xf32, #tpu.memory_space<vmem>>, vector<1x16xf32>,
      %parallel_loop3A_387 = vector.shape_cast %parallel_loop3A_386 : vector<1x16xf32> to vector<16xf32>
      %parallel_loop3A_388 = vector.shape_cast %parallel_loop3A_383 : vector<16xf32> to vector<1x16xf32>
      tpu.vector_store %arg5[%parallel_loop3A_384, %parallel_loop3A_385], %parallel_loop3A_388 {strides = array<i32>} : memref<32x1024xf32, #tpu.memory_space<vmem>>, vector<1x16xf32>,
      %parallel_loop3A_389 = arith.index_cast %parallel_loop3A_52 : i32 to index
      %parallel_loop3A_390 = arith.constant 448 : index
      %parallel_loop3A_391 = tpu.vector_load %arg5[%parallel_loop3A_389, %parallel_loop3A_390] {strides = array<i32>} : memref<32x1024xf32, #tpu.memory_space<vmem>>, vector<1x16xf32>,
      %parallel_loop3A_392 = vector.shape_cast %parallel_loop3A_391 : vector<1x16xf32> to vector<16xf32>
      %parallel_loop3A_393 = arith.constant 3.125000e-02 : f32
      %parallel_loop3A_394 = vector.broadcast %parallel_loop3A_393 : f32 to vector<16xf32>
      %parallel_loop3A_395 = arith.mulf %parallel_loop3A_392, %parallel_loop3A_394 : vector<16xf32>
      %parallel_loop3A_396 = arith.index_cast %parallel_loop3A_52 : i32 to index
      %parallel_loop3A_397 = arith.constant 448 : index
      %parallel_loop3A_398 = tpu.vector_load %arg5[%parallel_loop3A_396, %parallel_loop3A_397] {strides = array<i32>} : memref<32x1024xf32, #tpu.memory_space<vmem>>, vector<1x16xf32>,
      %parallel_loop3A_399 = vector.shape_cast %parallel_loop3A_398 : vector<1x16xf32> to vector<16xf32>
      %parallel_loop3A_400 = vector.shape_cast %parallel_loop3A_395 : vector<16xf32> to vector<1x16xf32>
      tpu.vector_store %arg5[%parallel_loop3A_396, %parallel_loop3A_397], %parallel_loop3A_400 {strides = array<i32>} : memref<32x1024xf32, #tpu.memory_space<vmem>>, vector<1x16xf32>,
      %parallel_loop3A_401 = arith.index_cast %parallel_loop3A_52 : i32 to index
      %parallel_loop3A_402 = arith.constant 464 : index
      %parallel_loop3A_403 = tpu.vector_load %arg5[%parallel_loop3A_401, %parallel_loop3A_402] {strides = array<i32>} : memref<32x1024xf32, #tpu.memory_space<vmem>>, vector<1x16xf32>,
      %parallel_loop3A_404 = vector.shape_cast %parallel_loop3A_403 : vector<1x16xf32> to vector<16xf32>
      %parallel_loop3A_405 = arith.constant 3.125000e-02 : f32
      %parallel_loop3A_406 = vector.broadcast %parallel_loop3A_405 : f32 to vector<16xf32>
      %parallel_loop3A_407 = arith.mulf %parallel_loop3A_404, %parallel_loop3A_406 : vector<16xf32>
      %parallel_loop3A_408 = arith.index_cast %parallel_loop3A_52 : i32 to index
      %parallel_loop3A_409 = arith.constant 464 : index
      %parallel_loop3A_410 = tpu.vector_load %arg5[%parallel_loop3A_408, %parallel_loop3A_409] {strides = array<i32>} : memref<32x1024xf32, #tpu.memory_space<vmem>>, vector<1x16xf32>,
      %parallel_loop3A_411 = vector.shape_cast %parallel_loop3A_410 : vector<1x16xf32> to vector<16xf32>
      %parallel_loop3A_412 = vector.shape_cast %parallel_loop3A_407 : vector<16xf32> to vector<1x16xf32>
      tpu.vector_store %arg5[%parallel_loop3A_408, %parallel_loop3A_409], %parallel_loop3A_412 {strides = array<i32>} : memref<32x1024xf32, #tpu.memory_space<vmem>>, vector<1x16xf32>,
      %parallel_loop3A_413 = arith.index_cast %parallel_loop3A_52 : i32 to index
      %parallel_loop3A_414 = arith.constant 480 : index
      %parallel_loop3A_415 = tpu.vector_load %arg5[%parallel_loop3A_413, %parallel_loop3A_414] {strides = array<i32>} : memref<32x1024xf32, #tpu.memory_space<vmem>>, vector<1x16xf32>,
      %parallel_loop3A_416 = vector.shape_cast %parallel_loop3A_415 : vector<1x16xf32> to vector<16xf32>
      %parallel_loop3A_417 = arith.constant 3.125000e-02 : f32
      %parallel_loop3A_418 = vector.broadcast %parallel_loop3A_417 : f32 to vector<16xf32>
      %parallel_loop3A_419 = arith.mulf %parallel_loop3A_416, %parallel_loop3A_418 : vector<16xf32>
      %parallel_loop3A_420 = arith.index_cast %parallel_loop3A_52 : i32 to index
      %parallel_loop3A_421 = arith.constant 480 : index
      %parallel_loop3A_422 = tpu.vector_load %arg5[%parallel_loop3A_420, %parallel_loop3A_421] {strides = array<i32>} : memref<32x1024xf32, #tpu.memory_space<vmem>>, vector<1x16xf32>,
      %parallel_loop3A_423 = vector.shape_cast %parallel_loop3A_422 : vector<1x16xf32> to vector<16xf32>
      %parallel_loop3A_424 = vector.shape_cast %parallel_loop3A_419 : vector<16xf32> to vector<1x16xf32>
      tpu.vector_store %arg5[%parallel_loop3A_420, %parallel_loop3A_421], %parallel_loop3A_424 {strides = array<i32>} : memref<32x1024xf32, #tpu.memory_space<vmem>>, vector<1x16xf32>,
      %parallel_loop3A_425 = arith.index_cast %parallel_loop3A_52 : i32 to index
      %parallel_loop3A_426 = arith.constant 496 : index
      %parallel_loop3A_427 = tpu.vector_load %arg5[%parallel_loop3A_425, %parallel_loop3A_426] {strides = array<i32>} : memref<32x1024xf32, #tpu.memory_space<vmem>>, vector<1x16xf32>,
      %parallel_loop3A_428 = vector.shape_cast %parallel_loop3A_427 : vector<1x16xf32> to vector<16xf32>
      %parallel_loop3A_429 = arith.constant 3.125000e-02 : f32
      %parallel_loop3A_430 = vector.broadcast %parallel_loop3A_429 : f32 to vector<16xf32>
      %parallel_loop3A_431 = arith.mulf %parallel_loop3A_428, %parallel_loop3A_430 : vector<16xf32>
      %parallel_loop3A_432 = arith.index_cast %parallel_loop3A_52 : i32 to index
      %parallel_loop3A_433 = arith.constant 496 : index
      %parallel_loop3A_434 = tpu.vector_load %arg5[%parallel_loop3A_432, %parallel_loop3A_433] {strides = array<i32>} : memref<32x1024xf32, #tpu.memory_space<vmem>>, vector<1x16xf32>,
      %parallel_loop3A_435 = vector.shape_cast %parallel_loop3A_434 : vector<1x16xf32> to vector<16xf32>
      %parallel_loop3A_436 = vector.shape_cast %parallel_loop3A_431 : vector<16xf32> to vector<1x16xf32>
      tpu.vector_store %arg5[%parallel_loop3A_432, %parallel_loop3A_433], %parallel_loop3A_436 {strides = array<i32>} : memref<32x1024xf32, #tpu.memory_space<vmem>>, vector<1x16xf32>,
      %parallel_loop3A_437 = arith.index_cast %parallel_loop3A_52 : i32 to index
      %parallel_loop3A_438 = arith.constant 512 : index
      %parallel_loop3A_439 = tpu.vector_load %arg5[%parallel_loop3A_437, %parallel_loop3A_438] {strides = array<i32>} : memref<32x1024xf32, #tpu.memory_space<vmem>>, vector<1x16xf32>,
      %parallel_loop3A_440 = vector.shape_cast %parallel_loop3A_439 : vector<1x16xf32> to vector<16xf32>
      %parallel_loop3A_441 = arith.constant 3.125000e-02 : f32
      %parallel_loop3A_442 = vector.broadcast %parallel_loop3A_441 : f32 to vector<16xf32>
      %parallel_loop3A_443 = arith.mulf %parallel_loop3A_440, %parallel_loop3A_442 : vector<16xf32>
      %parallel_loop3A_444 = arith.index_cast %parallel_loop3A_52 : i32 to index
      %parallel_loop3A_445 = arith.constant 512 : index
      %parallel_loop3A_446 = tpu.vector_load %arg5[%parallel_loop3A_444, %parallel_loop3A_445] {strides = array<i32>} : memref<32x1024xf32, #tpu.memory_space<vmem>>, vector<1x16xf32>,
      %parallel_loop3A_447 = vector.shape_cast %parallel_loop3A_446 : vector<1x16xf32> to vector<16xf32>
      %parallel_loop3A_448 = vector.shape_cast %parallel_loop3A_443 : vector<16xf32> to vector<1x16xf32>
      tpu.vector_store %arg5[%parallel_loop3A_444, %parallel_loop3A_445], %parallel_loop3A_448 {strides = array<i32>} : memref<32x1024xf32, #tpu.memory_space<vmem>>, vector<1x16xf32>,
      %parallel_loop3A_449 = arith.index_cast %parallel_loop3A_52 : i32 to index
      %parallel_loop3A_450 = arith.constant 528 : index
      %parallel_loop3A_451 = tpu.vector_load %arg5[%parallel_loop3A_449, %parallel_loop3A_450] {strides = array<i32>} : memref<32x1024xf32, #tpu.memory_space<vmem>>, vector<1x16xf32>,
      %parallel_loop3A_452 = vector.shape_cast %parallel_loop3A_451 : vector<1x16xf32> to vector<16xf32>
      %parallel_loop3A_453 = arith.constant 3.125000e-02 : f32
      %parallel_loop3A_454 = vector.broadcast %parallel_loop3A_453 : f32 to vector<16xf32>
      %parallel_loop3A_455 = arith.mulf %parallel_loop3A_452, %parallel_loop3A_454 : vector<16xf32>
      %parallel_loop3A_456 = arith.index_cast %parallel_loop3A_52 : i32 to index
      %parallel_loop3A_457 = arith.constant 528 : index
      %parallel_loop3A_458 = tpu.vector_load %arg5[%parallel_loop3A_456, %parallel_loop3A_457] {strides = array<i32>} : memref<32x1024xf32, #tpu.memory_space<vmem>>, vector<1x16xf32>,
      %parallel_loop3A_459 = vector.shape_cast %parallel_loop3A_458 : vector<1x16xf32> to vector<16xf32>
      %parallel_loop3A_460 = vector.shape_cast %parallel_loop3A_455 : vector<16xf32> to vector<1x16xf32>
      tpu.vector_store %arg5[%parallel_loop3A_456, %parallel_loop3A_457], %parallel_loop3A_460 {strides = array<i32>} : memref<32x1024xf32, #tpu.memory_space<vmem>>, vector<1x16xf32>,
      %parallel_loop3A_461 = arith.index_cast %parallel_loop3A_52 : i32 to index
      %parallel_loop3A_462 = arith.constant 544 : index
      %parallel_loop3A_463 = tpu.vector_load %arg5[%parallel_loop3A_461, %parallel_loop3A_462] {strides = array<i32>} : memref<32x1024xf32, #tpu.memory_space<vmem>>, vector<1x16xf32>,
      %parallel_loop3A_464 = vector.shape_cast %parallel_loop3A_463 : vector<1x16xf32> to vector<16xf32>
      %parallel_loop3A_465 = arith.constant 3.125000e-02 : f32
      %parallel_loop3A_466 = vector.broadcast %parallel_loop3A_465 : f32 to vector<16xf32>
      %parallel_loop3A_467 = arith.mulf %parallel_loop3A_464, %parallel_loop3A_466 : vector<16xf32>
      %parallel_loop3A_468 = arith.index_cast %parallel_loop3A_52 : i32 to index
      %parallel_loop3A_469 = arith.constant 544 : index
      %parallel_loop3A_470 = tpu.vector_load %arg5[%parallel_loop3A_468, %parallel_loop3A_469] {strides = array<i32>} : memref<32x1024xf32, #tpu.memory_space<vmem>>, vector<1x16xf32>,
      %parallel_loop3A_471 = vector.shape_cast %parallel_loop3A_470 : vector<1x16xf32> to vector<16xf32>
      %parallel_loop3A_472 = vector.shape_cast %parallel_loop3A_467 : vector<16xf32> to vector<1x16xf32>
      tpu.vector_store %arg5[%parallel_loop3A_468, %parallel_loop3A_469], %parallel_loop3A_472 {strides = array<i32>} : memref<32x1024xf32, #tpu.memory_space<vmem>>, vector<1x16xf32>,
      %parallel_loop3A_473 = arith.index_cast %parallel_loop3A_52 : i32 to index
      %parallel_loop3A_474 = arith.constant 560 : index
      %parallel_loop3A_475 = tpu.vector_load %arg5[%parallel_loop3A_473, %parallel_loop3A_474] {strides = array<i32>} : memref<32x1024xf32, #tpu.memory_space<vmem>>, vector<1x16xf32>,
      %parallel_loop3A_476 = vector.shape_cast %parallel_loop3A_475 : vector<1x16xf32> to vector<16xf32>
      %parallel_loop3A_477 = arith.constant 3.125000e-02 : f32
      %parallel_loop3A_478 = vector.broadcast %parallel_loop3A_477 : f32 to vector<16xf32>
      %parallel_loop3A_479 = arith.mulf %parallel_loop3A_476, %parallel_loop3A_478 : vector<16xf32>
      %parallel_loop3A_480 = arith.index_cast %parallel_loop3A_52 : i32 to index
      %parallel_loop3A_481 = arith.constant 560 : index
      %parallel_loop3A_482 = tpu.vector_load %arg5[%parallel_loop3A_480, %parallel_loop3A_481] {strides = array<i32>} : memref<32x1024xf32, #tpu.memory_space<vmem>>, vector<1x16xf32>,
      %parallel_loop3A_483 = vector.shape_cast %parallel_loop3A_482 : vector<1x16xf32> to vector<16xf32>
      %parallel_loop3A_484 = vector.shape_cast %parallel_loop3A_479 : vector<16xf32> to vector<1x16xf32>
      tpu.vector_store %arg5[%parallel_loop3A_480, %parallel_loop3A_481], %parallel_loop3A_484 {strides = array<i32>} : memref<32x1024xf32, #tpu.memory_space<vmem>>, vector<1x16xf32>,
      %parallel_loop3A_485 = arith.index_cast %parallel_loop3A_52 : i32 to index
      %parallel_loop3A_486 = arith.constant 576 : index
      %parallel_loop3A_487 = tpu.vector_load %arg5[%parallel_loop3A_485, %parallel_loop3A_486] {strides = array<i32>} : memref<32x1024xf32, #tpu.memory_space<vmem>>, vector<1x16xf32>,
      %parallel_loop3A_488 = vector.shape_cast %parallel_loop3A_487 : vector<1x16xf32> to vector<16xf32>
      %parallel_loop3A_489 = arith.constant 3.125000e-02 : f32
      %parallel_loop3A_490 = vector.broadcast %parallel_loop3A_489 : f32 to vector<16xf32>
      %parallel_loop3A_491 = arith.mulf %parallel_loop3A_488, %parallel_loop3A_490 : vector<16xf32>
      %parallel_loop3A_492 = arith.index_cast %parallel_loop3A_52 : i32 to index
      %parallel_loop3A_493 = arith.constant 576 : index
      %parallel_loop3A_494 = tpu.vector_load %arg5[%parallel_loop3A_492, %parallel_loop3A_493] {strides = array<i32>} : memref<32x1024xf32, #tpu.memory_space<vmem>>, vector<1x16xf32>,
      %parallel_loop3A_495 = vector.shape_cast %parallel_loop3A_494 : vector<1x16xf32> to vector<16xf32>
      %parallel_loop3A_496 = vector.shape_cast %parallel_loop3A_491 : vector<16xf32> to vector<1x16xf32>
      tpu.vector_store %arg5[%parallel_loop3A_492, %parallel_loop3A_493], %parallel_loop3A_496 {strides = array<i32>} : memref<32x1024xf32, #tpu.memory_space<vmem>>, vector<1x16xf32>,
      %parallel_loop3A_497 = arith.index_cast %parallel_loop3A_52 : i32 to index
      %parallel_loop3A_498 = arith.constant 592 : index
      %parallel_loop3A_499 = tpu.vector_load %arg5[%parallel_loop3A_497, %parallel_loop3A_498] {strides = array<i32>} : memref<32x1024xf32, #tpu.memory_space<vmem>>, vector<1x16xf32>,
      %parallel_loop3A_500 = vector.shape_cast %parallel_loop3A_499 : vector<1x16xf32> to vector<16xf32>
      %parallel_loop3A_501 = arith.constant 3.125000e-02 : f32
      %parallel_loop3A_502 = vector.broadcast %parallel_loop3A_501 : f32 to vector<16xf32>
      %parallel_loop3A_503 = arith.mulf %parallel_loop3A_500, %parallel_loop3A_502 : vector<16xf32>
      %parallel_loop3A_504 = arith.index_cast %parallel_loop3A_52 : i32 to index
      %parallel_loop3A_505 = arith.constant 592 : index
      %parallel_loop3A_506 = tpu.vector_load %arg5[%parallel_loop3A_504, %parallel_loop3A_505] {strides = array<i32>} : memref<32x1024xf32, #tpu.memory_space<vmem>>, vector<1x16xf32>,
      %parallel_loop3A_507 = vector.shape_cast %parallel_loop3A_506 : vector<1x16xf32> to vector<16xf32>
      %parallel_loop3A_508 = vector.shape_cast %parallel_loop3A_503 : vector<16xf32> to vector<1x16xf32>
      tpu.vector_store %arg5[%parallel_loop3A_504, %parallel_loop3A_505], %parallel_loop3A_508 {strides = array<i32>} : memref<32x1024xf32, #tpu.memory_space<vmem>>, vector<1x16xf32>,
      %parallel_loop3A_509 = arith.index_cast %parallel_loop3A_52 : i32 to index
      %parallel_loop3A_510 = arith.constant 608 : index
      %parallel_loop3A_511 = tpu.vector_load %arg5[%parallel_loop3A_509, %parallel_loop3A_510] {strides = array<i32>} : memref<32x1024xf32, #tpu.memory_space<vmem>>, vector<1x16xf32>,
      %parallel_loop3A_512 = vector.shape_cast %parallel_loop3A_511 : vector<1x16xf32> to vector<16xf32>
      %parallel_loop3A_513 = arith.constant 3.125000e-02 : f32
      %parallel_loop3A_514 = vector.broadcast %parallel_loop3A_513 : f32 to vector<16xf32>
      %parallel_loop3A_515 = arith.mulf %parallel_loop3A_512, %parallel_loop3A_514 : vector<16xf32>
      %parallel_loop3A_516 = arith.index_cast %parallel_loop3A_52 : i32 to index
      %parallel_loop3A_517 = arith.constant 608 : index
      %parallel_loop3A_518 = tpu.vector_load %arg5[%parallel_loop3A_516, %parallel_loop3A_517] {strides = array<i32>} : memref<32x1024xf32, #tpu.memory_space<vmem>>, vector<1x16xf32>,
      %parallel_loop3A_519 = vector.shape_cast %parallel_loop3A_518 : vector<1x16xf32> to vector<16xf32>
      %parallel_loop3A_520 = vector.shape_cast %parallel_loop3A_515 : vector<16xf32> to vector<1x16xf32>
      tpu.vector_store %arg5[%parallel_loop3A_516, %parallel_loop3A_517], %parallel_loop3A_520 {strides = array<i32>} : memref<32x1024xf32, #tpu.memory_space<vmem>>, vector<1x16xf32>,
      %parallel_loop3A_521 = arith.index_cast %parallel_loop3A_52 : i32 to index
      %parallel_loop3A_522 = arith.constant 624 : index
      %parallel_loop3A_523 = tpu.vector_load %arg5[%parallel_loop3A_521, %parallel_loop3A_522] {strides = array<i32>} : memref<32x1024xf32, #tpu.memory_space<vmem>>, vector<1x16xf32>,
      %parallel_loop3A_524 = vector.shape_cast %parallel_loop3A_523 : vector<1x16xf32> to vector<16xf32>
      %parallel_loop3A_525 = arith.constant 3.125000e-02 : f32
      %parallel_loop3A_526 = vector.broadcast %parallel_loop3A_525 : f32 to vector<16xf32>
      %parallel_loop3A_527 = arith.mulf %parallel_loop3A_524, %parallel_loop3A_526 : vector<16xf32>
      %parallel_loop3A_528 = arith.index_cast %parallel_loop3A_52 : i32 to index
      %parallel_loop3A_529 = arith.constant 624 : index
      %parallel_loop3A_530 = tpu.vector_load %arg5[%parallel_loop3A_528, %parallel_loop3A_529] {strides = array<i32>} : memref<32x1024xf32, #tpu.memory_space<vmem>>, vector<1x16xf32>,
      %parallel_loop3A_531 = vector.shape_cast %parallel_loop3A_530 : vector<1x16xf32> to vector<16xf32>
      %parallel_loop3A_532 = vector.shape_cast %parallel_loop3A_527 : vector<16xf32> to vector<1x16xf32>
      tpu.vector_store %arg5[%parallel_loop3A_528, %parallel_loop3A_529], %parallel_loop3A_532 {strides = array<i32>} : memref<32x1024xf32, #tpu.memory_space<vmem>>, vector<1x16xf32>,
      %parallel_loop3A_533 = arith.index_cast %parallel_loop3A_52 : i32 to index
      %parallel_loop3A_534 = arith.constant 640 : index
      %parallel_loop3A_535 = tpu.vector_load %arg5[%parallel_loop3A_533, %parallel_loop3A_534] {strides = array<i32>} : memref<32x1024xf32, #tpu.memory_space<vmem>>, vector<1x16xf32>,
      %parallel_loop3A_536 = vector.shape_cast %parallel_loop3A_535 : vector<1x16xf32> to vector<16xf32>
      %parallel_loop3A_537 = arith.constant 3.125000e-02 : f32
      %parallel_loop3A_538 = vector.broadcast %parallel_loop3A_537 : f32 to vector<16xf32>
      %parallel_loop3A_539 = arith.mulf %parallel_loop3A_536, %parallel_loop3A_538 : vector<16xf32>
      %parallel_loop3A_540 = arith.index_cast %parallel_loop3A_52 : i32 to index
      %parallel_loop3A_541 = arith.constant 640 : index
      %parallel_loop3A_542 = tpu.vector_load %arg5[%parallel_loop3A_540, %parallel_loop3A_541] {strides = array<i32>} : memref<32x1024xf32, #tpu.memory_space<vmem>>, vector<1x16xf32>,
      %parallel_loop3A_543 = vector.shape_cast %parallel_loop3A_542 : vector<1x16xf32> to vector<16xf32>
      %parallel_loop3A_544 = vector.shape_cast %parallel_loop3A_539 : vector<16xf32> to vector<1x16xf32>
      tpu.vector_store %arg5[%parallel_loop3A_540, %parallel_loop3A_541], %parallel_loop3A_544 {strides = array<i32>} : memref<32x1024xf32, #tpu.memory_space<vmem>>, vector<1x16xf32>,
      %parallel_loop3A_545 = arith.index_cast %parallel_loop3A_52 : i32 to index
      %parallel_loop3A_546 = arith.constant 656 : index
      %parallel_loop3A_547 = tpu.vector_load %arg5[%parallel_loop3A_545, %parallel_loop3A_546] {strides = array<i32>} : memref<32x1024xf32, #tpu.memory_space<vmem>>, vector<1x16xf32>,
      %parallel_loop3A_548 = vector.shape_cast %parallel_loop3A_547 : vector<1x16xf32> to vector<16xf32>
      %parallel_loop3A_549 = arith.constant 3.125000e-02 : f32
      %parallel_loop3A_550 = vector.broadcast %parallel_loop3A_549 : f32 to vector<16xf32>
      %parallel_loop3A_551 = arith.mulf %parallel_loop3A_548, %parallel_loop3A_550 : vector<16xf32>
      %parallel_loop3A_552 = arith.index_cast %parallel_loop3A_52 : i32 to index
      %parallel_loop3A_553 = arith.constant 656 : index
      %parallel_loop3A_554 = tpu.vector_load %arg5[%parallel_loop3A_552, %parallel_loop3A_553] {strides = array<i32>} : memref<32x1024xf32, #tpu.memory_space<vmem>>, vector<1x16xf32>,
      %parallel_loop3A_555 = vector.shape_cast %parallel_loop3A_554 : vector<1x16xf32> to vector<16xf32>
      %parallel_loop3A_556 = vector.shape_cast %parallel_loop3A_551 : vector<16xf32> to vector<1x16xf32>
      tpu.vector_store %arg5[%parallel_loop3A_552, %parallel_loop3A_553], %parallel_loop3A_556 {strides = array<i32>} : memref<32x1024xf32, #tpu.memory_space<vmem>>, vector<1x16xf32>,
      %parallel_loop3A_557 = arith.index_cast %parallel_loop3A_52 : i32 to index
      %parallel_loop3A_558 = arith.constant 672 : index
      %parallel_loop3A_559 = tpu.vector_load %arg5[%parallel_loop3A_557, %parallel_loop3A_558] {strides = array<i32>} : memref<32x1024xf32, #tpu.memory_space<vmem>>, vector<1x16xf32>,
      %parallel_loop3A_560 = vector.shape_cast %parallel_loop3A_559 : vector<1x16xf32> to vector<16xf32>
      %parallel_loop3A_561 = arith.constant 3.125000e-02 : f32
      %parallel_loop3A_562 = vector.broadcast %parallel_loop3A_561 : f32 to vector<16xf32>
      %parallel_loop3A_563 = arith.mulf %parallel_loop3A_560, %parallel_loop3A_562 : vector<16xf32>
      %parallel_loop3A_564 = arith.index_cast %parallel_loop3A_52 : i32 to index
      %parallel_loop3A_565 = arith.constant 672 : index
      %parallel_loop3A_566 = tpu.vector_load %arg5[%parallel_loop3A_564, %parallel_loop3A_565] {strides = array<i32>} : memref<32x1024xf32, #tpu.memory_space<vmem>>, vector<1x16xf32>,
      %parallel_loop3A_567 = vector.shape_cast %parallel_loop3A_566 : vector<1x16xf32> to vector<16xf32>
      %parallel_loop3A_568 = vector.shape_cast %parallel_loop3A_563 : vector<16xf32> to vector<1x16xf32>
      tpu.vector_store %arg5[%parallel_loop3A_564, %parallel_loop3A_565], %parallel_loop3A_568 {strides = array<i32>} : memref<32x1024xf32, #tpu.memory_space<vmem>>, vector<1x16xf32>,
      %parallel_loop3A_569 = arith.index_cast %parallel_loop3A_52 : i32 to index
      %parallel_loop3A_570 = arith.constant 688 : index
      %parallel_loop3A_571 = tpu.vector_load %arg5[%parallel_loop3A_569, %parallel_loop3A_570] {strides = array<i32>} : memref<32x1024xf32, #tpu.memory_space<vmem>>, vector<1x16xf32>,
      %parallel_loop3A_572 = vector.shape_cast %parallel_loop3A_571 : vector<1x16xf32> to vector<16xf32>
      %parallel_loop3A_573 = arith.constant 3.125000e-02 : f32
      %parallel_loop3A_574 = vector.broadcast %parallel_loop3A_573 : f32 to vector<16xf32>
      %parallel_loop3A_575 = arith.mulf %parallel_loop3A_572, %parallel_loop3A_574 : vector<16xf32>
      %parallel_loop3A_576 = arith.index_cast %parallel_loop3A_52 : i32 to index
      %parallel_loop3A_577 = arith.constant 688 : index
      %parallel_loop3A_578 = tpu.vector_load %arg5[%parallel_loop3A_576, %parallel_loop3A_577] {strides = array<i32>} : memref<32x1024xf32, #tpu.memory_space<vmem>>, vector<1x16xf32>,
      %parallel_loop3A_579 = vector.shape_cast %parallel_loop3A_578 : vector<1x16xf32> to vector<16xf32>
      %parallel_loop3A_580 = vector.shape_cast %parallel_loop3A_575 : vector<16xf32> to vector<1x16xf32>
      tpu.vector_store %arg5[%parallel_loop3A_576, %parallel_loop3A_577], %parallel_loop3A_580 {strides = array<i32>} : memref<32x1024xf32, #tpu.memory_space<vmem>>, vector<1x16xf32>,
      %parallel_loop3A_581 = arith.index_cast %parallel_loop3A_52 : i32 to index
      %parallel_loop3A_582 = arith.constant 704 : index
      %parallel_loop3A_583 = tpu.vector_load %arg5[%parallel_loop3A_581, %parallel_loop3A_582] {strides = array<i32>} : memref<32x1024xf32, #tpu.memory_space<vmem>>, vector<1x16xf32>,
      %parallel_loop3A_584 = vector.shape_cast %parallel_loop3A_583 : vector<1x16xf32> to vector<16xf32>
      %parallel_loop3A_585 = arith.constant 3.125000e-02 : f32
      %parallel_loop3A_586 = vector.broadcast %parallel_loop3A_585 : f32 to vector<16xf32>
      %parallel_loop3A_587 = arith.mulf %parallel_loop3A_584, %parallel_loop3A_586 : vector<16xf32>
      %parallel_loop3A_588 = arith.index_cast %parallel_loop3A_52 : i32 to index
      %parallel_loop3A_589 = arith.constant 704 : index
      %parallel_loop3A_590 = tpu.vector_load %arg5[%parallel_loop3A_588, %parallel_loop3A_589] {strides = array<i32>} : memref<32x1024xf32, #tpu.memory_space<vmem>>, vector<1x16xf32>,
      %parallel_loop3A_591 = vector.shape_cast %parallel_loop3A_590 : vector<1x16xf32> to vector<16xf32>
      %parallel_loop3A_592 = vector.shape_cast %parallel_loop3A_587 : vector<16xf32> to vector<1x16xf32>
      tpu.vector_store %arg5[%parallel_loop3A_588, %parallel_loop3A_589], %parallel_loop3A_592 {strides = array<i32>} : memref<32x1024xf32, #tpu.memory_space<vmem>>, vector<1x16xf32>,
      %parallel_loop3A_593 = arith.index_cast %parallel_loop3A_52 : i32 to index
      %parallel_loop3A_594 = arith.constant 720 : index
      %parallel_loop3A_595 = tpu.vector_load %arg5[%parallel_loop3A_593, %parallel_loop3A_594] {strides = array<i32>} : memref<32x1024xf32, #tpu.memory_space<vmem>>, vector<1x16xf32>,
      %parallel_loop3A_596 = vector.shape_cast %parallel_loop3A_595 : vector<1x16xf32> to vector<16xf32>
      %parallel_loop3A_597 = arith.constant 3.125000e-02 : f32
      %parallel_loop3A_598 = vector.broadcast %parallel_loop3A_597 : f32 to vector<16xf32>
      %parallel_loop3A_599 = arith.mulf %parallel_loop3A_596, %parallel_loop3A_598 : vector<16xf32>
      %parallel_loop3A_600 = arith.index_cast %parallel_loop3A_52 : i32 to index
      %parallel_loop3A_601 = arith.constant 720 : index
      %parallel_loop3A_602 = tpu.vector_load %arg5[%parallel_loop3A_600, %parallel_loop3A_601] {strides = array<i32>} : memref<32x1024xf32, #tpu.memory_space<vmem>>, vector<1x16xf32>,
      %parallel_loop3A_603 = vector.shape_cast %parallel_loop3A_602 : vector<1x16xf32> to vector<16xf32>
      %parallel_loop3A_604 = vector.shape_cast %parallel_loop3A_599 : vector<16xf32> to vector<1x16xf32>
      tpu.vector_store %arg5[%parallel_loop3A_600, %parallel_loop3A_601], %parallel_loop3A_604 {strides = array<i32>} : memref<32x1024xf32, #tpu.memory_space<vmem>>, vector<1x16xf32>,
      %parallel_loop3A_605 = arith.index_cast %parallel_loop3A_52 : i32 to index
      %parallel_loop3A_606 = arith.constant 736 : index
      %parallel_loop3A_607 = tpu.vector_load %arg5[%parallel_loop3A_605, %parallel_loop3A_606] {strides = array<i32>} : memref<32x1024xf32, #tpu.memory_space<vmem>>, vector<1x16xf32>,
      %parallel_loop3A_608 = vector.shape_cast %parallel_loop3A_607 : vector<1x16xf32> to vector<16xf32>
      %parallel_loop3A_609 = arith.constant 3.125000e-02 : f32
      %parallel_loop3A_610 = vector.broadcast %parallel_loop3A_609 : f32 to vector<16xf32>
      %parallel_loop3A_611 = arith.mulf %parallel_loop3A_608, %parallel_loop3A_610 : vector<16xf32>
      %parallel_loop3A_612 = arith.index_cast %parallel_loop3A_52 : i32 to index
      %parallel_loop3A_613 = arith.constant 736 : index
      %parallel_loop3A_614 = tpu.vector_load %arg5[%parallel_loop3A_612, %parallel_loop3A_613] {strides = array<i32>} : memref<32x1024xf32, #tpu.memory_space<vmem>>, vector<1x16xf32>,
      %parallel_loop3A_615 = vector.shape_cast %parallel_loop3A_614 : vector<1x16xf32> to vector<16xf32>
      %parallel_loop3A_616 = vector.shape_cast %parallel_loop3A_611 : vector<16xf32> to vector<1x16xf32>
      tpu.vector_store %arg5[%parallel_loop3A_612, %parallel_loop3A_613], %parallel_loop3A_616 {strides = array<i32>} : memref<32x1024xf32, #tpu.memory_space<vmem>>, vector<1x16xf32>,
      %parallel_loop3A_617 = arith.index_cast %parallel_loop3A_52 : i32 to index
      %parallel_loop3A_618 = arith.constant 752 : index
      %parallel_loop3A_619 = tpu.vector_load %arg5[%parallel_loop3A_617, %parallel_loop3A_618] {strides = array<i32>} : memref<32x1024xf32, #tpu.memory_space<vmem>>, vector<1x16xf32>,
      %parallel_loop3A_620 = vector.shape_cast %parallel_loop3A_619 : vector<1x16xf32> to vector<16xf32>
      %parallel_loop3A_621 = arith.constant 3.125000e-02 : f32
      %parallel_loop3A_622 = vector.broadcast %parallel_loop3A_621 : f32 to vector<16xf32>
      %parallel_loop3A_623 = arith.mulf %parallel_loop3A_620, %parallel_loop3A_622 : vector<16xf32>
      %parallel_loop3A_624 = arith.index_cast %parallel_loop3A_52 : i32 to index
      %parallel_loop3A_625 = arith.constant 752 : index
      %parallel_loop3A_626 = tpu.vector_load %arg5[%parallel_loop3A_624, %parallel_loop3A_625] {strides = array<i32>} : memref<32x1024xf32, #tpu.memory_space<vmem>>, vector<1x16xf32>,
      %parallel_loop3A_627 = vector.shape_cast %parallel_loop3A_626 : vector<1x16xf32> to vector<16xf32>
      %parallel_loop3A_628 = vector.shape_cast %parallel_loop3A_623 : vector<16xf32> to vector<1x16xf32>
      tpu.vector_store %arg5[%parallel_loop3A_624, %parallel_loop3A_625], %parallel_loop3A_628 {strides = array<i32>} : memref<32x1024xf32, #tpu.memory_space<vmem>>, vector<1x16xf32>,
      %parallel_loop3A_629 = arith.index_cast %parallel_loop3A_52 : i32 to index
      %parallel_loop3A_630 = arith.constant 768 : index
      %parallel_loop3A_631 = tpu.vector_load %arg5[%parallel_loop3A_629, %parallel_loop3A_630] {strides = array<i32>} : memref<32x1024xf32, #tpu.memory_space<vmem>>, vector<1x16xf32>,
      %parallel_loop3A_632 = vector.shape_cast %parallel_loop3A_631 : vector<1x16xf32> to vector<16xf32>
      %parallel_loop3A_633 = arith.constant 3.125000e-02 : f32
      %parallel_loop3A_634 = vector.broadcast %parallel_loop3A_633 : f32 to vector<16xf32>
      %parallel_loop3A_635 = arith.mulf %parallel_loop3A_632, %parallel_loop3A_634 : vector<16xf32>
      %parallel_loop3A_636 = arith.index_cast %parallel_loop3A_52 : i32 to index
      %parallel_loop3A_637 = arith.constant 768 : index
      %parallel_loop3A_638 = tpu.vector_load %arg5[%parallel_loop3A_636, %parallel_loop3A_637] {strides = array<i32>} : memref<32x1024xf32, #tpu.memory_space<vmem>>, vector<1x16xf32>,
      %parallel_loop3A_639 = vector.shape_cast %parallel_loop3A_638 : vector<1x16xf32> to vector<16xf32>
      %parallel_loop3A_640 = vector.shape_cast %parallel_loop3A_635 : vector<16xf32> to vector<1x16xf32>
      tpu.vector_store %arg5[%parallel_loop3A_636, %parallel_loop3A_637], %parallel_loop3A_640 {strides = array<i32>} : memref<32x1024xf32, #tpu.memory_space<vmem>>, vector<1x16xf32>,
      %parallel_loop3A_641 = arith.index_cast %parallel_loop3A_52 : i32 to index
      %parallel_loop3A_642 = arith.constant 784 : index
      %parallel_loop3A_643 = tpu.vector_load %arg5[%parallel_loop3A_641, %parallel_loop3A_642] {strides = array<i32>} : memref<32x1024xf32, #tpu.memory_space<vmem>>, vector<1x16xf32>,
      %parallel_loop3A_644 = vector.shape_cast %parallel_loop3A_643 : vector<1x16xf32> to vector<16xf32>
      %parallel_loop3A_645 = arith.constant 3.125000e-02 : f32
      %parallel_loop3A_646 = vector.broadcast %parallel_loop3A_645 : f32 to vector<16xf32>
      %parallel_loop3A_647 = arith.mulf %parallel_loop3A_644, %parallel_loop3A_646 : vector<16xf32>
      %parallel_loop3A_648 = arith.index_cast %parallel_loop3A_52 : i32 to index
      %parallel_loop3A_649 = arith.constant 784 : index
      %parallel_loop3A_650 = tpu.vector_load %arg5[%parallel_loop3A_648, %parallel_loop3A_649] {strides = array<i32>} : memref<32x1024xf32, #tpu.memory_space<vmem>>, vector<1x16xf32>,
      %parallel_loop3A_651 = vector.shape_cast %parallel_loop3A_650 : vector<1x16xf32> to vector<16xf32>
      %parallel_loop3A_652 = vector.shape_cast %parallel_loop3A_647 : vector<16xf32> to vector<1x16xf32>
      tpu.vector_store %arg5[%parallel_loop3A_648, %parallel_loop3A_649], %parallel_loop3A_652 {strides = array<i32>} : memref<32x1024xf32, #tpu.memory_space<vmem>>, vector<1x16xf32>,
      %parallel_loop3A_653 = arith.index_cast %parallel_loop3A_52 : i32 to index
      %parallel_loop3A_654 = arith.constant 800 : index
      %parallel_loop3A_655 = tpu.vector_load %arg5[%parallel_loop3A_653, %parallel_loop3A_654] {strides = array<i32>} : memref<32x1024xf32, #tpu.memory_space<vmem>>, vector<1x16xf32>,
      %parallel_loop3A_656 = vector.shape_cast %parallel_loop3A_655 : vector<1x16xf32> to vector<16xf32>
      %parallel_loop3A_657 = arith.constant 3.125000e-02 : f32
      %parallel_loop3A_658 = vector.broadcast %parallel_loop3A_657 : f32 to vector<16xf32>
      %parallel_loop3A_659 = arith.mulf %parallel_loop3A_656, %parallel_loop3A_658 : vector<16xf32>
      %parallel_loop3A_660 = arith.index_cast %parallel_loop3A_52 : i32 to index
      %parallel_loop3A_661 = arith.constant 800 : index
      %parallel_loop3A_662 = tpu.vector_load %arg5[%parallel_loop3A_660, %parallel_loop3A_661] {strides = array<i32>} : memref<32x1024xf32, #tpu.memory_space<vmem>>, vector<1x16xf32>,
      %parallel_loop3A_663 = vector.shape_cast %parallel_loop3A_662 : vector<1x16xf32> to vector<16xf32>
      %parallel_loop3A_664 = vector.shape_cast %parallel_loop3A_659 : vector<16xf32> to vector<1x16xf32>
      tpu.vector_store %arg5[%parallel_loop3A_660, %parallel_loop3A_661], %parallel_loop3A_664 {strides = array<i32>} : memref<32x1024xf32, #tpu.memory_space<vmem>>, vector<1x16xf32>,
      %parallel_loop3A_665 = arith.index_cast %parallel_loop3A_52 : i32 to index
      %parallel_loop3A_666 = arith.constant 816 : index
      %parallel_loop3A_667 = tpu.vector_load %arg5[%parallel_loop3A_665, %parallel_loop3A_666] {strides = array<i32>} : memref<32x1024xf32, #tpu.memory_space<vmem>>, vector<1x16xf32>,
      %parallel_loop3A_668 = vector.shape_cast %parallel_loop3A_667 : vector<1x16xf32> to vector<16xf32>
      %parallel_loop3A_669 = arith.constant 3.125000e-02 : f32
      %parallel_loop3A_670 = vector.broadcast %parallel_loop3A_669 : f32 to vector<16xf32>
      %parallel_loop3A_671 = arith.mulf %parallel_loop3A_668, %parallel_loop3A_670 : vector<16xf32>
      %parallel_loop3A_672 = arith.index_cast %parallel_loop3A_52 : i32 to index
      %parallel_loop3A_673 = arith.constant 816 : index
      %parallel_loop3A_674 = tpu.vector_load %arg5[%parallel_loop3A_672, %parallel_loop3A_673] {strides = array<i32>} : memref<32x1024xf32, #tpu.memory_space<vmem>>, vector<1x16xf32>,
      %parallel_loop3A_675 = vector.shape_cast %parallel_loop3A_674 : vector<1x16xf32> to vector<16xf32>
      %parallel_loop3A_676 = vector.shape_cast %parallel_loop3A_671 : vector<16xf32> to vector<1x16xf32>
      tpu.vector_store %arg5[%parallel_loop3A_672, %parallel_loop3A_673], %parallel_loop3A_676 {strides = array<i32>} : memref<32x1024xf32, #tpu.memory_space<vmem>>, vector<1x16xf32>,
      %parallel_loop3A_677 = arith.index_cast %parallel_loop3A_52 : i32 to index
      %parallel_loop3A_678 = arith.constant 832 : index
      %parallel_loop3A_679 = tpu.vector_load %arg5[%parallel_loop3A_677, %parallel_loop3A_678] {strides = array<i32>} : memref<32x1024xf32, #tpu.memory_space<vmem>>, vector<1x16xf32>,
      %parallel_loop3A_680 = vector.shape_cast %parallel_loop3A_679 : vector<1x16xf32> to vector<16xf32>
      %parallel_loop3A_681 = arith.constant 3.125000e-02 : f32
      %parallel_loop3A_682 = vector.broadcast %parallel_loop3A_681 : f32 to vector<16xf32>
      %parallel_loop3A_683 = arith.mulf %parallel_loop3A_680, %parallel_loop3A_682 : vector<16xf32>
      %parallel_loop3A_684 = arith.index_cast %parallel_loop3A_52 : i32 to index
      %parallel_loop3A_685 = arith.constant 832 : index
      %parallel_loop3A_686 = tpu.vector_load %arg5[%parallel_loop3A_684, %parallel_loop3A_685] {strides = array<i32>} : memref<32x1024xf32, #tpu.memory_space<vmem>>, vector<1x16xf32>,
      %parallel_loop3A_687 = vector.shape_cast %parallel_loop3A_686 : vector<1x16xf32> to vector<16xf32>
      %parallel_loop3A_688 = vector.shape_cast %parallel_loop3A_683 : vector<16xf32> to vector<1x16xf32>
      tpu.vector_store %arg5[%parallel_loop3A_684, %parallel_loop3A_685], %parallel_loop3A_688 {strides = array<i32>} : memref<32x1024xf32, #tpu.memory_space<vmem>>, vector<1x16xf32>,
      %parallel_loop3A_689 = arith.index_cast %parallel_loop3A_52 : i32 to index
      %parallel_loop3A_690 = arith.constant 848 : index
      %parallel_loop3A_691 = tpu.vector_load %arg5[%parallel_loop3A_689, %parallel_loop3A_690] {strides = array<i32>} : memref<32x1024xf32, #tpu.memory_space<vmem>>, vector<1x16xf32>,
      %parallel_loop3A_692 = vector.shape_cast %parallel_loop3A_691 : vector<1x16xf32> to vector<16xf32>
      %parallel_loop3A_693 = arith.constant 3.125000e-02 : f32
      %parallel_loop3A_694 = vector.broadcast %parallel_loop3A_693 : f32 to vector<16xf32>
      %parallel_loop3A_695 = arith.mulf %parallel_loop3A_692, %parallel_loop3A_694 : vector<16xf32>
      %parallel_loop3A_696 = arith.index_cast %parallel_loop3A_52 : i32 to index
      %parallel_loop3A_697 = arith.constant 848 : index
      %parallel_loop3A_698 = tpu.vector_load %arg5[%parallel_loop3A_696, %parallel_loop3A_697] {strides = array<i32>} : memref<32x1024xf32, #tpu.memory_space<vmem>>, vector<1x16xf32>,
      %parallel_loop3A_699 = vector.shape_cast %parallel_loop3A_698 : vector<1x16xf32> to vector<16xf32>
      %parallel_loop3A_700 = vector.shape_cast %parallel_loop3A_695 : vector<16xf32> to vector<1x16xf32>
      tpu.vector_store %arg5[%parallel_loop3A_696, %parallel_loop3A_697], %parallel_loop3A_700 {strides = array<i32>} : memref<32x1024xf32, #tpu.memory_space<vmem>>, vector<1x16xf32>,
      %parallel_loop3A_701 = arith.index_cast %parallel_loop3A_52 : i32 to index
      %parallel_loop3A_702 = arith.constant 864 : index
      %parallel_loop3A_703 = tpu.vector_load %arg5[%parallel_loop3A_701, %parallel_loop3A_702] {strides = array<i32>} : memref<32x1024xf32, #tpu.memory_space<vmem>>, vector<1x16xf32>,
      %parallel_loop3A_704 = vector.shape_cast %parallel_loop3A_703 : vector<1x16xf32> to vector<16xf32>
      %parallel_loop3A_705 = arith.constant 3.125000e-02 : f32
      %parallel_loop3A_706 = vector.broadcast %parallel_loop3A_705 : f32 to vector<16xf32>
      %parallel_loop3A_707 = arith.mulf %parallel_loop3A_704, %parallel_loop3A_706 : vector<16xf32>
      %parallel_loop3A_708 = arith.index_cast %parallel_loop3A_52 : i32 to index
      %parallel_loop3A_709 = arith.constant 864 : index
      %parallel_loop3A_710 = tpu.vector_load %arg5[%parallel_loop3A_708, %parallel_loop3A_709] {strides = array<i32>} : memref<32x1024xf32, #tpu.memory_space<vmem>>, vector<1x16xf32>,
      %parallel_loop3A_711 = vector.shape_cast %parallel_loop3A_710 : vector<1x16xf32> to vector<16xf32>
      %parallel_loop3A_712 = vector.shape_cast %parallel_loop3A_707 : vector<16xf32> to vector<1x16xf32>
      tpu.vector_store %arg5[%parallel_loop3A_708, %parallel_loop3A_709], %parallel_loop3A_712 {strides = array<i32>} : memref<32x1024xf32, #tpu.memory_space<vmem>>, vector<1x16xf32>,
      %parallel_loop3A_713 = arith.index_cast %parallel_loop3A_52 : i32 to index
      %parallel_loop3A_714 = arith.constant 880 : index
      %parallel_loop3A_715 = tpu.vector_load %arg5[%parallel_loop3A_713, %parallel_loop3A_714] {strides = array<i32>} : memref<32x1024xf32, #tpu.memory_space<vmem>>, vector<1x16xf32>,
      %parallel_loop3A_716 = vector.shape_cast %parallel_loop3A_715 : vector<1x16xf32> to vector<16xf32>
      %parallel_loop3A_717 = arith.constant 3.125000e-02 : f32
      %parallel_loop3A_718 = vector.broadcast %parallel_loop3A_717 : f32 to vector<16xf32>
      %parallel_loop3A_719 = arith.mulf %parallel_loop3A_716, %parallel_loop3A_718 : vector<16xf32>
      %parallel_loop3A_720 = arith.index_cast %parallel_loop3A_52 : i32 to index
      %parallel_loop3A_721 = arith.constant 880 : index
      %parallel_loop3A_722 = tpu.vector_load %arg5[%parallel_loop3A_720, %parallel_loop3A_721] {strides = array<i32>} : memref<32x1024xf32, #tpu.memory_space<vmem>>, vector<1x16xf32>,
      %parallel_loop3A_723 = vector.shape_cast %parallel_loop3A_722 : vector<1x16xf32> to vector<16xf32>
      %parallel_loop3A_724 = vector.shape_cast %parallel_loop3A_719 : vector<16xf32> to vector<1x16xf32>
      tpu.vector_store %arg5[%parallel_loop3A_720, %parallel_loop3A_721], %parallel_loop3A_724 {strides = array<i32>} : memref<32x1024xf32, #tpu.memory_space<vmem>>, vector<1x16xf32>,
      %parallel_loop3A_725 = arith.index_cast %parallel_loop3A_52 : i32 to index
      %parallel_loop3A_726 = arith.constant 896 : index
      %parallel_loop3A_727 = tpu.vector_load %arg5[%parallel_loop3A_725, %parallel_loop3A_726] {strides = array<i32>} : memref<32x1024xf32, #tpu.memory_space<vmem>>, vector<1x16xf32>,
      %parallel_loop3A_728 = vector.shape_cast %parallel_loop3A_727 : vector<1x16xf32> to vector<16xf32>
      %parallel_loop3A_729 = arith.constant 3.125000e-02 : f32
      %parallel_loop3A_730 = vector.broadcast %parallel_loop3A_729 : f32 to vector<16xf32>
      %parallel_loop3A_731 = arith.mulf %parallel_loop3A_728, %parallel_loop3A_730 : vector<16xf32>
      %parallel_loop3A_732 = arith.index_cast %parallel_loop3A_52 : i32 to index
      %parallel_loop3A_733 = arith.constant 896 : index
      %parallel_loop3A_734 = tpu.vector_load %arg5[%parallel_loop3A_732, %parallel_loop3A_733] {strides = array<i32>} : memref<32x1024xf32, #tpu.memory_space<vmem>>, vector<1x16xf32>,
      %parallel_loop3A_735 = vector.shape_cast %parallel_loop3A_734 : vector<1x16xf32> to vector<16xf32>
      %parallel_loop3A_736 = vector.shape_cast %parallel_loop3A_731 : vector<16xf32> to vector<1x16xf32>
      tpu.vector_store %arg5[%parallel_loop3A_732, %parallel_loop3A_733], %parallel_loop3A_736 {strides = array<i32>} : memref<32x1024xf32, #tpu.memory_space<vmem>>, vector<1x16xf32>,
      %parallel_loop3A_737 = arith.index_cast %parallel_loop3A_52 : i32 to index
      %parallel_loop3A_738 = arith.constant 912 : index
      %parallel_loop3A_739 = tpu.vector_load %arg5[%parallel_loop3A_737, %parallel_loop3A_738] {strides = array<i32>} : memref<32x1024xf32, #tpu.memory_space<vmem>>, vector<1x16xf32>,
      %parallel_loop3A_740 = vector.shape_cast %parallel_loop3A_739 : vector<1x16xf32> to vector<16xf32>
      %parallel_loop3A_741 = arith.constant 3.125000e-02 : f32
      %parallel_loop3A_742 = vector.broadcast %parallel_loop3A_741 : f32 to vector<16xf32>
      %parallel_loop3A_743 = arith.mulf %parallel_loop3A_740, %parallel_loop3A_742 : vector<16xf32>
      %parallel_loop3A_744 = arith.index_cast %parallel_loop3A_52 : i32 to index
      %parallel_loop3A_745 = arith.constant 912 : index
      %parallel_loop3A_746 = tpu.vector_load %arg5[%parallel_loop3A_744, %parallel_loop3A_745] {strides = array<i32>} : memref<32x1024xf32, #tpu.memory_space<vmem>>, vector<1x16xf32>,
      %parallel_loop3A_747 = vector.shape_cast %parallel_loop3A_746 : vector<1x16xf32> to vector<16xf32>
      %parallel_loop3A_748 = vector.shape_cast %parallel_loop3A_743 : vector<16xf32> to vector<1x16xf32>
      tpu.vector_store %arg5[%parallel_loop3A_744, %parallel_loop3A_745], %parallel_loop3A_748 {strides = array<i32>} : memref<32x1024xf32, #tpu.memory_space<vmem>>, vector<1x16xf32>,
      %parallel_loop3A_749 = arith.index_cast %parallel_loop3A_52 : i32 to index
      %parallel_loop3A_750 = arith.constant 928 : index
      %parallel_loop3A_751 = tpu.vector_load %arg5[%parallel_loop3A_749, %parallel_loop3A_750] {strides = array<i32>} : memref<32x1024xf32, #tpu.memory_space<vmem>>, vector<1x16xf32>,
      %parallel_loop3A_752 = vector.shape_cast %parallel_loop3A_751 : vector<1x16xf32> to vector<16xf32>
      %parallel_loop3A_753 = arith.constant 3.125000e-02 : f32
      %parallel_loop3A_754 = vector.broadcast %parallel_loop3A_753 : f32 to vector<16xf32>
      %parallel_loop3A_755 = arith.mulf %parallel_loop3A_752, %parallel_loop3A_754 : vector<16xf32>
      %parallel_loop3A_756 = arith.index_cast %parallel_loop3A_52 : i32 to index
      %parallel_loop3A_757 = arith.constant 928 : index
      %parallel_loop3A_758 = tpu.vector_load %arg5[%parallel_loop3A_756, %parallel_loop3A_757] {strides = array<i32>} : memref<32x1024xf32, #tpu.memory_space<vmem>>, vector<1x16xf32>,
      %parallel_loop3A_759 = vector.shape_cast %parallel_loop3A_758 : vector<1x16xf32> to vector<16xf32>
      %parallel_loop3A_760 = vector.shape_cast %parallel_loop3A_755 : vector<16xf32> to vector<1x16xf32>
      tpu.vector_store %arg5[%parallel_loop3A_756, %parallel_loop3A_757], %parallel_loop3A_760 {strides = array<i32>} : memref<32x1024xf32, #tpu.memory_space<vmem>>, vector<1x16xf32>,
      %parallel_loop3A_761 = arith.index_cast %parallel_loop3A_52 : i32 to index
      %parallel_loop3A_762 = arith.constant 944 : index
      %parallel_loop3A_763 = tpu.vector_load %arg5[%parallel_loop3A_761, %parallel_loop3A_762] {strides = array<i32>} : memref<32x1024xf32, #tpu.memory_space<vmem>>, vector<1x16xf32>,
      %parallel_loop3A_764 = vector.shape_cast %parallel_loop3A_763 : vector<1x16xf32> to vector<16xf32>
      %parallel_loop3A_765 = arith.constant 3.125000e-02 : f32
      %parallel_loop3A_766 = vector.broadcast %parallel_loop3A_765 : f32 to vector<16xf32>
      %parallel_loop3A_767 = arith.mulf %parallel_loop3A_764, %parallel_loop3A_766 : vector<16xf32>
      %parallel_loop3A_768 = arith.index_cast %parallel_loop3A_52 : i32 to index
      %parallel_loop3A_769 = arith.constant 944 : index
      %parallel_loop3A_770 = tpu.vector_load %arg5[%parallel_loop3A_768, %parallel_loop3A_769] {strides = array<i32>} : memref<32x1024xf32, #tpu.memory_space<vmem>>, vector<1x16xf32>,
      %parallel_loop3A_771 = vector.shape_cast %parallel_loop3A_770 : vector<1x16xf32> to vector<16xf32>
      %parallel_loop3A_772 = vector.shape_cast %parallel_loop3A_767 : vector<16xf32> to vector<1x16xf32>
      tpu.vector_store %arg5[%parallel_loop3A_768, %parallel_loop3A_769], %parallel_loop3A_772 {strides = array<i32>} : memref<32x1024xf32, #tpu.memory_space<vmem>>, vector<1x16xf32>,
      %parallel_loop3A_773 = arith.index_cast %parallel_loop3A_52 : i32 to index
      %parallel_loop3A_774 = arith.constant 960 : index
      %parallel_loop3A_775 = tpu.vector_load %arg5[%parallel_loop3A_773, %parallel_loop3A_774] {strides = array<i32>} : memref<32x1024xf32, #tpu.memory_space<vmem>>, vector<1x16xf32>,
      %parallel_loop3A_776 = vector.shape_cast %parallel_loop3A_775 : vector<1x16xf32> to vector<16xf32>
      %parallel_loop3A_777 = arith.constant 3.125000e-02 : f32
      %parallel_loop3A_778 = vector.broadcast %parallel_loop3A_777 : f32 to vector<16xf32>
      %parallel_loop3A_779 = arith.mulf %parallel_loop3A_776, %parallel_loop3A_778 : vector<16xf32>
      %parallel_loop3A_780 = arith.index_cast %parallel_loop3A_52 : i32 to index
      %parallel_loop3A_781 = arith.constant 960 : index
      %parallel_loop3A_782 = tpu.vector_load %arg5[%parallel_loop3A_780, %parallel_loop3A_781] {strides = array<i32>} : memref<32x1024xf32, #tpu.memory_space<vmem>>, vector<1x16xf32>,
      %parallel_loop3A_783 = vector.shape_cast %parallel_loop3A_782 : vector<1x16xf32> to vector<16xf32>
      %parallel_loop3A_784 = vector.shape_cast %parallel_loop3A_779 : vector<16xf32> to vector<1x16xf32>
      tpu.vector_store %arg5[%parallel_loop3A_780, %parallel_loop3A_781], %parallel_loop3A_784 {strides = array<i32>} : memref<32x1024xf32, #tpu.memory_space<vmem>>, vector<1x16xf32>,
      %parallel_loop3A_785 = arith.index_cast %parallel_loop3A_52 : i32 to index
      %parallel_loop3A_786 = arith.constant 976 : index
      %parallel_loop3A_787 = tpu.vector_load %arg5[%parallel_loop3A_785, %parallel_loop3A_786] {strides = array<i32>} : memref<32x1024xf32, #tpu.memory_space<vmem>>, vector<1x16xf32>,
      %parallel_loop3A_788 = vector.shape_cast %parallel_loop3A_787 : vector<1x16xf32> to vector<16xf32>
      %parallel_loop3A_789 = arith.constant 3.125000e-02 : f32
      %parallel_loop3A_790 = vector.broadcast %parallel_loop3A_789 : f32 to vector<16xf32>
      %parallel_loop3A_791 = arith.mulf %parallel_loop3A_788, %parallel_loop3A_790 : vector<16xf32>
      %parallel_loop3A_792 = arith.index_cast %parallel_loop3A_52 : i32 to index
      %parallel_loop3A_793 = arith.constant 976 : index
      %parallel_loop3A_794 = tpu.vector_load %arg5[%parallel_loop3A_792, %parallel_loop3A_793] {strides = array<i32>} : memref<32x1024xf32, #tpu.memory_space<vmem>>, vector<1x16xf32>,
      %parallel_loop3A_795 = vector.shape_cast %parallel_loop3A_794 : vector<1x16xf32> to vector<16xf32>
      %parallel_loop3A_796 = vector.shape_cast %parallel_loop3A_791 : vector<16xf32> to vector<1x16xf32>
      tpu.vector_store %arg5[%parallel_loop3A_792, %parallel_loop3A_793], %parallel_loop3A_796 {strides = array<i32>} : memref<32x1024xf32, #tpu.memory_space<vmem>>, vector<1x16xf32>,
      %parallel_loop3A_797 = arith.index_cast %parallel_loop3A_52 : i32 to index
      %parallel_loop3A_798 = arith.constant 992 : index
      %parallel_loop3A_799 = tpu.vector_load %arg5[%parallel_loop3A_797, %parallel_loop3A_798] {strides = array<i32>} : memref<32x1024xf32, #tpu.memory_space<vmem>>, vector<1x16xf32>,
      %parallel_loop3A_800 = vector.shape_cast %parallel_loop3A_799 : vector<1x16xf32> to vector<16xf32>
      %parallel_loop3A_801 = arith.constant 3.125000e-02 : f32
      %parallel_loop3A_802 = vector.broadcast %parallel_loop3A_801 : f32 to vector<16xf32>
      %parallel_loop3A_803 = arith.mulf %parallel_loop3A_800, %parallel_loop3A_802 : vector<16xf32>
      %parallel_loop3A_804 = arith.index_cast %parallel_loop3A_52 : i32 to index
      %parallel_loop3A_805 = arith.constant 992 : index
      %parallel_loop3A_806 = tpu.vector_load %arg5[%parallel_loop3A_804, %parallel_loop3A_805] {strides = array<i32>} : memref<32x1024xf32, #tpu.memory_space<vmem>>, vector<1x16xf32>,
      %parallel_loop3A_807 = vector.shape_cast %parallel_loop3A_806 : vector<1x16xf32> to vector<16xf32>
      %parallel_loop3A_808 = vector.shape_cast %parallel_loop3A_803 : vector<16xf32> to vector<1x16xf32>
      tpu.vector_store %arg5[%parallel_loop3A_804, %parallel_loop3A_805], %parallel_loop3A_808 {strides = array<i32>} : memref<32x1024xf32, #tpu.memory_space<vmem>>, vector<1x16xf32>,
      %parallel_loop3A_809 = arith.index_cast %parallel_loop3A_52 : i32 to index
      %parallel_loop3A_810 = arith.constant 1008 : index
      %parallel_loop3A_811 = tpu.vector_load %arg5[%parallel_loop3A_809, %parallel_loop3A_810] {strides = array<i32>} : memref<32x1024xf32, #tpu.memory_space<vmem>>, vector<1x16xf32>,
      %parallel_loop3A_812 = vector.shape_cast %parallel_loop3A_811 : vector<1x16xf32> to vector<16xf32>
      %parallel_loop3A_813 = arith.constant 3.125000e-02 : f32
      %parallel_loop3A_814 = vector.broadcast %parallel_loop3A_813 : f32 to vector<16xf32>
      %parallel_loop3A_815 = arith.mulf %parallel_loop3A_812, %parallel_loop3A_814 : vector<16xf32>
      %parallel_loop3A_816 = arith.index_cast %parallel_loop3A_52 : i32 to index
      %parallel_loop3A_817 = arith.constant 1008 : index
      %parallel_loop3A_818 = tpu.vector_load %arg5[%parallel_loop3A_816, %parallel_loop3A_817] {strides = array<i32>} : memref<32x1024xf32, #tpu.memory_space<vmem>>, vector<1x16xf32>,
      %parallel_loop3A_819 = vector.shape_cast %parallel_loop3A_818 : vector<1x16xf32> to vector<16xf32>
      %parallel_loop3A_820 = vector.shape_cast %parallel_loop3A_815 : vector<16xf32> to vector<1x16xf32>
      tpu.vector_store %arg5[%parallel_loop3A_816, %parallel_loop3A_817], %parallel_loop3A_820 {strides = array<i32>} : memref<32x1024xf32, #tpu.memory_space<vmem>>, vector<1x16xf32>,
    } {sc.loop_unroll_factor = 1 : i64, sc.parallel_access}
    %add3A_32 = arith.constant 32 : i32
    %add3A_33 = arith.addi %mul3A_2, %add3A_32 : i32
    %dma_start3A_34 = arith.constant 0 : i32
    %dma_start3A_35 = tpu.memref_slice %arg3[%add3A_33, %dma_start3A_34] : memref<8192x1024xf32, #tpu.memory_space<hbm>> -> memref<32x1024xf32, #tpu.memory_space<hbm>>
    %dma_start3A_36 = arith.constant 0 : i32
    %dma_start3A_37 = tpu.memref_slice %arg3[%add3A_33, %dma_start3A_36] : memref<8192x1024xf32, #tpu.memory_space<hbm>> -> memref<32x1024xf32, #tpu.memory_space<hbm>>
    tpu.enqueue_dma source(%arg5 : memref<32x1024xf32, #tpu.memory_space<vmem>>) target(%dma_start3A_37 : memref<32x1024xf32, #tpu.memory_space<hbm>>) target_semaphore(%arg9 : memref<!tpu.dma_semaphore, #tpu.memory_space<semaphore_mem>>)
    %scan3A = arith.constant 0 : i32
    %scan3A_38 = arith.constant 1 : i32
    %scan3A_39 = arith.constant 3 : i32
    %scan3A_40 = arith.addi %scan3A_38, %scan3A_39 : i32
    %scan3A_41 = arith.constant 1 : i32
    %scan3A_42 = scf.for %scan3A_52 = %scan3A_38 to %scan3A_40 step %scan3A_41 iter_args(%scan3A_53 = %scan3A) -> (i32)  : i32 {
      %mul3A_54 = arith.constant 2 : i32
      %mul3A_55 = arith.muli %mul3A_54, %scan3A_52 : i32
      %dma_wait3A_56 = arith.constant 0 : i32
      %dma_wait3A_57 = tpu.memref_slice %arg3[%mul3A_2, %dma_wait3A_56] : memref<8192x1024xf32, #tpu.memory_space<hbm>> -> memref<32x1024xf32, #tpu.memory_space<hbm>>
      %dma_wait3A_58 = arith.constant 0 : i32
      %dma_wait3A_59 = tpu.memref_slice %arg3[%mul3A_2, %dma_wait3A_58] : memref<8192x1024xf32, #tpu.memory_space<hbm>> -> memref<32x1024xf32, #tpu.memory_space<hbm>>
      tpu.wait_dma2 semaphore(%arg8 : memref<!tpu.dma_semaphore, #tpu.memory_space<semaphore_mem>>) src(%arg4 : memref<32x1024xf32, #tpu.memory_space<vmem>>) dst(%dma_wait3A_59 : memref<32x1024xf32, #tpu.memory_space<hbm>>)
      %mul3A_60 = arith.constant 32 : i32
      %mul3A_61 = arith.muli %mul3A_55, %mul3A_60 : i32
      %add3A_62 = arith.addi %mul3A_2, %mul3A_61 : i32
      %dma_start3A_63 = arith.constant 0 : i32
      %dma_start3A_64 = tpu.memref_slice %arg2[%add3A_62, %dma_start3A_63] : memref<8192x1024xf32, #tpu.memory_space<hbm>> -> memref<32x1024xf32, #tpu.memory_space<hbm>>
      %dma_start3A_65 = arith.constant 0 : i32
      %dma_start3A_66 = tpu.memref_slice %arg2[%add3A_62, %dma_start3A_65] : memref<8192x1024xf32, #tpu.memory_space<hbm>> -> memref<32x1024xf32, #tpu.memory_space<hbm>>
      tpu.enqueue_dma source(%dma_start3A_66 : memref<32x1024xf32, #tpu.memory_space<hbm>>) target(%arg4 : memref<32x1024xf32, #tpu.memory_space<vmem>>) target_semaphore(%arg6 : memref<!tpu.dma_semaphore, #tpu.memory_space<semaphore_mem>>)
      %dma_wait3A_67 = arith.constant 0 : i32
      %dma_wait3A_68 = tpu.memref_slice %arg2[%mul3A_2, %dma_wait3A_67] : memref<8192x1024xf32, #tpu.memory_space<hbm>> -> memref<32x1024xf32, #tpu.memory_space<hbm>>
      %dma_wait3A_69 = arith.constant 0 : i32
      %dma_wait3A_70 = tpu.memref_slice %arg2[%mul3A_2, %dma_wait3A_69] : memref<8192x1024xf32, #tpu.memory_space<hbm>> -> memref<32x1024xf32, #tpu.memory_space<hbm>>
      tpu.wait_dma2 semaphore(%arg6 : memref<!tpu.dma_semaphore, #tpu.memory_space<semaphore_mem>>) src(%dma_wait3A_70 : memref<32x1024xf32, #tpu.memory_space<hbm>>) dst(%arg4 : memref<32x1024xf32, #tpu.memory_space<vmem>>)
      %parallel_loop3A_71 = arith.constant 0 : i32
      %parallel_loop3A_72 = arith.constant 32 : i32
      %parallel_loop3A_73 = arith.constant 1 : i32
      scf.for %parallel_loop3A_111 = %parallel_loop3A_71 to %parallel_loop3A_72 step %parallel_loop3A_73  : i32 {
        %parallel_loop3A_112 = arith.index_cast %parallel_loop3A_111 : i32 to index
        %parallel_loop3A_113 = arith.constant 0 : index
        %parallel_loop3A_114 = tpu.vector_load %arg4[%parallel_loop3A_112, %parallel_loop3A_113] {strides = array<i32>} : memref<32x1024xf32, #tpu.memory_space<vmem>>, vector<1x16xf32>,
        %parallel_loop3A_115 = vector.shape_cast %parallel_loop3A_114 : vector<1x16xf32> to vector<16xf32>
        %parallel_loop3A_116 = arith.constant 3.125000e-02 : f32
        %parallel_loop3A_117 = vector.broadcast %parallel_loop3A_116 : f32 to vector<16xf32>
        %parallel_loop3A_118 = arith.mulf %parallel_loop3A_115, %parallel_loop3A_117 : vector<16xf32>
        %parallel_loop3A_119 = arith.index_cast %parallel_loop3A_111 : i32 to index
        %parallel_loop3A_120 = arith.constant 0 : index
        %parallel_loop3A_121 = tpu.vector_load %arg4[%parallel_loop3A_119, %parallel_loop3A_120] {strides = array<i32>} : memref<32x1024xf32, #tpu.memory_space<vmem>>, vector<1x16xf32>,
        %parallel_loop3A_122 = vector.shape_cast %parallel_loop3A_121 : vector<1x16xf32> to vector<16xf32>
        %parallel_loop3A_123 = vector.shape_cast %parallel_loop3A_118 : vector<16xf32> to vector<1x16xf32>
        tpu.vector_store %arg4[%parallel_loop3A_119, %parallel_loop3A_120], %parallel_loop3A_123 {strides = array<i32>} : memref<32x1024xf32, #tpu.memory_space<vmem>>, vector<1x16xf32>,
        %parallel_loop3A_124 = arith.index_cast %parallel_loop3A_111 : i32 to index
        %parallel_loop3A_125 = arith.constant 16 : index
        %parallel_loop3A_126 = tpu.vector_load %arg4[%parallel_loop3A_124, %parallel_loop3A_125] {strides = array<i32>} : memref<32x1024xf32, #tpu.memory_space<vmem>>, vector<1x16xf32>,
        %parallel_loop3A_127 = vector.shape_cast %parallel_loop3A_126 : vector<1x16xf32> to vector<16xf32>
        %parallel_loop3A_128 = arith.constant 3.125000e-02 : f32
        %parallel_loop3A_129 = vector.broadcast %parallel_loop3A_128 : f32 to vector<16xf32>
        %parallel_loop3A_130 = arith.mulf %parallel_loop3A_127, %parallel_loop3A_129 : vector<16xf32>
        %parallel_loop3A_131 = arith.index_cast %parallel_loop3A_111 : i32 to index
        %parallel_loop3A_132 = arith.constant 16 : index
        %parallel_loop3A_133 = tpu.vector_load %arg4[%parallel_loop3A_131, %parallel_loop3A_132] {strides = array<i32>} : memref<32x1024xf32, #tpu.memory_space<vmem>>, vector<1x16xf32>,
        %parallel_loop3A_134 = vector.shape_cast %parallel_loop3A_133 : vector<1x16xf32> to vector<16xf32>
        %parallel_loop3A_135 = vector.shape_cast %parallel_loop3A_130 : vector<16xf32> to vector<1x16xf32>
        tpu.vector_store %arg4[%parallel_loop3A_131, %parallel_loop3A_132], %parallel_loop3A_135 {strides = array<i32>} : memref<32x1024xf32, #tpu.memory_space<vmem>>, vector<1x16xf32>,
        %parallel_loop3A_136 = arith.index_cast %parallel_loop3A_111 : i32 to index
        %parallel_loop3A_137 = arith.constant 32 : index
        %parallel_loop3A_138 = tpu.vector_load %arg4[%parallel_loop3A_136, %parallel_loop3A_137] {strides = array<i32>} : memref<32x1024xf32, #tpu.memory_space<vmem>>, vector<1x16xf32>,
        %parallel_loop3A_139 = vector.shape_cast %parallel_loop3A_138 : vector<1x16xf32> to vector<16xf32>
        %parallel_loop3A_140 = arith.constant 3.125000e-02 : f32
        %parallel_loop3A_141 = vector.broadcast %parallel_loop3A_140 : f32 to vector<16xf32>
        %parallel_loop3A_142 = arith.mulf %parallel_loop3A_139, %parallel_loop3A_141 : vector<16xf32>
        %parallel_loop3A_143 = arith.index_cast %parallel_loop3A_111 : i32 to index
        %parallel_loop3A_144 = arith.constant 32 : index
        %parallel_loop3A_145 = tpu.vector_load %arg4[%parallel_loop3A_143, %parallel_loop3A_144] {strides = array<i32>} : memref<32x1024xf32, #tpu.memory_space<vmem>>, vector<1x16xf32>,
        %parallel_loop3A_146 = vector.shape_cast %parallel_loop3A_145 : vector<1x16xf32> to vector<16xf32>
        %parallel_loop3A_147 = vector.shape_cast %parallel_loop3A_142 : vector<16xf32> to vector<1x16xf32>
        tpu.vector_store %arg4[%parallel_loop3A_143, %parallel_loop3A_144], %parallel_loop3A_147 {strides = array<i32>} : memref<32x1024xf32, #tpu.memory_space<vmem>>, vector<1x16xf32>,
        %parallel_loop3A_148 = arith.index_cast %parallel_loop3A_111 : i32 to index
        %parallel_loop3A_149 = arith.constant 48 : index
        %parallel_loop3A_150 = tpu.vector_load %arg4[%parallel_loop3A_148, %parallel_loop3A_149] {strides = array<i32>} : memref<32x1024xf32, #tpu.memory_space<vmem>>, vector<1x16xf32>,
        %parallel_loop3A_151 = vector.shape_cast %parallel_loop3A_150 : vector<1x16xf32> to vector<16xf32>
        %parallel_loop3A_152 = arith.constant 3.125000e-02 : f32
        %parallel_loop3A_153 = vector.broadcast %parallel_loop3A_152 : f32 to vector<16xf32>
        %parallel_loop3A_154 = arith.mulf %parallel_loop3A_151, %parallel_loop3A_153 : vector<16xf32>
        %parallel_loop3A_155 = arith.index_cast %parallel_loop3A_111 : i32 to index
        %parallel_loop3A_156 = arith.constant 48 : index
        %parallel_loop3A_157 = tpu.vector_load %arg4[%parallel_loop3A_155, %parallel_loop3A_156] {strides = array<i32>} : memref<32x1024xf32, #tpu.memory_space<vmem>>, vector<1x16xf32>,
        %parallel_loop3A_158 = vector.shape_cast %parallel_loop3A_157 : vector<1x16xf32> to vector<16xf32>
        %parallel_loop3A_159 = vector.shape_cast %parallel_loop3A_154 : vector<16xf32> to vector<1x16xf32>
        tpu.vector_store %arg4[%parallel_loop3A_155, %parallel_loop3A_156], %parallel_loop3A_159 {strides = array<i32>} : memref<32x1024xf32, #tpu.memory_space<vmem>>, vector<1x16xf32>,
        %parallel_loop3A_160 = arith.index_cast %parallel_loop3A_111 : i32 to index
        %parallel_loop3A_161 = arith.constant 64 : index
        %parallel_loop3A_162 = tpu.vector_load %arg4[%parallel_loop3A_160, %parallel_loop3A_161] {strides = array<i32>} : memref<32x1024xf32, #tpu.memory_space<vmem>>, vector<1x16xf32>,
        %parallel_loop3A_163 = vector.shape_cast %parallel_loop3A_162 : vector<1x16xf32> to vector<16xf32>
        %parallel_loop3A_164 = arith.constant 3.125000e-02 : f32
        %parallel_loop3A_165 = vector.broadcast %parallel_loop3A_164 : f32 to vector<16xf32>
        %parallel_loop3A_166 = arith.mulf %parallel_loop3A_163, %parallel_loop3A_165 : vector<16xf32>
        %parallel_loop3A_167 = arith.index_cast %parallel_loop3A_111 : i32 to index
        %parallel_loop3A_168 = arith.constant 64 : index
        %parallel_loop3A_169 = tpu.vector_load %arg4[%parallel_loop3A_167, %parallel_loop3A_168] {strides = array<i32>} : memref<32x1024xf32, #tpu.memory_space<vmem>>, vector<1x16xf32>,
        %parallel_loop3A_170 = vector.shape_cast %parallel_loop3A_169 : vector<1x16xf32> to vector<16xf32>
        %parallel_loop3A_171 = vector.shape_cast %parallel_loop3A_166 : vector<16xf32> to vector<1x16xf32>
        tpu.vector_store %arg4[%parallel_loop3A_167, %parallel_loop3A_168], %parallel_loop3A_171 {strides = array<i32>} : memref<32x1024xf32, #tpu.memory_space<vmem>>, vector<1x16xf32>,
        %parallel_loop3A_172 = arith.index_cast %parallel_loop3A_111 : i32 to index
        %parallel_loop3A_173 = arith.constant 80 : index
        %parallel_loop3A_174 = tpu.vector_load %arg4[%parallel_loop3A_172, %parallel_loop3A_173] {strides = array<i32>} : memref<32x1024xf32, #tpu.memory_space<vmem>>, vector<1x16xf32>,
        %parallel_loop3A_175 = vector.shape_cast %parallel_loop3A_174 : vector<1x16xf32> to vector<16xf32>
        %parallel_loop3A_176 = arith.constant 3.125000e-02 : f32
        %parallel_loop3A_177 = vector.broadcast %parallel_loop3A_176 : f32 to vector<16xf32>
        %parallel_loop3A_178 = arith.mulf %parallel_loop3A_175, %parallel_loop3A_177 : vector<16xf32>
        %parallel_loop3A_179 = arith.index_cast %parallel_loop3A_111 : i32 to index
        %parallel_loop3A_180 = arith.constant 80 : index
        %parallel_loop3A_181 = tpu.vector_load %arg4[%parallel_loop3A_179, %parallel_loop3A_180] {strides = array<i32>} : memref<32x1024xf32, #tpu.memory_space<vmem>>, vector<1x16xf32>,
        %parallel_loop3A_182 = vector.shape_cast %parallel_loop3A_181 : vector<1x16xf32> to vector<16xf32>
        %parallel_loop3A_183 = vector.shape_cast %parallel_loop3A_178 : vector<16xf32> to vector<1x16xf32>
        tpu.vector_store %arg4[%parallel_loop3A_179, %parallel_loop3A_180], %parallel_loop3A_183 {strides = array<i32>} : memref<32x1024xf32, #tpu.memory_space<vmem>>, vector<1x16xf32>,
        %parallel_loop3A_184 = arith.index_cast %parallel_loop3A_111 : i32 to index
        %parallel_loop3A_185 = arith.constant 96 : index
        %parallel_loop3A_186 = tpu.vector_load %arg4[%parallel_loop3A_184, %parallel_loop3A_185] {strides = array<i32>} : memref<32x1024xf32, #tpu.memory_space<vmem>>, vector<1x16xf32>,
        %parallel_loop3A_187 = vector.shape_cast %parallel_loop3A_186 : vector<1x16xf32> to vector<16xf32>
        %parallel_loop3A_188 = arith.constant 3.125000e-02 : f32
        %parallel_loop3A_189 = vector.broadcast %parallel_loop3A_188 : f32 to vector<16xf32>
        %parallel_loop3A_190 = arith.mulf %parallel_loop3A_187, %parallel_loop3A_189 : vector<16xf32>
        %parallel_loop3A_191 = arith.index_cast %parallel_loop3A_111 : i32 to index
        %parallel_loop3A_192 = arith.constant 96 : index
        %parallel_loop3A_193 = tpu.vector_load %arg4[%parallel_loop3A_191, %parallel_loop3A_192] {strides = array<i32>} : memref<32x1024xf32, #tpu.memory_space<vmem>>, vector<1x16xf32>,
        %parallel_loop3A_194 = vector.shape_cast %parallel_loop3A_193 : vector<1x16xf32> to vector<16xf32>
        %parallel_loop3A_195 = vector.shape_cast %parallel_loop3A_190 : vector<16xf32> to vector<1x16xf32>
        tpu.vector_store %arg4[%parallel_loop3A_191, %parallel_loop3A_192], %parallel_loop3A_195 {strides = array<i32>} : memref<32x1024xf32, #tpu.memory_space<vmem>>, vector<1x16xf32>,
        %parallel_loop3A_196 = arith.index_cast %parallel_loop3A_111 : i32 to index
        %parallel_loop3A_197 = arith.constant 112 : index
        %parallel_loop3A_198 = tpu.vector_load %arg4[%parallel_loop3A_196, %parallel_loop3A_197] {strides = array<i32>} : memref<32x1024xf32, #tpu.memory_space<vmem>>, vector<1x16xf32>,
        %parallel_loop3A_199 = vector.shape_cast %parallel_loop3A_198 : vector<1x16xf32> to vector<16xf32>
        %parallel_loop3A_200 = arith.constant 3.125000e-02 : f32
        %parallel_loop3A_201 = vector.broadcast %parallel_loop3A_200 : f32 to vector<16xf32>
        %parallel_loop3A_202 = arith.mulf %parallel_loop3A_199, %parallel_loop3A_201 : vector<16xf32>
        %parallel_loop3A_203 = arith.index_cast %parallel_loop3A_111 : i32 to index
        %parallel_loop3A_204 = arith.constant 112 : index
        %parallel_loop3A_205 = tpu.vector_load %arg4[%parallel_loop3A_203, %parallel_loop3A_204] {strides = array<i32>} : memref<32x1024xf32, #tpu.memory_space<vmem>>, vector<1x16xf32>,
        %parallel_loop3A_206 = vector.shape_cast %parallel_loop3A_205 : vector<1x16xf32> to vector<16xf32>
        %parallel_loop3A_207 = vector.shape_cast %parallel_loop3A_202 : vector<16xf32> to vector<1x16xf32>
        tpu.vector_store %arg4[%parallel_loop3A_203, %parallel_loop3A_204], %parallel_loop3A_207 {strides = array<i32>} : memref<32x1024xf32, #tpu.memory_space<vmem>>, vector<1x16xf32>,
        %parallel_loop3A_208 = arith.index_cast %parallel_loop3A_111 : i32 to index
        %parallel_loop3A_209 = arith.constant 128 : index
        %parallel_loop3A_210 = tpu.vector_load %arg4[%parallel_loop3A_208, %parallel_loop3A_209] {strides = array<i32>} : memref<32x1024xf32, #tpu.memory_space<vmem>>, vector<1x16xf32>,
        %parallel_loop3A_211 = vector.shape_cast %parallel_loop3A_210 : vector<1x16xf32> to vector<16xf32>
        %parallel_loop3A_212 = arith.constant 3.125000e-02 : f32
        %parallel_loop3A_213 = vector.broadcast %parallel_loop3A_212 : f32 to vector<16xf32>
        %parallel_loop3A_214 = arith.mulf %parallel_loop3A_211, %parallel_loop3A_213 : vector<16xf32>
        %parallel_loop3A_215 = arith.index_cast %parallel_loop3A_111 : i32 to index
        %parallel_loop3A_216 = arith.constant 128 : index
        %parallel_loop3A_217 = tpu.vector_load %arg4[%parallel_loop3A_215, %parallel_loop3A_216] {strides = array<i32>} : memref<32x1024xf32, #tpu.memory_space<vmem>>, vector<1x16xf32>,
        %parallel_loop3A_218 = vector.shape_cast %parallel_loop3A_217 : vector<1x16xf32> to vector<16xf32>
        %parallel_loop3A_219 = vector.shape_cast %parallel_loop3A_214 : vector<16xf32> to vector<1x16xf32>
        tpu.vector_store %arg4[%parallel_loop3A_215, %parallel_loop3A_216], %parallel_loop3A_219 {strides = array<i32>} : memref<32x1024xf32, #tpu.memory_space<vmem>>, vector<1x16xf32>,
        %parallel_loop3A_220 = arith.index_cast %parallel_loop3A_111 : i32 to index
        %parallel_loop3A_221 = arith.constant 144 : index
        %parallel_loop3A_222 = tpu.vector_load %arg4[%parallel_loop3A_220, %parallel_loop3A_221] {strides = array<i32>} : memref<32x1024xf32, #tpu.memory_space<vmem>>, vector<1x16xf32>,
        %parallel_loop3A_223 = vector.shape_cast %parallel_loop3A_222 : vector<1x16xf32> to vector<16xf32>
        %parallel_loop3A_224 = arith.constant 3.125000e-02 : f32
        %parallel_loop3A_225 = vector.broadcast %parallel_loop3A_224 : f32 to vector<16xf32>
        %parallel_loop3A_226 = arith.mulf %parallel_loop3A_223, %parallel_loop3A_225 : vector<16xf32>
        %parallel_loop3A_227 = arith.index_cast %parallel_loop3A_111 : i32 to index
        %parallel_loop3A_228 = arith.constant 144 : index
        %parallel_loop3A_229 = tpu.vector_load %arg4[%parallel_loop3A_227, %parallel_loop3A_228] {strides = array<i32>} : memref<32x1024xf32, #tpu.memory_space<vmem>>, vector<1x16xf32>,
        %parallel_loop3A_230 = vector.shape_cast %parallel_loop3A_229 : vector<1x16xf32> to vector<16xf32>
        %parallel_loop3A_231 = vector.shape_cast %parallel_loop3A_226 : vector<16xf32> to vector<1x16xf32>
        tpu.vector_store %arg4[%parallel_loop3A_227, %parallel_loop3A_228], %parallel_loop3A_231 {strides = array<i32>} : memref<32x1024xf32, #tpu.memory_space<vmem>>, vector<1x16xf32>,
        %parallel_loop3A_232 = arith.index_cast %parallel_loop3A_111 : i32 to index
        %parallel_loop3A_233 = arith.constant 160 : index
        %parallel_loop3A_234 = tpu.vector_load %arg4[%parallel_loop3A_232, %parallel_loop3A_233] {strides = array<i32>} : memref<32x1024xf32, #tpu.memory_space<vmem>>, vector<1x16xf32>,
        %parallel_loop3A_235 = vector.shape_cast %parallel_loop3A_234 : vector<1x16xf32> to vector<16xf32>
        %parallel_loop3A_236 = arith.constant 3.125000e-02 : f32
        %parallel_loop3A_237 = vector.broadcast %parallel_loop3A_236 : f32 to vector<16xf32>
        %parallel_loop3A_238 = arith.mulf %parallel_loop3A_235, %parallel_loop3A_237 : vector<16xf32>
        %parallel_loop3A_239 = arith.index_cast %parallel_loop3A_111 : i32 to index
        %parallel_loop3A_240 = arith.constant 160 : index
        %parallel_loop3A_241 = tpu.vector_load %arg4[%parallel_loop3A_239, %parallel_loop3A_240] {strides = array<i32>} : memref<32x1024xf32, #tpu.memory_space<vmem>>, vector<1x16xf32>,
        %parallel_loop3A_242 = vector.shape_cast %parallel_loop3A_241 : vector<1x16xf32> to vector<16xf32>
        %parallel_loop3A_243 = vector.shape_cast %parallel_loop3A_238 : vector<16xf32> to vector<1x16xf32>
        tpu.vector_store %arg4[%parallel_loop3A_239, %parallel_loop3A_240], %parallel_loop3A_243 {strides = array<i32>} : memref<32x1024xf32, #tpu.memory_space<vmem>>, vector<1x16xf32>,
        %parallel_loop3A_244 = arith.index_cast %parallel_loop3A_111 : i32 to index
        %parallel_loop3A_245 = arith.constant 176 : index
        %parallel_loop3A_246 = tpu.vector_load %arg4[%parallel_loop3A_244, %parallel_loop3A_245] {strides = array<i32>} : memref<32x1024xf32, #tpu.memory_space<vmem>>, vector<1x16xf32>,
        %parallel_loop3A_247 = vector.shape_cast %parallel_loop3A_246 : vector<1x16xf32> to vector<16xf32>
        %parallel_loop3A_248 = arith.constant 3.125000e-02 : f32
        %parallel_loop3A_249 = vector.broadcast %parallel_loop3A_248 : f32 to vector<16xf32>
        %parallel_loop3A_250 = arith.mulf %parallel_loop3A_247, %parallel_loop3A_249 : vector<16xf32>
        %parallel_loop3A_251 = arith.index_cast %parallel_loop3A_111 : i32 to index
        %parallel_loop3A_252 = arith.constant 176 : index
        %parallel_loop3A_253 = tpu.vector_load %arg4[%parallel_loop3A_251, %parallel_loop3A_252] {strides = array<i32>} : memref<32x1024xf32, #tpu.memory_space<vmem>>, vector<1x16xf32>,
        %parallel_loop3A_254 = vector.shape_cast %parallel_loop3A_253 : vector<1x16xf32> to vector<16xf32>
        %parallel_loop3A_255 = vector.shape_cast %parallel_loop3A_250 : vector<16xf32> to vector<1x16xf32>
        tpu.vector_store %arg4[%parallel_loop3A_251, %parallel_loop3A_252], %parallel_loop3A_255 {strides = array<i32>} : memref<32x1024xf32, #tpu.memory_space<vmem>>, vector<1x16xf32>,
        %parallel_loop3A_256 = arith.index_cast %parallel_loop3A_111 : i32 to index
        %parallel_loop3A_257 = arith.constant 192 : index
        %parallel_loop3A_258 = tpu.vector_load %arg4[%parallel_loop3A_256, %parallel_loop3A_257] {strides = array<i32>} : memref<32x1024xf32, #tpu.memory_space<vmem>>, vector<1x16xf32>,
        %parallel_loop3A_259 = vector.shape_cast %parallel_loop3A_258 : vector<1x16xf32> to vector<16xf32>
        %parallel_loop3A_260 = arith.constant 3.125000e-02 : f32
        %parallel_loop3A_261 = vector.broadcast %parallel_loop3A_260 : f32 to vector<16xf32>
        %parallel_loop3A_262 = arith.mulf %parallel_loop3A_259, %parallel_loop3A_261 : vector<16xf32>
        %parallel_loop3A_263 = arith.index_cast %parallel_loop3A_111 : i32 to index
        %parallel_loop3A_264 = arith.constant 192 : index
        %parallel_loop3A_265 = tpu.vector_load %arg4[%parallel_loop3A_263, %parallel_loop3A_264] {strides = array<i32>} : memref<32x1024xf32, #tpu.memory_space<vmem>>, vector<1x16xf32>,
        %parallel_loop3A_266 = vector.shape_cast %parallel_loop3A_265 : vector<1x16xf32> to vector<16xf32>
        %parallel_loop3A_267 = vector.shape_cast %parallel_loop3A_262 : vector<16xf32> to vector<1x16xf32>
        tpu.vector_store %arg4[%parallel_loop3A_263, %parallel_loop3A_264], %parallel_loop3A_267 {strides = array<i32>} : memref<32x1024xf32, #tpu.memory_space<vmem>>, vector<1x16xf32>,
        %parallel_loop3A_268 = arith.index_cast %parallel_loop3A_111 : i32 to index
        %parallel_loop3A_269 = arith.constant 208 : index
        %parallel_loop3A_270 = tpu.vector_load %arg4[%parallel_loop3A_268, %parallel_loop3A_269] {strides = array<i32>} : memref<32x1024xf32, #tpu.memory_space<vmem>>, vector<1x16xf32>,
        %parallel_loop3A_271 = vector.shape_cast %parallel_loop3A_270 : vector<1x16xf32> to vector<16xf32>
        %parallel_loop3A_272 = arith.constant 3.125000e-02 : f32
        %parallel_loop3A_273 = vector.broadcast %parallel_loop3A_272 : f32 to vector<16xf32>
        %parallel_loop3A_274 = arith.mulf %parallel_loop3A_271, %parallel_loop3A_273 : vector<16xf32>
        %parallel_loop3A_275 = arith.index_cast %parallel_loop3A_111 : i32 to index
        %parallel_loop3A_276 = arith.constant 208 : index
        %parallel_loop3A_277 = tpu.vector_load %arg4[%parallel_loop3A_275, %parallel_loop3A_276] {strides = array<i32>} : memref<32x1024xf32, #tpu.memory_space<vmem>>, vector<1x16xf32>,
        %parallel_loop3A_278 = vector.shape_cast %parallel_loop3A_277 : vector<1x16xf32> to vector<16xf32>
        %parallel_loop3A_279 = vector.shape_cast %parallel_loop3A_274 : vector<16xf32> to vector<1x16xf32>
        tpu.vector_store %arg4[%parallel_loop3A_275, %parallel_loop3A_276], %parallel_loop3A_279 {strides = array<i32>} : memref<32x1024xf32, #tpu.memory_space<vmem>>, vector<1x16xf32>,
        %parallel_loop3A_280 = arith.index_cast %parallel_loop3A_111 : i32 to index
        %parallel_loop3A_281 = arith.constant 224 : index
        %parallel_loop3A_282 = tpu.vector_load %arg4[%parallel_loop3A_280, %parallel_loop3A_281] {strides = array<i32>} : memref<32x1024xf32, #tpu.memory_space<vmem>>, vector<1x16xf32>,
        %parallel_loop3A_283 = vector.shape_cast %parallel_loop3A_282 : vector<1x16xf32> to vector<16xf32>
        %parallel_loop3A_284 = arith.constant 3.125000e-02 : f32
        %parallel_loop3A_285 = vector.broadcast %parallel_loop3A_284 : f32 to vector<16xf32>
        %parallel_loop3A_286 = arith.mulf %parallel_loop3A_283, %parallel_loop3A_285 : vector<16xf32>
        %parallel_loop3A_287 = arith.index_cast %parallel_loop3A_111 : i32 to index
        %parallel_loop3A_288 = arith.constant 224 : index
        %parallel_loop3A_289 = tpu.vector_load %arg4[%parallel_loop3A_287, %parallel_loop3A_288] {strides = array<i32>} : memref<32x1024xf32, #tpu.memory_space<vmem>>, vector<1x16xf32>,
        %parallel_loop3A_290 = vector.shape_cast %parallel_loop3A_289 : vector<1x16xf32> to vector<16xf32>
        %parallel_loop3A_291 = vector.shape_cast %parallel_loop3A_286 : vector<16xf32> to vector<1x16xf32>
        tpu.vector_store %arg4[%parallel_loop3A_287, %parallel_loop3A_288], %parallel_loop3A_291 {strides = array<i32>} : memref<32x1024xf32, #tpu.memory_space<vmem>>, vector<1x16xf32>,
        %parallel_loop3A_292 = arith.index_cast %parallel_loop3A_111 : i32 to index
        %parallel_loop3A_293 = arith.constant 240 : index
        %parallel_loop3A_294 = tpu.vector_load %arg4[%parallel_loop3A_292, %parallel_loop3A_293] {strides = array<i32>} : memref<32x1024xf32, #tpu.memory_space<vmem>>, vector<1x16xf32>,
        %parallel_loop3A_295 = vector.shape_cast %parallel_loop3A_294 : vector<1x16xf32> to vector<16xf32>
        %parallel_loop3A_296 = arith.constant 3.125000e-02 : f32
        %parallel_loop3A_297 = vector.broadcast %parallel_loop3A_296 : f32 to vector<16xf32>
        %parallel_loop3A_298 = arith.mulf %parallel_loop3A_295, %parallel_loop3A_297 : vector<16xf32>
        %parallel_loop3A_299 = arith.index_cast %parallel_loop3A_111 : i32 to index
        %parallel_loop3A_300 = arith.constant 240 : index
        %parallel_loop3A_301 = tpu.vector_load %arg4[%parallel_loop3A_299, %parallel_loop3A_300] {strides = array<i32>} : memref<32x1024xf32, #tpu.memory_space<vmem>>, vector<1x16xf32>,
        %parallel_loop3A_302 = vector.shape_cast %parallel_loop3A_301 : vector<1x16xf32> to vector<16xf32>
        %parallel_loop3A_303 = vector.shape_cast %parallel_loop3A_298 : vector<16xf32> to vector<1x16xf32>
        tpu.vector_store %arg4[%parallel_loop3A_299, %parallel_loop3A_300], %parallel_loop3A_303 {strides = array<i32>} : memref<32x1024xf32, #tpu.memory_space<vmem>>, vector<1x16xf32>,
        %parallel_loop3A_304 = arith.index_cast %parallel_loop3A_111 : i32 to index
        %parallel_loop3A_305 = arith.constant 256 : index
        %parallel_loop3A_306 = tpu.vector_load %arg4[%parallel_loop3A_304, %parallel_loop3A_305] {strides = array<i32>} : memref<32x1024xf32, #tpu.memory_space<vmem>>, vector<1x16xf32>,
        %parallel_loop3A_307 = vector.shape_cast %parallel_loop3A_306 : vector<1x16xf32> to vector<16xf32>
        %parallel_loop3A_308 = arith.constant 3.125000e-02 : f32
        %parallel_loop3A_309 = vector.broadcast %parallel_loop3A_308 : f32 to vector<16xf32>
        %parallel_loop3A_310 = arith.mulf %parallel_loop3A_307, %parallel_loop3A_309 : vector<16xf32>
        %parallel_loop3A_311 = arith.index_cast %parallel_loop3A_111 : i32 to index
        %parallel_loop3A_312 = arith.constant 256 : index
        %parallel_loop3A_313 = tpu.vector_load %arg4[%parallel_loop3A_311, %parallel_loop3A_312] {strides = array<i32>} : memref<32x1024xf32, #tpu.memory_space<vmem>>, vector<1x16xf32>,
        %parallel_loop3A_314 = vector.shape_cast %parallel_loop3A_313 : vector<1x16xf32> to vector<16xf32>
        %parallel_loop3A_315 = vector.shape_cast %parallel_loop3A_310 : vector<16xf32> to vector<1x16xf32>
        tpu.vector_store %arg4[%parallel_loop3A_311, %parallel_loop3A_312], %parallel_loop3A_315 {strides = array<i32>} : memref<32x1024xf32, #tpu.memory_space<vmem>>, vector<1x16xf32>,
        %parallel_loop3A_316 = arith.index_cast %parallel_loop3A_111 : i32 to index
        %parallel_loop3A_317 = arith.constant 272 : index
        %parallel_loop3A_318 = tpu.vector_load %arg4[%parallel_loop3A_316, %parallel_loop3A_317] {strides = array<i32>} : memref<32x1024xf32, #tpu.memory_space<vmem>>, vector<1x16xf32>,
        %parallel_loop3A_319 = vector.shape_cast %parallel_loop3A_318 : vector<1x16xf32> to vector<16xf32>
        %parallel_loop3A_320 = arith.constant 3.125000e-02 : f32
        %parallel_loop3A_321 = vector.broadcast %parallel_loop3A_320 : f32 to vector<16xf32>
        %parallel_loop3A_322 = arith.mulf %parallel_loop3A_319, %parallel_loop3A_321 : vector<16xf32>
        %parallel_loop3A_323 = arith.index_cast %parallel_loop3A_111 : i32 to index
        %parallel_loop3A_324 = arith.constant 272 : index
        %parallel_loop3A_325 = tpu.vector_load %arg4[%parallel_loop3A_323, %parallel_loop3A_324] {strides = array<i32>} : memref<32x1024xf32, #tpu.memory_space<vmem>>, vector<1x16xf32>,
        %parallel_loop3A_326 = vector.shape_cast %parallel_loop3A_325 : vector<1x16xf32> to vector<16xf32>
        %parallel_loop3A_327 = vector.shape_cast %parallel_loop3A_322 : vector<16xf32> to vector<1x16xf32>
        tpu.vector_store %arg4[%parallel_loop3A_323, %parallel_loop3A_324], %parallel_loop3A_327 {strides = array<i32>} : memref<32x1024xf32, #tpu.memory_space<vmem>>, vector<1x16xf32>,
        %parallel_loop3A_328 = arith.index_cast %parallel_loop3A_111 : i32 to index
        %parallel_loop3A_329 = arith.constant 288 : index
        %parallel_loop3A_330 = tpu.vector_load %arg4[%parallel_loop3A_328, %parallel_loop3A_329] {strides = array<i32>} : memref<32x1024xf32, #tpu.memory_space<vmem>>, vector<1x16xf32>,
        %parallel_loop3A_331 = vector.shape_cast %parallel_loop3A_330 : vector<1x16xf32> to vector<16xf32>
        %parallel_loop3A_332 = arith.constant 3.125000e-02 : f32
        %parallel_loop3A_333 = vector.broadcast %parallel_loop3A_332 : f32 to vector<16xf32>
        %parallel_loop3A_334 = arith.mulf %parallel_loop3A_331, %parallel_loop3A_333 : vector<16xf32>
        %parallel_loop3A_335 = arith.index_cast %parallel_loop3A_111 : i32 to index
        %parallel_loop3A_336 = arith.constant 288 : index
        %parallel_loop3A_337 = tpu.vector_load %arg4[%parallel_loop3A_335, %parallel_loop3A_336] {strides = array<i32>} : memref<32x1024xf32, #tpu.memory_space<vmem>>, vector<1x16xf32>,
        %parallel_loop3A_338 = vector.shape_cast %parallel_loop3A_337 : vector<1x16xf32> to vector<16xf32>
        %parallel_loop3A_339 = vector.shape_cast %parallel_loop3A_334 : vector<16xf32> to vector<1x16xf32>
        tpu.vector_store %arg4[%parallel_loop3A_335, %parallel_loop3A_336], %parallel_loop3A_339 {strides = array<i32>} : memref<32x1024xf32, #tpu.memory_space<vmem>>, vector<1x16xf32>,
        %parallel_loop3A_340 = arith.index_cast %parallel_loop3A_111 : i32 to index
        %parallel_loop3A_341 = arith.constant 304 : index
        %parallel_loop3A_342 = tpu.vector_load %arg4[%parallel_loop3A_340, %parallel_loop3A_341] {strides = array<i32>} : memref<32x1024xf32, #tpu.memory_space<vmem>>, vector<1x16xf32>,
        %parallel_loop3A_343 = vector.shape_cast %parallel_loop3A_342 : vector<1x16xf32> to vector<16xf32>
        %parallel_loop3A_344 = arith.constant 3.125000e-02 : f32
        %parallel_loop3A_345 = vector.broadcast %parallel_loop3A_344 : f32 to vector<16xf32>
        %parallel_loop3A_346 = arith.mulf %parallel_loop3A_343, %parallel_loop3A_345 : vector<16xf32>
        %parallel_loop3A_347 = arith.index_cast %parallel_loop3A_111 : i32 to index
        %parallel_loop3A_348 = arith.constant 304 : index
        %parallel_loop3A_349 = tpu.vector_load %arg4[%parallel_loop3A_347, %parallel_loop3A_348] {strides = array<i32>} : memref<32x1024xf32, #tpu.memory_space<vmem>>, vector<1x16xf32>,
        %parallel_loop3A_350 = vector.shape_cast %parallel_loop3A_349 : vector<1x16xf32> to vector<16xf32>
        %parallel_loop3A_351 = vector.shape_cast %parallel_loop3A_346 : vector<16xf32> to vector<1x16xf32>
        tpu.vector_store %arg4[%parallel_loop3A_347, %parallel_loop3A_348], %parallel_loop3A_351 {strides = array<i32>} : memref<32x1024xf32, #tpu.memory_space<vmem>>, vector<1x16xf32>,
        %parallel_loop3A_352 = arith.index_cast %parallel_loop3A_111 : i32 to index
        %parallel_loop3A_353 = arith.constant 320 : index
        %parallel_loop3A_354 = tpu.vector_load %arg4[%parallel_loop3A_352, %parallel_loop3A_353] {strides = array<i32>} : memref<32x1024xf32, #tpu.memory_space<vmem>>, vector<1x16xf32>,
        %parallel_loop3A_355 = vector.shape_cast %parallel_loop3A_354 : vector<1x16xf32> to vector<16xf32>
        %parallel_loop3A_356 = arith.constant 3.125000e-02 : f32
        %parallel_loop3A_357 = vector.broadcast %parallel_loop3A_356 : f32 to vector<16xf32>
        %parallel_loop3A_358 = arith.mulf %parallel_loop3A_355, %parallel_loop3A_357 : vector<16xf32>
        %parallel_loop3A_359 = arith.index_cast %parallel_loop3A_111 : i32 to index
        %parallel_loop3A_360 = arith.constant 320 : index
        %parallel_loop3A_361 = tpu.vector_load %arg4[%parallel_loop3A_359, %parallel_loop3A_360] {strides = array<i32>} : memref<32x1024xf32, #tpu.memory_space<vmem>>, vector<1x16xf32>,
        %parallel_loop3A_362 = vector.shape_cast %parallel_loop3A_361 : vector<1x16xf32> to vector<16xf32>
        %parallel_loop3A_363 = vector.shape_cast %parallel_loop3A_358 : vector<16xf32> to vector<1x16xf32>
        tpu.vector_store %arg4[%parallel_loop3A_359, %parallel_loop3A_360], %parallel_loop3A_363 {strides = array<i32>} : memref<32x1024xf32, #tpu.memory_space<vmem>>, vector<1x16xf32>,
        %parallel_loop3A_364 = arith.index_cast %parallel_loop3A_111 : i32 to index
        %parallel_loop3A_365 = arith.constant 336 : index
        %parallel_loop3A_366 = tpu.vector_load %arg4[%parallel_loop3A_364, %parallel_loop3A_365] {strides = array<i32>} : memref<32x1024xf32, #tpu.memory_space<vmem>>, vector<1x16xf32>,
        %parallel_loop3A_367 = vector.shape_cast %parallel_loop3A_366 : vector<1x16xf32> to vector<16xf32>
        %parallel_loop3A_368 = arith.constant 3.125000e-02 : f32
        %parallel_loop3A_369 = vector.broadcast %parallel_loop3A_368 : f32 to vector<16xf32>
        %parallel_loop3A_370 = arith.mulf %parallel_loop3A_367, %parallel_loop3A_369 : vector<16xf32>
        %parallel_loop3A_371 = arith.index_cast %parallel_loop3A_111 : i32 to index
        %parallel_loop3A_372 = arith.constant 336 : index
        %parallel_loop3A_373 = tpu.vector_load %arg4[%parallel_loop3A_371, %parallel_loop3A_372] {strides = array<i32>} : memref<32x1024xf32, #tpu.memory_space<vmem>>, vector<1x16xf32>,
        %parallel_loop3A_374 = vector.shape_cast %parallel_loop3A_373 : vector<1x16xf32> to vector<16xf32>
        %parallel_loop3A_375 = vector.shape_cast %parallel_loop3A_370 : vector<16xf32> to vector<1x16xf32>
        tpu.vector_store %arg4[%parallel_loop3A_371, %parallel_loop3A_372], %parallel_loop3A_375 {strides = array<i32>} : memref<32x1024xf32, #tpu.memory_space<vmem>>, vector<1x16xf32>,
        %parallel_loop3A_376 = arith.index_cast %parallel_loop3A_111 : i32 to index
        %parallel_loop3A_377 = arith.constant 352 : index
        %parallel_loop3A_378 = tpu.vector_load %arg4[%parallel_loop3A_376, %parallel_loop3A_377] {strides = array<i32>} : memref<32x1024xf32, #tpu.memory_space<vmem>>, vector<1x16xf32>,
        %parallel_loop3A_379 = vector.shape_cast %parallel_loop3A_378 : vector<1x16xf32> to vector<16xf32>
        %parallel_loop3A_380 = arith.constant 3.125000e-02 : f32
        %parallel_loop3A_381 = vector.broadcast %parallel_loop3A_380 : f32 to vector<16xf32>
        %parallel_loop3A_382 = arith.mulf %parallel_loop3A_379, %parallel_loop3A_381 : vector<16xf32>
        %parallel_loop3A_383 = arith.index_cast %parallel_loop3A_111 : i32 to index
        %parallel_loop3A_384 = arith.constant 352 : index
        %parallel_loop3A_385 = tpu.vector_load %arg4[%parallel_loop3A_383, %parallel_loop3A_384] {strides = array<i32>} : memref<32x1024xf32, #tpu.memory_space<vmem>>, vector<1x16xf32>,
        %parallel_loop3A_386 = vector.shape_cast %parallel_loop3A_385 : vector<1x16xf32> to vector<16xf32>
        %parallel_loop3A_387 = vector.shape_cast %parallel_loop3A_382 : vector<16xf32> to vector<1x16xf32>
        tpu.vector_store %arg4[%parallel_loop3A_383, %parallel_loop3A_384], %parallel_loop3A_387 {strides = array<i32>} : memref<32x1024xf32, #tpu.memory_space<vmem>>, vector<1x16xf32>,
        %parallel_loop3A_388 = arith.index_cast %parallel_loop3A_111 : i32 to index
        %parallel_loop3A_389 = arith.constant 368 : index
        %parallel_loop3A_390 = tpu.vector_load %arg4[%parallel_loop3A_388, %parallel_loop3A_389] {strides = array<i32>} : memref<32x1024xf32, #tpu.memory_space<vmem>>, vector<1x16xf32>,
        %parallel_loop3A_391 = vector.shape_cast %parallel_loop3A_390 : vector<1x16xf32> to vector<16xf32>
        %parallel_loop3A_392 = arith.constant 3.125000e-02 : f32
        %parallel_loop3A_393 = vector.broadcast %parallel_loop3A_392 : f32 to vector<16xf32>
        %parallel_loop3A_394 = arith.mulf %parallel_loop3A_391, %parallel_loop3A_393 : vector<16xf32>
        %parallel_loop3A_395 = arith.index_cast %parallel_loop3A_111 : i32 to index
        %parallel_loop3A_396 = arith.constant 368 : index
        %parallel_loop3A_397 = tpu.vector_load %arg4[%parallel_loop3A_395, %parallel_loop3A_396] {strides = array<i32>} : memref<32x1024xf32, #tpu.memory_space<vmem>>, vector<1x16xf32>,
        %parallel_loop3A_398 = vector.shape_cast %parallel_loop3A_397 : vector<1x16xf32> to vector<16xf32>
        %parallel_loop3A_399 = vector.shape_cast %parallel_loop3A_394 : vector<16xf32> to vector<1x16xf32>
        tpu.vector_store %arg4[%parallel_loop3A_395, %parallel_loop3A_396], %parallel_loop3A_399 {strides = array<i32>} : memref<32x1024xf32, #tpu.memory_space<vmem>>, vector<1x16xf32>,
        %parallel_loop3A_400 = arith.index_cast %parallel_loop3A_111 : i32 to index
        %parallel_loop3A_401 = arith.constant 384 : index
        %parallel_loop3A_402 = tpu.vector_load %arg4[%parallel_loop3A_400, %parallel_loop3A_401] {strides = array<i32>} : memref<32x1024xf32, #tpu.memory_space<vmem>>, vector<1x16xf32>,
        %parallel_loop3A_403 = vector.shape_cast %parallel_loop3A_402 : vector<1x16xf32> to vector<16xf32>
        %parallel_loop3A_404 = arith.constant 3.125000e-02 : f32
        %parallel_loop3A_405 = vector.broadcast %parallel_loop3A_404 : f32 to vector<16xf32>
        %parallel_loop3A_406 = arith.mulf %parallel_loop3A_403, %parallel_loop3A_405 : vector<16xf32>
        %parallel_loop3A_407 = arith.index_cast %parallel_loop3A_111 : i32 to index
        %parallel_loop3A_408 = arith.constant 384 : index
        %parallel_loop3A_409 = tpu.vector_load %arg4[%parallel_loop3A_407, %parallel_loop3A_408] {strides = array<i32>} : memref<32x1024xf32, #tpu.memory_space<vmem>>, vector<1x16xf32>,
        %parallel_loop3A_410 = vector.shape_cast %parallel_loop3A_409 : vector<1x16xf32> to vector<16xf32>
        %parallel_loop3A_411 = vector.shape_cast %parallel_loop3A_406 : vector<16xf32> to vector<1x16xf32>
        tpu.vector_store %arg4[%parallel_loop3A_407, %parallel_loop3A_408], %parallel_loop3A_411 {strides = array<i32>} : memref<32x1024xf32, #tpu.memory_space<vmem>>, vector<1x16xf32>,
        %parallel_loop3A_412 = arith.index_cast %parallel_loop3A_111 : i32 to index
        %parallel_loop3A_413 = arith.constant 400 : index
        %parallel_loop3A_414 = tpu.vector_load %arg4[%parallel_loop3A_412, %parallel_loop3A_413] {strides = array<i32>} : memref<32x1024xf32, #tpu.memory_space<vmem>>, vector<1x16xf32>,
        %parallel_loop3A_415 = vector.shape_cast %parallel_loop3A_414 : vector<1x16xf32> to vector<16xf32>
        %parallel_loop3A_416 = arith.constant 3.125000e-02 : f32
        %parallel_loop3A_417 = vector.broadcast %parallel_loop3A_416 : f32 to vector<16xf32>
        %parallel_loop3A_418 = arith.mulf %parallel_loop3A_415, %parallel_loop3A_417 : vector<16xf32>
        %parallel_loop3A_419 = arith.index_cast %parallel_loop3A_111 : i32 to index
        %parallel_loop3A_420 = arith.constant 400 : index
        %parallel_loop3A_421 = tpu.vector_load %arg4[%parallel_loop3A_419, %parallel_loop3A_420] {strides = array<i32>} : memref<32x1024xf32, #tpu.memory_space<vmem>>, vector<1x16xf32>,
        %parallel_loop3A_422 = vector.shape_cast %parallel_loop3A_421 : vector<1x16xf32> to vector<16xf32>
        %parallel_loop3A_423 = vector.shape_cast %parallel_loop3A_418 : vector<16xf32> to vector<1x16xf32>
        tpu.vector_store %arg4[%parallel_loop3A_419, %parallel_loop3A_420], %parallel_loop3A_423 {strides = array<i32>} : memref<32x1024xf32, #tpu.memory_space<vmem>>, vector<1x16xf32>,
        %parallel_loop3A_424 = arith.index_cast %parallel_loop3A_111 : i32 to index
        %parallel_loop3A_425 = arith.constant 416 : index
        %parallel_loop3A_426 = tpu.vector_load %arg4[%parallel_loop3A_424, %parallel_loop3A_425] {strides = array<i32>} : memref<32x1024xf32, #tpu.memory_space<vmem>>, vector<1x16xf32>,
        %parallel_loop3A_427 = vector.shape_cast %parallel_loop3A_426 : vector<1x16xf32> to vector<16xf32>
        %parallel_loop3A_428 = arith.constant 3.125000e-02 : f32
        %parallel_loop3A_429 = vector.broadcast %parallel_loop3A_428 : f32 to vector<16xf32>
        %parallel_loop3A_430 = arith.mulf %parallel_loop3A_427, %parallel_loop3A_429 : vector<16xf32>
        %parallel_loop3A_431 = arith.index_cast %parallel_loop3A_111 : i32 to index
        %parallel_loop3A_432 = arith.constant 416 : index
        %parallel_loop3A_433 = tpu.vector_load %arg4[%parallel_loop3A_431, %parallel_loop3A_432] {strides = array<i32>} : memref<32x1024xf32, #tpu.memory_space<vmem>>, vector<1x16xf32>,
        %parallel_loop3A_434 = vector.shape_cast %parallel_loop3A_433 : vector<1x16xf32> to vector<16xf32>
        %parallel_loop3A_435 = vector.shape_cast %parallel_loop3A_430 : vector<16xf32> to vector<1x16xf32>
        tpu.vector_store %arg4[%parallel_loop3A_431, %parallel_loop3A_432], %parallel_loop3A_435 {strides = array<i32>} : memref<32x1024xf32, #tpu.memory_space<vmem>>, vector<1x16xf32>,
        %parallel_loop3A_436 = arith.index_cast %parallel_loop3A_111 : i32 to index
        %parallel_loop3A_437 = arith.constant 432 : index
        %parallel_loop3A_438 = tpu.vector_load %arg4[%parallel_loop3A_436, %parallel_loop3A_437] {strides = array<i32>} : memref<32x1024xf32, #tpu.memory_space<vmem>>, vector<1x16xf32>,
        %parallel_loop3A_439 = vector.shape_cast %parallel_loop3A_438 : vector<1x16xf32> to vector<16xf32>
        %parallel_loop3A_440 = arith.constant 3.125000e-02 : f32
        %parallel_loop3A_441 = vector.broadcast %parallel_loop3A_440 : f32 to vector<16xf32>
        %parallel_loop3A_442 = arith.mulf %parallel_loop3A_439, %parallel_loop3A_441 : vector<16xf32>
        %parallel_loop3A_443 = arith.index_cast %parallel_loop3A_111 : i32 to index
        %parallel_loop3A_444 = arith.constant 432 : index
        %parallel_loop3A_445 = tpu.vector_load %arg4[%parallel_loop3A_443, %parallel_loop3A_444] {strides = array<i32>} : memref<32x1024xf32, #tpu.memory_space<vmem>>, vector<1x16xf32>,
        %parallel_loop3A_446 = vector.shape_cast %parallel_loop3A_445 : vector<1x16xf32> to vector<16xf32>
        %parallel_loop3A_447 = vector.shape_cast %parallel_loop3A_442 : vector<16xf32> to vector<1x16xf32>
        tpu.vector_store %arg4[%parallel_loop3A_443, %parallel_loop3A_444], %parallel_loop3A_447 {strides = array<i32>} : memref<32x1024xf32, #tpu.memory_space<vmem>>, vector<1x16xf32>,
        %parallel_loop3A_448 = arith.index_cast %parallel_loop3A_111 : i32 to index
        %parallel_loop3A_449 = arith.constant 448 : index
        %parallel_loop3A_450 = tpu.vector_load %arg4[%parallel_loop3A_448, %parallel_loop3A_449] {strides = array<i32>} : memref<32x1024xf32, #tpu.memory_space<vmem>>, vector<1x16xf32>,
        %parallel_loop3A_451 = vector.shape_cast %parallel_loop3A_450 : vector<1x16xf32> to vector<16xf32>
        %parallel_loop3A_452 = arith.constant 3.125000e-02 : f32
        %parallel_loop3A_453 = vector.broadcast %parallel_loop3A_452 : f32 to vector<16xf32>
        %parallel_loop3A_454 = arith.mulf %parallel_loop3A_451, %parallel_loop3A_453 : vector<16xf32>
        %parallel_loop3A_455 = arith.index_cast %parallel_loop3A_111 : i32 to index
        %parallel_loop3A_456 = arith.constant 448 : index
        %parallel_loop3A_457 = tpu.vector_load %arg4[%parallel_loop3A_455, %parallel_loop3A_456] {strides = array<i32>} : memref<32x1024xf32, #tpu.memory_space<vmem>>, vector<1x16xf32>,
        %parallel_loop3A_458 = vector.shape_cast %parallel_loop3A_457 : vector<1x16xf32> to vector<16xf32>
        %parallel_loop3A_459 = vector.shape_cast %parallel_loop3A_454 : vector<16xf32> to vector<1x16xf32>
        tpu.vector_store %arg4[%parallel_loop3A_455, %parallel_loop3A_456], %parallel_loop3A_459 {strides = array<i32>} : memref<32x1024xf32, #tpu.memory_space<vmem>>, vector<1x16xf32>,
        %parallel_loop3A_460 = arith.index_cast %parallel_loop3A_111 : i32 to index
        %parallel_loop3A_461 = arith.constant 464 : index
        %parallel_loop3A_462 = tpu.vector_load %arg4[%parallel_loop3A_460, %parallel_loop3A_461] {strides = array<i32>} : memref<32x1024xf32, #tpu.memory_space<vmem>>, vector<1x16xf32>,
        %parallel_loop3A_463 = vector.shape_cast %parallel_loop3A_462 : vector<1x16xf32> to vector<16xf32>
        %parallel_loop3A_464 = arith.constant 3.125000e-02 : f32
        %parallel_loop3A_465 = vector.broadcast %parallel_loop3A_464 : f32 to vector<16xf32>
        %parallel_loop3A_466 = arith.mulf %parallel_loop3A_463, %parallel_loop3A_465 : vector<16xf32>
        %parallel_loop3A_467 = arith.index_cast %parallel_loop3A_111 : i32 to index
        %parallel_loop3A_468 = arith.constant 464 : index
        %parallel_loop3A_469 = tpu.vector_load %arg4[%parallel_loop3A_467, %parallel_loop3A_468] {strides = array<i32>} : memref<32x1024xf32, #tpu.memory_space<vmem>>, vector<1x16xf32>,
        %parallel_loop3A_470 = vector.shape_cast %parallel_loop3A_469 : vector<1x16xf32> to vector<16xf32>
        %parallel_loop3A_471 = vector.shape_cast %parallel_loop3A_466 : vector<16xf32> to vector<1x16xf32>
        tpu.vector_store %arg4[%parallel_loop3A_467, %parallel_loop3A_468], %parallel_loop3A_471 {strides = array<i32>} : memref<32x1024xf32, #tpu.memory_space<vmem>>, vector<1x16xf32>,
        %parallel_loop3A_472 = arith.index_cast %parallel_loop3A_111 : i32 to index
        %parallel_loop3A_473 = arith.constant 480 : index
        %parallel_loop3A_474 = tpu.vector_load %arg4[%parallel_loop3A_472, %parallel_loop3A_473] {strides = array<i32>} : memref<32x1024xf32, #tpu.memory_space<vmem>>, vector<1x16xf32>,
        %parallel_loop3A_475 = vector.shape_cast %parallel_loop3A_474 : vector<1x16xf32> to vector<16xf32>
        %parallel_loop3A_476 = arith.constant 3.125000e-02 : f32
        %parallel_loop3A_477 = vector.broadcast %parallel_loop3A_476 : f32 to vector<16xf32>
        %parallel_loop3A_478 = arith.mulf %parallel_loop3A_475, %parallel_loop3A_477 : vector<16xf32>
        %parallel_loop3A_479 = arith.index_cast %parallel_loop3A_111 : i32 to index
        %parallel_loop3A_480 = arith.constant 480 : index
        %parallel_loop3A_481 = tpu.vector_load %arg4[%parallel_loop3A_479, %parallel_loop3A_480] {strides = array<i32>} : memref<32x1024xf32, #tpu.memory_space<vmem>>, vector<1x16xf32>,
        %parallel_loop3A_482 = vector.shape_cast %parallel_loop3A_481 : vector<1x16xf32> to vector<16xf32>
        %parallel_loop3A_483 = vector.shape_cast %parallel_loop3A_478 : vector<16xf32> to vector<1x16xf32>
        tpu.vector_store %arg4[%parallel_loop3A_479, %parallel_loop3A_480], %parallel_loop3A_483 {strides = array<i32>} : memref<32x1024xf32, #tpu.memory_space<vmem>>, vector<1x16xf32>,
        %parallel_loop3A_484 = arith.index_cast %parallel_loop3A_111 : i32 to index
        %parallel_loop3A_485 = arith.constant 496 : index
        %parallel_loop3A_486 = tpu.vector_load %arg4[%parallel_loop3A_484, %parallel_loop3A_485] {strides = array<i32>} : memref<32x1024xf32, #tpu.memory_space<vmem>>, vector<1x16xf32>,
        %parallel_loop3A_487 = vector.shape_cast %parallel_loop3A_486 : vector<1x16xf32> to vector<16xf32>
        %parallel_loop3A_488 = arith.constant 3.125000e-02 : f32
        %parallel_loop3A_489 = vector.broadcast %parallel_loop3A_488 : f32 to vector<16xf32>
        %parallel_loop3A_490 = arith.mulf %parallel_loop3A_487, %parallel_loop3A_489 : vector<16xf32>
        %parallel_loop3A_491 = arith.index_cast %parallel_loop3A_111 : i32 to index
        %parallel_loop3A_492 = arith.constant 496 : index
        %parallel_loop3A_493 = tpu.vector_load %arg4[%parallel_loop3A_491, %parallel_loop3A_492] {strides = array<i32>} : memref<32x1024xf32, #tpu.memory_space<vmem>>, vector<1x16xf32>,
        %parallel_loop3A_494 = vector.shape_cast %parallel_loop3A_493 : vector<1x16xf32> to vector<16xf32>
        %parallel_loop3A_495 = vector.shape_cast %parallel_loop3A_490 : vector<16xf32> to vector<1x16xf32>
        tpu.vector_store %arg4[%parallel_loop3A_491, %parallel_loop3A_492], %parallel_loop3A_495 {strides = array<i32>} : memref<32x1024xf32, #tpu.memory_space<vmem>>, vector<1x16xf32>,
        %parallel_loop3A_496 = arith.index_cast %parallel_loop3A_111 : i32 to index
        %parallel_loop3A_497 = arith.constant 512 : index
        %parallel_loop3A_498 = tpu.vector_load %arg4[%parallel_loop3A_496, %parallel_loop3A_497] {strides = array<i32>} : memref<32x1024xf32, #tpu.memory_space<vmem>>, vector<1x16xf32>,
        %parallel_loop3A_499 = vector.shape_cast %parallel_loop3A_498 : vector<1x16xf32> to vector<16xf32>
        %parallel_loop3A_500 = arith.constant 3.125000e-02 : f32
        %parallel_loop3A_501 = vector.broadcast %parallel_loop3A_500 : f32 to vector<16xf32>
        %parallel_loop3A_502 = arith.mulf %parallel_loop3A_499, %parallel_loop3A_501 : vector<16xf32>
        %parallel_loop3A_503 = arith.index_cast %parallel_loop3A_111 : i32 to index
        %parallel_loop3A_504 = arith.constant 512 : index
        %parallel_loop3A_505 = tpu.vector_load %arg4[%parallel_loop3A_503, %parallel_loop3A_504] {strides = array<i32>} : memref<32x1024xf32, #tpu.memory_space<vmem>>, vector<1x16xf32>,
        %parallel_loop3A_506 = vector.shape_cast %parallel_loop3A_505 : vector<1x16xf32> to vector<16xf32>
        %parallel_loop3A_507 = vector.shape_cast %parallel_loop3A_502 : vector<16xf32> to vector<1x16xf32>
        tpu.vector_store %arg4[%parallel_loop3A_503, %parallel_loop3A_504], %parallel_loop3A_507 {strides = array<i32>} : memref<32x1024xf32, #tpu.memory_space<vmem>>, vector<1x16xf32>,
        %parallel_loop3A_508 = arith.index_cast %parallel_loop3A_111 : i32 to index
        %parallel_loop3A_509 = arith.constant 528 : index
        %parallel_loop3A_510 = tpu.vector_load %arg4[%parallel_loop3A_508, %parallel_loop3A_509] {strides = array<i32>} : memref<32x1024xf32, #tpu.memory_space<vmem>>, vector<1x16xf32>,
        %parallel_loop3A_511 = vector.shape_cast %parallel_loop3A_510 : vector<1x16xf32> to vector<16xf32>
        %parallel_loop3A_512 = arith.constant 3.125000e-02 : f32
        %parallel_loop3A_513 = vector.broadcast %parallel_loop3A_512 : f32 to vector<16xf32>
        %parallel_loop3A_514 = arith.mulf %parallel_loop3A_511, %parallel_loop3A_513 : vector<16xf32>
        %parallel_loop3A_515 = arith.index_cast %parallel_loop3A_111 : i32 to index
        %parallel_loop3A_516 = arith.constant 528 : index
        %parallel_loop3A_517 = tpu.vector_load %arg4[%parallel_loop3A_515, %parallel_loop3A_516] {strides = array<i32>} : memref<32x1024xf32, #tpu.memory_space<vmem>>, vector<1x16xf32>,
        %parallel_loop3A_518 = vector.shape_cast %parallel_loop3A_517 : vector<1x16xf32> to vector<16xf32>
        %parallel_loop3A_519 = vector.shape_cast %parallel_loop3A_514 : vector<16xf32> to vector<1x16xf32>
        tpu.vector_store %arg4[%parallel_loop3A_515, %parallel_loop3A_516], %parallel_loop3A_519 {strides = array<i32>} : memref<32x1024xf32, #tpu.memory_space<vmem>>, vector<1x16xf32>,
        %parallel_loop3A_520 = arith.index_cast %parallel_loop3A_111 : i32 to index
        %parallel_loop3A_521 = arith.constant 544 : index
        %parallel_loop3A_522 = tpu.vector_load %arg4[%parallel_loop3A_520, %parallel_loop3A_521] {strides = array<i32>} : memref<32x1024xf32, #tpu.memory_space<vmem>>, vector<1x16xf32>,
        %parallel_loop3A_523 = vector.shape_cast %parallel_loop3A_522 : vector<1x16xf32> to vector<16xf32>
        %parallel_loop3A_524 = arith.constant 3.125000e-02 : f32
        %parallel_loop3A_525 = vector.broadcast %parallel_loop3A_524 : f32 to vector<16xf32>
        %parallel_loop3A_526 = arith.mulf %parallel_loop3A_523, %parallel_loop3A_525 : vector<16xf32>
        %parallel_loop3A_527 = arith.index_cast %parallel_loop3A_111 : i32 to index
        %parallel_loop3A_528 = arith.constant 544 : index
        %parallel_loop3A_529 = tpu.vector_load %arg4[%parallel_loop3A_527, %parallel_loop3A_528] {strides = array<i32>} : memref<32x1024xf32, #tpu.memory_space<vmem>>, vector<1x16xf32>,
        %parallel_loop3A_530 = vector.shape_cast %parallel_loop3A_529 : vector<1x16xf32> to vector<16xf32>
        %parallel_loop3A_531 = vector.shape_cast %parallel_loop3A_526 : vector<16xf32> to vector<1x16xf32>
        tpu.vector_store %arg4[%parallel_loop3A_527, %parallel_loop3A_528], %parallel_loop3A_531 {strides = array<i32>} : memref<32x1024xf32, #tpu.memory_space<vmem>>, vector<1x16xf32>,
        %parallel_loop3A_532 = arith.index_cast %parallel_loop3A_111 : i32 to index
        %parallel_loop3A_533 = arith.constant 560 : index
        %parallel_loop3A_534 = tpu.vector_load %arg4[%parallel_loop3A_532, %parallel_loop3A_533] {strides = array<i32>} : memref<32x1024xf32, #tpu.memory_space<vmem>>, vector<1x16xf32>,
        %parallel_loop3A_535 = vector.shape_cast %parallel_loop3A_534 : vector<1x16xf32> to vector<16xf32>
        %parallel_loop3A_536 = arith.constant 3.125000e-02 : f32
        %parallel_loop3A_537 = vector.broadcast %parallel_loop3A_536 : f32 to vector<16xf32>
        %parallel_loop3A_538 = arith.mulf %parallel_loop3A_535, %parallel_loop3A_537 : vector<16xf32>
        %parallel_loop3A_539 = arith.index_cast %parallel_loop3A_111 : i32 to index
        %parallel_loop3A_540 = arith.constant 560 : index
        %parallel_loop3A_541 = tpu.vector_load %arg4[%parallel_loop3A_539, %parallel_loop3A_540] {strides = array<i32>} : memref<32x1024xf32, #tpu.memory_space<vmem>>, vector<1x16xf32>,
        %parallel_loop3A_542 = vector.shape_cast %parallel_loop3A_541 : vector<1x16xf32> to vector<16xf32>
        %parallel_loop3A_543 = vector.shape_cast %parallel_loop3A_538 : vector<16xf32> to vector<1x16xf32>
        tpu.vector_store %arg4[%parallel_loop3A_539, %parallel_loop3A_540], %parallel_loop3A_543 {strides = array<i32>} : memref<32x1024xf32, #tpu.memory_space<vmem>>, vector<1x16xf32>,
        %parallel_loop3A_544 = arith.index_cast %parallel_loop3A_111 : i32 to index
        %parallel_loop3A_545 = arith.constant 576 : index
        %parallel_loop3A_546 = tpu.vector_load %arg4[%parallel_loop3A_544, %parallel_loop3A_545] {strides = array<i32>} : memref<32x1024xf32, #tpu.memory_space<vmem>>, vector<1x16xf32>,
        %parallel_loop3A_547 = vector.shape_cast %parallel_loop3A_546 : vector<1x16xf32> to vector<16xf32>
        %parallel_loop3A_548 = arith.constant 3.125000e-02 : f32
        %parallel_loop3A_549 = vector.broadcast %parallel_loop3A_548 : f32 to vector<16xf32>
        %parallel_loop3A_550 = arith.mulf %parallel_loop3A_547, %parallel_loop3A_549 : vector<16xf32>
        %parallel_loop3A_551 = arith.index_cast %parallel_loop3A_111 : i32 to index
        %parallel_loop3A_552 = arith.constant 576 : index
        %parallel_loop3A_553 = tpu.vector_load %arg4[%parallel_loop3A_551, %parallel_loop3A_552] {strides = array<i32>} : memref<32x1024xf32, #tpu.memory_space<vmem>>, vector<1x16xf32>,
        %parallel_loop3A_554 = vector.shape_cast %parallel_loop3A_553 : vector<1x16xf32> to vector<16xf32>
        %parallel_loop3A_555 = vector.shape_cast %parallel_loop3A_550 : vector<16xf32> to vector<1x16xf32>
        tpu.vector_store %arg4[%parallel_loop3A_551, %parallel_loop3A_552], %parallel_loop3A_555 {strides = array<i32>} : memref<32x1024xf32, #tpu.memory_space<vmem>>, vector<1x16xf32>,
        %parallel_loop3A_556 = arith.index_cast %parallel_loop3A_111 : i32 to index
        %parallel_loop3A_557 = arith.constant 592 : index
        %parallel_loop3A_558 = tpu.vector_load %arg4[%parallel_loop3A_556, %parallel_loop3A_557] {strides = array<i32>} : memref<32x1024xf32, #tpu.memory_space<vmem>>, vector<1x16xf32>,
        %parallel_loop3A_559 = vector.shape_cast %parallel_loop3A_558 : vector<1x16xf32> to vector<16xf32>
        %parallel_loop3A_560 = arith.constant 3.125000e-02 : f32
        %parallel_loop3A_561 = vector.broadcast %parallel_loop3A_560 : f32 to vector<16xf32>
        %parallel_loop3A_562 = arith.mulf %parallel_loop3A_559, %parallel_loop3A_561 : vector<16xf32>
        %parallel_loop3A_563 = arith.index_cast %parallel_loop3A_111 : i32 to index
        %parallel_loop3A_564 = arith.constant 592 : index
        %parallel_loop3A_565 = tpu.vector_load %arg4[%parallel_loop3A_563, %parallel_loop3A_564] {strides = array<i32>} : memref<32x1024xf32, #tpu.memory_space<vmem>>, vector<1x16xf32>,
        %parallel_loop3A_566 = vector.shape_cast %parallel_loop3A_565 : vector<1x16xf32> to vector<16xf32>
        %parallel_loop3A_567 = vector.shape_cast %parallel_loop3A_562 : vector<16xf32> to vector<1x16xf32>
        tpu.vector_store %arg4[%parallel_loop3A_563, %parallel_loop3A_564], %parallel_loop3A_567 {strides = array<i32>} : memref<32x1024xf32, #tpu.memory_space<vmem>>, vector<1x16xf32>,
        %parallel_loop3A_568 = arith.index_cast %parallel_loop3A_111 : i32 to index
        %parallel_loop3A_569 = arith.constant 608 : index
        %parallel_loop3A_570 = tpu.vector_load %arg4[%parallel_loop3A_568, %parallel_loop3A_569] {strides = array<i32>} : memref<32x1024xf32, #tpu.memory_space<vmem>>, vector<1x16xf32>,
        %parallel_loop3A_571 = vector.shape_cast %parallel_loop3A_570 : vector<1x16xf32> to vector<16xf32>
        %parallel_loop3A_572 = arith.constant 3.125000e-02 : f32
        %parallel_loop3A_573 = vector.broadcast %parallel_loop3A_572 : f32 to vector<16xf32>
        %parallel_loop3A_574 = arith.mulf %parallel_loop3A_571, %parallel_loop3A_573 : vector<16xf32>
        %parallel_loop3A_575 = arith.index_cast %parallel_loop3A_111 : i32 to index
        %parallel_loop3A_576 = arith.constant 608 : index
        %parallel_loop3A_577 = tpu.vector_load %arg4[%parallel_loop3A_575, %parallel_loop3A_576] {strides = array<i32>} : memref<32x1024xf32, #tpu.memory_space<vmem>>, vector<1x16xf32>,
        %parallel_loop3A_578 = vector.shape_cast %parallel_loop3A_577 : vector<1x16xf32> to vector<16xf32>
        %parallel_loop3A_579 = vector.shape_cast %parallel_loop3A_574 : vector<16xf32> to vector<1x16xf32>
        tpu.vector_store %arg4[%parallel_loop3A_575, %parallel_loop3A_576], %parallel_loop3A_579 {strides = array<i32>} : memref<32x1024xf32, #tpu.memory_space<vmem>>, vector<1x16xf32>,
        %parallel_loop3A_580 = arith.index_cast %parallel_loop3A_111 : i32 to index
        %parallel_loop3A_581 = arith.constant 624 : index
        %parallel_loop3A_582 = tpu.vector_load %arg4[%parallel_loop3A_580, %parallel_loop3A_581] {strides = array<i32>} : memref<32x1024xf32, #tpu.memory_space<vmem>>, vector<1x16xf32>,
        %parallel_loop3A_583 = vector.shape_cast %parallel_loop3A_582 : vector<1x16xf32> to vector<16xf32>
        %parallel_loop3A_584 = arith.constant 3.125000e-02 : f32
        %parallel_loop3A_585 = vector.broadcast %parallel_loop3A_584 : f32 to vector<16xf32>
        %parallel_loop3A_586 = arith.mulf %parallel_loop3A_583, %parallel_loop3A_585 : vector<16xf32>
        %parallel_loop3A_587 = arith.index_cast %parallel_loop3A_111 : i32 to index
        %parallel_loop3A_588 = arith.constant 624 : index
        %parallel_loop3A_589 = tpu.vector_load %arg4[%parallel_loop3A_587, %parallel_loop3A_588] {strides = array<i32>} : memref<32x1024xf32, #tpu.memory_space<vmem>>, vector<1x16xf32>,
        %parallel_loop3A_590 = vector.shape_cast %parallel_loop3A_589 : vector<1x16xf32> to vector<16xf32>
        %parallel_loop3A_591 = vector.shape_cast %parallel_loop3A_586 : vector<16xf32> to vector<1x16xf32>
        tpu.vector_store %arg4[%parallel_loop3A_587, %parallel_loop3A_588], %parallel_loop3A_591 {strides = array<i32>} : memref<32x1024xf32, #tpu.memory_space<vmem>>, vector<1x16xf32>,
        %parallel_loop3A_592 = arith.index_cast %parallel_loop3A_111 : i32 to index
        %parallel_loop3A_593 = arith.constant 640 : index
        %parallel_loop3A_594 = tpu.vector_load %arg4[%parallel_loop3A_592, %parallel_loop3A_593] {strides = array<i32>} : memref<32x1024xf32, #tpu.memory_space<vmem>>, vector<1x16xf32>,
        %parallel_loop3A_595 = vector.shape_cast %parallel_loop3A_594 : vector<1x16xf32> to vector<16xf32>
        %parallel_loop3A_596 = arith.constant 3.125000e-02 : f32
        %parallel_loop3A_597 = vector.broadcast %parallel_loop3A_596 : f32 to vector<16xf32>
        %parallel_loop3A_598 = arith.mulf %parallel_loop3A_595, %parallel_loop3A_597 : vector<16xf32>
        %parallel_loop3A_599 = arith.index_cast %parallel_loop3A_111 : i32 to index
        %parallel_loop3A_600 = arith.constant 640 : index
        %parallel_loop3A_601 = tpu.vector_load %arg4[%parallel_loop3A_599, %parallel_loop3A_600] {strides = array<i32>} : memref<32x1024xf32, #tpu.memory_space<vmem>>, vector<1x16xf32>,
        %parallel_loop3A_602 = vector.shape_cast %parallel_loop3A_601 : vector<1x16xf32> to vector<16xf32>
        %parallel_loop3A_603 = vector.shape_cast %parallel_loop3A_598 : vector<16xf32> to vector<1x16xf32>
        tpu.vector_store %arg4[%parallel_loop3A_599, %parallel_loop3A_600], %parallel_loop3A_603 {strides = array<i32>} : memref<32x1024xf32, #tpu.memory_space<vmem>>, vector<1x16xf32>,
        %parallel_loop3A_604 = arith.index_cast %parallel_loop3A_111 : i32 to index
        %parallel_loop3A_605 = arith.constant 656 : index
        %parallel_loop3A_606 = tpu.vector_load %arg4[%parallel_loop3A_604, %parallel_loop3A_605] {strides = array<i32>} : memref<32x1024xf32, #tpu.memory_space<vmem>>, vector<1x16xf32>,
        %parallel_loop3A_607 = vector.shape_cast %parallel_loop3A_606 : vector<1x16xf32> to vector<16xf32>
        %parallel_loop3A_608 = arith.constant 3.125000e-02 : f32
        %parallel_loop3A_609 = vector.broadcast %parallel_loop3A_608 : f32 to vector<16xf32>
        %parallel_loop3A_610 = arith.mulf %parallel_loop3A_607, %parallel_loop3A_609 : vector<16xf32>
        %parallel_loop3A_611 = arith.index_cast %parallel_loop3A_111 : i32 to index
        %parallel_loop3A_612 = arith.constant 656 : index
        %parallel_loop3A_613 = tpu.vector_load %arg4[%parallel_loop3A_611, %parallel_loop3A_612] {strides = array<i32>} : memref<32x1024xf32, #tpu.memory_space<vmem>>, vector<1x16xf32>,
        %parallel_loop3A_614 = vector.shape_cast %parallel_loop3A_613 : vector<1x16xf32> to vector<16xf32>
        %parallel_loop3A_615 = vector.shape_cast %parallel_loop3A_610 : vector<16xf32> to vector<1x16xf32>
        tpu.vector_store %arg4[%parallel_loop3A_611, %parallel_loop3A_612], %parallel_loop3A_615 {strides = array<i32>} : memref<32x1024xf32, #tpu.memory_space<vmem>>, vector<1x16xf32>,
        %parallel_loop3A_616 = arith.index_cast %parallel_loop3A_111 : i32 to index
        %parallel_loop3A_617 = arith.constant 672 : index
        %parallel_loop3A_618 = tpu.vector_load %arg4[%parallel_loop3A_616, %parallel_loop3A_617] {strides = array<i32>} : memref<32x1024xf32, #tpu.memory_space<vmem>>, vector<1x16xf32>,
        %parallel_loop3A_619 = vector.shape_cast %parallel_loop3A_618 : vector<1x16xf32> to vector<16xf32>
        %parallel_loop3A_620 = arith.constant 3.125000e-02 : f32
        %parallel_loop3A_621 = vector.broadcast %parallel_loop3A_620 : f32 to vector<16xf32>
        %parallel_loop3A_622 = arith.mulf %parallel_loop3A_619, %parallel_loop3A_621 : vector<16xf32>
        %parallel_loop3A_623 = arith.index_cast %parallel_loop3A_111 : i32 to index
        %parallel_loop3A_624 = arith.constant 672 : index
        %parallel_loop3A_625 = tpu.vector_load %arg4[%parallel_loop3A_623, %parallel_loop3A_624] {strides = array<i32>} : memref<32x1024xf32, #tpu.memory_space<vmem>>, vector<1x16xf32>,
        %parallel_loop3A_626 = vector.shape_cast %parallel_loop3A_625 : vector<1x16xf32> to vector<16xf32>
        %parallel_loop3A_627 = vector.shape_cast %parallel_loop3A_622 : vector<16xf32> to vector<1x16xf32>
        tpu.vector_store %arg4[%parallel_loop3A_623, %parallel_loop3A_624], %parallel_loop3A_627 {strides = array<i32>} : memref<32x1024xf32, #tpu.memory_space<vmem>>, vector<1x16xf32>,
        %parallel_loop3A_628 = arith.index_cast %parallel_loop3A_111 : i32 to index
        %parallel_loop3A_629 = arith.constant 688 : index
        %parallel_loop3A_630 = tpu.vector_load %arg4[%parallel_loop3A_628, %parallel_loop3A_629] {strides = array<i32>} : memref<32x1024xf32, #tpu.memory_space<vmem>>, vector<1x16xf32>,
        %parallel_loop3A_631 = vector.shape_cast %parallel_loop3A_630 : vector<1x16xf32> to vector<16xf32>
        %parallel_loop3A_632 = arith.constant 3.125000e-02 : f32
        %parallel_loop3A_633 = vector.broadcast %parallel_loop3A_632 : f32 to vector<16xf32>
        %parallel_loop3A_634 = arith.mulf %parallel_loop3A_631, %parallel_loop3A_633 : vector<16xf32>
        %parallel_loop3A_635 = arith.index_cast %parallel_loop3A_111 : i32 to index
        %parallel_loop3A_636 = arith.constant 688 : index
        %parallel_loop3A_637 = tpu.vector_load %arg4[%parallel_loop3A_635, %parallel_loop3A_636] {strides = array<i32>} : memref<32x1024xf32, #tpu.memory_space<vmem>>, vector<1x16xf32>,
        %parallel_loop3A_638 = vector.shape_cast %parallel_loop3A_637 : vector<1x16xf32> to vector<16xf32>
        %parallel_loop3A_639 = vector.shape_cast %parallel_loop3A_634 : vector<16xf32> to vector<1x16xf32>
        tpu.vector_store %arg4[%parallel_loop3A_635, %parallel_loop3A_636], %parallel_loop3A_639 {strides = array<i32>} : memref<32x1024xf32, #tpu.memory_space<vmem>>, vector<1x16xf32>,
        %parallel_loop3A_640 = arith.index_cast %parallel_loop3A_111 : i32 to index
        %parallel_loop3A_641 = arith.constant 704 : index
        %parallel_loop3A_642 = tpu.vector_load %arg4[%parallel_loop3A_640, %parallel_loop3A_641] {strides = array<i32>} : memref<32x1024xf32, #tpu.memory_space<vmem>>, vector<1x16xf32>,
        %parallel_loop3A_643 = vector.shape_cast %parallel_loop3A_642 : vector<1x16xf32> to vector<16xf32>
        %parallel_loop3A_644 = arith.constant 3.125000e-02 : f32
        %parallel_loop3A_645 = vector.broadcast %parallel_loop3A_644 : f32 to vector<16xf32>
        %parallel_loop3A_646 = arith.mulf %parallel_loop3A_643, %parallel_loop3A_645 : vector<16xf32>
        %parallel_loop3A_647 = arith.index_cast %parallel_loop3A_111 : i32 to index
        %parallel_loop3A_648 = arith.constant 704 : index
        %parallel_loop3A_649 = tpu.vector_load %arg4[%parallel_loop3A_647, %parallel_loop3A_648] {strides = array<i32>} : memref<32x1024xf32, #tpu.memory_space<vmem>>, vector<1x16xf32>,
        %parallel_loop3A_650 = vector.shape_cast %parallel_loop3A_649 : vector<1x16xf32> to vector<16xf32>
        %parallel_loop3A_651 = vector.shape_cast %parallel_loop3A_646 : vector<16xf32> to vector<1x16xf32>
        tpu.vector_store %arg4[%parallel_loop3A_647, %parallel_loop3A_648], %parallel_loop3A_651 {strides = array<i32>} : memref<32x1024xf32, #tpu.memory_space<vmem>>, vector<1x16xf32>,
        %parallel_loop3A_652 = arith.index_cast %parallel_loop3A_111 : i32 to index
        %parallel_loop3A_653 = arith.constant 720 : index
        %parallel_loop3A_654 = tpu.vector_load %arg4[%parallel_loop3A_652, %parallel_loop3A_653] {strides = array<i32>} : memref<32x1024xf32, #tpu.memory_space<vmem>>, vector<1x16xf32>,
        %parallel_loop3A_655 = vector.shape_cast %parallel_loop3A_654 : vector<1x16xf32> to vector<16xf32>
        %parallel_loop3A_656 = arith.constant 3.125000e-02 : f32
        %parallel_loop3A_657 = vector.broadcast %parallel_loop3A_656 : f32 to vector<16xf32>
        %parallel_loop3A_658 = arith.mulf %parallel_loop3A_655, %parallel_loop3A_657 : vector<16xf32>
        %parallel_loop3A_659 = arith.index_cast %parallel_loop3A_111 : i32 to index
        %parallel_loop3A_660 = arith.constant 720 : index
        %parallel_loop3A_661 = tpu.vector_load %arg4[%parallel_loop3A_659, %parallel_loop3A_660] {strides = array<i32>} : memref<32x1024xf32, #tpu.memory_space<vmem>>, vector<1x16xf32>,
        %parallel_loop3A_662 = vector.shape_cast %parallel_loop3A_661 : vector<1x16xf32> to vector<16xf32>
        %parallel_loop3A_663 = vector.shape_cast %parallel_loop3A_658 : vector<16xf32> to vector<1x16xf32>
        tpu.vector_store %arg4[%parallel_loop3A_659, %parallel_loop3A_660], %parallel_loop3A_663 {strides = array<i32>} : memref<32x1024xf32, #tpu.memory_space<vmem>>, vector<1x16xf32>,
        %parallel_loop3A_664 = arith.index_cast %parallel_loop3A_111 : i32 to index
        %parallel_loop3A_665 = arith.constant 736 : index
        %parallel_loop3A_666 = tpu.vector_load %arg4[%parallel_loop3A_664, %parallel_loop3A_665] {strides = array<i32>} : memref<32x1024xf32, #tpu.memory_space<vmem>>, vector<1x16xf32>,
        %parallel_loop3A_667 = vector.shape_cast %parallel_loop3A_666 : vector<1x16xf32> to vector<16xf32>
        %parallel_loop3A_668 = arith.constant 3.125000e-02 : f32
        %parallel_loop3A_669 = vector.broadcast %parallel_loop3A_668 : f32 to vector<16xf32>
        %parallel_loop3A_670 = arith.mulf %parallel_loop3A_667, %parallel_loop3A_669 : vector<16xf32>
        %parallel_loop3A_671 = arith.index_cast %parallel_loop3A_111 : i32 to index
        %parallel_loop3A_672 = arith.constant 736 : index
        %parallel_loop3A_673 = tpu.vector_load %arg4[%parallel_loop3A_671, %parallel_loop3A_672] {strides = array<i32>} : memref<32x1024xf32, #tpu.memory_space<vmem>>, vector<1x16xf32>,
        %parallel_loop3A_674 = vector.shape_cast %parallel_loop3A_673 : vector<1x16xf32> to vector<16xf32>
        %parallel_loop3A_675 = vector.shape_cast %parallel_loop3A_670 : vector<16xf32> to vector<1x16xf32>
        tpu.vector_store %arg4[%parallel_loop3A_671, %parallel_loop3A_672], %parallel_loop3A_675 {strides = array<i32>} : memref<32x1024xf32, #tpu.memory_space<vmem>>, vector<1x16xf32>,
        %parallel_loop3A_676 = arith.index_cast %parallel_loop3A_111 : i32 to index
        %parallel_loop3A_677 = arith.constant 752 : index
        %parallel_loop3A_678 = tpu.vector_load %arg4[%parallel_loop3A_676, %parallel_loop3A_677] {strides = array<i32>} : memref<32x1024xf32, #tpu.memory_space<vmem>>, vector<1x16xf32>,
        %parallel_loop3A_679 = vector.shape_cast %parallel_loop3A_678 : vector<1x16xf32> to vector<16xf32>
        %parallel_loop3A_680 = arith.constant 3.125000e-02 : f32
        %parallel_loop3A_681 = vector.broadcast %parallel_loop3A_680 : f32 to vector<16xf32>
        %parallel_loop3A_682 = arith.mulf %parallel_loop3A_679, %parallel_loop3A_681 : vector<16xf32>
        %parallel_loop3A_683 = arith.index_cast %parallel_loop3A_111 : i32 to index
        %parallel_loop3A_684 = arith.constant 752 : index
        %parallel_loop3A_685 = tpu.vector_load %arg4[%parallel_loop3A_683, %parallel_loop3A_684] {strides = array<i32>} : memref<32x1024xf32, #tpu.memory_space<vmem>>, vector<1x16xf32>,
        %parallel_loop3A_686 = vector.shape_cast %parallel_loop3A_685 : vector<1x16xf32> to vector<16xf32>
        %parallel_loop3A_687 = vector.shape_cast %parallel_loop3A_682 : vector<16xf32> to vector<1x16xf32>
        tpu.vector_store %arg4[%parallel_loop3A_683, %parallel_loop3A_684], %parallel_loop3A_687 {strides = array<i32>} : memref<32x1024xf32, #tpu.memory_space<vmem>>, vector<1x16xf32>,
        %parallel_loop3A_688 = arith.index_cast %parallel_loop3A_111 : i32 to index
        %parallel_loop3A_689 = arith.constant 768 : index
        %parallel_loop3A_690 = tpu.vector_load %arg4[%parallel_loop3A_688, %parallel_loop3A_689] {strides = array<i32>} : memref<32x1024xf32, #tpu.memory_space<vmem>>, vector<1x16xf32>,
        %parallel_loop3A_691 = vector.shape_cast %parallel_loop3A_690 : vector<1x16xf32> to vector<16xf32>
        %parallel_loop3A_692 = arith.constant 3.125000e-02 : f32
        %parallel_loop3A_693 = vector.broadcast %parallel_loop3A_692 : f32 to vector<16xf32>
        %parallel_loop3A_694 = arith.mulf %parallel_loop3A_691, %parallel_loop3A_693 : vector<16xf32>
        %parallel_loop3A_695 = arith.index_cast %parallel_loop3A_111 : i32 to index
        %parallel_loop3A_696 = arith.constant 768 : index
        %parallel_loop3A_697 = tpu.vector_load %arg4[%parallel_loop3A_695, %parallel_loop3A_696] {strides = array<i32>} : memref<32x1024xf32, #tpu.memory_space<vmem>>, vector<1x16xf32>,
        %parallel_loop3A_698 = vector.shape_cast %parallel_loop3A_697 : vector<1x16xf32> to vector<16xf32>
        %parallel_loop3A_699 = vector.shape_cast %parallel_loop3A_694 : vector<16xf32> to vector<1x16xf32>
        tpu.vector_store %arg4[%parallel_loop3A_695, %parallel_loop3A_696], %parallel_loop3A_699 {strides = array<i32>} : memref<32x1024xf32, #tpu.memory_space<vmem>>, vector<1x16xf32>,
        %parallel_loop3A_700 = arith.index_cast %parallel_loop3A_111 : i32 to index
        %parallel_loop3A_701 = arith.constant 784 : index
        %parallel_loop3A_702 = tpu.vector_load %arg4[%parallel_loop3A_700, %parallel_loop3A_701] {strides = array<i32>} : memref<32x1024xf32, #tpu.memory_space<vmem>>, vector<1x16xf32>,
        %parallel_loop3A_703 = vector.shape_cast %parallel_loop3A_702 : vector<1x16xf32> to vector<16xf32>
        %parallel_loop3A_704 = arith.constant 3.125000e-02 : f32
        %parallel_loop3A_705 = vector.broadcast %parallel_loop3A_704 : f32 to vector<16xf32>
        %parallel_loop3A_706 = arith.mulf %parallel_loop3A_703, %parallel_loop3A_705 : vector<16xf32>
        %parallel_loop3A_707 = arith.index_cast %parallel_loop3A_111 : i32 to index
        %parallel_loop3A_708 = arith.constant 784 : index
        %parallel_loop3A_709 = tpu.vector_load %arg4[%parallel_loop3A_707, %parallel_loop3A_708] {strides = array<i32>} : memref<32x1024xf32, #tpu.memory_space<vmem>>, vector<1x16xf32>,
        %parallel_loop3A_710 = vector.shape_cast %parallel_loop3A_709 : vector<1x16xf32> to vector<16xf32>
        %parallel_loop3A_711 = vector.shape_cast %parallel_loop3A_706 : vector<16xf32> to vector<1x16xf32>
        tpu.vector_store %arg4[%parallel_loop3A_707, %parallel_loop3A_708], %parallel_loop3A_711 {strides = array<i32>} : memref<32x1024xf32, #tpu.memory_space<vmem>>, vector<1x16xf32>,
        %parallel_loop3A_712 = arith.index_cast %parallel_loop3A_111 : i32 to index
        %parallel_loop3A_713 = arith.constant 800 : index
        %parallel_loop3A_714 = tpu.vector_load %arg4[%parallel_loop3A_712, %parallel_loop3A_713] {strides = array<i32>} : memref<32x1024xf32, #tpu.memory_space<vmem>>, vector<1x16xf32>,
        %parallel_loop3A_715 = vector.shape_cast %parallel_loop3A_714 : vector<1x16xf32> to vector<16xf32>
        %parallel_loop3A_716 = arith.constant 3.125000e-02 : f32
        %parallel_loop3A_717 = vector.broadcast %parallel_loop3A_716 : f32 to vector<16xf32>
        %parallel_loop3A_718 = arith.mulf %parallel_loop3A_715, %parallel_loop3A_717 : vector<16xf32>
        %parallel_loop3A_719 = arith.index_cast %parallel_loop3A_111 : i32 to index
        %parallel_loop3A_720 = arith.constant 800 : index
        %parallel_loop3A_721 = tpu.vector_load %arg4[%parallel_loop3A_719, %parallel_loop3A_720] {strides = array<i32>} : memref<32x1024xf32, #tpu.memory_space<vmem>>, vector<1x16xf32>,
        %parallel_loop3A_722 = vector.shape_cast %parallel_loop3A_721 : vector<1x16xf32> to vector<16xf32>
        %parallel_loop3A_723 = vector.shape_cast %parallel_loop3A_718 : vector<16xf32> to vector<1x16xf32>
        tpu.vector_store %arg4[%parallel_loop3A_719, %parallel_loop3A_720], %parallel_loop3A_723 {strides = array<i32>} : memref<32x1024xf32, #tpu.memory_space<vmem>>, vector<1x16xf32>,
        %parallel_loop3A_724 = arith.index_cast %parallel_loop3A_111 : i32 to index
        %parallel_loop3A_725 = arith.constant 816 : index
        %parallel_loop3A_726 = tpu.vector_load %arg4[%parallel_loop3A_724, %parallel_loop3A_725] {strides = array<i32>} : memref<32x1024xf32, #tpu.memory_space<vmem>>, vector<1x16xf32>,
        %parallel_loop3A_727 = vector.shape_cast %parallel_loop3A_726 : vector<1x16xf32> to vector<16xf32>
        %parallel_loop3A_728 = arith.constant 3.125000e-02 : f32
        %parallel_loop3A_729 = vector.broadcast %parallel_loop3A_728 : f32 to vector<16xf32>
        %parallel_loop3A_730 = arith.mulf %parallel_loop3A_727, %parallel_loop3A_729 : vector<16xf32>
        %parallel_loop3A_731 = arith.index_cast %parallel_loop3A_111 : i32 to index
        %parallel_loop3A_732 = arith.constant 816 : index
        %parallel_loop3A_733 = tpu.vector_load %arg4[%parallel_loop3A_731, %parallel_loop3A_732] {strides = array<i32>} : memref<32x1024xf32, #tpu.memory_space<vmem>>, vector<1x16xf32>,
        %parallel_loop3A_734 = vector.shape_cast %parallel_loop3A_733 : vector<1x16xf32> to vector<16xf32>
        %parallel_loop3A_735 = vector.shape_cast %parallel_loop3A_730 : vector<16xf32> to vector<1x16xf32>
        tpu.vector_store %arg4[%parallel_loop3A_731, %parallel_loop3A_732], %parallel_loop3A_735 {strides = array<i32>} : memref<32x1024xf32, #tpu.memory_space<vmem>>, vector<1x16xf32>,
        %parallel_loop3A_736 = arith.index_cast %parallel_loop3A_111 : i32 to index
        %parallel_loop3A_737 = arith.constant 832 : index
        %parallel_loop3A_738 = tpu.vector_load %arg4[%parallel_loop3A_736, %parallel_loop3A_737] {strides = array<i32>} : memref<32x1024xf32, #tpu.memory_space<vmem>>, vector<1x16xf32>,
        %parallel_loop3A_739 = vector.shape_cast %parallel_loop3A_738 : vector<1x16xf32> to vector<16xf32>
        %parallel_loop3A_740 = arith.constant 3.125000e-02 : f32
        %parallel_loop3A_741 = vector.broadcast %parallel_loop3A_740 : f32 to vector<16xf32>
        %parallel_loop3A_742 = arith.mulf %parallel_loop3A_739, %parallel_loop3A_741 : vector<16xf32>
        %parallel_loop3A_743 = arith.index_cast %parallel_loop3A_111 : i32 to index
        %parallel_loop3A_744 = arith.constant 832 : index
        %parallel_loop3A_745 = tpu.vector_load %arg4[%parallel_loop3A_743, %parallel_loop3A_744] {strides = array<i32>} : memref<32x1024xf32, #tpu.memory_space<vmem>>, vector<1x16xf32>,
        %parallel_loop3A_746 = vector.shape_cast %parallel_loop3A_745 : vector<1x16xf32> to vector<16xf32>
        %parallel_loop3A_747 = vector.shape_cast %parallel_loop3A_742 : vector<16xf32> to vector<1x16xf32>
        tpu.vector_store %arg4[%parallel_loop3A_743, %parallel_loop3A_744], %parallel_loop3A_747 {strides = array<i32>} : memref<32x1024xf32, #tpu.memory_space<vmem>>, vector<1x16xf32>,
        %parallel_loop3A_748 = arith.index_cast %parallel_loop3A_111 : i32 to index
        %parallel_loop3A_749 = arith.constant 848 : index
        %parallel_loop3A_750 = tpu.vector_load %arg4[%parallel_loop3A_748, %parallel_loop3A_749] {strides = array<i32>} : memref<32x1024xf32, #tpu.memory_space<vmem>>, vector<1x16xf32>,
        %parallel_loop3A_751 = vector.shape_cast %parallel_loop3A_750 : vector<1x16xf32> to vector<16xf32>
        %parallel_loop3A_752 = arith.constant 3.125000e-02 : f32
        %parallel_loop3A_753 = vector.broadcast %parallel_loop3A_752 : f32 to vector<16xf32>
        %parallel_loop3A_754 = arith.mulf %parallel_loop3A_751, %parallel_loop3A_753 : vector<16xf32>
        %parallel_loop3A_755 = arith.index_cast %parallel_loop3A_111 : i32 to index
        %parallel_loop3A_756 = arith.constant 848 : index
        %parallel_loop3A_757 = tpu.vector_load %arg4[%parallel_loop3A_755, %parallel_loop3A_756] {strides = array<i32>} : memref<32x1024xf32, #tpu.memory_space<vmem>>, vector<1x16xf32>,
        %parallel_loop3A_758 = vector.shape_cast %parallel_loop3A_757 : vector<1x16xf32> to vector<16xf32>
        %parallel_loop3A_759 = vector.shape_cast %parallel_loop3A_754 : vector<16xf32> to vector<1x16xf32>
        tpu.vector_store %arg4[%parallel_loop3A_755, %parallel_loop3A_756], %parallel_loop3A_759 {strides = array<i32>} : memref<32x1024xf32, #tpu.memory_space<vmem>>, vector<1x16xf32>,
        %parallel_loop3A_760 = arith.index_cast %parallel_loop3A_111 : i32 to index
        %parallel_loop3A_761 = arith.constant 864 : index
        %parallel_loop3A_762 = tpu.vector_load %arg4[%parallel_loop3A_760, %parallel_loop3A_761] {strides = array<i32>} : memref<32x1024xf32, #tpu.memory_space<vmem>>, vector<1x16xf32>,
        %parallel_loop3A_763 = vector.shape_cast %parallel_loop3A_762 : vector<1x16xf32> to vector<16xf32>
        %parallel_loop3A_764 = arith.constant 3.125000e-02 : f32
        %parallel_loop3A_765 = vector.broadcast %parallel_loop3A_764 : f32 to vector<16xf32>
        %parallel_loop3A_766 = arith.mulf %parallel_loop3A_763, %parallel_loop3A_765 : vector<16xf32>
        %parallel_loop3A_767 = arith.index_cast %parallel_loop3A_111 : i32 to index
        %parallel_loop3A_768 = arith.constant 864 : index
        %parallel_loop3A_769 = tpu.vector_load %arg4[%parallel_loop3A_767, %parallel_loop3A_768] {strides = array<i32>} : memref<32x1024xf32, #tpu.memory_space<vmem>>, vector<1x16xf32>,
        %parallel_loop3A_770 = vector.shape_cast %parallel_loop3A_769 : vector<1x16xf32> to vector<16xf32>
        %parallel_loop3A_771 = vector.shape_cast %parallel_loop3A_766 : vector<16xf32> to vector<1x16xf32>
        tpu.vector_store %arg4[%parallel_loop3A_767, %parallel_loop3A_768], %parallel_loop3A_771 {strides = array<i32>} : memref<32x1024xf32, #tpu.memory_space<vmem>>, vector<1x16xf32>,
        %parallel_loop3A_772 = arith.index_cast %parallel_loop3A_111 : i32 to index
        %parallel_loop3A_773 = arith.constant 880 : index
        %parallel_loop3A_774 = tpu.vector_load %arg4[%parallel_loop3A_772, %parallel_loop3A_773] {strides = array<i32>} : memref<32x1024xf32, #tpu.memory_space<vmem>>, vector<1x16xf32>,
        %parallel_loop3A_775 = vector.shape_cast %parallel_loop3A_774 : vector<1x16xf32> to vector<16xf32>
        %parallel_loop3A_776 = arith.constant 3.125000e-02 : f32
        %parallel_loop3A_777 = vector.broadcast %parallel_loop3A_776 : f32 to vector<16xf32>
        %parallel_loop3A_778 = arith.mulf %parallel_loop3A_775, %parallel_loop3A_777 : vector<16xf32>
        %parallel_loop3A_779 = arith.index_cast %parallel_loop3A_111 : i32 to index
        %parallel_loop3A_780 = arith.constant 880 : index
        %parallel_loop3A_781 = tpu.vector_load %arg4[%parallel_loop3A_779, %parallel_loop3A_780] {strides = array<i32>} : memref<32x1024xf32, #tpu.memory_space<vmem>>, vector<1x16xf32>,
        %parallel_loop3A_782 = vector.shape_cast %parallel_loop3A_781 : vector<1x16xf32> to vector<16xf32>
        %parallel_loop3A_783 = vector.shape_cast %parallel_loop3A_778 : vector<16xf32> to vector<1x16xf32>
        tpu.vector_store %arg4[%parallel_loop3A_779, %parallel_loop3A_780], %parallel_loop3A_783 {strides = array<i32>} : memref<32x1024xf32, #tpu.memory_space<vmem>>, vector<1x16xf32>,
        %parallel_loop3A_784 = arith.index_cast %parallel_loop3A_111 : i32 to index
        %parallel_loop3A_785 = arith.constant 896 : index
        %parallel_loop3A_786 = tpu.vector_load %arg4[%parallel_loop3A_784, %parallel_loop3A_785] {strides = array<i32>} : memref<32x1024xf32, #tpu.memory_space<vmem>>, vector<1x16xf32>,
        %parallel_loop3A_787 = vector.shape_cast %parallel_loop3A_786 : vector<1x16xf32> to vector<16xf32>
        %parallel_loop3A_788 = arith.constant 3.125000e-02 : f32
        %parallel_loop3A_789 = vector.broadcast %parallel_loop3A_788 : f32 to vector<16xf32>
        %parallel_loop3A_790 = arith.mulf %parallel_loop3A_787, %parallel_loop3A_789 : vector<16xf32>
        %parallel_loop3A_791 = arith.index_cast %parallel_loop3A_111 : i32 to index
        %parallel_loop3A_792 = arith.constant 896 : index
        %parallel_loop3A_793 = tpu.vector_load %arg4[%parallel_loop3A_791, %parallel_loop3A_792] {strides = array<i32>} : memref<32x1024xf32, #tpu.memory_space<vmem>>, vector<1x16xf32>,
        %parallel_loop3A_794 = vector.shape_cast %parallel_loop3A_793 : vector<1x16xf32> to vector<16xf32>
        %parallel_loop3A_795 = vector.shape_cast %parallel_loop3A_790 : vector<16xf32> to vector<1x16xf32>
        tpu.vector_store %arg4[%parallel_loop3A_791, %parallel_loop3A_792], %parallel_loop3A_795 {strides = array<i32>} : memref<32x1024xf32, #tpu.memory_space<vmem>>, vector<1x16xf32>,
        %parallel_loop3A_796 = arith.index_cast %parallel_loop3A_111 : i32 to index
        %parallel_loop3A_797 = arith.constant 912 : index
        %parallel_loop3A_798 = tpu.vector_load %arg4[%parallel_loop3A_796, %parallel_loop3A_797] {strides = array<i32>} : memref<32x1024xf32, #tpu.memory_space<vmem>>, vector<1x16xf32>,
        %parallel_loop3A_799 = vector.shape_cast %parallel_loop3A_798 : vector<1x16xf32> to vector<16xf32>
        %parallel_loop3A_800 = arith.constant 3.125000e-02 : f32
        %parallel_loop3A_801 = vector.broadcast %parallel_loop3A_800 : f32 to vector<16xf32>
        %parallel_loop3A_802 = arith.mulf %parallel_loop3A_799, %parallel_loop3A_801 : vector<16xf32>
        %parallel_loop3A_803 = arith.index_cast %parallel_loop3A_111 : i32 to index
        %parallel_loop3A_804 = arith.constant 912 : index
        %parallel_loop3A_805 = tpu.vector_load %arg4[%parallel_loop3A_803, %parallel_loop3A_804] {strides = array<i32>} : memref<32x1024xf32, #tpu.memory_space<vmem>>, vector<1x16xf32>,
        %parallel_loop3A_806 = vector.shape_cast %parallel_loop3A_805 : vector<1x16xf32> to vector<16xf32>
        %parallel_loop3A_807 = vector.shape_cast %parallel_loop3A_802 : vector<16xf32> to vector<1x16xf32>
        tpu.vector_store %arg4[%parallel_loop3A_803, %parallel_loop3A_804], %parallel_loop3A_807 {strides = array<i32>} : memref<32x1024xf32, #tpu.memory_space<vmem>>, vector<1x16xf32>,
        %parallel_loop3A_808 = arith.index_cast %parallel_loop3A_111 : i32 to index
        %parallel_loop3A_809 = arith.constant 928 : index
        %parallel_loop3A_810 = tpu.vector_load %arg4[%parallel_loop3A_808, %parallel_loop3A_809] {strides = array<i32>} : memref<32x1024xf32, #tpu.memory_space<vmem>>, vector<1x16xf32>,
        %parallel_loop3A_811 = vector.shape_cast %parallel_loop3A_810 : vector<1x16xf32> to vector<16xf32>
        %parallel_loop3A_812 = arith.constant 3.125000e-02 : f32
        %parallel_loop3A_813 = vector.broadcast %parallel_loop3A_812 : f32 to vector<16xf32>
        %parallel_loop3A_814 = arith.mulf %parallel_loop3A_811, %parallel_loop3A_813 : vector<16xf32>
        %parallel_loop3A_815 = arith.index_cast %parallel_loop3A_111 : i32 to index
        %parallel_loop3A_816 = arith.constant 928 : index
        %parallel_loop3A_817 = tpu.vector_load %arg4[%parallel_loop3A_815, %parallel_loop3A_816] {strides = array<i32>} : memref<32x1024xf32, #tpu.memory_space<vmem>>, vector<1x16xf32>,
        %parallel_loop3A_818 = vector.shape_cast %parallel_loop3A_817 : vector<1x16xf32> to vector<16xf32>
        %parallel_loop3A_819 = vector.shape_cast %parallel_loop3A_814 : vector<16xf32> to vector<1x16xf32>
        tpu.vector_store %arg4[%parallel_loop3A_815, %parallel_loop3A_816], %parallel_loop3A_819 {strides = array<i32>} : memref<32x1024xf32, #tpu.memory_space<vmem>>, vector<1x16xf32>,
        %parallel_loop3A_820 = arith.index_cast %parallel_loop3A_111 : i32 to index
        %parallel_loop3A_821 = arith.constant 944 : index
        %parallel_loop3A_822 = tpu.vector_load %arg4[%parallel_loop3A_820, %parallel_loop3A_821] {strides = array<i32>} : memref<32x1024xf32, #tpu.memory_space<vmem>>, vector<1x16xf32>,
        %parallel_loop3A_823 = vector.shape_cast %parallel_loop3A_822 : vector<1x16xf32> to vector<16xf32>
        %parallel_loop3A_824 = arith.constant 3.125000e-02 : f32
        %parallel_loop3A_825 = vector.broadcast %parallel_loop3A_824 : f32 to vector<16xf32>
        %parallel_loop3A_826 = arith.mulf %parallel_loop3A_823, %parallel_loop3A_825 : vector<16xf32>
        %parallel_loop3A_827 = arith.index_cast %parallel_loop3A_111 : i32 to index
        %parallel_loop3A_828 = arith.constant 944 : index
        %parallel_loop3A_829 = tpu.vector_load %arg4[%parallel_loop3A_827, %parallel_loop3A_828] {strides = array<i32>} : memref<32x1024xf32, #tpu.memory_space<vmem>>, vector<1x16xf32>,
        %parallel_loop3A_830 = vector.shape_cast %parallel_loop3A_829 : vector<1x16xf32> to vector<16xf32>
        %parallel_loop3A_831 = vector.shape_cast %parallel_loop3A_826 : vector<16xf32> to vector<1x16xf32>
        tpu.vector_store %arg4[%parallel_loop3A_827, %parallel_loop3A_828], %parallel_loop3A_831 {strides = array<i32>} : memref<32x1024xf32, #tpu.memory_space<vmem>>, vector<1x16xf32>,
        %parallel_loop3A_832 = arith.index_cast %parallel_loop3A_111 : i32 to index
        %parallel_loop3A_833 = arith.constant 960 : index
        %parallel_loop3A_834 = tpu.vector_load %arg4[%parallel_loop3A_832, %parallel_loop3A_833] {strides = array<i32>} : memref<32x1024xf32, #tpu.memory_space<vmem>>, vector<1x16xf32>,
        %parallel_loop3A_835 = vector.shape_cast %parallel_loop3A_834 : vector<1x16xf32> to vector<16xf32>
        %parallel_loop3A_836 = arith.constant 3.125000e-02 : f32
        %parallel_loop3A_837 = vector.broadcast %parallel_loop3A_836 : f32 to vector<16xf32>
        %parallel_loop3A_838 = arith.mulf %parallel_loop3A_835, %parallel_loop3A_837 : vector<16xf32>
        %parallel_loop3A_839 = arith.index_cast %parallel_loop3A_111 : i32 to index
        %parallel_loop3A_840 = arith.constant 960 : index
        %parallel_loop3A_841 = tpu.vector_load %arg4[%parallel_loop3A_839, %parallel_loop3A_840] {strides = array<i32>} : memref<32x1024xf32, #tpu.memory_space<vmem>>, vector<1x16xf32>,
        %parallel_loop3A_842 = vector.shape_cast %parallel_loop3A_841 : vector<1x16xf32> to vector<16xf32>
        %parallel_loop3A_843 = vector.shape_cast %parallel_loop3A_838 : vector<16xf32> to vector<1x16xf32>
        tpu.vector_store %arg4[%parallel_loop3A_839, %parallel_loop3A_840], %parallel_loop3A_843 {strides = array<i32>} : memref<32x1024xf32, #tpu.memory_space<vmem>>, vector<1x16xf32>,
        %parallel_loop3A_844 = arith.index_cast %parallel_loop3A_111 : i32 to index
        %parallel_loop3A_845 = arith.constant 976 : index
        %parallel_loop3A_846 = tpu.vector_load %arg4[%parallel_loop3A_844, %parallel_loop3A_845] {strides = array<i32>} : memref<32x1024xf32, #tpu.memory_space<vmem>>, vector<1x16xf32>,
        %parallel_loop3A_847 = vector.shape_cast %parallel_loop3A_846 : vector<1x16xf32> to vector<16xf32>
        %parallel_loop3A_848 = arith.constant 3.125000e-02 : f32
        %parallel_loop3A_849 = vector.broadcast %parallel_loop3A_848 : f32 to vector<16xf32>
        %parallel_loop3A_850 = arith.mulf %parallel_loop3A_847, %parallel_loop3A_849 : vector<16xf32>
        %parallel_loop3A_851 = arith.index_cast %parallel_loop3A_111 : i32 to index
        %parallel_loop3A_852 = arith.constant 976 : index
        %parallel_loop3A_853 = tpu.vector_load %arg4[%parallel_loop3A_851, %parallel_loop3A_852] {strides = array<i32>} : memref<32x1024xf32, #tpu.memory_space<vmem>>, vector<1x16xf32>,
        %parallel_loop3A_854 = vector.shape_cast %parallel_loop3A_853 : vector<1x16xf32> to vector<16xf32>
        %parallel_loop3A_855 = vector.shape_cast %parallel_loop3A_850 : vector<16xf32> to vector<1x16xf32>
        tpu.vector_store %arg4[%parallel_loop3A_851, %parallel_loop3A_852], %parallel_loop3A_855 {strides = array<i32>} : memref<32x1024xf32, #tpu.memory_space<vmem>>, vector<1x16xf32>,
        %parallel_loop3A_856 = arith.index_cast %parallel_loop3A_111 : i32 to index
        %parallel_loop3A_857 = arith.constant 992 : index
        %parallel_loop3A_858 = tpu.vector_load %arg4[%parallel_loop3A_856, %parallel_loop3A_857] {strides = array<i32>} : memref<32x1024xf32, #tpu.memory_space<vmem>>, vector<1x16xf32>,
        %parallel_loop3A_859 = vector.shape_cast %parallel_loop3A_858 : vector<1x16xf32> to vector<16xf32>
        %parallel_loop3A_860 = arith.constant 3.125000e-02 : f32
        %parallel_loop3A_861 = vector.broadcast %parallel_loop3A_860 : f32 to vector<16xf32>
        %parallel_loop3A_862 = arith.mulf %parallel_loop3A_859, %parallel_loop3A_861 : vector<16xf32>
        %parallel_loop3A_863 = arith.index_cast %parallel_loop3A_111 : i32 to index
        %parallel_loop3A_864 = arith.constant 992 : index
        %parallel_loop3A_865 = tpu.vector_load %arg4[%parallel_loop3A_863, %parallel_loop3A_864] {strides = array<i32>} : memref<32x1024xf32, #tpu.memory_space<vmem>>, vector<1x16xf32>,
        %parallel_loop3A_866 = vector.shape_cast %parallel_loop3A_865 : vector<1x16xf32> to vector<16xf32>
        %parallel_loop3A_867 = vector.shape_cast %parallel_loop3A_862 : vector<16xf32> to vector<1x16xf32>
        tpu.vector_store %arg4[%parallel_loop3A_863, %parallel_loop3A_864], %parallel_loop3A_867 {strides = array<i32>} : memref<32x1024xf32, #tpu.memory_space<vmem>>, vector<1x16xf32>,
        %parallel_loop3A_868 = arith.index_cast %parallel_loop3A_111 : i32 to index
        %parallel_loop3A_869 = arith.constant 1008 : index
        %parallel_loop3A_870 = tpu.vector_load %arg4[%parallel_loop3A_868, %parallel_loop3A_869] {strides = array<i32>} : memref<32x1024xf32, #tpu.memory_space<vmem>>, vector<1x16xf32>,
        %parallel_loop3A_871 = vector.shape_cast %parallel_loop3A_870 : vector<1x16xf32> to vector<16xf32>
        %parallel_loop3A_872 = arith.constant 3.125000e-02 : f32
        %parallel_loop3A_873 = vector.broadcast %parallel_loop3A_872 : f32 to vector<16xf32>
        %parallel_loop3A_874 = arith.mulf %parallel_loop3A_871, %parallel_loop3A_873 : vector<16xf32>
        %parallel_loop3A_875 = arith.index_cast %parallel_loop3A_111 : i32 to index
        %parallel_loop3A_876 = arith.constant 1008 : index
        %parallel_loop3A_877 = tpu.vector_load %arg4[%parallel_loop3A_875, %parallel_loop3A_876] {strides = array<i32>} : memref<32x1024xf32, #tpu.memory_space<vmem>>, vector<1x16xf32>,
        %parallel_loop3A_878 = vector.shape_cast %parallel_loop3A_877 : vector<1x16xf32> to vector<16xf32>
        %parallel_loop3A_879 = vector.shape_cast %parallel_loop3A_874 : vector<16xf32> to vector<1x16xf32>
        tpu.vector_store %arg4[%parallel_loop3A_875, %parallel_loop3A_876], %parallel_loop3A_879 {strides = array<i32>} : memref<32x1024xf32, #tpu.memory_space<vmem>>, vector<1x16xf32>,
      } {sc.loop_unroll_factor = 1 : i64, sc.parallel_access}
      %mul3A_74 = arith.constant 32 : i32
      %mul3A_75 = arith.muli %mul3A_55, %mul3A_74 : i32
      %add3A_76 = arith.addi %mul3A_2, %mul3A_75 : i32
      %dma_start3A_77 = arith.constant 0 : i32
      %dma_start3A_78 = tpu.memref_slice %arg3[%add3A_76, %dma_start3A_77] : memref<8192x1024xf32, #tpu.memory_space<hbm>> -> memref<32x1024xf32, #tpu.memory_space<hbm>>
      %dma_start3A_79 = arith.constant 0 : i32
      %dma_start3A_80 = tpu.memref_slice %arg3[%add3A_76, %dma_start3A_79] : memref<8192x1024xf32, #tpu.memory_space<hbm>> -> memref<32x1024xf32, #tpu.memory_space<hbm>>
      tpu.enqueue_dma source(%arg4 : memref<32x1024xf32, #tpu.memory_space<vmem>>) target(%dma_start3A_80 : memref<32x1024xf32, #tpu.memory_space<hbm>>) target_semaphore(%arg8 : memref<!tpu.dma_semaphore, #tpu.memory_space<semaphore_mem>>)
      %dma_wait3A_81 = arith.constant 0 : i32
      %dma_wait3A_82 = tpu.memref_slice %arg3[%mul3A_2, %dma_wait3A_81] : memref<8192x1024xf32, #tpu.memory_space<hbm>> -> memref<32x1024xf32, #tpu.memory_space<hbm>>
      %dma_wait3A_83 = arith.constant 0 : i32
      %dma_wait3A_84 = tpu.memref_slice %arg3[%mul3A_2, %dma_wait3A_83] : memref<8192x1024xf32, #tpu.memory_space<hbm>> -> memref<32x1024xf32, #tpu.memory_space<hbm>>
      tpu.wait_dma2 semaphore(%arg9 : memref<!tpu.dma_semaphore, #tpu.memory_space<semaphore_mem>>) src(%arg5 : memref<32x1024xf32, #tpu.memory_space<vmem>>) dst(%dma_wait3A_84 : memref<32x1024xf32, #tpu.memory_space<hbm>>)
      %add3A_85 = arith.constant 1 : i32
      %add3A_86 = arith.addi %mul3A_55, %add3A_85 : i32
      %mul3A_87 = arith.constant 32 : i32
      %mul3A_88 = arith.muli %add3A_86, %mul3A_87 : i32
      %add3A_89 = arith.addi %mul3A_2, %mul3A_88 : i32
      %dma_start3A_90 = arith.constant 0 : i32
      %dma_start3A_91 = tpu.memref_slice %arg2[%add3A_89, %dma_start3A_90] : memref<8192x1024xf32, #tpu.memory_space<hbm>> -> memref<32x1024xf32, #tpu.memory_space<hbm>>
      %dma_start3A_92 = arith.constant 0 : i32
      %dma_start3A_93 = tpu.memref_slice %arg2[%add3A_89, %dma_start3A_92] : memref<8192x1024xf32, #tpu.memory_space<hbm>> -> memref<32x1024xf32, #tpu.memory_space<hbm>>
      tpu.enqueue_dma source(%dma_start3A_93 : memref<32x1024xf32, #tpu.memory_space<hbm>>) target(%arg5 : memref<32x1024xf32, #tpu.memory_space<vmem>>) target_semaphore(%arg7 : memref<!tpu.dma_semaphore, #tpu.memory_space<semaphore_mem>>)
      %dma_wait3A_94 = arith.constant 0 : i32
      %dma_wait3A_95 = tpu.memref_slice %arg2[%mul3A_2, %dma_wait3A_94] : memref<8192x1024xf32, #tpu.memory_space<hbm>> -> memref<32x1024xf32, #tpu.memory_space<hbm>>
      %dma_wait3A_96 = arith.constant 0 : i32
      %dma_wait3A_97 = tpu.memref_slice %arg2[%mul3A_2, %dma_wait3A_96] : memref<8192x1024xf32, #tpu.memory_space<hbm>> -> memref<32x1024xf32, #tpu.memory_space<hbm>>
      tpu.wait_dma2 semaphore(%arg7 : memref<!tpu.dma_semaphore, #tpu.memory_space<semaphore_mem>>) src(%dma_wait3A_97 : memref<32x1024xf32, #tpu.memory_space<hbm>>) dst(%arg5 : memref<32x1024xf32, #tpu.memory_space<vmem>>)
      %parallel_loop3A_98 = arith.constant 0 : i32
      %parallel_loop3A_99 = arith.constant 32 : i32
      %parallel_loop3A_100 = arith.constant 1 : i32
      scf.for %parallel_loop3A_111 = %parallel_loop3A_98 to %parallel_loop3A_99 step %parallel_loop3A_100  : i32 {
        %parallel_loop3A_112 = arith.index_cast %parallel_loop3A_111 : i32 to index
        %parallel_loop3A_113 = arith.constant 0 : index
        %parallel_loop3A_114 = tpu.vector_load %arg5[%parallel_loop3A_112, %parallel_loop3A_113] {strides = array<i32>} : memref<32x1024xf32, #tpu.memory_space<vmem>>, vector<1x16xf32>,
        %parallel_loop3A_115 = vector.shape_cast %parallel_loop3A_114 : vector<1x16xf32> to vector<16xf32>
        %parallel_loop3A_116 = arith.constant 3.125000e-02 : f32
        %parallel_loop3A_117 = vector.broadcast %parallel_loop3A_116 : f32 to vector<16xf32>
        %parallel_loop3A_118 = arith.mulf %parallel_loop3A_115, %parallel_loop3A_117 : vector<16xf32>
        %parallel_loop3A_119 = arith.index_cast %parallel_loop3A_111 : i32 to index
        %parallel_loop3A_120 = arith.constant 0 : index
        %parallel_loop3A_121 = tpu.vector_load %arg5[%parallel_loop3A_119, %parallel_loop3A_120] {strides = array<i32>} : memref<32x1024xf32, #tpu.memory_space<vmem>>, vector<1x16xf32>,
        %parallel_loop3A_122 = vector.shape_cast %parallel_loop3A_121 : vector<1x16xf32> to vector<16xf32>
        %parallel_loop3A_123 = vector.shape_cast %parallel_loop3A_118 : vector<16xf32> to vector<1x16xf32>
        tpu.vector_store %arg5[%parallel_loop3A_119, %parallel_loop3A_120], %parallel_loop3A_123 {strides = array<i32>} : memref<32x1024xf32, #tpu.memory_space<vmem>>, vector<1x16xf32>,
        %parallel_loop3A_124 = arith.index_cast %parallel_loop3A_111 : i32 to index
        %parallel_loop3A_125 = arith.constant 16 : index
        %parallel_loop3A_126 = tpu.vector_load %arg5[%parallel_loop3A_124, %parallel_loop3A_125] {strides = array<i32>} : memref<32x1024xf32, #tpu.memory_space<vmem>>, vector<1x16xf32>,
        %parallel_loop3A_127 = vector.shape_cast %parallel_loop3A_126 : vector<1x16xf32> to vector<16xf32>
        %parallel_loop3A_128 = arith.constant 3.125000e-02 : f32
        %parallel_loop3A_129 = vector.broadcast %parallel_loop3A_128 : f32 to vector<16xf32>
        %parallel_loop3A_130 = arith.mulf %parallel_loop3A_127, %parallel_loop3A_129 : vector<16xf32>
        %parallel_loop3A_131 = arith.index_cast %parallel_loop3A_111 : i32 to index
        %parallel_loop3A_132 = arith.constant 16 : index
        %parallel_loop3A_133 = tpu.vector_load %arg5[%parallel_loop3A_131, %parallel_loop3A_132] {strides = array<i32>} : memref<32x1024xf32, #tpu.memory_space<vmem>>, vector<1x16xf32>,
        %parallel_loop3A_134 = vector.shape_cast %parallel_loop3A_133 : vector<1x16xf32> to vector<16xf32>
        %parallel_loop3A_135 = vector.shape_cast %parallel_loop3A_130 : vector<16xf32> to vector<1x16xf32>
        tpu.vector_store %arg5[%parallel_loop3A_131, %parallel_loop3A_132], %parallel_loop3A_135 {strides = array<i32>} : memref<32x1024xf32, #tpu.memory_space<vmem>>, vector<1x16xf32>,
        %parallel_loop3A_136 = arith.index_cast %parallel_loop3A_111 : i32 to index
        %parallel_loop3A_137 = arith.constant 32 : index
        %parallel_loop3A_138 = tpu.vector_load %arg5[%parallel_loop3A_136, %parallel_loop3A_137] {strides = array<i32>} : memref<32x1024xf32, #tpu.memory_space<vmem>>, vector<1x16xf32>,
        %parallel_loop3A_139 = vector.shape_cast %parallel_loop3A_138 : vector<1x16xf32> to vector<16xf32>
        %parallel_loop3A_140 = arith.constant 3.125000e-02 : f32
        %parallel_loop3A_141 = vector.broadcast %parallel_loop3A_140 : f32 to vector<16xf32>
        %parallel_loop3A_142 = arith.mulf %parallel_loop3A_139, %parallel_loop3A_141 : vector<16xf32>
        %parallel_loop3A_143 = arith.index_cast %parallel_loop3A_111 : i32 to index
        %parallel_loop3A_144 = arith.constant 32 : index
        %parallel_loop3A_145 = tpu.vector_load %arg5[%parallel_loop3A_143, %parallel_loop3A_144] {strides = array<i32>} : memref<32x1024xf32, #tpu.memory_space<vmem>>, vector<1x16xf32>,
        %parallel_loop3A_146 = vector.shape_cast %parallel_loop3A_145 : vector<1x16xf32> to vector<16xf32>
        %parallel_loop3A_147 = vector.shape_cast %parallel_loop3A_142 : vector<16xf32> to vector<1x16xf32>
        tpu.vector_store %arg5[%parallel_loop3A_143, %parallel_loop3A_144], %parallel_loop3A_147 {strides = array<i32>} : memref<32x1024xf32, #tpu.memory_space<vmem>>, vector<1x16xf32>,
        %parallel_loop3A_148 = arith.index_cast %parallel_loop3A_111 : i32 to index
        %parallel_loop3A_149 = arith.constant 48 : index
        %parallel_loop3A_150 = tpu.vector_load %arg5[%parallel_loop3A_148, %parallel_loop3A_149] {strides = array<i32>} : memref<32x1024xf32, #tpu.memory_space<vmem>>, vector<1x16xf32>,
        %parallel_loop3A_151 = vector.shape_cast %parallel_loop3A_150 : vector<1x16xf32> to vector<16xf32>
        %parallel_loop3A_152 = arith.constant 3.125000e-02 : f32
        %parallel_loop3A_153 = vector.broadcast %parallel_loop3A_152 : f32 to vector<16xf32>
        %parallel_loop3A_154 = arith.mulf %parallel_loop3A_151, %parallel_loop3A_153 : vector<16xf32>
        %parallel_loop3A_155 = arith.index_cast %parallel_loop3A_111 : i32 to index
        %parallel_loop3A_156 = arith.constant 48 : index
        %parallel_loop3A_157 = tpu.vector_load %arg5[%parallel_loop3A_155, %parallel_loop3A_156] {strides = array<i32>} : memref<32x1024xf32, #tpu.memory_space<vmem>>, vector<1x16xf32>,
        %parallel_loop3A_158 = vector.shape_cast %parallel_loop3A_157 : vector<1x16xf32> to vector<16xf32>
        %parallel_loop3A_159 = vector.shape_cast %parallel_loop3A_154 : vector<16xf32> to vector<1x16xf32>
        tpu.vector_store %arg5[%parallel_loop3A_155, %parallel_loop3A_156], %parallel_loop3A_159 {strides = array<i32>} : memref<32x1024xf32, #tpu.memory_space<vmem>>, vector<1x16xf32>,
        %parallel_loop3A_160 = arith.index_cast %parallel_loop3A_111 : i32 to index
        %parallel_loop3A_161 = arith.constant 64 : index
        %parallel_loop3A_162 = tpu.vector_load %arg5[%parallel_loop3A_160, %parallel_loop3A_161] {strides = array<i32>} : memref<32x1024xf32, #tpu.memory_space<vmem>>, vector<1x16xf32>,
        %parallel_loop3A_163 = vector.shape_cast %parallel_loop3A_162 : vector<1x16xf32> to vector<16xf32>
        %parallel_loop3A_164 = arith.constant 3.125000e-02 : f32
        %parallel_loop3A_165 = vector.broadcast %parallel_loop3A_164 : f32 to vector<16xf32>
        %parallel_loop3A_166 = arith.mulf %parallel_loop3A_163, %parallel_loop3A_165 : vector<16xf32>
        %parallel_loop3A_167 = arith.index_cast %parallel_loop3A_111 : i32 to index
        %parallel_loop3A_168 = arith.constant 64 : index
        %parallel_loop3A_169 = tpu.vector_load %arg5[%parallel_loop3A_167, %parallel_loop3A_168] {strides = array<i32>} : memref<32x1024xf32, #tpu.memory_space<vmem>>, vector<1x16xf32>,
        %parallel_loop3A_170 = vector.shape_cast %parallel_loop3A_169 : vector<1x16xf32> to vector<16xf32>
        %parallel_loop3A_171 = vector.shape_cast %parallel_loop3A_166 : vector<16xf32> to vector<1x16xf32>
        tpu.vector_store %arg5[%parallel_loop3A_167, %parallel_loop3A_168], %parallel_loop3A_171 {strides = array<i32>} : memref<32x1024xf32, #tpu.memory_space<vmem>>, vector<1x16xf32>,
        %parallel_loop3A_172 = arith.index_cast %parallel_loop3A_111 : i32 to index
        %parallel_loop3A_173 = arith.constant 80 : index
        %parallel_loop3A_174 = tpu.vector_load %arg5[%parallel_loop3A_172, %parallel_loop3A_173] {strides = array<i32>} : memref<32x1024xf32, #tpu.memory_space<vmem>>, vector<1x16xf32>,
        %parallel_loop3A_175 = vector.shape_cast %parallel_loop3A_174 : vector<1x16xf32> to vector<16xf32>
        %parallel_loop3A_176 = arith.constant 3.125000e-02 : f32
        %parallel_loop3A_177 = vector.broadcast %parallel_loop3A_176 : f32 to vector<16xf32>
        %parallel_loop3A_178 = arith.mulf %parallel_loop3A_175, %parallel_loop3A_177 : vector<16xf32>
        %parallel_loop3A_179 = arith.index_cast %parallel_loop3A_111 : i32 to index
        %parallel_loop3A_180 = arith.constant 80 : index
        %parallel_loop3A_181 = tpu.vector_load %arg5[%parallel_loop3A_179, %parallel_loop3A_180] {strides = array<i32>} : memref<32x1024xf32, #tpu.memory_space<vmem>>, vector<1x16xf32>,
        %parallel_loop3A_182 = vector.shape_cast %parallel_loop3A_181 : vector<1x16xf32> to vector<16xf32>
        %parallel_loop3A_183 = vector.shape_cast %parallel_loop3A_178 : vector<16xf32> to vector<1x16xf32>
        tpu.vector_store %arg5[%parallel_loop3A_179, %parallel_loop3A_180], %parallel_loop3A_183 {strides = array<i32>} : memref<32x1024xf32, #tpu.memory_space<vmem>>, vector<1x16xf32>,
        %parallel_loop3A_184 = arith.index_cast %parallel_loop3A_111 : i32 to index
        %parallel_loop3A_185 = arith.constant 96 : index
        %parallel_loop3A_186 = tpu.vector_load %arg5[%parallel_loop3A_184, %parallel_loop3A_185] {strides = array<i32>} : memref<32x1024xf32, #tpu.memory_space<vmem>>, vector<1x16xf32>,
        %parallel_loop3A_187 = vector.shape_cast %parallel_loop3A_186 : vector<1x16xf32> to vector<16xf32>
        %parallel_loop3A_188 = arith.constant 3.125000e-02 : f32
        %parallel_loop3A_189 = vector.broadcast %parallel_loop3A_188 : f32 to vector<16xf32>
        %parallel_loop3A_190 = arith.mulf %parallel_loop3A_187, %parallel_loop3A_189 : vector<16xf32>
        %parallel_loop3A_191 = arith.index_cast %parallel_loop3A_111 : i32 to index
        %parallel_loop3A_192 = arith.constant 96 : index
        %parallel_loop3A_193 = tpu.vector_load %arg5[%parallel_loop3A_191, %parallel_loop3A_192] {strides = array<i32>} : memref<32x1024xf32, #tpu.memory_space<vmem>>, vector<1x16xf32>,
        %parallel_loop3A_194 = vector.shape_cast %parallel_loop3A_193 : vector<1x16xf32> to vector<16xf32>
        %parallel_loop3A_195 = vector.shape_cast %parallel_loop3A_190 : vector<16xf32> to vector<1x16xf32>
        tpu.vector_store %arg5[%parallel_loop3A_191, %parallel_loop3A_192], %parallel_loop3A_195 {strides = array<i32>} : memref<32x1024xf32, #tpu.memory_space<vmem>>, vector<1x16xf32>,
        %parallel_loop3A_196 = arith.index_cast %parallel_loop3A_111 : i32 to index
        %parallel_loop3A_197 = arith.constant 112 : index
        %parallel_loop3A_198 = tpu.vector_load %arg5[%parallel_loop3A_196, %parallel_loop3A_197] {strides = array<i32>} : memref<32x1024xf32, #tpu.memory_space<vmem>>, vector<1x16xf32>,
        %parallel_loop3A_199 = vector.shape_cast %parallel_loop3A_198 : vector<1x16xf32> to vector<16xf32>
        %parallel_loop3A_200 = arith.constant 3.125000e-02 : f32
        %parallel_loop3A_201 = vector.broadcast %parallel_loop3A_200 : f32 to vector<16xf32>
        %parallel_loop3A_202 = arith.mulf %parallel_loop3A_199, %parallel_loop3A_201 : vector<16xf32>
        %parallel_loop3A_203 = arith.index_cast %parallel_loop3A_111 : i32 to index
        %parallel_loop3A_204 = arith.constant 112 : index
        %parallel_loop3A_205 = tpu.vector_load %arg5[%parallel_loop3A_203, %parallel_loop3A_204] {strides = array<i32>} : memref<32x1024xf32, #tpu.memory_space<vmem>>, vector<1x16xf32>,
        %parallel_loop3A_206 = vector.shape_cast %parallel_loop3A_205 : vector<1x16xf32> to vector<16xf32>
        %parallel_loop3A_207 = vector.shape_cast %parallel_loop3A_202 : vector<16xf32> to vector<1x16xf32>
        tpu.vector_store %arg5[%parallel_loop3A_203, %parallel_loop3A_204], %parallel_loop3A_207 {strides = array<i32>} : memref<32x1024xf32, #tpu.memory_space<vmem>>, vector<1x16xf32>,
        %parallel_loop3A_208 = arith.index_cast %parallel_loop3A_111 : i32 to index
        %parallel_loop3A_209 = arith.constant 128 : index
        %parallel_loop3A_210 = tpu.vector_load %arg5[%parallel_loop3A_208, %parallel_loop3A_209] {strides = array<i32>} : memref<32x1024xf32, #tpu.memory_space<vmem>>, vector<1x16xf32>,
        %parallel_loop3A_211 = vector.shape_cast %parallel_loop3A_210 : vector<1x16xf32> to vector<16xf32>
        %parallel_loop3A_212 = arith.constant 3.125000e-02 : f32
        %parallel_loop3A_213 = vector.broadcast %parallel_loop3A_212 : f32 to vector<16xf32>
        %parallel_loop3A_214 = arith.mulf %parallel_loop3A_211, %parallel_loop3A_213 : vector<16xf32>
        %parallel_loop3A_215 = arith.index_cast %parallel_loop3A_111 : i32 to index
        %parallel_loop3A_216 = arith.constant 128 : index
        %parallel_loop3A_217 = tpu.vector_load %arg5[%parallel_loop3A_215, %parallel_loop3A_216] {strides = array<i32>} : memref<32x1024xf32, #tpu.memory_space<vmem>>, vector<1x16xf32>,
        %parallel_loop3A_218 = vector.shape_cast %parallel_loop3A_217 : vector<1x16xf32> to vector<16xf32>
        %parallel_loop3A_219 = vector.shape_cast %parallel_loop3A_214 : vector<16xf32> to vector<1x16xf32>
        tpu.vector_store %arg5[%parallel_loop3A_215, %parallel_loop3A_216], %parallel_loop3A_219 {strides = array<i32>} : memref<32x1024xf32, #tpu.memory_space<vmem>>, vector<1x16xf32>,
        %parallel_loop3A_220 = arith.index_cast %parallel_loop3A_111 : i32 to index
        %parallel_loop3A_221 = arith.constant 144 : index
        %parallel_loop3A_222 = tpu.vector_load %arg5[%parallel_loop3A_220, %parallel_loop3A_221] {strides = array<i32>} : memref<32x1024xf32, #tpu.memory_space<vmem>>, vector<1x16xf32>,
        %parallel_loop3A_223 = vector.shape_cast %parallel_loop3A_222 : vector<1x16xf32> to vector<16xf32>
        %parallel_loop3A_224 = arith.constant 3.125000e-02 : f32
        %parallel_loop3A_225 = vector.broadcast %parallel_loop3A_224 : f32 to vector<16xf32>
        %parallel_loop3A_226 = arith.mulf %parallel_loop3A_223, %parallel_loop3A_225 : vector<16xf32>
        %parallel_loop3A_227 = arith.index_cast %parallel_loop3A_111 : i32 to index
        %parallel_loop3A_228 = arith.constant 144 : index
        %parallel_loop3A_229 = tpu.vector_load %arg5[%parallel_loop3A_227, %parallel_loop3A_228] {strides = array<i32>} : memref<32x1024xf32, #tpu.memory_space<vmem>>, vector<1x16xf32>,
        %parallel_loop3A_230 = vector.shape_cast %parallel_loop3A_229 : vector<1x16xf32> to vector<16xf32>
        %parallel_loop3A_231 = vector.shape_cast %parallel_loop3A_226 : vector<16xf32> to vector<1x16xf32>
        tpu.vector_store %arg5[%parallel_loop3A_227, %parallel_loop3A_228], %parallel_loop3A_231 {strides = array<i32>} : memref<32x1024xf32, #tpu.memory_space<vmem>>, vector<1x16xf32>,
        %parallel_loop3A_232 = arith.index_cast %parallel_loop3A_111 : i32 to index
        %parallel_loop3A_233 = arith.constant 160 : index
        %parallel_loop3A_234 = tpu.vector_load %arg5[%parallel_loop3A_232, %parallel_loop3A_233] {strides = array<i32>} : memref<32x1024xf32, #tpu.memory_space<vmem>>, vector<1x16xf32>,
        %parallel_loop3A_235 = vector.shape_cast %parallel_loop3A_234 : vector<1x16xf32> to vector<16xf32>
        %parallel_loop3A_236 = arith.constant 3.125000e-02 : f32
        %parallel_loop3A_237 = vector.broadcast %parallel_loop3A_236 : f32 to vector<16xf32>
        %parallel_loop3A_238 = arith.mulf %parallel_loop3A_235, %parallel_loop3A_237 : vector<16xf32>
        %parallel_loop3A_239 = arith.index_cast %parallel_loop3A_111 : i32 to index
        %parallel_loop3A_240 = arith.constant 160 : index
        %parallel_loop3A_241 = tpu.vector_load %arg5[%parallel_loop3A_239, %parallel_loop3A_240] {strides = array<i32>} : memref<32x1024xf32, #tpu.memory_space<vmem>>, vector<1x16xf32>,
        %parallel_loop3A_242 = vector.shape_cast %parallel_loop3A_241 : vector<1x16xf32> to vector<16xf32>
        %parallel_loop3A_243 = vector.shape_cast %parallel_loop3A_238 : vector<16xf32> to vector<1x16xf32>
        tpu.vector_store %arg5[%parallel_loop3A_239, %parallel_loop3A_240], %parallel_loop3A_243 {strides = array<i32>} : memref<32x1024xf32, #tpu.memory_space<vmem>>, vector<1x16xf32>,
        %parallel_loop3A_244 = arith.index_cast %parallel_loop3A_111 : i32 to index
        %parallel_loop3A_245 = arith.constant 176 : index
        %parallel_loop3A_246 = tpu.vector_load %arg5[%parallel_loop3A_244, %parallel_loop3A_245] {strides = array<i32>} : memref<32x1024xf32, #tpu.memory_space<vmem>>, vector<1x16xf32>,
        %parallel_loop3A_247 = vector.shape_cast %parallel_loop3A_246 : vector<1x16xf32> to vector<16xf32>
        %parallel_loop3A_248 = arith.constant 3.125000e-02 : f32
        %parallel_loop3A_249 = vector.broadcast %parallel_loop3A_248 : f32 to vector<16xf32>
        %parallel_loop3A_250 = arith.mulf %parallel_loop3A_247, %parallel_loop3A_249 : vector<16xf32>
        %parallel_loop3A_251 = arith.index_cast %parallel_loop3A_111 : i32 to index
        %parallel_loop3A_252 = arith.constant 176 : index
        %parallel_loop3A_253 = tpu.vector_load %arg5[%parallel_loop3A_251, %parallel_loop3A_252] {strides = array<i32>} : memref<32x1024xf32, #tpu.memory_space<vmem>>, vector<1x16xf32>,
        %parallel_loop3A_254 = vector.shape_cast %parallel_loop3A_253 : vector<1x16xf32> to vector<16xf32>
        %parallel_loop3A_255 = vector.shape_cast %parallel_loop3A_250 : vector<16xf32> to vector<1x16xf32>
        tpu.vector_store %arg5[%parallel_loop3A_251, %parallel_loop3A_252], %parallel_loop3A_255 {strides = array<i32>} : memref<32x1024xf32, #tpu.memory_space<vmem>>, vector<1x16xf32>,
        %parallel_loop3A_256 = arith.index_cast %parallel_loop3A_111 : i32 to index
        %parallel_loop3A_257 = arith.constant 192 : index
        %parallel_loop3A_258 = tpu.vector_load %arg5[%parallel_loop3A_256, %parallel_loop3A_257] {strides = array<i32>} : memref<32x1024xf32, #tpu.memory_space<vmem>>, vector<1x16xf32>,
        %parallel_loop3A_259 = vector.shape_cast %parallel_loop3A_258 : vector<1x16xf32> to vector<16xf32>
        %parallel_loop3A_260 = arith.constant 3.125000e-02 : f32
        %parallel_loop3A_261 = vector.broadcast %parallel_loop3A_260 : f32 to vector<16xf32>
        %parallel_loop3A_262 = arith.mulf %parallel_loop3A_259, %parallel_loop3A_261 : vector<16xf32>
        %parallel_loop3A_263 = arith.index_cast %parallel_loop3A_111 : i32 to index
        %parallel_loop3A_264 = arith.constant 192 : index
        %parallel_loop3A_265 = tpu.vector_load %arg5[%parallel_loop3A_263, %parallel_loop3A_264] {strides = array<i32>} : memref<32x1024xf32, #tpu.memory_space<vmem>>, vector<1x16xf32>,
        %parallel_loop3A_266 = vector.shape_cast %parallel_loop3A_265 : vector<1x16xf32> to vector<16xf32>
        %parallel_loop3A_267 = vector.shape_cast %parallel_loop3A_262 : vector<16xf32> to vector<1x16xf32>
        tpu.vector_store %arg5[%parallel_loop3A_263, %parallel_loop3A_264], %parallel_loop3A_267 {strides = array<i32>} : memref<32x1024xf32, #tpu.memory_space<vmem>>, vector<1x16xf32>,
        %parallel_loop3A_268 = arith.index_cast %parallel_loop3A_111 : i32 to index
        %parallel_loop3A_269 = arith.constant 208 : index
        %parallel_loop3A_270 = tpu.vector_load %arg5[%parallel_loop3A_268, %parallel_loop3A_269] {strides = array<i32>} : memref<32x1024xf32, #tpu.memory_space<vmem>>, vector<1x16xf32>,
        %parallel_loop3A_271 = vector.shape_cast %parallel_loop3A_270 : vector<1x16xf32> to vector<16xf32>
        %parallel_loop3A_272 = arith.constant 3.125000e-02 : f32
        %parallel_loop3A_273 = vector.broadcast %parallel_loop3A_272 : f32 to vector<16xf32>
        %parallel_loop3A_274 = arith.mulf %parallel_loop3A_271, %parallel_loop3A_273 : vector<16xf32>
        %parallel_loop3A_275 = arith.index_cast %parallel_loop3A_111 : i32 to index
        %parallel_loop3A_276 = arith.constant 208 : index
        %parallel_loop3A_277 = tpu.vector_load %arg5[%parallel_loop3A_275, %parallel_loop3A_276] {strides = array<i32>} : memref<32x1024xf32, #tpu.memory_space<vmem>>, vector<1x16xf32>,
        %parallel_loop3A_278 = vector.shape_cast %parallel_loop3A_277 : vector<1x16xf32> to vector<16xf32>
        %parallel_loop3A_279 = vector.shape_cast %parallel_loop3A_274 : vector<16xf32> to vector<1x16xf32>
        tpu.vector_store %arg5[%parallel_loop3A_275, %parallel_loop3A_276], %parallel_loop3A_279 {strides = array<i32>} : memref<32x1024xf32, #tpu.memory_space<vmem>>, vector<1x16xf32>,
        %parallel_loop3A_280 = arith.index_cast %parallel_loop3A_111 : i32 to index
        %parallel_loop3A_281 = arith.constant 224 : index
        %parallel_loop3A_282 = tpu.vector_load %arg5[%parallel_loop3A_280, %parallel_loop3A_281] {strides = array<i32>} : memref<32x1024xf32, #tpu.memory_space<vmem>>, vector<1x16xf32>,
        %parallel_loop3A_283 = vector.shape_cast %parallel_loop3A_282 : vector<1x16xf32> to vector<16xf32>
        %parallel_loop3A_284 = arith.constant 3.125000e-02 : f32
        %parallel_loop3A_285 = vector.broadcast %parallel_loop3A_284 : f32 to vector<16xf32>
        %parallel_loop3A_286 = arith.mulf %parallel_loop3A_283, %parallel_loop3A_285 : vector<16xf32>
        %parallel_loop3A_287 = arith.index_cast %parallel_loop3A_111 : i32 to index
        %parallel_loop3A_288 = arith.constant 224 : index
        %parallel_loop3A_289 = tpu.vector_load %arg5[%parallel_loop3A_287, %parallel_loop3A_288] {strides = array<i32>} : memref<32x1024xf32, #tpu.memory_space<vmem>>, vector<1x16xf32>,
        %parallel_loop3A_290 = vector.shape_cast %parallel_loop3A_289 : vector<1x16xf32> to vector<16xf32>
        %parallel_loop3A_291 = vector.shape_cast %parallel_loop3A_286 : vector<16xf32> to vector<1x16xf32>
        tpu.vector_store %arg5[%parallel_loop3A_287, %parallel_loop3A_288], %parallel_loop3A_291 {strides = array<i32>} : memref<32x1024xf32, #tpu.memory_space<vmem>>, vector<1x16xf32>,
        %parallel_loop3A_292 = arith.index_cast %parallel_loop3A_111 : i32 to index
        %parallel_loop3A_293 = arith.constant 240 : index
        %parallel_loop3A_294 = tpu.vector_load %arg5[%parallel_loop3A_292, %parallel_loop3A_293] {strides = array<i32>} : memref<32x1024xf32, #tpu.memory_space<vmem>>, vector<1x16xf32>,
        %parallel_loop3A_295 = vector.shape_cast %parallel_loop3A_294 : vector<1x16xf32> to vector<16xf32>
        %parallel_loop3A_296 = arith.constant 3.125000e-02 : f32
        %parallel_loop3A_297 = vector.broadcast %parallel_loop3A_296 : f32 to vector<16xf32>
        %parallel_loop3A_298 = arith.mulf %parallel_loop3A_295, %parallel_loop3A_297 : vector<16xf32>
        %parallel_loop3A_299 = arith.index_cast %parallel_loop3A_111 : i32 to index
        %parallel_loop3A_300 = arith.constant 240 : index
        %parallel_loop3A_301 = tpu.vector_load %arg5[%parallel_loop3A_299, %parallel_loop3A_300] {strides = array<i32>} : memref<32x1024xf32, #tpu.memory_space<vmem>>, vector<1x16xf32>,
        %parallel_loop3A_302 = vector.shape_cast %parallel_loop3A_301 : vector<1x16xf32> to vector<16xf32>
        %parallel_loop3A_303 = vector.shape_cast %parallel_loop3A_298 : vector<16xf32> to vector<1x16xf32>
        tpu.vector_store %arg5[%parallel_loop3A_299, %parallel_loop3A_300], %parallel_loop3A_303 {strides = array<i32>} : memref<32x1024xf32, #tpu.memory_space<vmem>>, vector<1x16xf32>,
        %parallel_loop3A_304 = arith.index_cast %parallel_loop3A_111 : i32 to index
        %parallel_loop3A_305 = arith.constant 256 : index
        %parallel_loop3A_306 = tpu.vector_load %arg5[%parallel_loop3A_304, %parallel_loop3A_305] {strides = array<i32>} : memref<32x1024xf32, #tpu.memory_space<vmem>>, vector<1x16xf32>,
        %parallel_loop3A_307 = vector.shape_cast %parallel_loop3A_306 : vector<1x16xf32> to vector<16xf32>
        %parallel_loop3A_308 = arith.constant 3.125000e-02 : f32
        %parallel_loop3A_309 = vector.broadcast %parallel_loop3A_308 : f32 to vector<16xf32>
        %parallel_loop3A_310 = arith.mulf %parallel_loop3A_307, %parallel_loop3A_309 : vector<16xf32>
        %parallel_loop3A_311 = arith.index_cast %parallel_loop3A_111 : i32 to index
        %parallel_loop3A_312 = arith.constant 256 : index
        %parallel_loop3A_313 = tpu.vector_load %arg5[%parallel_loop3A_311, %parallel_loop3A_312] {strides = array<i32>} : memref<32x1024xf32, #tpu.memory_space<vmem>>, vector<1x16xf32>,
        %parallel_loop3A_314 = vector.shape_cast %parallel_loop3A_313 : vector<1x16xf32> to vector<16xf32>
        %parallel_loop3A_315 = vector.shape_cast %parallel_loop3A_310 : vector<16xf32> to vector<1x16xf32>
        tpu.vector_store %arg5[%parallel_loop3A_311, %parallel_loop3A_312], %parallel_loop3A_315 {strides = array<i32>} : memref<32x1024xf32, #tpu.memory_space<vmem>>, vector<1x16xf32>,
        %parallel_loop3A_316 = arith.index_cast %parallel_loop3A_111 : i32 to index
        %parallel_loop3A_317 = arith.constant 272 : index
        %parallel_loop3A_318 = tpu.vector_load %arg5[%parallel_loop3A_316, %parallel_loop3A_317] {strides = array<i32>} : memref<32x1024xf32, #tpu.memory_space<vmem>>, vector<1x16xf32>,
        %parallel_loop3A_319 = vector.shape_cast %parallel_loop3A_318 : vector<1x16xf32> to vector<16xf32>
        %parallel_loop3A_320 = arith.constant 3.125000e-02 : f32
        %parallel_loop3A_321 = vector.broadcast %parallel_loop3A_320 : f32 to vector<16xf32>
        %parallel_loop3A_322 = arith.mulf %parallel_loop3A_319, %parallel_loop3A_321 : vector<16xf32>
        %parallel_loop3A_323 = arith.index_cast %parallel_loop3A_111 : i32 to index
        %parallel_loop3A_324 = arith.constant 272 : index
        %parallel_loop3A_325 = tpu.vector_load %arg5[%parallel_loop3A_323, %parallel_loop3A_324] {strides = array<i32>} : memref<32x1024xf32, #tpu.memory_space<vmem>>, vector<1x16xf32>,
        %parallel_loop3A_326 = vector.shape_cast %parallel_loop3A_325 : vector<1x16xf32> to vector<16xf32>
        %parallel_loop3A_327 = vector.shape_cast %parallel_loop3A_322 : vector<16xf32> to vector<1x16xf32>
        tpu.vector_store %arg5[%parallel_loop3A_323, %parallel_loop3A_324], %parallel_loop3A_327 {strides = array<i32>} : memref<32x1024xf32, #tpu.memory_space<vmem>>, vector<1x16xf32>,
        %parallel_loop3A_328 = arith.index_cast %parallel_loop3A_111 : i32 to index
        %parallel_loop3A_329 = arith.constant 288 : index
        %parallel_loop3A_330 = tpu.vector_load %arg5[%parallel_loop3A_328, %parallel_loop3A_329] {strides = array<i32>} : memref<32x1024xf32, #tpu.memory_space<vmem>>, vector<1x16xf32>,
        %parallel_loop3A_331 = vector.shape_cast %parallel_loop3A_330 : vector<1x16xf32> to vector<16xf32>
        %parallel_loop3A_332 = arith.constant 3.125000e-02 : f32
        %parallel_loop3A_333 = vector.broadcast %parallel_loop3A_332 : f32 to vector<16xf32>
        %parallel_loop3A_334 = arith.mulf %parallel_loop3A_331, %parallel_loop3A_333 : vector<16xf32>
        %parallel_loop3A_335 = arith.index_cast %parallel_loop3A_111 : i32 to index
        %parallel_loop3A_336 = arith.constant 288 : index
        %parallel_loop3A_337 = tpu.vector_load %arg5[%parallel_loop3A_335, %parallel_loop3A_336] {strides = array<i32>} : memref<32x1024xf32, #tpu.memory_space<vmem>>, vector<1x16xf32>,
        %parallel_loop3A_338 = vector.shape_cast %parallel_loop3A_337 : vector<1x16xf32> to vector<16xf32>
        %parallel_loop3A_339 = vector.shape_cast %parallel_loop3A_334 : vector<16xf32> to vector<1x16xf32>
        tpu.vector_store %arg5[%parallel_loop3A_335, %parallel_loop3A_336], %parallel_loop3A_339 {strides = array<i32>} : memref<32x1024xf32, #tpu.memory_space<vmem>>, vector<1x16xf32>,
        %parallel_loop3A_340 = arith.index_cast %parallel_loop3A_111 : i32 to index
        %parallel_loop3A_341 = arith.constant 304 : index
        %parallel_loop3A_342 = tpu.vector_load %arg5[%parallel_loop3A_340, %parallel_loop3A_341] {strides = array<i32>} : memref<32x1024xf32, #tpu.memory_space<vmem>>, vector<1x16xf32>,
        %parallel_loop3A_343 = vector.shape_cast %parallel_loop3A_342 : vector<1x16xf32> to vector<16xf32>
        %parallel_loop3A_344 = arith.constant 3.125000e-02 : f32
        %parallel_loop3A_345 = vector.broadcast %parallel_loop3A_344 : f32 to vector<16xf32>
        %parallel_loop3A_346 = arith.mulf %parallel_loop3A_343, %parallel_loop3A_345 : vector<16xf32>
        %parallel_loop3A_347 = arith.index_cast %parallel_loop3A_111 : i32 to index
        %parallel_loop3A_348 = arith.constant 304 : index
        %parallel_loop3A_349 = tpu.vector_load %arg5[%parallel_loop3A_347, %parallel_loop3A_348] {strides = array<i32>} : memref<32x1024xf32, #tpu.memory_space<vmem>>, vector<1x16xf32>,
        %parallel_loop3A_350 = vector.shape_cast %parallel_loop3A_349 : vector<1x16xf32> to vector<16xf32>
        %parallel_loop3A_351 = vector.shape_cast %parallel_loop3A_346 : vector<16xf32> to vector<1x16xf32>
        tpu.vector_store %arg5[%parallel_loop3A_347, %parallel_loop3A_348], %parallel_loop3A_351 {strides = array<i32>} : memref<32x1024xf32, #tpu.memory_space<vmem>>, vector<1x16xf32>,
        %parallel_loop3A_352 = arith.index_cast %parallel_loop3A_111 : i32 to index
        %parallel_loop3A_353 = arith.constant 320 : index
        %parallel_loop3A_354 = tpu.vector_load %arg5[%parallel_loop3A_352, %parallel_loop3A_353] {strides = array<i32>} : memref<32x1024xf32, #tpu.memory_space<vmem>>, vector<1x16xf32>,
        %parallel_loop3A_355 = vector.shape_cast %parallel_loop3A_354 : vector<1x16xf32> to vector<16xf32>
        %parallel_loop3A_356 = arith.constant 3.125000e-02 : f32
        %parallel_loop3A_357 = vector.broadcast %parallel_loop3A_356 : f32 to vector<16xf32>
        %parallel_loop3A_358 = arith.mulf %parallel_loop3A_355, %parallel_loop3A_357 : vector<16xf32>
        %parallel_loop3A_359 = arith.index_cast %parallel_loop3A_111 : i32 to index
        %parallel_loop3A_360 = arith.constant 320 : index
        %parallel_loop3A_361 = tpu.vector_load %arg5[%parallel_loop3A_359, %parallel_loop3A_360] {strides = array<i32>} : memref<32x1024xf32, #tpu.memory_space<vmem>>, vector<1x16xf32>,
        %parallel_loop3A_362 = vector.shape_cast %parallel_loop3A_361 : vector<1x16xf32> to vector<16xf32>
        %parallel_loop3A_363 = vector.shape_cast %parallel_loop3A_358 : vector<16xf32> to vector<1x16xf32>
        tpu.vector_store %arg5[%parallel_loop3A_359, %parallel_loop3A_360], %parallel_loop3A_363 {strides = array<i32>} : memref<32x1024xf32, #tpu.memory_space<vmem>>, vector<1x16xf32>,
        %parallel_loop3A_364 = arith.index_cast %parallel_loop3A_111 : i32 to index
        %parallel_loop3A_365 = arith.constant 336 : index
        %parallel_loop3A_366 = tpu.vector_load %arg5[%parallel_loop3A_364, %parallel_loop3A_365] {strides = array<i32>} : memref<32x1024xf32, #tpu.memory_space<vmem>>, vector<1x16xf32>,
        %parallel_loop3A_367 = vector.shape_cast %parallel_loop3A_366 : vector<1x16xf32> to vector<16xf32>
        %parallel_loop3A_368 = arith.constant 3.125000e-02 : f32
        %parallel_loop3A_369 = vector.broadcast %parallel_loop3A_368 : f32 to vector<16xf32>
        %parallel_loop3A_370 = arith.mulf %parallel_loop3A_367, %parallel_loop3A_369 : vector<16xf32>
        %parallel_loop3A_371 = arith.index_cast %parallel_loop3A_111 : i32 to index
        %parallel_loop3A_372 = arith.constant 336 : index
        %parallel_loop3A_373 = tpu.vector_load %arg5[%parallel_loop3A_371, %parallel_loop3A_372] {strides = array<i32>} : memref<32x1024xf32, #tpu.memory_space<vmem>>, vector<1x16xf32>,
        %parallel_loop3A_374 = vector.shape_cast %parallel_loop3A_373 : vector<1x16xf32> to vector<16xf32>
        %parallel_loop3A_375 = vector.shape_cast %parallel_loop3A_370 : vector<16xf32> to vector<1x16xf32>
        tpu.vector_store %arg5[%parallel_loop3A_371, %parallel_loop3A_372], %parallel_loop3A_375 {strides = array<i32>} : memref<32x1024xf32, #tpu.memory_space<vmem>>, vector<1x16xf32>,
        %parallel_loop3A_376 = arith.index_cast %parallel_loop3A_111 : i32 to index
        %parallel_loop3A_377 = arith.constant 352 : index
        %parallel_loop3A_378 = tpu.vector_load %arg5[%parallel_loop3A_376, %parallel_loop3A_377] {strides = array<i32>} : memref<32x1024xf32, #tpu.memory_space<vmem>>, vector<1x16xf32>,
        %parallel_loop3A_379 = vector.shape_cast %parallel_loop3A_378 : vector<1x16xf32> to vector<16xf32>
        %parallel_loop3A_380 = arith.constant 3.125000e-02 : f32
        %parallel_loop3A_381 = vector.broadcast %parallel_loop3A_380 : f32 to vector<16xf32>
        %parallel_loop3A_382 = arith.mulf %parallel_loop3A_379, %parallel_loop3A_381 : vector<16xf32>
        %parallel_loop3A_383 = arith.index_cast %parallel_loop3A_111 : i32 to index
        %parallel_loop3A_384 = arith.constant 352 : index
        %parallel_loop3A_385 = tpu.vector_load %arg5[%parallel_loop3A_383, %parallel_loop3A_384] {strides = array<i32>} : memref<32x1024xf32, #tpu.memory_space<vmem>>, vector<1x16xf32>,
        %parallel_loop3A_386 = vector.shape_cast %parallel_loop3A_385 : vector<1x16xf32> to vector<16xf32>
        %parallel_loop3A_387 = vector.shape_cast %parallel_loop3A_382 : vector<16xf32> to vector<1x16xf32>
        tpu.vector_store %arg5[%parallel_loop3A_383, %parallel_loop3A_384], %parallel_loop3A_387 {strides = array<i32>} : memref<32x1024xf32, #tpu.memory_space<vmem>>, vector<1x16xf32>,
        %parallel_loop3A_388 = arith.index_cast %parallel_loop3A_111 : i32 to index
        %parallel_loop3A_389 = arith.constant 368 : index
        %parallel_loop3A_390 = tpu.vector_load %arg5[%parallel_loop3A_388, %parallel_loop3A_389] {strides = array<i32>} : memref<32x1024xf32, #tpu.memory_space<vmem>>, vector<1x16xf32>,
        %parallel_loop3A_391 = vector.shape_cast %parallel_loop3A_390 : vector<1x16xf32> to vector<16xf32>
        %parallel_loop3A_392 = arith.constant 3.125000e-02 : f32
        %parallel_loop3A_393 = vector.broadcast %parallel_loop3A_392 : f32 to vector<16xf32>
        %parallel_loop3A_394 = arith.mulf %parallel_loop3A_391, %parallel_loop3A_393 : vector<16xf32>
        %parallel_loop3A_395 = arith.index_cast %parallel_loop3A_111 : i32 to index
        %parallel_loop3A_396 = arith.constant 368 : index
        %parallel_loop3A_397 = tpu.vector_load %arg5[%parallel_loop3A_395, %parallel_loop3A_396] {strides = array<i32>} : memref<32x1024xf32, #tpu.memory_space<vmem>>, vector<1x16xf32>,
        %parallel_loop3A_398 = vector.shape_cast %parallel_loop3A_397 : vector<1x16xf32> to vector<16xf32>
        %parallel_loop3A_399 = vector.shape_cast %parallel_loop3A_394 : vector<16xf32> to vector<1x16xf32>
        tpu.vector_store %arg5[%parallel_loop3A_395, %parallel_loop3A_396], %parallel_loop3A_399 {strides = array<i32>} : memref<32x1024xf32, #tpu.memory_space<vmem>>, vector<1x16xf32>,
        %parallel_loop3A_400 = arith.index_cast %parallel_loop3A_111 : i32 to index
        %parallel_loop3A_401 = arith.constant 384 : index
        %parallel_loop3A_402 = tpu.vector_load %arg5[%parallel_loop3A_400, %parallel_loop3A_401] {strides = array<i32>} : memref<32x1024xf32, #tpu.memory_space<vmem>>, vector<1x16xf32>,
        %parallel_loop3A_403 = vector.shape_cast %parallel_loop3A_402 : vector<1x16xf32> to vector<16xf32>
        %parallel_loop3A_404 = arith.constant 3.125000e-02 : f32
        %parallel_loop3A_405 = vector.broadcast %parallel_loop3A_404 : f32 to vector<16xf32>
        %parallel_loop3A_406 = arith.mulf %parallel_loop3A_403, %parallel_loop3A_405 : vector<16xf32>
        %parallel_loop3A_407 = arith.index_cast %parallel_loop3A_111 : i32 to index
        %parallel_loop3A_408 = arith.constant 384 : index
        %parallel_loop3A_409 = tpu.vector_load %arg5[%parallel_loop3A_407, %parallel_loop3A_408] {strides = array<i32>} : memref<32x1024xf32, #tpu.memory_space<vmem>>, vector<1x16xf32>,
        %parallel_loop3A_410 = vector.shape_cast %parallel_loop3A_409 : vector<1x16xf32> to vector<16xf32>
        %parallel_loop3A_411 = vector.shape_cast %parallel_loop3A_406 : vector<16xf32> to vector<1x16xf32>
        tpu.vector_store %arg5[%parallel_loop3A_407, %parallel_loop3A_408], %parallel_loop3A_411 {strides = array<i32>} : memref<32x1024xf32, #tpu.memory_space<vmem>>, vector<1x16xf32>,
        %parallel_loop3A_412 = arith.index_cast %parallel_loop3A_111 : i32 to index
        %parallel_loop3A_413 = arith.constant 400 : index
        %parallel_loop3A_414 = tpu.vector_load %arg5[%parallel_loop3A_412, %parallel_loop3A_413] {strides = array<i32>} : memref<32x1024xf32, #tpu.memory_space<vmem>>, vector<1x16xf32>,
        %parallel_loop3A_415 = vector.shape_cast %parallel_loop3A_414 : vector<1x16xf32> to vector<16xf32>
        %parallel_loop3A_416 = arith.constant 3.125000e-02 : f32
        %parallel_loop3A_417 = vector.broadcast %parallel_loop3A_416 : f32 to vector<16xf32>
        %parallel_loop3A_418 = arith.mulf %parallel_loop3A_415, %parallel_loop3A_417 : vector<16xf32>
        %parallel_loop3A_419 = arith.index_cast %parallel_loop3A_111 : i32 to index
        %parallel_loop3A_420 = arith.constant 400 : index
        %parallel_loop3A_421 = tpu.vector_load %arg5[%parallel_loop3A_419, %parallel_loop3A_420] {strides = array<i32>} : memref<32x1024xf32, #tpu.memory_space<vmem>>, vector<1x16xf32>,
        %parallel_loop3A_422 = vector.shape_cast %parallel_loop3A_421 : vector<1x16xf32> to vector<16xf32>
        %parallel_loop3A_423 = vector.shape_cast %parallel_loop3A_418 : vector<16xf32> to vector<1x16xf32>
        tpu.vector_store %arg5[%parallel_loop3A_419, %parallel_loop3A_420], %parallel_loop3A_423 {strides = array<i32>} : memref<32x1024xf32, #tpu.memory_space<vmem>>, vector<1x16xf32>,
        %parallel_loop3A_424 = arith.index_cast %parallel_loop3A_111 : i32 to index
        %parallel_loop3A_425 = arith.constant 416 : index
        %parallel_loop3A_426 = tpu.vector_load %arg5[%parallel_loop3A_424, %parallel_loop3A_425] {strides = array<i32>} : memref<32x1024xf32, #tpu.memory_space<vmem>>, vector<1x16xf32>,
        %parallel_loop3A_427 = vector.shape_cast %parallel_loop3A_426 : vector<1x16xf32> to vector<16xf32>
        %parallel_loop3A_428 = arith.constant 3.125000e-02 : f32
        %parallel_loop3A_429 = vector.broadcast %parallel_loop3A_428 : f32 to vector<16xf32>
        %parallel_loop3A_430 = arith.mulf %parallel_loop3A_427, %parallel_loop3A_429 : vector<16xf32>
        %parallel_loop3A_431 = arith.index_cast %parallel_loop3A_111 : i32 to index
        %parallel_loop3A_432 = arith.constant 416 : index
        %parallel_loop3A_433 = tpu.vector_load %arg5[%parallel_loop3A_431, %parallel_loop3A_432] {strides = array<i32>} : memref<32x1024xf32, #tpu.memory_space<vmem>>, vector<1x16xf32>,
        %parallel_loop3A_434 = vector.shape_cast %parallel_loop3A_433 : vector<1x16xf32> to vector<16xf32>
        %parallel_loop3A_435 = vector.shape_cast %parallel_loop3A_430 : vector<16xf32> to vector<1x16xf32>
        tpu.vector_store %arg5[%parallel_loop3A_431, %parallel_loop3A_432], %parallel_loop3A_435 {strides = array<i32>} : memref<32x1024xf32, #tpu.memory_space<vmem>>, vector<1x16xf32>,
        %parallel_loop3A_436 = arith.index_cast %parallel_loop3A_111 : i32 to index
        %parallel_loop3A_437 = arith.constant 432 : index
        %parallel_loop3A_438 = tpu.vector_load %arg5[%parallel_loop3A_436, %parallel_loop3A_437] {strides = array<i32>} : memref<32x1024xf32, #tpu.memory_space<vmem>>, vector<1x16xf32>,
        %parallel_loop3A_439 = vector.shape_cast %parallel_loop3A_438 : vector<1x16xf32> to vector<16xf32>
        %parallel_loop3A_440 = arith.constant 3.125000e-02 : f32
        %parallel_loop3A_441 = vector.broadcast %parallel_loop3A_440 : f32 to vector<16xf32>
        %parallel_loop3A_442 = arith.mulf %parallel_loop3A_439, %parallel_loop3A_441 : vector<16xf32>
        %parallel_loop3A_443 = arith.index_cast %parallel_loop3A_111 : i32 to index
        %parallel_loop3A_444 = arith.constant 432 : index
        %parallel_loop3A_445 = tpu.vector_load %arg5[%parallel_loop3A_443, %parallel_loop3A_444] {strides = array<i32>} : memref<32x1024xf32, #tpu.memory_space<vmem>>, vector<1x16xf32>,
        %parallel_loop3A_446 = vector.shape_cast %parallel_loop3A_445 : vector<1x16xf32> to vector<16xf32>
        %parallel_loop3A_447 = vector.shape_cast %parallel_loop3A_442 : vector<16xf32> to vector<1x16xf32>
        tpu.vector_store %arg5[%parallel_loop3A_443, %parallel_loop3A_444], %parallel_loop3A_447 {strides = array<i32>} : memref<32x1024xf32, #tpu.memory_space<vmem>>, vector<1x16xf32>,
        %parallel_loop3A_448 = arith.index_cast %parallel_loop3A_111 : i32 to index
        %parallel_loop3A_449 = arith.constant 448 : index
        %parallel_loop3A_450 = tpu.vector_load %arg5[%parallel_loop3A_448, %parallel_loop3A_449] {strides = array<i32>} : memref<32x1024xf32, #tpu.memory_space<vmem>>, vector<1x16xf32>,
        %parallel_loop3A_451 = vector.shape_cast %parallel_loop3A_450 : vector<1x16xf32> to vector<16xf32>
        %parallel_loop3A_452 = arith.constant 3.125000e-02 : f32
        %parallel_loop3A_453 = vector.broadcast %parallel_loop3A_452 : f32 to vector<16xf32>
        %parallel_loop3A_454 = arith.mulf %parallel_loop3A_451, %parallel_loop3A_453 : vector<16xf32>
        %parallel_loop3A_455 = arith.index_cast %parallel_loop3A_111 : i32 to index
        %parallel_loop3A_456 = arith.constant 448 : index
        %parallel_loop3A_457 = tpu.vector_load %arg5[%parallel_loop3A_455, %parallel_loop3A_456] {strides = array<i32>} : memref<32x1024xf32, #tpu.memory_space<vmem>>, vector<1x16xf32>,
        %parallel_loop3A_458 = vector.shape_cast %parallel_loop3A_457 : vector<1x16xf32> to vector<16xf32>
        %parallel_loop3A_459 = vector.shape_cast %parallel_loop3A_454 : vector<16xf32> to vector<1x16xf32>
        tpu.vector_store %arg5[%parallel_loop3A_455, %parallel_loop3A_456], %parallel_loop3A_459 {strides = array<i32>} : memref<32x1024xf32, #tpu.memory_space<vmem>>, vector<1x16xf32>,
        %parallel_loop3A_460 = arith.index_cast %parallel_loop3A_111 : i32 to index
        %parallel_loop3A_461 = arith.constant 464 : index
        %parallel_loop3A_462 = tpu.vector_load %arg5[%parallel_loop3A_460, %parallel_loop3A_461] {strides = array<i32>} : memref<32x1024xf32, #tpu.memory_space<vmem>>, vector<1x16xf32>,
        %parallel_loop3A_463 = vector.shape_cast %parallel_loop3A_462 : vector<1x16xf32> to vector<16xf32>
        %parallel_loop3A_464 = arith.constant 3.125000e-02 : f32
        %parallel_loop3A_465 = vector.broadcast %parallel_loop3A_464 : f32 to vector<16xf32>
        %parallel_loop3A_466 = arith.mulf %parallel_loop3A_463, %parallel_loop3A_465 : vector<16xf32>
        %parallel_loop3A_467 = arith.index_cast %parallel_loop3A_111 : i32 to index
        %parallel_loop3A_468 = arith.constant 464 : index
        %parallel_loop3A_469 = tpu.vector_load %arg5[%parallel_loop3A_467, %parallel_loop3A_468] {strides = array<i32>} : memref<32x1024xf32, #tpu.memory_space<vmem>>, vector<1x16xf32>,
        %parallel_loop3A_470 = vector.shape_cast %parallel_loop3A_469 : vector<1x16xf32> to vector<16xf32>
        %parallel_loop3A_471 = vector.shape_cast %parallel_loop3A_466 : vector<16xf32> to vector<1x16xf32>
        tpu.vector_store %arg5[%parallel_loop3A_467, %parallel_loop3A_468], %parallel_loop3A_471 {strides = array<i32>} : memref<32x1024xf32, #tpu.memory_space<vmem>>, vector<1x16xf32>,
        %parallel_loop3A_472 = arith.index_cast %parallel_loop3A_111 : i32 to index
        %parallel_loop3A_473 = arith.constant 480 : index
        %parallel_loop3A_474 = tpu.vector_load %arg5[%parallel_loop3A_472, %parallel_loop3A_473] {strides = array<i32>} : memref<32x1024xf32, #tpu.memory_space<vmem>>, vector<1x16xf32>,
        %parallel_loop3A_475 = vector.shape_cast %parallel_loop3A_474 : vector<1x16xf32> to vector<16xf32>
        %parallel_loop3A_476 = arith.constant 3.125000e-02 : f32
        %parallel_loop3A_477 = vector.broadcast %parallel_loop3A_476 : f32 to vector<16xf32>
        %parallel_loop3A_478 = arith.mulf %parallel_loop3A_475, %parallel_loop3A_477 : vector<16xf32>
        %parallel_loop3A_479 = arith.index_cast %parallel_loop3A_111 : i32 to index
        %parallel_loop3A_480 = arith.constant 480 : index
        %parallel_loop3A_481 = tpu.vector_load %arg5[%parallel_loop3A_479, %parallel_loop3A_480] {strides = array<i32>} : memref<32x1024xf32, #tpu.memory_space<vmem>>, vector<1x16xf32>,
        %parallel_loop3A_482 = vector.shape_cast %parallel_loop3A_481 : vector<1x16xf32> to vector<16xf32>
        %parallel_loop3A_483 = vector.shape_cast %parallel_loop3A_478 : vector<16xf32> to vector<1x16xf32>
        tpu.vector_store %arg5[%parallel_loop3A_479, %parallel_loop3A_480], %parallel_loop3A_483 {strides = array<i32>} : memref<32x1024xf32, #tpu.memory_space<vmem>>, vector<1x16xf32>,
        %parallel_loop3A_484 = arith.index_cast %parallel_loop3A_111 : i32 to index
        %parallel_loop3A_485 = arith.constant 496 : index
        %parallel_loop3A_486 = tpu.vector_load %arg5[%parallel_loop3A_484, %parallel_loop3A_485] {strides = array<i32>} : memref<32x1024xf32, #tpu.memory_space<vmem>>, vector<1x16xf32>,
        %parallel_loop3A_487 = vector.shape_cast %parallel_loop3A_486 : vector<1x16xf32> to vector<16xf32>
        %parallel_loop3A_488 = arith.constant 3.125000e-02 : f32
        %parallel_loop3A_489 = vector.broadcast %parallel_loop3A_488 : f32 to vector<16xf32>
        %parallel_loop3A_490 = arith.mulf %parallel_loop3A_487, %parallel_loop3A_489 : vector<16xf32>
        %parallel_loop3A_491 = arith.index_cast %parallel_loop3A_111 : i32 to index
        %parallel_loop3A_492 = arith.constant 496 : index
        %parallel_loop3A_493 = tpu.vector_load %arg5[%parallel_loop3A_491, %parallel_loop3A_492] {strides = array<i32>} : memref<32x1024xf32, #tpu.memory_space<vmem>>, vector<1x16xf32>,
        %parallel_loop3A_494 = vector.shape_cast %parallel_loop3A_493 : vector<1x16xf32> to vector<16xf32>
        %parallel_loop3A_495 = vector.shape_cast %parallel_loop3A_490 : vector<16xf32> to vector<1x16xf32>
        tpu.vector_store %arg5[%parallel_loop3A_491, %parallel_loop3A_492], %parallel_loop3A_495 {strides = array<i32>} : memref<32x1024xf32, #tpu.memory_space<vmem>>, vector<1x16xf32>,
        %parallel_loop3A_496 = arith.index_cast %parallel_loop3A_111 : i32 to index
        %parallel_loop3A_497 = arith.constant 512 : index
        %parallel_loop3A_498 = tpu.vector_load %arg5[%parallel_loop3A_496, %parallel_loop3A_497] {strides = array<i32>} : memref<32x1024xf32, #tpu.memory_space<vmem>>, vector<1x16xf32>,
        %parallel_loop3A_499 = vector.shape_cast %parallel_loop3A_498 : vector<1x16xf32> to vector<16xf32>
        %parallel_loop3A_500 = arith.constant 3.125000e-02 : f32
        %parallel_loop3A_501 = vector.broadcast %parallel_loop3A_500 : f32 to vector<16xf32>
        %parallel_loop3A_502 = arith.mulf %parallel_loop3A_499, %parallel_loop3A_501 : vector<16xf32>
        %parallel_loop3A_503 = arith.index_cast %parallel_loop3A_111 : i32 to index
        %parallel_loop3A_504 = arith.constant 512 : index
        %parallel_loop3A_505 = tpu.vector_load %arg5[%parallel_loop3A_503, %parallel_loop3A_504] {strides = array<i32>} : memref<32x1024xf32, #tpu.memory_space<vmem>>, vector<1x16xf32>,
        %parallel_loop3A_506 = vector.shape_cast %parallel_loop3A_505 : vector<1x16xf32> to vector<16xf32>
        %parallel_loop3A_507 = vector.shape_cast %parallel_loop3A_502 : vector<16xf32> to vector<1x16xf32>
        tpu.vector_store %arg5[%parallel_loop3A_503, %parallel_loop3A_504], %parallel_loop3A_507 {strides = array<i32>} : memref<32x1024xf32, #tpu.memory_space<vmem>>, vector<1x16xf32>,
        %parallel_loop3A_508 = arith.index_cast %parallel_loop3A_111 : i32 to index
        %parallel_loop3A_509 = arith.constant 528 : index
        %parallel_loop3A_510 = tpu.vector_load %arg5[%parallel_loop3A_508, %parallel_loop3A_509] {strides = array<i32>} : memref<32x1024xf32, #tpu.memory_space<vmem>>, vector<1x16xf32>,
        %parallel_loop3A_511 = vector.shape_cast %parallel_loop3A_510 : vector<1x16xf32> to vector<16xf32>
        %parallel_loop3A_512 = arith.constant 3.125000e-02 : f32
        %parallel_loop3A_513 = vector.broadcast %parallel_loop3A_512 : f32 to vector<16xf32>
        %parallel_loop3A_514 = arith.mulf %parallel_loop3A_511, %parallel_loop3A_513 : vector<16xf32>
        %parallel_loop3A_515 = arith.index_cast %parallel_loop3A_111 : i32 to index
        %parallel_loop3A_516 = arith.constant 528 : index
        %parallel_loop3A_517 = tpu.vector_load %arg5[%parallel_loop3A_515, %parallel_loop3A_516] {strides = array<i32>} : memref<32x1024xf32, #tpu.memory_space<vmem>>, vector<1x16xf32>,
        %parallel_loop3A_518 = vector.shape_cast %parallel_loop3A_517 : vector<1x16xf32> to vector<16xf32>
        %parallel_loop3A_519 = vector.shape_cast %parallel_loop3A_514 : vector<16xf32> to vector<1x16xf32>
        tpu.vector_store %arg5[%parallel_loop3A_515, %parallel_loop3A_516], %parallel_loop3A_519 {strides = array<i32>} : memref<32x1024xf32, #tpu.memory_space<vmem>>, vector<1x16xf32>,
        %parallel_loop3A_520 = arith.index_cast %parallel_loop3A_111 : i32 to index
        %parallel_loop3A_521 = arith.constant 544 : index
        %parallel_loop3A_522 = tpu.vector_load %arg5[%parallel_loop3A_520, %parallel_loop3A_521] {strides = array<i32>} : memref<32x1024xf32, #tpu.memory_space<vmem>>, vector<1x16xf32>,
        %parallel_loop3A_523 = vector.shape_cast %parallel_loop3A_522 : vector<1x16xf32> to vector<16xf32>
        %parallel_loop3A_524 = arith.constant 3.125000e-02 : f32
        %parallel_loop3A_525 = vector.broadcast %parallel_loop3A_524 : f32 to vector<16xf32>
        %parallel_loop3A_526 = arith.mulf %parallel_loop3A_523, %parallel_loop3A_525 : vector<16xf32>
        %parallel_loop3A_527 = arith.index_cast %parallel_loop3A_111 : i32 to index
        %parallel_loop3A_528 = arith.constant 544 : index
        %parallel_loop3A_529 = tpu.vector_load %arg5[%parallel_loop3A_527, %parallel_loop3A_528] {strides = array<i32>} : memref<32x1024xf32, #tpu.memory_space<vmem>>, vector<1x16xf32>,
        %parallel_loop3A_530 = vector.shape_cast %parallel_loop3A_529 : vector<1x16xf32> to vector<16xf32>
        %parallel_loop3A_531 = vector.shape_cast %parallel_loop3A_526 : vector<16xf32> to vector<1x16xf32>
        tpu.vector_store %arg5[%parallel_loop3A_527, %parallel_loop3A_528], %parallel_loop3A_531 {strides = array<i32>} : memref<32x1024xf32, #tpu.memory_space<vmem>>, vector<1x16xf32>,
        %parallel_loop3A_532 = arith.index_cast %parallel_loop3A_111 : i32 to index
        %parallel_loop3A_533 = arith.constant 560 : index
        %parallel_loop3A_534 = tpu.vector_load %arg5[%parallel_loop3A_532, %parallel_loop3A_533] {strides = array<i32>} : memref<32x1024xf32, #tpu.memory_space<vmem>>, vector<1x16xf32>,
        %parallel_loop3A_535 = vector.shape_cast %parallel_loop3A_534 : vector<1x16xf32> to vector<16xf32>
        %parallel_loop3A_536 = arith.constant 3.125000e-02 : f32
        %parallel_loop3A_537 = vector.broadcast %parallel_loop3A_536 : f32 to vector<16xf32>
        %parallel_loop3A_538 = arith.mulf %parallel_loop3A_535, %parallel_loop3A_537 : vector<16xf32>
        %parallel_loop3A_539 = arith.index_cast %parallel_loop3A_111 : i32 to index
        %parallel_loop3A_540 = arith.constant 560 : index
        %parallel_loop3A_541 = tpu.vector_load %arg5[%parallel_loop3A_539, %parallel_loop3A_540] {strides = array<i32>} : memref<32x1024xf32, #tpu.memory_space<vmem>>, vector<1x16xf32>,
        %parallel_loop3A_542 = vector.shape_cast %parallel_loop3A_541 : vector<1x16xf32> to vector<16xf32>
        %parallel_loop3A_543 = vector.shape_cast %parallel_loop3A_538 : vector<16xf32> to vector<1x16xf32>
        tpu.vector_store %arg5[%parallel_loop3A_539, %parallel_loop3A_540], %parallel_loop3A_543 {strides = array<i32>} : memref<32x1024xf32, #tpu.memory_space<vmem>>, vector<1x16xf32>,
        %parallel_loop3A_544 = arith.index_cast %parallel_loop3A_111 : i32 to index
        %parallel_loop3A_545 = arith.constant 576 : index
        %parallel_loop3A_546 = tpu.vector_load %arg5[%parallel_loop3A_544, %parallel_loop3A_545] {strides = array<i32>} : memref<32x1024xf32, #tpu.memory_space<vmem>>, vector<1x16xf32>,
        %parallel_loop3A_547 = vector.shape_cast %parallel_loop3A_546 : vector<1x16xf32> to vector<16xf32>
        %parallel_loop3A_548 = arith.constant 3.125000e-02 : f32
        %parallel_loop3A_549 = vector.broadcast %parallel_loop3A_548 : f32 to vector<16xf32>
        %parallel_loop3A_550 = arith.mulf %parallel_loop3A_547, %parallel_loop3A_549 : vector<16xf32>
        %parallel_loop3A_551 = arith.index_cast %parallel_loop3A_111 : i32 to index
        %parallel_loop3A_552 = arith.constant 576 : index
        %parallel_loop3A_553 = tpu.vector_load %arg5[%parallel_loop3A_551, %parallel_loop3A_552] {strides = array<i32>} : memref<32x1024xf32, #tpu.memory_space<vmem>>, vector<1x16xf32>,
        %parallel_loop3A_554 = vector.shape_cast %parallel_loop3A_553 : vector<1x16xf32> to vector<16xf32>
        %parallel_loop3A_555 = vector.shape_cast %parallel_loop3A_550 : vector<16xf32> to vector<1x16xf32>
        tpu.vector_store %arg5[%parallel_loop3A_551, %parallel_loop3A_552], %parallel_loop3A_555 {strides = array<i32>} : memref<32x1024xf32, #tpu.memory_space<vmem>>, vector<1x16xf32>,
        %parallel_loop3A_556 = arith.index_cast %parallel_loop3A_111 : i32 to index
        %parallel_loop3A_557 = arith.constant 592 : index
        %parallel_loop3A_558 = tpu.vector_load %arg5[%parallel_loop3A_556, %parallel_loop3A_557] {strides = array<i32>} : memref<32x1024xf32, #tpu.memory_space<vmem>>, vector<1x16xf32>,
        %parallel_loop3A_559 = vector.shape_cast %parallel_loop3A_558 : vector<1x16xf32> to vector<16xf32>
        %parallel_loop3A_560 = arith.constant 3.125000e-02 : f32
        %parallel_loop3A_561 = vector.broadcast %parallel_loop3A_560 : f32 to vector<16xf32>
        %parallel_loop3A_562 = arith.mulf %parallel_loop3A_559, %parallel_loop3A_561 : vector<16xf32>
        %parallel_loop3A_563 = arith.index_cast %parallel_loop3A_111 : i32 to index
        %parallel_loop3A_564 = arith.constant 592 : index
        %parallel_loop3A_565 = tpu.vector_load %arg5[%parallel_loop3A_563, %parallel_loop3A_564] {strides = array<i32>} : memref<32x1024xf32, #tpu.memory_space<vmem>>, vector<1x16xf32>,
        %parallel_loop3A_566 = vector.shape_cast %parallel_loop3A_565 : vector<1x16xf32> to vector<16xf32>
        %parallel_loop3A_567 = vector.shape_cast %parallel_loop3A_562 : vector<16xf32> to vector<1x16xf32>
        tpu.vector_store %arg5[%parallel_loop3A_563, %parallel_loop3A_564], %parallel_loop3A_567 {strides = array<i32>} : memref<32x1024xf32, #tpu.memory_space<vmem>>, vector<1x16xf32>,
        %parallel_loop3A_568 = arith.index_cast %parallel_loop3A_111 : i32 to index
        %parallel_loop3A_569 = arith.constant 608 : index
        %parallel_loop3A_570 = tpu.vector_load %arg5[%parallel_loop3A_568, %parallel_loop3A_569] {strides = array<i32>} : memref<32x1024xf32, #tpu.memory_space<vmem>>, vector<1x16xf32>,
        %parallel_loop3A_571 = vector.shape_cast %parallel_loop3A_570 : vector<1x16xf32> to vector<16xf32>
        %parallel_loop3A_572 = arith.constant 3.125000e-02 : f32
        %parallel_loop3A_573 = vector.broadcast %parallel_loop3A_572 : f32 to vector<16xf32>
        %parallel_loop3A_574 = arith.mulf %parallel_loop3A_571, %parallel_loop3A_573 : vector<16xf32>
        %parallel_loop3A_575 = arith.index_cast %parallel_loop3A_111 : i32 to index
        %parallel_loop3A_576 = arith.constant 608 : index
        %parallel_loop3A_577 = tpu.vector_load %arg5[%parallel_loop3A_575, %parallel_loop3A_576] {strides = array<i32>} : memref<32x1024xf32, #tpu.memory_space<vmem>>, vector<1x16xf32>,
        %parallel_loop3A_578 = vector.shape_cast %parallel_loop3A_577 : vector<1x16xf32> to vector<16xf32>
        %parallel_loop3A_579 = vector.shape_cast %parallel_loop3A_574 : vector<16xf32> to vector<1x16xf32>
        tpu.vector_store %arg5[%parallel_loop3A_575, %parallel_loop3A_576], %parallel_loop3A_579 {strides = array<i32>} : memref<32x1024xf32, #tpu.memory_space<vmem>>, vector<1x16xf32>,
        %parallel_loop3A_580 = arith.index_cast %parallel_loop3A_111 : i32 to index
        %parallel_loop3A_581 = arith.constant 624 : index
        %parallel_loop3A_582 = tpu.vector_load %arg5[%parallel_loop3A_580, %parallel_loop3A_581] {strides = array<i32>} : memref<32x1024xf32, #tpu.memory_space<vmem>>, vector<1x16xf32>,
        %parallel_loop3A_583 = vector.shape_cast %parallel_loop3A_582 : vector<1x16xf32> to vector<16xf32>
        %parallel_loop3A_584 = arith.constant 3.125000e-02 : f32
        %parallel_loop3A_585 = vector.broadcast %parallel_loop3A_584 : f32 to vector<16xf32>
        %parallel_loop3A_586 = arith.mulf %parallel_loop3A_583, %parallel_loop3A_585 : vector<16xf32>
        %parallel_loop3A_587 = arith.index_cast %parallel_loop3A_111 : i32 to index
        %parallel_loop3A_588 = arith.constant 624 : index
        %parallel_loop3A_589 = tpu.vector_load %arg5[%parallel_loop3A_587, %parallel_loop3A_588] {strides = array<i32>} : memref<32x1024xf32, #tpu.memory_space<vmem>>, vector<1x16xf32>,
        %parallel_loop3A_590 = vector.shape_cast %parallel_loop3A_589 : vector<1x16xf32> to vector<16xf32>
        %parallel_loop3A_591 = vector.shape_cast %parallel_loop3A_586 : vector<16xf32> to vector<1x16xf32>
        tpu.vector_store %arg5[%parallel_loop3A_587, %parallel_loop3A_588], %parallel_loop3A_591 {strides = array<i32>} : memref<32x1024xf32, #tpu.memory_space<vmem>>, vector<1x16xf32>,
        %parallel_loop3A_592 = arith.index_cast %parallel_loop3A_111 : i32 to index
        %parallel_loop3A_593 = arith.constant 640 : index
        %parallel_loop3A_594 = tpu.vector_load %arg5[%parallel_loop3A_592, %parallel_loop3A_593] {strides = array<i32>} : memref<32x1024xf32, #tpu.memory_space<vmem>>, vector<1x16xf32>,
        %parallel_loop3A_595 = vector.shape_cast %parallel_loop3A_594 : vector<1x16xf32> to vector<16xf32>
        %parallel_loop3A_596 = arith.constant 3.125000e-02 : f32
        %parallel_loop3A_597 = vector.broadcast %parallel_loop3A_596 : f32 to vector<16xf32>
        %parallel_loop3A_598 = arith.mulf %parallel_loop3A_595, %parallel_loop3A_597 : vector<16xf32>
        %parallel_loop3A_599 = arith.index_cast %parallel_loop3A_111 : i32 to index
        %parallel_loop3A_600 = arith.constant 640 : index
        %parallel_loop3A_601 = tpu.vector_load %arg5[%parallel_loop3A_599, %parallel_loop3A_600] {strides = array<i32>} : memref<32x1024xf32, #tpu.memory_space<vmem>>, vector<1x16xf32>,
        %parallel_loop3A_602 = vector.shape_cast %parallel_loop3A_601 : vector<1x16xf32> to vector<16xf32>
        %parallel_loop3A_603 = vector.shape_cast %parallel_loop3A_598 : vector<16xf32> to vector<1x16xf32>
        tpu.vector_store %arg5[%parallel_loop3A_599, %parallel_loop3A_600], %parallel_loop3A_603 {strides = array<i32>} : memref<32x1024xf32, #tpu.memory_space<vmem>>, vector<1x16xf32>,
        %parallel_loop3A_604 = arith.index_cast %parallel_loop3A_111 : i32 to index
        %parallel_loop3A_605 = arith.constant 656 : index
        %parallel_loop3A_606 = tpu.vector_load %arg5[%parallel_loop3A_604, %parallel_loop3A_605] {strides = array<i32>} : memref<32x1024xf32, #tpu.memory_space<vmem>>, vector<1x16xf32>,
        %parallel_loop3A_607 = vector.shape_cast %parallel_loop3A_606 : vector<1x16xf32> to vector<16xf32>
        %parallel_loop3A_608 = arith.constant 3.125000e-02 : f32
        %parallel_loop3A_609 = vector.broadcast %parallel_loop3A_608 : f32 to vector<16xf32>
        %parallel_loop3A_610 = arith.mulf %parallel_loop3A_607, %parallel_loop3A_609 : vector<16xf32>
        %parallel_loop3A_611 = arith.index_cast %parallel_loop3A_111 : i32 to index
        %parallel_loop3A_612 = arith.constant 656 : index
        %parallel_loop3A_613 = tpu.vector_load %arg5[%parallel_loop3A_611, %parallel_loop3A_612] {strides = array<i32>} : memref<32x1024xf32, #tpu.memory_space<vmem>>, vector<1x16xf32>,
        %parallel_loop3A_614 = vector.shape_cast %parallel_loop3A_613 : vector<1x16xf32> to vector<16xf32>
        %parallel_loop3A_615 = vector.shape_cast %parallel_loop3A_610 : vector<16xf32> to vector<1x16xf32>
        tpu.vector_store %arg5[%parallel_loop3A_611, %parallel_loop3A_612], %parallel_loop3A_615 {strides = array<i32>} : memref<32x1024xf32, #tpu.memory_space<vmem>>, vector<1x16xf32>,
        %parallel_loop3A_616 = arith.index_cast %parallel_loop3A_111 : i32 to index
        %parallel_loop3A_617 = arith.constant 672 : index
        %parallel_loop3A_618 = tpu.vector_load %arg5[%parallel_loop3A_616, %parallel_loop3A_617] {strides = array<i32>} : memref<32x1024xf32, #tpu.memory_space<vmem>>, vector<1x16xf32>,
        %parallel_loop3A_619 = vector.shape_cast %parallel_loop3A_618 : vector<1x16xf32> to vector<16xf32>
        %parallel_loop3A_620 = arith.constant 3.125000e-02 : f32
        %parallel_loop3A_621 = vector.broadcast %parallel_loop3A_620 : f32 to vector<16xf32>
        %parallel_loop3A_622 = arith.mulf %parallel_loop3A_619, %parallel_loop3A_621 : vector<16xf32>
        %parallel_loop3A_623 = arith.index_cast %parallel_loop3A_111 : i32 to index
        %parallel_loop3A_624 = arith.constant 672 : index
        %parallel_loop3A_625 = tpu.vector_load %arg5[%parallel_loop3A_623, %parallel_loop3A_624] {strides = array<i32>} : memref<32x1024xf32, #tpu.memory_space<vmem>>, vector<1x16xf32>,
        %parallel_loop3A_626 = vector.shape_cast %parallel_loop3A_625 : vector<1x16xf32> to vector<16xf32>
        %parallel_loop3A_627 = vector.shape_cast %parallel_loop3A_622 : vector<16xf32> to vector<1x16xf32>
        tpu.vector_store %arg5[%parallel_loop3A_623, %parallel_loop3A_624], %parallel_loop3A_627 {strides = array<i32>} : memref<32x1024xf32, #tpu.memory_space<vmem>>, vector<1x16xf32>,
        %parallel_loop3A_628 = arith.index_cast %parallel_loop3A_111 : i32 to index
        %parallel_loop3A_629 = arith.constant 688 : index
        %parallel_loop3A_630 = tpu.vector_load %arg5[%parallel_loop3A_628, %parallel_loop3A_629] {strides = array<i32>} : memref<32x1024xf32, #tpu.memory_space<vmem>>, vector<1x16xf32>,
        %parallel_loop3A_631 = vector.shape_cast %parallel_loop3A_630 : vector<1x16xf32> to vector<16xf32>
        %parallel_loop3A_632 = arith.constant 3.125000e-02 : f32
        %parallel_loop3A_633 = vector.broadcast %parallel_loop3A_632 : f32 to vector<16xf32>
        %parallel_loop3A_634 = arith.mulf %parallel_loop3A_631, %parallel_loop3A_633 : vector<16xf32>
        %parallel_loop3A_635 = arith.index_cast %parallel_loop3A_111 : i32 to index
        %parallel_loop3A_636 = arith.constant 688 : index
        %parallel_loop3A_637 = tpu.vector_load %arg5[%parallel_loop3A_635, %parallel_loop3A_636] {strides = array<i32>} : memref<32x1024xf32, #tpu.memory_space<vmem>>, vector<1x16xf32>,
        %parallel_loop3A_638 = vector.shape_cast %parallel_loop3A_637 : vector<1x16xf32> to vector<16xf32>
        %parallel_loop3A_639 = vector.shape_cast %parallel_loop3A_634 : vector<16xf32> to vector<1x16xf32>
        tpu.vector_store %arg5[%parallel_loop3A_635, %parallel_loop3A_636], %parallel_loop3A_639 {strides = array<i32>} : memref<32x1024xf32, #tpu.memory_space<vmem>>, vector<1x16xf32>,
        %parallel_loop3A_640 = arith.index_cast %parallel_loop3A_111 : i32 to index
        %parallel_loop3A_641 = arith.constant 704 : index
        %parallel_loop3A_642 = tpu.vector_load %arg5[%parallel_loop3A_640, %parallel_loop3A_641] {strides = array<i32>} : memref<32x1024xf32, #tpu.memory_space<vmem>>, vector<1x16xf32>,
        %parallel_loop3A_643 = vector.shape_cast %parallel_loop3A_642 : vector<1x16xf32> to vector<16xf32>
        %parallel_loop3A_644 = arith.constant 3.125000e-02 : f32
        %parallel_loop3A_645 = vector.broadcast %parallel_loop3A_644 : f32 to vector<16xf32>
        %parallel_loop3A_646 = arith.mulf %parallel_loop3A_643, %parallel_loop3A_645 : vector<16xf32>
        %parallel_loop3A_647 = arith.index_cast %parallel_loop3A_111 : i32 to index
        %parallel_loop3A_648 = arith.constant 704 : index
        %parallel_loop3A_649 = tpu.vector_load %arg5[%parallel_loop3A_647, %parallel_loop3A_648] {strides = array<i32>} : memref<32x1024xf32, #tpu.memory_space<vmem>>, vector<1x16xf32>,
        %parallel_loop3A_650 = vector.shape_cast %parallel_loop3A_649 : vector<1x16xf32> to vector<16xf32>
        %parallel_loop3A_651 = vector.shape_cast %parallel_loop3A_646 : vector<16xf32> to vector<1x16xf32>
        tpu.vector_store %arg5[%parallel_loop3A_647, %parallel_loop3A_648], %parallel_loop3A_651 {strides = array<i32>} : memref<32x1024xf32, #tpu.memory_space<vmem>>, vector<1x16xf32>,
        %parallel_loop3A_652 = arith.index_cast %parallel_loop3A_111 : i32 to index
        %parallel_loop3A_653 = arith.constant 720 : index
        %parallel_loop3A_654 = tpu.vector_load %arg5[%parallel_loop3A_652, %parallel_loop3A_653] {strides = array<i32>} : memref<32x1024xf32, #tpu.memory_space<vmem>>, vector<1x16xf32>,
        %parallel_loop3A_655 = vector.shape_cast %parallel_loop3A_654 : vector<1x16xf32> to vector<16xf32>
        %parallel_loop3A_656 = arith.constant 3.125000e-02 : f32
        %parallel_loop3A_657 = vector.broadcast %parallel_loop3A_656 : f32 to vector<16xf32>
        %parallel_loop3A_658 = arith.mulf %parallel_loop3A_655, %parallel_loop3A_657 : vector<16xf32>
        %parallel_loop3A_659 = arith.index_cast %parallel_loop3A_111 : i32 to index
        %parallel_loop3A_660 = arith.constant 720 : index
        %parallel_loop3A_661 = tpu.vector_load %arg5[%parallel_loop3A_659, %parallel_loop3A_660] {strides = array<i32>} : memref<32x1024xf32, #tpu.memory_space<vmem>>, vector<1x16xf32>,
        %parallel_loop3A_662 = vector.shape_cast %parallel_loop3A_661 : vector<1x16xf32> to vector<16xf32>
        %parallel_loop3A_663 = vector.shape_cast %parallel_loop3A_658 : vector<16xf32> to vector<1x16xf32>
        tpu.vector_store %arg5[%parallel_loop3A_659, %parallel_loop3A_660], %parallel_loop3A_663 {strides = array<i32>} : memref<32x1024xf32, #tpu.memory_space<vmem>>, vector<1x16xf32>,
        %parallel_loop3A_664 = arith.index_cast %parallel_loop3A_111 : i32 to index
        %parallel_loop3A_665 = arith.constant 736 : index
        %parallel_loop3A_666 = tpu.vector_load %arg5[%parallel_loop3A_664, %parallel_loop3A_665] {strides = array<i32>} : memref<32x1024xf32, #tpu.memory_space<vmem>>, vector<1x16xf32>,
        %parallel_loop3A_667 = vector.shape_cast %parallel_loop3A_666 : vector<1x16xf32> to vector<16xf32>
        %parallel_loop3A_668 = arith.constant 3.125000e-02 : f32
        %parallel_loop3A_669 = vector.broadcast %parallel_loop3A_668 : f32 to vector<16xf32>
        %parallel_loop3A_670 = arith.mulf %parallel_loop3A_667, %parallel_loop3A_669 : vector<16xf32>
        %parallel_loop3A_671 = arith.index_cast %parallel_loop3A_111 : i32 to index
        %parallel_loop3A_672 = arith.constant 736 : index
        %parallel_loop3A_673 = tpu.vector_load %arg5[%parallel_loop3A_671, %parallel_loop3A_672] {strides = array<i32>} : memref<32x1024xf32, #tpu.memory_space<vmem>>, vector<1x16xf32>,
        %parallel_loop3A_674 = vector.shape_cast %parallel_loop3A_673 : vector<1x16xf32> to vector<16xf32>
        %parallel_loop3A_675 = vector.shape_cast %parallel_loop3A_670 : vector<16xf32> to vector<1x16xf32>
        tpu.vector_store %arg5[%parallel_loop3A_671, %parallel_loop3A_672], %parallel_loop3A_675 {strides = array<i32>} : memref<32x1024xf32, #tpu.memory_space<vmem>>, vector<1x16xf32>,
        %parallel_loop3A_676 = arith.index_cast %parallel_loop3A_111 : i32 to index
        %parallel_loop3A_677 = arith.constant 752 : index
        %parallel_loop3A_678 = tpu.vector_load %arg5[%parallel_loop3A_676, %parallel_loop3A_677] {strides = array<i32>} : memref<32x1024xf32, #tpu.memory_space<vmem>>, vector<1x16xf32>,
        %parallel_loop3A_679 = vector.shape_cast %parallel_loop3A_678 : vector<1x16xf32> to vector<16xf32>
        %parallel_loop3A_680 = arith.constant 3.125000e-02 : f32
        %parallel_loop3A_681 = vector.broadcast %parallel_loop3A_680 : f32 to vector<16xf32>
        %parallel_loop3A_682 = arith.mulf %parallel_loop3A_679, %parallel_loop3A_681 : vector<16xf32>
        %parallel_loop3A_683 = arith.index_cast %parallel_loop3A_111 : i32 to index
        %parallel_loop3A_684 = arith.constant 752 : index
        %parallel_loop3A_685 = tpu.vector_load %arg5[%parallel_loop3A_683, %parallel_loop3A_684] {strides = array<i32>} : memref<32x1024xf32, #tpu.memory_space<vmem>>, vector<1x16xf32>,
        %parallel_loop3A_686 = vector.shape_cast %parallel_loop3A_685 : vector<1x16xf32> to vector<16xf32>
        %parallel_loop3A_687 = vector.shape_cast %parallel_loop3A_682 : vector<16xf32> to vector<1x16xf32>
        tpu.vector_store %arg5[%parallel_loop3A_683, %parallel_loop3A_684], %parallel_loop3A_687 {strides = array<i32>} : memref<32x1024xf32, #tpu.memory_space<vmem>>, vector<1x16xf32>,
        %parallel_loop3A_688 = arith.index_cast %parallel_loop3A_111 : i32 to index
        %parallel_loop3A_689 = arith.constant 768 : index
        %parallel_loop3A_690 = tpu.vector_load %arg5[%parallel_loop3A_688, %parallel_loop3A_689] {strides = array<i32>} : memref<32x1024xf32, #tpu.memory_space<vmem>>, vector<1x16xf32>,
        %parallel_loop3A_691 = vector.shape_cast %parallel_loop3A_690 : vector<1x16xf32> to vector<16xf32>
        %parallel_loop3A_692 = arith.constant 3.125000e-02 : f32
        %parallel_loop3A_693 = vector.broadcast %parallel_loop3A_692 : f32 to vector<16xf32>
        %parallel_loop3A_694 = arith.mulf %parallel_loop3A_691, %parallel_loop3A_693 : vector<16xf32>
        %parallel_loop3A_695 = arith.index_cast %parallel_loop3A_111 : i32 to index
        %parallel_loop3A_696 = arith.constant 768 : index
        %parallel_loop3A_697 = tpu.vector_load %arg5[%parallel_loop3A_695, %parallel_loop3A_696] {strides = array<i32>} : memref<32x1024xf32, #tpu.memory_space<vmem>>, vector<1x16xf32>,
        %parallel_loop3A_698 = vector.shape_cast %parallel_loop3A_697 : vector<1x16xf32> to vector<16xf32>
        %parallel_loop3A_699 = vector.shape_cast %parallel_loop3A_694 : vector<16xf32> to vector<1x16xf32>
        tpu.vector_store %arg5[%parallel_loop3A_695, %parallel_loop3A_696], %parallel_loop3A_699 {strides = array<i32>} : memref<32x1024xf32, #tpu.memory_space<vmem>>, vector<1x16xf32>,
        %parallel_loop3A_700 = arith.index_cast %parallel_loop3A_111 : i32 to index
        %parallel_loop3A_701 = arith.constant 784 : index
        %parallel_loop3A_702 = tpu.vector_load %arg5[%parallel_loop3A_700, %parallel_loop3A_701] {strides = array<i32>} : memref<32x1024xf32, #tpu.memory_space<vmem>>, vector<1x16xf32>,
        %parallel_loop3A_703 = vector.shape_cast %parallel_loop3A_702 : vector<1x16xf32> to vector<16xf32>
        %parallel_loop3A_704 = arith.constant 3.125000e-02 : f32
        %parallel_loop3A_705 = vector.broadcast %parallel_loop3A_704 : f32 to vector<16xf32>
        %parallel_loop3A_706 = arith.mulf %parallel_loop3A_703, %parallel_loop3A_705 : vector<16xf32>
        %parallel_loop3A_707 = arith.index_cast %parallel_loop3A_111 : i32 to index
        %parallel_loop3A_708 = arith.constant 784 : index
        %parallel_loop3A_709 = tpu.vector_load %arg5[%parallel_loop3A_707, %parallel_loop3A_708] {strides = array<i32>} : memref<32x1024xf32, #tpu.memory_space<vmem>>, vector<1x16xf32>,
        %parallel_loop3A_710 = vector.shape_cast %parallel_loop3A_709 : vector<1x16xf32> to vector<16xf32>
        %parallel_loop3A_711 = vector.shape_cast %parallel_loop3A_706 : vector<16xf32> to vector<1x16xf32>
        tpu.vector_store %arg5[%parallel_loop3A_707, %parallel_loop3A_708], %parallel_loop3A_711 {strides = array<i32>} : memref<32x1024xf32, #tpu.memory_space<vmem>>, vector<1x16xf32>,
        %parallel_loop3A_712 = arith.index_cast %parallel_loop3A_111 : i32 to index
        %parallel_loop3A_713 = arith.constant 800 : index
        %parallel_loop3A_714 = tpu.vector_load %arg5[%parallel_loop3A_712, %parallel_loop3A_713] {strides = array<i32>} : memref<32x1024xf32, #tpu.memory_space<vmem>>, vector<1x16xf32>,
        %parallel_loop3A_715 = vector.shape_cast %parallel_loop3A_714 : vector<1x16xf32> to vector<16xf32>
        %parallel_loop3A_716 = arith.constant 3.125000e-02 : f32
        %parallel_loop3A_717 = vector.broadcast %parallel_loop3A_716 : f32 to vector<16xf32>
        %parallel_loop3A_718 = arith.mulf %parallel_loop3A_715, %parallel_loop3A_717 : vector<16xf32>
        %parallel_loop3A_719 = arith.index_cast %parallel_loop3A_111 : i32 to index
        %parallel_loop3A_720 = arith.constant 800 : index
        %parallel_loop3A_721 = tpu.vector_load %arg5[%parallel_loop3A_719, %parallel_loop3A_720] {strides = array<i32>} : memref<32x1024xf32, #tpu.memory_space<vmem>>, vector<1x16xf32>,
        %parallel_loop3A_722 = vector.shape_cast %parallel_loop3A_721 : vector<1x16xf32> to vector<16xf32>
        %parallel_loop3A_723 = vector.shape_cast %parallel_loop3A_718 : vector<16xf32> to vector<1x16xf32>
        tpu.vector_store %arg5[%parallel_loop3A_719, %parallel_loop3A_720], %parallel_loop3A_723 {strides = array<i32>} : memref<32x1024xf32, #tpu.memory_space<vmem>>, vector<1x16xf32>,
        %parallel_loop3A_724 = arith.index_cast %parallel_loop3A_111 : i32 to index
        %parallel_loop3A_725 = arith.constant 816 : index
        %parallel_loop3A_726 = tpu.vector_load %arg5[%parallel_loop3A_724, %parallel_loop3A_725] {strides = array<i32>} : memref<32x1024xf32, #tpu.memory_space<vmem>>, vector<1x16xf32>,
        %parallel_loop3A_727 = vector.shape_cast %parallel_loop3A_726 : vector<1x16xf32> to vector<16xf32>
        %parallel_loop3A_728 = arith.constant 3.125000e-02 : f32
        %parallel_loop3A_729 = vector.broadcast %parallel_loop3A_728 : f32 to vector<16xf32>
        %parallel_loop3A_730 = arith.mulf %parallel_loop3A_727, %parallel_loop3A_729 : vector<16xf32>
        %parallel_loop3A_731 = arith.index_cast %parallel_loop3A_111 : i32 to index
        %parallel_loop3A_732 = arith.constant 816 : index
        %parallel_loop3A_733 = tpu.vector_load %arg5[%parallel_loop3A_731, %parallel_loop3A_732] {strides = array<i32>} : memref<32x1024xf32, #tpu.memory_space<vmem>>, vector<1x16xf32>,
        %parallel_loop3A_734 = vector.shape_cast %parallel_loop3A_733 : vector<1x16xf32> to vector<16xf32>
        %parallel_loop3A_735 = vector.shape_cast %parallel_loop3A_730 : vector<16xf32> to vector<1x16xf32>
        tpu.vector_store %arg5[%parallel_loop3A_731, %parallel_loop3A_732], %parallel_loop3A_735 {strides = array<i32>} : memref<32x1024xf32, #tpu.memory_space<vmem>>, vector<1x16xf32>,
        %parallel_loop3A_736 = arith.index_cast %parallel_loop3A_111 : i32 to index
        %parallel_loop3A_737 = arith.constant 832 : index
        %parallel_loop3A_738 = tpu.vector_load %arg5[%parallel_loop3A_736, %parallel_loop3A_737] {strides = array<i32>} : memref<32x1024xf32, #tpu.memory_space<vmem>>, vector<1x16xf32>,
        %parallel_loop3A_739 = vector.shape_cast %parallel_loop3A_738 : vector<1x16xf32> to vector<16xf32>
        %parallel_loop3A_740 = arith.constant 3.125000e-02 : f32
        %parallel_loop3A_741 = vector.broadcast %parallel_loop3A_740 : f32 to vector<16xf32>
        %parallel_loop3A_742 = arith.mulf %parallel_loop3A_739, %parallel_loop3A_741 : vector<16xf32>
        %parallel_loop3A_743 = arith.index_cast %parallel_loop3A_111 : i32 to index
        %parallel_loop3A_744 = arith.constant 832 : index
        %parallel_loop3A_745 = tpu.vector_load %arg5[%parallel_loop3A_743, %parallel_loop3A_744] {strides = array<i32>} : memref<32x1024xf32, #tpu.memory_space<vmem>>, vector<1x16xf32>,
        %parallel_loop3A_746 = vector.shape_cast %parallel_loop3A_745 : vector<1x16xf32> to vector<16xf32>
        %parallel_loop3A_747 = vector.shape_cast %parallel_loop3A_742 : vector<16xf32> to vector<1x16xf32>
        tpu.vector_store %arg5[%parallel_loop3A_743, %parallel_loop3A_744], %parallel_loop3A_747 {strides = array<i32>} : memref<32x1024xf32, #tpu.memory_space<vmem>>, vector<1x16xf32>,
        %parallel_loop3A_748 = arith.index_cast %parallel_loop3A_111 : i32 to index
        %parallel_loop3A_749 = arith.constant 848 : index
        %parallel_loop3A_750 = tpu.vector_load %arg5[%parallel_loop3A_748, %parallel_loop3A_749] {strides = array<i32>} : memref<32x1024xf32, #tpu.memory_space<vmem>>, vector<1x16xf32>,
        %parallel_loop3A_751 = vector.shape_cast %parallel_loop3A_750 : vector<1x16xf32> to vector<16xf32>
        %parallel_loop3A_752 = arith.constant 3.125000e-02 : f32
        %parallel_loop3A_753 = vector.broadcast %parallel_loop3A_752 : f32 to vector<16xf32>
        %parallel_loop3A_754 = arith.mulf %parallel_loop3A_751, %parallel_loop3A_753 : vector<16xf32>
        %parallel_loop3A_755 = arith.index_cast %parallel_loop3A_111 : i32 to index
        %parallel_loop3A_756 = arith.constant 848 : index
        %parallel_loop3A_757 = tpu.vector_load %arg5[%parallel_loop3A_755, %parallel_loop3A_756] {strides = array<i32>} : memref<32x1024xf32, #tpu.memory_space<vmem>>, vector<1x16xf32>,
        %parallel_loop3A_758 = vector.shape_cast %parallel_loop3A_757 : vector<1x16xf32> to vector<16xf32>
        %parallel_loop3A_759 = vector.shape_cast %parallel_loop3A_754 : vector<16xf32> to vector<1x16xf32>
        tpu.vector_store %arg5[%parallel_loop3A_755, %parallel_loop3A_756], %parallel_loop3A_759 {strides = array<i32>} : memref<32x1024xf32, #tpu.memory_space<vmem>>, vector<1x16xf32>,
        %parallel_loop3A_760 = arith.index_cast %parallel_loop3A_111 : i32 to index
        %parallel_loop3A_761 = arith.constant 864 : index
        %parallel_loop3A_762 = tpu.vector_load %arg5[%parallel_loop3A_760, %parallel_loop3A_761] {strides = array<i32>} : memref<32x1024xf32, #tpu.memory_space<vmem>>, vector<1x16xf32>,
        %parallel_loop3A_763 = vector.shape_cast %parallel_loop3A_762 : vector<1x16xf32> to vector<16xf32>
        %parallel_loop3A_764 = arith.constant 3.125000e-02 : f32
        %parallel_loop3A_765 = vector.broadcast %parallel_loop3A_764 : f32 to vector<16xf32>
        %parallel_loop3A_766 = arith.mulf %parallel_loop3A_763, %parallel_loop3A_765 : vector<16xf32>
        %parallel_loop3A_767 = arith.index_cast %parallel_loop3A_111 : i32 to index
        %parallel_loop3A_768 = arith.constant 864 : index
        %parallel_loop3A_769 = tpu.vector_load %arg5[%parallel_loop3A_767, %parallel_loop3A_768] {strides = array<i32>} : memref<32x1024xf32, #tpu.memory_space<vmem>>, vector<1x16xf32>,
        %parallel_loop3A_770 = vector.shape_cast %parallel_loop3A_769 : vector<1x16xf32> to vector<16xf32>
        %parallel_loop3A_771 = vector.shape_cast %parallel_loop3A_766 : vector<16xf32> to vector<1x16xf32>
        tpu.vector_store %arg5[%parallel_loop3A_767, %parallel_loop3A_768], %parallel_loop3A_771 {strides = array<i32>} : memref<32x1024xf32, #tpu.memory_space<vmem>>, vector<1x16xf32>,
        %parallel_loop3A_772 = arith.index_cast %parallel_loop3A_111 : i32 to index
        %parallel_loop3A_773 = arith.constant 880 : index
        %parallel_loop3A_774 = tpu.vector_load %arg5[%parallel_loop3A_772, %parallel_loop3A_773] {strides = array<i32>} : memref<32x1024xf32, #tpu.memory_space<vmem>>, vector<1x16xf32>,
        %parallel_loop3A_775 = vector.shape_cast %parallel_loop3A_774 : vector<1x16xf32> to vector<16xf32>
        %parallel_loop3A_776 = arith.constant 3.125000e-02 : f32
        %parallel_loop3A_777 = vector.broadcast %parallel_loop3A_776 : f32 to vector<16xf32>
        %parallel_loop3A_778 = arith.mulf %parallel_loop3A_775, %parallel_loop3A_777 : vector<16xf32>
        %parallel_loop3A_779 = arith.index_cast %parallel_loop3A_111 : i32 to index
        %parallel_loop3A_780 = arith.constant 880 : index
        %parallel_loop3A_781 = tpu.vector_load %arg5[%parallel_loop3A_779, %parallel_loop3A_780] {strides = array<i32>} : memref<32x1024xf32, #tpu.memory_space<vmem>>, vector<1x16xf32>,
        %parallel_loop3A_782 = vector.shape_cast %parallel_loop3A_781 : vector<1x16xf32> to vector<16xf32>
        %parallel_loop3A_783 = vector.shape_cast %parallel_loop3A_778 : vector<16xf32> to vector<1x16xf32>
        tpu.vector_store %arg5[%parallel_loop3A_779, %parallel_loop3A_780], %parallel_loop3A_783 {strides = array<i32>} : memref<32x1024xf32, #tpu.memory_space<vmem>>, vector<1x16xf32>,
        %parallel_loop3A_784 = arith.index_cast %parallel_loop3A_111 : i32 to index
        %parallel_loop3A_785 = arith.constant 896 : index
        %parallel_loop3A_786 = tpu.vector_load %arg5[%parallel_loop3A_784, %parallel_loop3A_785] {strides = array<i32>} : memref<32x1024xf32, #tpu.memory_space<vmem>>, vector<1x16xf32>,
        %parallel_loop3A_787 = vector.shape_cast %parallel_loop3A_786 : vector<1x16xf32> to vector<16xf32>
        %parallel_loop3A_788 = arith.constant 3.125000e-02 : f32
        %parallel_loop3A_789 = vector.broadcast %parallel_loop3A_788 : f32 to vector<16xf32>
        %parallel_loop3A_790 = arith.mulf %parallel_loop3A_787, %parallel_loop3A_789 : vector<16xf32>
        %parallel_loop3A_791 = arith.index_cast %parallel_loop3A_111 : i32 to index
        %parallel_loop3A_792 = arith.constant 896 : index
        %parallel_loop3A_793 = tpu.vector_load %arg5[%parallel_loop3A_791, %parallel_loop3A_792] {strides = array<i32>} : memref<32x1024xf32, #tpu.memory_space<vmem>>, vector<1x16xf32>,
        %parallel_loop3A_794 = vector.shape_cast %parallel_loop3A_793 : vector<1x16xf32> to vector<16xf32>
        %parallel_loop3A_795 = vector.shape_cast %parallel_loop3A_790 : vector<16xf32> to vector<1x16xf32>
        tpu.vector_store %arg5[%parallel_loop3A_791, %parallel_loop3A_792], %parallel_loop3A_795 {strides = array<i32>} : memref<32x1024xf32, #tpu.memory_space<vmem>>, vector<1x16xf32>,
        %parallel_loop3A_796 = arith.index_cast %parallel_loop3A_111 : i32 to index
        %parallel_loop3A_797 = arith.constant 912 : index
        %parallel_loop3A_798 = tpu.vector_load %arg5[%parallel_loop3A_796, %parallel_loop3A_797] {strides = array<i32>} : memref<32x1024xf32, #tpu.memory_space<vmem>>, vector<1x16xf32>,
        %parallel_loop3A_799 = vector.shape_cast %parallel_loop3A_798 : vector<1x16xf32> to vector<16xf32>
        %parallel_loop3A_800 = arith.constant 3.125000e-02 : f32
        %parallel_loop3A_801 = vector.broadcast %parallel_loop3A_800 : f32 to vector<16xf32>
        %parallel_loop3A_802 = arith.mulf %parallel_loop3A_799, %parallel_loop3A_801 : vector<16xf32>
        %parallel_loop3A_803 = arith.index_cast %parallel_loop3A_111 : i32 to index
        %parallel_loop3A_804 = arith.constant 912 : index
        %parallel_loop3A_805 = tpu.vector_load %arg5[%parallel_loop3A_803, %parallel_loop3A_804] {strides = array<i32>} : memref<32x1024xf32, #tpu.memory_space<vmem>>, vector<1x16xf32>,
        %parallel_loop3A_806 = vector.shape_cast %parallel_loop3A_805 : vector<1x16xf32> to vector<16xf32>
        %parallel_loop3A_807 = vector.shape_cast %parallel_loop3A_802 : vector<16xf32> to vector<1x16xf32>
        tpu.vector_store %arg5[%parallel_loop3A_803, %parallel_loop3A_804], %parallel_loop3A_807 {strides = array<i32>} : memref<32x1024xf32, #tpu.memory_space<vmem>>, vector<1x16xf32>,
        %parallel_loop3A_808 = arith.index_cast %parallel_loop3A_111 : i32 to index
        %parallel_loop3A_809 = arith.constant 928 : index
        %parallel_loop3A_810 = tpu.vector_load %arg5[%parallel_loop3A_808, %parallel_loop3A_809] {strides = array<i32>} : memref<32x1024xf32, #tpu.memory_space<vmem>>, vector<1x16xf32>,
        %parallel_loop3A_811 = vector.shape_cast %parallel_loop3A_810 : vector<1x16xf32> to vector<16xf32>
        %parallel_loop3A_812 = arith.constant 3.125000e-02 : f32
        %parallel_loop3A_813 = vector.broadcast %parallel_loop3A_812 : f32 to vector<16xf32>
        %parallel_loop3A_814 = arith.mulf %parallel_loop3A_811, %parallel_loop3A_813 : vector<16xf32>
        %parallel_loop3A_815 = arith.index_cast %parallel_loop3A_111 : i32 to index
        %parallel_loop3A_816 = arith.constant 928 : index
        %parallel_loop3A_817 = tpu.vector_load %arg5[%parallel_loop3A_815, %parallel_loop3A_816] {strides = array<i32>} : memref<32x1024xf32, #tpu.memory_space<vmem>>, vector<1x16xf32>,
        %parallel_loop3A_818 = vector.shape_cast %parallel_loop3A_817 : vector<1x16xf32> to vector<16xf32>
        %parallel_loop3A_819 = vector.shape_cast %parallel_loop3A_814 : vector<16xf32> to vector<1x16xf32>
        tpu.vector_store %arg5[%parallel_loop3A_815, %parallel_loop3A_816], %parallel_loop3A_819 {strides = array<i32>} : memref<32x1024xf32, #tpu.memory_space<vmem>>, vector<1x16xf32>,
        %parallel_loop3A_820 = arith.index_cast %parallel_loop3A_111 : i32 to index
        %parallel_loop3A_821 = arith.constant 944 : index
        %parallel_loop3A_822 = tpu.vector_load %arg5[%parallel_loop3A_820, %parallel_loop3A_821] {strides = array<i32>} : memref<32x1024xf32, #tpu.memory_space<vmem>>, vector<1x16xf32>,
        %parallel_loop3A_823 = vector.shape_cast %parallel_loop3A_822 : vector<1x16xf32> to vector<16xf32>
        %parallel_loop3A_824 = arith.constant 3.125000e-02 : f32
        %parallel_loop3A_825 = vector.broadcast %parallel_loop3A_824 : f32 to vector<16xf32>
        %parallel_loop3A_826 = arith.mulf %parallel_loop3A_823, %parallel_loop3A_825 : vector<16xf32>
        %parallel_loop3A_827 = arith.index_cast %parallel_loop3A_111 : i32 to index
        %parallel_loop3A_828 = arith.constant 944 : index
        %parallel_loop3A_829 = tpu.vector_load %arg5[%parallel_loop3A_827, %parallel_loop3A_828] {strides = array<i32>} : memref<32x1024xf32, #tpu.memory_space<vmem>>, vector<1x16xf32>,
        %parallel_loop3A_830 = vector.shape_cast %parallel_loop3A_829 : vector<1x16xf32> to vector<16xf32>
        %parallel_loop3A_831 = vector.shape_cast %parallel_loop3A_826 : vector<16xf32> to vector<1x16xf32>
        tpu.vector_store %arg5[%parallel_loop3A_827, %parallel_loop3A_828], %parallel_loop3A_831 {strides = array<i32>} : memref<32x1024xf32, #tpu.memory_space<vmem>>, vector<1x16xf32>,
        %parallel_loop3A_832 = arith.index_cast %parallel_loop3A_111 : i32 to index
        %parallel_loop3A_833 = arith.constant 960 : index
        %parallel_loop3A_834 = tpu.vector_load %arg5[%parallel_loop3A_832, %parallel_loop3A_833] {strides = array<i32>} : memref<32x1024xf32, #tpu.memory_space<vmem>>, vector<1x16xf32>,
        %parallel_loop3A_835 = vector.shape_cast %parallel_loop3A_834 : vector<1x16xf32> to vector<16xf32>
        %parallel_loop3A_836 = arith.constant 3.125000e-02 : f32
        %parallel_loop3A_837 = vector.broadcast %parallel_loop3A_836 : f32 to vector<16xf32>
        %parallel_loop3A_838 = arith.mulf %parallel_loop3A_835, %parallel_loop3A_837 : vector<16xf32>
        %parallel_loop3A_839 = arith.index_cast %parallel_loop3A_111 : i32 to index
        %parallel_loop3A_840 = arith.constant 960 : index
        %parallel_loop3A_841 = tpu.vector_load %arg5[%parallel_loop3A_839, %parallel_loop3A_840] {strides = array<i32>} : memref<32x1024xf32, #tpu.memory_space<vmem>>, vector<1x16xf32>,
        %parallel_loop3A_842 = vector.shape_cast %parallel_loop3A_841 : vector<1x16xf32> to vector<16xf32>
        %parallel_loop3A_843 = vector.shape_cast %parallel_loop3A_838 : vector<16xf32> to vector<1x16xf32>
        tpu.vector_store %arg5[%parallel_loop3A_839, %parallel_loop3A_840], %parallel_loop3A_843 {strides = array<i32>} : memref<32x1024xf32, #tpu.memory_space<vmem>>, vector<1x16xf32>,
        %parallel_loop3A_844 = arith.index_cast %parallel_loop3A_111 : i32 to index
        %parallel_loop3A_845 = arith.constant 976 : index
        %parallel_loop3A_846 = tpu.vector_load %arg5[%parallel_loop3A_844, %parallel_loop3A_845] {strides = array<i32>} : memref<32x1024xf32, #tpu.memory_space<vmem>>, vector<1x16xf32>,
        %parallel_loop3A_847 = vector.shape_cast %parallel_loop3A_846 : vector<1x16xf32> to vector<16xf32>
        %parallel_loop3A_848 = arith.constant 3.125000e-02 : f32
        %parallel_loop3A_849 = vector.broadcast %parallel_loop3A_848 : f32 to vector<16xf32>
        %parallel_loop3A_850 = arith.mulf %parallel_loop3A_847, %parallel_loop3A_849 : vector<16xf32>
        %parallel_loop3A_851 = arith.index_cast %parallel_loop3A_111 : i32 to index
        %parallel_loop3A_852 = arith.constant 976 : index
        %parallel_loop3A_853 = tpu.vector_load %arg5[%parallel_loop3A_851, %parallel_loop3A_852] {strides = array<i32>} : memref<32x1024xf32, #tpu.memory_space<vmem>>, vector<1x16xf32>,
        %parallel_loop3A_854 = vector.shape_cast %parallel_loop3A_853 : vector<1x16xf32> to vector<16xf32>
        %parallel_loop3A_855 = vector.shape_cast %parallel_loop3A_850 : vector<16xf32> to vector<1x16xf32>
        tpu.vector_store %arg5[%parallel_loop3A_851, %parallel_loop3A_852], %parallel_loop3A_855 {strides = array<i32>} : memref<32x1024xf32, #tpu.memory_space<vmem>>, vector<1x16xf32>,
        %parallel_loop3A_856 = arith.index_cast %parallel_loop3A_111 : i32 to index
        %parallel_loop3A_857 = arith.constant 992 : index
        %parallel_loop3A_858 = tpu.vector_load %arg5[%parallel_loop3A_856, %parallel_loop3A_857] {strides = array<i32>} : memref<32x1024xf32, #tpu.memory_space<vmem>>, vector<1x16xf32>,
        %parallel_loop3A_859 = vector.shape_cast %parallel_loop3A_858 : vector<1x16xf32> to vector<16xf32>
        %parallel_loop3A_860 = arith.constant 3.125000e-02 : f32
        %parallel_loop3A_861 = vector.broadcast %parallel_loop3A_860 : f32 to vector<16xf32>
        %parallel_loop3A_862 = arith.mulf %parallel_loop3A_859, %parallel_loop3A_861 : vector<16xf32>
        %parallel_loop3A_863 = arith.index_cast %parallel_loop3A_111 : i32 to index
        %parallel_loop3A_864 = arith.constant 992 : index
        %parallel_loop3A_865 = tpu.vector_load %arg5[%parallel_loop3A_863, %parallel_loop3A_864] {strides = array<i32>} : memref<32x1024xf32, #tpu.memory_space<vmem>>, vector<1x16xf32>,
        %parallel_loop3A_866 = vector.shape_cast %parallel_loop3A_865 : vector<1x16xf32> to vector<16xf32>
        %parallel_loop3A_867 = vector.shape_cast %parallel_loop3A_862 : vector<16xf32> to vector<1x16xf32>
        tpu.vector_store %arg5[%parallel_loop3A_863, %parallel_loop3A_864], %parallel_loop3A_867 {strides = array<i32>} : memref<32x1024xf32, #tpu.memory_space<vmem>>, vector<1x16xf32>,
        %parallel_loop3A_868 = arith.index_cast %parallel_loop3A_111 : i32 to index
        %parallel_loop3A_869 = arith.constant 1008 : index
        %parallel_loop3A_870 = tpu.vector_load %arg5[%parallel_loop3A_868, %parallel_loop3A_869] {strides = array<i32>} : memref<32x1024xf32, #tpu.memory_space<vmem>>, vector<1x16xf32>,
        %parallel_loop3A_871 = vector.shape_cast %parallel_loop3A_870 : vector<1x16xf32> to vector<16xf32>
        %parallel_loop3A_872 = arith.constant 3.125000e-02 : f32
        %parallel_loop3A_873 = vector.broadcast %parallel_loop3A_872 : f32 to vector<16xf32>
        %parallel_loop3A_874 = arith.mulf %parallel_loop3A_871, %parallel_loop3A_873 : vector<16xf32>
        %parallel_loop3A_875 = arith.index_cast %parallel_loop3A_111 : i32 to index
        %parallel_loop3A_876 = arith.constant 1008 : index
        %parallel_loop3A_877 = tpu.vector_load %arg5[%parallel_loop3A_875, %parallel_loop3A_876] {strides = array<i32>} : memref<32x1024xf32, #tpu.memory_space<vmem>>, vector<1x16xf32>,
        %parallel_loop3A_878 = vector.shape_cast %parallel_loop3A_877 : vector<1x16xf32> to vector<16xf32>
        %parallel_loop3A_879 = vector.shape_cast %parallel_loop3A_874 : vector<16xf32> to vector<1x16xf32>
        tpu.vector_store %arg5[%parallel_loop3A_875, %parallel_loop3A_876], %parallel_loop3A_879 {strides = array<i32>} : memref<32x1024xf32, #tpu.memory_space<vmem>>, vector<1x16xf32>,
      } {sc.loop_unroll_factor = 1 : i64, sc.parallel_access}
      %add3A_101 = arith.constant 1 : i32
      %add3A_102 = arith.addi %mul3A_55, %add3A_101 : i32
      %mul3A_103 = arith.constant 32 : i32
      %mul3A_104 = arith.muli %add3A_102, %mul3A_103 : i32
      %add3A_105 = arith.addi %mul3A_2, %mul3A_104 : i32
      %dma_start3A_106 = arith.constant 0 : i32
      %dma_start3A_107 = tpu.memref_slice %arg3[%add3A_105, %dma_start3A_106] : memref<8192x1024xf32, #tpu.memory_space<hbm>> -> memref<32x1024xf32, #tpu.memory_space<hbm>>
      %dma_start3A_108 = arith.constant 0 : i32
      %dma_start3A_109 = tpu.memref_slice %arg3[%add3A_105, %dma_start3A_108] : memref<8192x1024xf32, #tpu.memory_space<hbm>> -> memref<32x1024xf32, #tpu.memory_space<hbm>>
      tpu.enqueue_dma source(%arg5 : memref<32x1024xf32, #tpu.memory_space<vmem>>) target(%dma_start3A_109 : memref<32x1024xf32, #tpu.memory_space<hbm>>) target_semaphore(%arg9 : memref<!tpu.dma_semaphore, #tpu.memory_space<semaphore_mem>>)
      %scan3A_110 = arith.constant 0 : i32
      scf.yield %scan3A_110 : i32
    }
    %scan3A_43 = arith.constant 3 : i32
    %dma_wait3A_44 = arith.constant 0 : i32
    %dma_wait3A_45 = tpu.memref_slice %arg3[%mul3A_2, %dma_wait3A_44] : memref<8192x1024xf32, #tpu.memory_space<hbm>> -> memref<32x1024xf32, #tpu.memory_space<hbm>>
    %dma_wait3A_46 = arith.constant 0 : i32
    %dma_wait3A_47 = tpu.memref_slice %arg3[%mul3A_2, %dma_wait3A_46] : memref<8192x1024xf32, #tpu.memory_space<hbm>> -> memref<32x1024xf32, #tpu.memory_space<hbm>>
    tpu.wait_dma2 semaphore(%arg8 : memref<!tpu.dma_semaphore, #tpu.memory_space<semaphore_mem>>) src(%arg4 : memref<32x1024xf32, #tpu.memory_space<vmem>>) dst(%dma_wait3A_47 : memref<32x1024xf32, #tpu.memory_space<hbm>>)
    %dma_wait3A_48 = arith.constant 0 : i32
    %dma_wait3A_49 = tpu.memref_slice %arg3[%mul3A_2, %dma_wait3A_48] : memref<8192x1024xf32, #tpu.memory_space<hbm>> -> memref<32x1024xf32, #tpu.memory_space<hbm>>
    %dma_wait3A_50 = arith.constant 0 : i32
    %dma_wait3A_51 = tpu.memref_slice %arg3[%mul3A_2, %dma_wait3A_50] : memref<8192x1024xf32, #tpu.memory_space<hbm>> -> memref<32x1024xf32, #tpu.memory_space<hbm>>
    tpu.wait_dma2 semaphore(%arg9 : memref<!tpu.dma_semaphore, #tpu.memory_space<semaphore_mem>>) src(%arg5 : memref<32x1024xf32, #tpu.memory_space<vmem>>) dst(%dma_wait3A_51 : memref<32x1024xf32, #tpu.memory_space<hbm>>)
    return
  }
}

</mosaic_0001>

<sc_bundles>
// kernel: kernel.3.cloned.1.call-start
scs
__scs_entry_jumppad:
0x0: {  	(pc) =	sbr.rel $0x88, $3  }
0x1: {  	(tag) =	ssettag $0x0;
	lr =	simm.s32 $0x1  }
0x2: {  	[smem:$0x3FA0] =	sst lr;
	_ =	strace $0xD0000000  }
0x3: {  	_ = 	snop  }
0x4: {  	_ = 	snop  }
0x5: {  	_ = 	snop  }
0x6: {  	_ = 	snop  }
0x7: {  	_ = 	snop  }
__scs_overlays_trampoline_lowered:
0x8: {  	[smem:$0x3FAF] =	sst s0  }
0x9: {  	[smem:$0x3FB0] =	sst s1  }
0xa: {  	[smem:$0x3FB1] =	sst s2  }
0xb: {  	[smem:$0x3FB2] =	sst s3  }
0xc: {  	[smem:$0x3FB3] =	sst s4  }
0xd: {  	[smem:$0x3FB4] =	sst s5  }
0xe: {  	[smem:$0x3FB5] =	sst s6  }
0xf: {  	[smem:$0x3FB6] =	sst s7  }
0x10: {  	[smem:$0x3FB7] =	sst s8  }
0x11: {  	[smem:$0x3FB8] =	sst s9;
	s0 =	simm.s32 @!p0 $0x0  }
0x12: {  	s1 =	sld [smem:$0x3F9E];
	s0 =	simm.s32 @p0 $0x1  }
0x13: {  	[smem:$0x3FB9] =	sst s0;
	s0 =	simm.s32 @!p1 $0x0  }
0x14: {  	s2 =	sld [smem:$0x3F9D];
	s0 =	simm.s32 @p1 $0x1  }
0x15: {  	[smem:$0x3FBA] =	sst s0;
	s0 =	simm.s32 @!p2 $0x0  }
0x16: {  	s3 =	sld [smem:$0x3FDB];
	s0 =	simm.s32 @p2 $0x1  }
0x17: {  	s4 =	simm.s32 $0x1BF5;
	[smem:$0x3FBC] =	sst s0  }
0x18: {  	s0 =	sld [smem:$0x3F9F];
	_ =	swait.ge [sflag:s4], $0x0  }
0x19: {  	s7 =	sld [smem:$0x3FA0]  }
0x1a: {  	s8 =	sadd.s32 $0xFFFFE003, lr  }
0x1b: {  	s9 =	sadd.s32 $0xFFFFFEF7, lr;
	s5 =	simm.s32 $0xFFFFFFFF;
	p2 =	slt.u32 s8, $0xFFFFF086  }
0x1c: {  	p1 =	slt.u32 s9, $0xF7A;
	s5 =	simm.s32 @!p2 $0x0  }
0x1d: {  	s5 =	simm.s32 @p1 $0x1;
	p0 =	seq.s32 s7, s2  }
0x1e: {  	s7 =	smul.u32 @!p0 $0xF7A, s2;
	p2 =	seq.s32 @!p0 s5, $0x0  }
0x1f: {  	s9 =	smul.u32 $0xF7A, s1;
	s8 =	simm.s32 @!p0 $0x1BF5;
	p2 =	por !p2, p0  }
0x20: {  	[sflag:s8] =	ssyncset.s32 @!p0 $0xFFFFF086;
	s6 =	sadd.s32 @!p0 s3, s7;
	s7 =	simm.s32 @!p0 $0x108  }
0x21: {  	s3 =	sadd.s32 s3, s9;
	s6 =	sadd.s32 @!p0 $0x88, s6;
	s7 =	simm.s32 @p2 $0x1082  }
0x22: {  	[simem:s7], [sflag:s8] =	dma.local @!p0 [hbm:s6], $0xF7A  }
0x23: {  	s9 =	sor.u32 $0xD0000000, s2;
	s6 =	simm.s32 $0x108;
	_ =	swait.ge @!p0 [sflag:s8], $0x0  }
0x24: {  	s3 =	sadd.s32 $0x88, s3;
	s6 =	simm.s32 @!p1 $0x1082;
	[sflag:s4] =	ssyncset.s32 $0xFFFFF086  }
0x25: {  	[simem:s6], [sflag:s4] =	dma.local [hbm:s3], $0xF7A  }
0x26: {  	[smem:$0x3FA0] =	sst s1;
	(tag) =	ssettag s2;
	_ =	strace s9  }
0x27: {  	s1 =	sld [smem:$0x3FB0]  }
0x28: {  	s2 =	sld [smem:$0x3FB1]  }
0x29: {  	s4 =	sld [smem:$0x3FB3]  }
0x2a: {  	p0 =	seq.s32 s5, $0x0;
	s5 =	sld [smem:$0x3FB4]  }
0x2b: {  	s6 =	sld [smem:$0x3FB5]  }
0x2c: {  	s7 =	sld [smem:$0x3FB6]  }
0x2d: {  	s3 =	simm.s32 $0x108;
	s8 =	sld [smem:$0x3FB7]  }
0x2e: {  	s3 =	simm.s32 @!p0 $0x1082;
	s9 =	sld [smem:$0x3FB8]  }
0x2f: {  	lr =	sadd.s32 s0, s3;
	s0 =	sld [smem:$0x3FAF]  }
0x30: {  	s3 =	sld [smem:$0x3FB2]  }
0x31: {  	[smem:$0x3FBB] =	sst s10  }
0x32: {  	s10 =	sld [smem:$0x3FB9];
	_ =	sdelay $0x3  }
0x33: {  	p0 =	seq.s32 s10, $0x1;
	s10 =	sld [smem:$0x3FBB];
	_ =	sdelay $0x3  }
0x34: {  	[smem:$0x3FBB] =	sst s10  }
0x35: {  	s10 =	sld [smem:$0x3FBA];
	_ =	sdelay $0x3  }
0x36: {  	p1 =	seq.s32 s10, $0x1;
	s10 =	sld [smem:$0x3FBB];
	_ =	sdelay $0x3  }
0x37: {  	[smem:$0x3FBB] =	sst s10  }
0x38: {  	s10 =	sld [smem:$0x3FBC]  }
0x39: {  	_ = 	snop;
	(pc) =	sbr.ind lr, $3  }
0x3a: {  	_ = 	snop  }
0x3b: {  	_ = 	snop  }
0x3c: {  	p2 =	seq.s32 s10, $0x1;
	s10 =	sld [smem:$0x3FBB]  }
0x3d: {  	_ =	shalt  }
0x3e: {  	_ =	shalt  }
0x3f: {  	_ =	shalt  }
0x40: {  	_ =	shalt  }
0x41: {  	_ =	shalt  }
0x42: {  	_ =	shalt  }
0x43: {  	_ =	shalt  }
0x44: {  	_ =	shalt  }
0x45: {  	_ =	shalt  }
0x46: {  	_ =	shalt  }
0x47: {  	_ =	shalt  }
0x48: {  	_ =	shalt  }
0x49: {  	_ =	shalt  }
0x4a: {  	_ =	shalt  }
0x4b: {  	_ =	shalt  }
0x4c: {  	_ =	shalt  }
0x4d: {  	_ =	shalt  }
0x4e: {  	_ =	shalt  }
0x4f: {  	_ =	shalt  }
0x50: {  	_ =	shalt  }
0x51: {  	_ =	shalt  }
0x52: {  	_ =	shalt  }
0x53: {  	_ =	shalt  }
0x54: {  	_ =	shalt  }
0x55: {  	_ =	shalt  }
0x56: {  	_ =	shalt  }
0x57: {  	_ =	shalt  }
0x58: {  	_ =	shalt  }
0x59: {  	_ =	shalt  }
0x5a: {  	_ =	shalt  }
0x5b: {  	_ =	shalt  }
0x5c: {  	_ =	shalt  }
0x5d: {  	_ =	shalt  }
0x5e: {  	_ =	shalt  }
0x5f: {  	_ =	shalt  }
0x60: {  	_ =	shalt  }
0x61: {  	_ =	shalt  }
0x62: {  	_ =	shalt  }
0x63: {  	_ =	shalt  }
0x64: {  	_ =	shalt  }
0x65: {  	_ =	shalt  }
0x66: {  	_ =	shalt  }
0x67: {  	_ =	shalt  }
0x68: {  	_ =	shalt  }
0x69: {  	_ =	shalt  }
0x6a: {  	_ =	shalt  }
0x6b: {  	_ =	shalt  }
0x6c: {  	_ =	shalt  }
0x6d: {  	_ =	shalt  }
0x6e: {  	_ =	shalt  }
0x6f: {  	_ =	shalt  }
0x70: {  	_ =	shalt  }
0x71: {  	_ =	shalt  }
0x72: {  	_ =	shalt  }
0x73: {  	_ =	shalt  }
0x74: {  	_ =	shalt  }
0x75: {  	_ =	shalt  }
0x76: {  	_ =	shalt  }
0x77: {  	_ =	shalt  }
0x78: {  	_ =	shalt  }
0x79: {  	_ =	shalt  }
0x7a: {  	_ =	shalt  }
0x7b: {  	_ =	shalt  }
0x7c: {  	_ =	shalt  }
0x7d: {  	_ =	shalt  }
0x7e: {  	_ =	shalt  }
0x7f: {  	_ =	shalt  }
0x80: {  	_ =	shalt  }
0x81: {  	_ =	shalt  }
0x82: {  	_ =	shalt  }
0x83: {  	_ =	shalt  }
0x84: {  	_ =	shalt  }
0x85: {  	_ =	shalt  }
0x86: {  	_ =	shalt  }
0x87: {  	_ =	shalt  }
.Lfunc_end0:
.L_simem_size_0:
called_computation_lowered:
.L_overlay_start_0:
0x88: {  	s2 =	sld [smem:$0x3FD9]  }
0x89: {  	s3 =	sld [smem:$0x3FFE];
	_ =	sdelay $0x1  }
0x8a: {  	s1 =	srdreg.scid  }
0x8b: {  	s0 =	sand.u32 $0x1, s1  }
0x8c: {  	s18 =	sshll.u32 s0, $0xA;
	s2 =	sadd.s32 s3, s2  }
0x8d: {  	s2 =	sadd.s32 s2, s18  }
0x8e: {  	[smem:$0x3FC7] =	sst s2  }
0x8f: {  	_ = 	snop  }
0x90: {  	s2 =	sld [smem:$0x3FC9]  }
0x91: {  	s19 =	sld [smem:$0x3FD0];
	(tm) =	ssettm $0x1  }
0x92: {  	s4 =	sld [smem:$0x3FFB];
	_ =	sdelay $0x3  }
0x93: {  	_ =	strace s4  }
0x94: {  	s4 =	sld [smem:$0x3FFC];
	_ =	sdelay $0x3  }
0x95: {  	_ =	strace s4  }
0x96: {  	s4 =	sld [smem:$0x3FFD];
	_ =	sdelay $0x3  }
0x97: {  	_ =	strace s4  }
0x98: {  	_ =	strace $0x8FFFFFFF  }
0x99: {  	s20 =	sld [smem:$0x3FDB];
	_ =	sdelay $0x1  }
0x9a: {  	s5 =	simm.s32 $_scs_section_size  }
0x9b: {  	s6 =	simm.s32 $_size__tile_overlayer_lowered;
	s7 =	simm.s32 $_tile_overlayer_lowered  }
0x9c: {  	s23 =	simm.s32 $0x1BFF;
	s22 =	sshll.u32 s7, $0x1;
	s4 =	sadd.s32 s5, s20  }
0x9d: {  	s8 =	simm.s32 $0x0;
	s21 =	sshll.u32 s6, $0x1;
	s6 =	sadd.s32 s22, s4  }
0x9e: {  	[timem:s8], [sflag:s23] =	dma.local [hbm:s6], s21  }
0x9f: {  	_ =	swait.ge [sflag:s23], s21  }
0xa0: {  	s5 =	ssub.s32 $0x0, s21;
	[sflag:s23] =	ssyncset.done $0x0  }
0xa1: {  	[sflag:s23] =	ssyncadd.s32 s5;
	_ =	sdelay $0x1  }
0xa2: {  	s24 =	simm.s32 $0x1B8B  }
0xa3: {  	_ =	swait.ge [sflag:s24], $0x1  }
0xa4: {  	[sflag:s24] =	ssyncset.done $0x0  }
0xa5: {  	s25 =	simm.s32 $0x1B8E;
	[sflag:s24] =	ssyncadd.s32 $0xFFFFFFFF  }
0xa6: {  	s26 =	simm.s32 $execute0_lowered;
	[smem:$0x3FD2] =	sst s25  }
0xa7: {  	s5 =	sshll.u32 s26, $0x1;
	_ =	strace $0x80000046;
	[dreg:$0x1] =	wrdreg $0xFFFFFFFF  }
0xa8: {  	s28 =	simm.s32 $_size_execute0_lowered;
	s4 =	sadd.s32 s4, s5;
	[dreg:$0x0] =	wrdreg $0x0  }
0xa9: {  	s5 =	sshll.u32 s28, $0x1;
	[dreg:$0x2] =	wrdreg s4  }
0xaa: {  	[dreg:$0x3] =	wrdreg s5  }
0xab: {  	[dreg:$0x4] =	wrdreg $0xC0  }
0xac: {  	_ =	task [dreg:s8], $0x5FFFF  }
0xad: {  	[dreg:$0x1] =	wrdreg $0xFFFFFFFF  }
0xae: {  	[dreg:$0x0] =	wrdreg $0x60  }
0xaf: {  	[dreg:$0x2] =	wrdreg s2  }
0xb0: {  	[dreg:$0x3] =	wrdreg s19  }
0xb1: {  	[dreg:$0x4] =	wrdreg $0x9  }
0xb2: {  	_ =	task.clear_ibuf [dreg:s8], $0x5FFFF;
	_ =	strace $0x90000046  }
0xb3: {  	s29 =	simm.s32 $0x9;
	_ =	strace $0x80000048  }
0xb4: {  	_ =	swait.ge [sflag:s29], $0x1  }
0xb5: {  	[sflag:s29] =	ssyncadd.s32 $0xFFFFFFFF  }
0xb6: {  	_ =	strace $0x90000048  }
0xb7: {  	_ =	sfence  }
0xb8: {  	s30 =	sld [smem:$0x0];
	_ =	sdelay $0x2  }
0xb9: {  	s31 =	sshll.u32 s1, $0xD;
	s1 =	sshrl.u32 s1, $0x2  }
0xba: {  	s3 =	sand.u32 $0x4000, s31;
	s1 =	sadd.s32 s1, s30  }
0xbb: {  	s0 =	sor.u32 s3, s0;
	s1 =	sshll.u32 s1, $0x11  }
0xbc: {  	s0 =	sor.u32 s1, s0  }
0xbd: {  	s0 =	sadd.s32 $0x8F2B, s0  }
0xbe: {  	[sflag:s0] =	ssyncadd.remote.s32 $0x1  }
0xbf: {  	_ =	sfence.sel $0xFFFF  }
0xc0: {  	[dreg:$0x0] =	wrdreg $0xFFFFFFFF;
	(pc) =	sbr.abs _section_cstart, $3  }
0xc1: {  	[dreg:$0x1] =	wrdreg $0xFFFFFFFF  }
0xc2: {  	_ =	task.clear_ibuf [dreg:s8], $0x2FFFF;
	_ =	strace $0x9FFFFFFF  }
0xc3: {  	(tm) =	ssettm $0x7FFFFFFF  }
tec
execute0_lowered:
.L_overlay_start_1:
0x0: {  	(tag) =	ssettag $0x1  }
0x1: {  	s2 =	rddreg [dreg:$0x0]  }
0x2: {  	s3 =	rddreg [dreg:$0x1];
	s4 =	srdreg.scid  }
0x3: {  	s0 =	rddreg [dreg:$0x2];
	s1 =	stileid.u32;
	s12 =	simm.s32 $0x8000  }
0x4: {  	s13 =	simm.s32 $0x1;
	s14 =	simm.s32 $0x2;
	s15 =	simm.s32 $0x3  }
0x5: {  	s16 =	simm.s32 $0x4;
	s17 =	simm.s32 $0x0;
	s5 =	sand.u32 $0x1, s4  }
0x6: {  	s4 =	simm.s32 $0x0;
	s6 =	sshll.u32 s1, $0x10;
	s7 =	sshll.u32 s5, $0xF  }
0x7: {  	[smem:$0x7FF] =	sst s4;
	s8 =	ssub.s32 $0x2, s5;
	s5 =	sor.u32 s7, s6  }
0x8: {  	_ =	strace $0x80000047;
	s31 =	sshrl.u32 s8, $0x1;
	s6 =	sor.u32 $0x1000, s5  }
0x9: {  	s11 =	ssub.s32 s8, s31;
	s7 =	sadd.s32 s2, s5;
	s9 =	sadd.s32 s3, s5  }
0xa: {  	s8 =	sadd.s32 s2, s6;
	s10 =	sadd.s32 s3, s6;
	s11 =	smax.u32 s11, $0x1  }
.LBB2_1:
0xb: {  	[tilespmem:s4], [sflag:$0x1] =	stream.linear.gather [hbm4b:s7+s4], $0x8000, $0x38;
	[tilespmem:$0x10000] =	vst v63  }
0xc: {  	_ = 	snop  }
0xd: {  	[tilespmem:s12], [sflag:$0x2] =	stream.linear.gather [hbm4b:s8+s4], $0x8000, $0x38;
	[tilespmem:$0x10000] =	vst v63  }
0xe: {  	s18 =	simm.s32 $0x0;
	_ =	swait.ge [sflag:s13], $0x8000  }
0xf: {  	s19 =	sand.u32 $0x380, s4;
	s18 =	sand.u32 $0x6000, s18;
	[sflag:s13] =	ssyncset.done $0x0  }
0x10: {  	s20 =	sor.u32 s19, s18;
	[sflag:s13] =	ssyncadd.s32 $0xFFFF8000  }
0x11: {  	v0 =	vld [tilespmem:s20+$0x0]  }
0x12: {  	v1 =	vld [tilespmem:s20+$0x10]  }
0x13: {  	v2 =	vld [tilespmem:s20+$0x20]  }
0x14: {  	v3 =	vld [tilespmem:s20+$0x30]  }
0x15: {  	v4 =	vld [tilespmem:s20+$0x50]  }
0x16: {  	v5 =	vld [tilespmem:s20+$0x60]  }
0x17: {  	v6 =	vld [tilespmem:s20+$0x70];
	v0 =	vmul.f32 $3.125000000e-02, v0  }
0x18: {  	v7 =	vld [tilespmem:s20+$0x400];
	v1 =	vmul.f32 $3.125000000e-02, v1  }
0x19: {  	s23 =	simm.s32 $0x80;
	s24 =	simm.s32 $0x400;
	v8 =	vld [tilespmem:s20+$0x410];
	[tilespmem:s20+$0x0] =	vst v0;
	v0 =	vmul.f32 $3.125000000e-02, v2  }
0x1a: {  	s19 =	sand.u32 $0x6000, s24;
	s18 =	sand.u32 $0x380, s23;
	v9 =	vld [tilespmem:s20+$0x420];
	[tilespmem:s20+$0x10] =	vst v1;
	v1 =	vmul.f32 $3.125000000e-02, v3  }
0x1b: {  	s18 =	sor.u32 s18, s19;
	v10 =	vld [tilespmem:s20+$0x430];
	[tilespmem:s20+$0x20] =	vst v0;
	v0 =	vmul.f32 $3.125000000e-02, v4  }
0x1c: {  	v59 =	vld [tilespmem:s18+$0x60];
	[tilespmem:s20+$0x30] =	vst v1;
	v1 =	vmul.f32 $3.125000000e-02, v5  }
0x1d: {  	v51 =	vld [tilespmem:s20+$0x850];
	[tilespmem:s20+$0x50] =	vst v0;
	v0 =	vmul.f32 $3.125000000e-02, v6  }
0x1e: {  	v2 =	vld [tilespmem:s20+$0x450];
	[tilespmem:s20+$0x60] =	vst v1;
	v1 =	vmul.f32 $3.125000000e-02, v7  }
0x1f: {  	v60 =	vld [tilespmem:s18+$0x70];
	[tilespmem:s20+$0x70] =	vst v0;
	v0 =	vmul.f32 $3.125000000e-02, v8  }
0x20: {  	v3 =	vld [tilespmem:s20+$0x460];
	[tilespmem:s20+$0x400] =	vst v1;
	v1 =	vmul.f32 $3.125000000e-02, v9  }
0x21: {  	v4 =	vld [tilespmem:s20+$0x470];
	v9 =	vmul.f32 $3.125000000e-02, v59;
	[tilespmem:s20+$0x410] =	vst v0  }
0x22: {  	v5 =	vld [tilespmem:s20+$0x800];
	v0 =	vmul.f32 $3.125000000e-02, v10;
	[tilespmem:s20+$0x420] =	vst v1  }
0x23: {  	v6 =	vld [tilespmem:s20+$0x810];
	v1 =	vmul.f32 $3.125000000e-02, v2;
	[tilespmem:s18+$0x60] =	vst v9  }
0x24: {  	v7 =	vld [tilespmem:s20+$0x820];
	v10 =	vmul.f32 $3.125000000e-02, v60;
	[tilespmem:s20+$0x430] =	vst v0  }
0x25: {  	v8 =	vld [tilespmem:s20+$0x830];
	v0 =	vmul.f32 $3.125000000e-02, v3;
	[tilespmem:s20+$0x450] =	vst v1  }
0x26: {  	v52 =	vld [tilespmem:s20+$0x860];
	v1 =	vmul.f32 $3.125000000e-02, v4;
	[tilespmem:s18+$0x70] =	vst v10  }
0x27: {  	v53 =	vld [tilespmem:s20+$0xC70];
	[tilespmem:s20+$0x460] =	vst v0;
	v0 =	vmul.f32 $3.125000000e-02, v5  }
0x28: {  	v2 =	vld [tilespmem:s20+$0x870];
	[tilespmem:s20+$0x470] =	vst v1;
	v1 =	vmul.f32 $3.125000000e-02, v6  }
0x29: {  	v3 =	vld [tilespmem:s20+$0xC00];
	[tilespmem:s20+$0x800] =	vst v0;
	v0 =	vmul.f32 $3.125000000e-02, v7  }
0x2a: {  	v4 =	vld [tilespmem:s20+$0xC10];
	[tilespmem:s20+$0x810] =	vst v1;
	v1 =	vmul.f32 $3.125000000e-02, v8  }
0x2b: {  	v5 =	vld [tilespmem:s20+$0xC20];
	[tilespmem:s20+$0x820] =	vst v0;
	v0 =	vmul.f32 $3.125000000e-02, v51  }
0x2c: {  	v6 =	vld [tilespmem:s20+$0xC30];
	[tilespmem:s20+$0x830] =	vst v1;
	v1 =	vmul.f32 $3.125000000e-02, v52  }
0x2d: {  	v7 =	vld [tilespmem:s20+$0xC50];
	[tilespmem:s20+$0x850] =	vst v0;
	v0 =	vmul.f32 $3.125000000e-02, v2  }
0x2e: {  	v8 =	vld [tilespmem:s20+$0xC60];
	[tilespmem:s20+$0x860] =	vst v1;
	v1 =	vmul.f32 $3.125000000e-02, v3  }
0x2f: {  	v54 =	vld [tilespmem:s20+$0x1000];
	[tilespmem:s20+$0x870] =	vst v0;
	v0 =	vmul.f32 $3.125000000e-02, v4  }
0x30: {  	v55 =	vld [tilespmem:s20+$0x1410];
	[tilespmem:s20+$0xC00] =	vst v1;
	v1 =	vmul.f32 $3.125000000e-02, v5  }
0x31: {  	v2 =	vld [tilespmem:s20+$0x1010];
	[tilespmem:s20+$0xC10] =	vst v0;
	v0 =	vmul.f32 $3.125000000e-02, v6  }
0x32: {  	v3 =	vld [tilespmem:s20+$0x1020];
	[tilespmem:s20+$0xC20] =	vst v1;
	v1 =	vmul.f32 $3.125000000e-02, v7  }
0x33: {  	v4 =	vld [tilespmem:s20+$0x1030];
	[tilespmem:s20+$0xC30] =	vst v0;
	v0 =	vmul.f32 $3.125000000e-02, v8  }
0x34: {  	v5 =	vld [tilespmem:s20+$0x1050];
	[tilespmem:s20+$0xC50] =	vst v1;
	v1 =	vmul.f32 $3.125000000e-02, v53  }
0x35: {  	v6 =	vld [tilespmem:s20+$0x1060];
	[tilespmem:s20+$0xC60] =	vst v0;
	v0 =	vmul.f32 $3.125000000e-02, v54  }
0x36: {  	v7 =	vld [tilespmem:s20+$0x1070];
	[tilespmem:s20+$0xC70] =	vst v1;
	v1 =	vmul.f32 $3.125000000e-02, v2  }
0x37: {  	v8 =	vld [tilespmem:s20+$0x1400];
	[tilespmem:s20+$0x1000] =	vst v0;
	v0 =	vmul.f32 $3.125000000e-02, v3  }
0x38: {  	v56 =	vld [tilespmem:s20+$0x1420];
	[tilespmem:s20+$0x1010] =	vst v1;
	v1 =	vmul.f32 $3.125000000e-02, v4  }
0x39: {  	v57 =	vld [tilespmem:s18+$0x0];
	[tilespmem:s20+$0x1020] =	vst v0;
	v0 =	vmul.f32 $3.125000000e-02, v5  }
0x3a: {  	v5 =	vld [tilespmem:s20+$0x1470];
	[tilespmem:s20+$0x1030] =	vst v1;
	v1 =	vmul.f32 $3.125000000e-02, v6  }
0x3b: {  	v2 =	vld [tilespmem:s20+$0x1430];
	[tilespmem:s20+$0x1050] =	vst v0;
	v0 =	vmul.f32 $3.125000000e-02, v7  }
0x3c: {  	v3 =	vld [tilespmem:s20+$0x1450];
	[tilespmem:s20+$0x1060] =	vst v1;
	v1 =	vmul.f32 $3.125000000e-02, v8  }
0x3d: {  	v6 =	vld [tilespmem:s20+$0x1800];
	[tilespmem:s20+$0x1070] =	vst v0;
	v0 =	vmul.f32 $3.125000000e-02, v55  }
0x3e: {  	v7 =	vld [tilespmem:s20+$0x1810];
	[tilespmem:s20+$0x1400] =	vst v1;
	v1 =	vmul.f32 $3.125000000e-02, v56  }
0x3f: {  	v8 =	vld [tilespmem:s20+$0x1820];
	v5 =	vmul.f32 $3.125000000e-02, v5;
	[tilespmem:s20+$0x1410] =	vst v0  }
0x40: {  	v4 =	vld [tilespmem:s20+$0x1460];
	v0 =	vmul.f32 $3.125000000e-02, v2;
	[tilespmem:s20+$0x1420] =	vst v1  }
0x41: {  	v58 =	vld [tilespmem:s18+$0x10];
	v1 =	vmul.f32 $3.125000000e-02, v3;
	[tilespmem:s20+$0x1470] =	vst v5  }
0x42: {  	v61 =	vld [tilespmem:s20+$0x440];
	v5 =	vmul.f32 $3.125000000e-02, v6;
	[tilespmem:s20+$0x1430] =	vst v0  }
0x43: {  	v2 =	vld [tilespmem:s18+$0x20];
	v7 =	vmul.f32 $3.125000000e-02, v7;
	[tilespmem:s20+$0x1450] =	vst v1  }
0x44: {  	v3 =	vld [tilespmem:s18+$0x30];
	v8 =	vmul.f32 $3.125000000e-02, v8;
	[tilespmem:s20+$0x1800] =	vst v5  }
0x45: {  	v0 =	vmul.f32 $3.125000000e-02, v4;
	v4 =	vld [tilespmem:s18+$0x50];
	[tilespmem:s20+$0x1810] =	vst v7  }
0x46: {  	v1 =	vmul.f32 $3.125000000e-02, v57;
	v7 =	vld [tilespmem:s18+$0x420];
	[tilespmem:s20+$0x1820] =	vst v8  }
0x47: {  	v8 =	vld [tilespmem:s18+$0x430];
	[tilespmem:s20+$0x1460] =	vst v0;
	v0 =	vmul.f32 $3.125000000e-02, v58  }
0x48: {  	[tilespmem:s18+$0x0] =	vst v1;
	v1 =	vld [tilespmem:s20+$0x1830];
	v2 =	vmul.f32 $3.125000000e-02, v2  }
0x49: {  	v3 =	vmul.f32 $3.125000000e-02, v3;
	[tilespmem:s18+$0x10] =	vst v0;
	v0 =	vld [tilespmem:s20+$0x1850]  }
0x4a: {  	[tilespmem:s18+$0x20] =	vst v2;
	v2 =	vld [tilespmem:s20+$0x1860];
	v4 =	vmul.f32 $3.125000000e-02, v4  }
0x4b: {  	[tilespmem:s18+$0x30] =	vst v3;
	v3 =	vld [tilespmem:s20+$0x1870];
	v7 =	vmul.f32 $3.125000000e-02, v7  }
0x4c: {  	v6 =	vld [tilespmem:s18+$0x400];
	v8 =	vmul.f32 $3.125000000e-02, v8;
	[tilespmem:s18+$0x50] =	vst v4  }
0x4d: {  	v5 =	vld [tilespmem:s18+$0x410];
	v1 =	vmul.f32 $3.125000000e-02, v1;
	[tilespmem:s18+$0x420] =	vst v7  }
0x4e: {  	v4 =	vld [tilespmem:s20+$0x40];
	[tilespmem:s18+$0x430] =	vst v8;
	v0 =	vmul.f32 $3.125000000e-02, v0  }
0x4f: {  	[tilespmem:s20+$0x1830] =	vst v1;
	v1 =	vld [tilespmem:s18+$0x450];
	v2 =	vmul.f32 $3.125000000e-02, v2  }
0x50: {  	v62 =	vld [tilespmem:s20+$0x840];
	v3 =	vmul.f32 $3.125000000e-02, v3;
	[tilespmem:s20+$0x1850] =	vst v0  }
0x51: {  	v0 =	vmul.f32 $3.125000000e-02, v6;
	v6 =	vld [tilespmem:s18+$0x460];
	[tilespmem:s20+$0x1860] =	vst v2  }
0x52: {  	v7 =	vld [tilespmem:s20+$0x1440];
	v2 =	vmul.f32 $3.125000000e-02, v5;
	[tilespmem:s20+$0x1870] =	vst v3  }
0x53: {  	s25 =	sand.u32 $0x7, s4;
	v5 =	vld [tilespmem:s18+$0x470];
	v4 =	vmul.f32 $3.125000000e-02, v4;
	[tilespmem:s18+$0x400] =	vst v0  }
0x54: {  	s19 =	sshll.u32 s25, $0x7;
	v0 =	vld [tilespmem:s20+$0xC40];
	[tilespmem:s18+$0x410] =	vst v2;
	v1 =	vmul.f32 $3.125000000e-02, v1  }
0x55: {  	s19 =	sadd.s32 $0x0, s19;
	v9 =	vmul.f32 $3.125000000e-02, v61;
	v2 =	vld [tilespmem:s20+$0x1040];
	[tilespmem:s20+$0x40] =	vst v4  }
0x56: {  	s21 =	sor.u32 $0x1C00, s19;
	v4 =	vld [tilespmem:s18+$0x810];
	[tilespmem:s18+$0x450] =	vst v1;
	v1 =	vmul.f32 $3.125000000e-02, v6  }
0x57: {  	v10 =	vmul.f32 $3.125000000e-02, v62;
	v8 =	vld [tilespmem:s21+$0x0];
	[tilespmem:s20+$0x440] =	vst v9  }
0x58: {  	v5 =	vmul.f32 $3.125000000e-02, v5;
	[tilespmem:s18+$0x460] =	vst v1;
	v1 =	vld [tilespmem:s20+$0x1840]  }
0x59: {  	[tilespmem:s20+$0x840] =	vst v10;
	v0 =	vmul.f32 $3.125000000e-02, v0  }
0x5a: {  	v2 =	vmul.f32 $3.125000000e-02, v2;
	[tilespmem:s18+$0x470] =	vst v5  }
0x5b: {  	v5 =	vmul.f32 $3.125000000e-02, v7;
	[tilespmem:s20+$0xC40] =	vst v0  }
0x5c: {  	v4 =	vmul.f32 $3.125000000e-02, v4;
	[tilespmem:s20+$0x1040] =	vst v2  }
0x5d: {  	[tilespmem:s20+$0x1440] =	vst v5;
	v1 =	vmul.f32 $3.125000000e-02, v1  }
0x5e: {  	v3 =	vld [tilespmem:s18+$0x800];
	[tilespmem:s18+$0x810] =	vst v4;
	v4 =	vmul.f32 $3.125000000e-02, v8  }
0x5f: {  	[tilespmem:s20+$0x1840] =	vst v1  }
0x60: {  	s26 =	sor.u32 $0x1C10, s19;
	v0 =	vld [tilespmem:s18+$0x850];
	[tilespmem:s21+$0x0] =	vst v4  }
0x61: {  	v4 =	vld [tilespmem:s26+$0x0]  }
0x62: {  	v1 =	vld [tilespmem:s18+$0xC00]  }
0x63: {  	v2 =	vmul.f32 $3.125000000e-02, v3;
	v3 =	vld [tilespmem:s18+$0x860];
	_ =	sdelay $0x1  }
0x64: {  	v0 =	vmul.f32 $3.125000000e-02, v0  }
0x65: {  	v4 =	vmul.f32 $3.125000000e-02, v4  }
0x66: {  	[tilespmem:s18+$0x850] =	vst v0;
	v0 =	vld [tilespmem:s18+$0xC30];
	v1 =	vmul.f32 $3.125000000e-02, v1  }
0x67: {  	s28 =	sor.u32 $0x1C20, s19;
	v63 =	vld [tilespmem:s18+$0x820];
	v3 =	vmul.f32 $3.125000000e-02, v3;
	[tilespmem:s26+$0x0] =	vst v4  }
0x68: {  	[tilespmem:s18+$0xC00] =	vst v1;
	v1 =	vld [tilespmem:s28+$0x0]  }
0x69: {  	[tilespmem:s18+$0x860] =	vst v3;
	v3 =	vld [tilespmem:s18+$0xC50];
	_ =	sdelay $0x1  }
0x6a: {  	v0 =	vmul.f32 $3.125000000e-02, v0  }
0x6b: {  	[tilespmem:s18+$0x800] =	vst v2;
	v2 =	vmul.f32 $3.125000000e-02, v63  }
0x6c: {  	v6 =	vld [tilespmem:s18+$0x830];
	[tilespmem:s18+$0xC30] =	vst v0;
	v0 =	vmul.f32 $3.125000000e-02, v1  }
0x6d: {  	v5 =	vld [tilespmem:s18+$0x870];
	[tilespmem:s18+$0x820] =	vst v2;
	v3 =	vmul.f32 $3.125000000e-02, v3  }
0x6e: {  	s29 =	sor.u32 $0x1C30, s19;
	v2 =	vld [tilespmem:s18+$0xC10];
	[tilespmem:s28+$0x0] =	vst v0  }
0x6f: {  	[tilespmem:s18+$0xC50] =	vst v3;
	v3 =	vld [tilespmem:s29+$0x0];
	_ =	sdelay $0x1  }
0x70: {  	v6 =	vmul.f32 $3.125000000e-02, v6;
	v4 =	vld [tilespmem:s18+$0xC70]  }
0x71: {  	v5 =	vmul.f32 $3.125000000e-02, v5  }
0x72: {  	[tilespmem:s18+$0x830] =	vst v6;
	v2 =	vmul.f32 $3.125000000e-02, v2  }
0x73: {  	v6 =	vld [tilespmem:s18+$0xC20];
	[tilespmem:s18+$0x870] =	vst v5;
	v3 =	vmul.f32 $3.125000000e-02, v3  }
0x74: {  	v5 =	vld [tilespmem:s18+$0xC60];
	[tilespmem:s18+$0xC10] =	vst v2  }
0x75: {  	s30 =	sor.u32 $0x1C40, s19;
	v2 =	vld [tilespmem:s18+$0x1000];
	v4 =	vmul.f32 $3.125000000e-02, v4;
	[tilespmem:s29+$0x0] =	vst v3  }
0x76: {  	v3 =	vld [tilespmem:s30+$0x0]  }
0x77: {  	[tilespmem:s18+$0xC70] =	vst v4;
	v4 =	vld [tilespmem:s18+$0x1060]  }
0x78: {  	v6 =	vmul.f32 $3.125000000e-02, v6;
	v0 =	vld [tilespmem:s18+$0x1030]  }
0x79: {  	v5 =	vmul.f32 $3.125000000e-02, v5;
	v1 =	vld [tilespmem:s18+$0x1020]  }
0x7a: {  	[tilespmem:s18+$0xC20] =	vst v6;
	v6 =	vld [tilespmem:s18+$0x1010];
	v2 =	vmul.f32 $3.125000000e-02, v2  }
0x7b: {  	[tilespmem:s18+$0xC60] =	vst v5;
	v5 =	vld [tilespmem:s18+$0x1050];
	v3 =	vmul.f32 $3.125000000e-02, v3  }
0x7c: {  	[tilespmem:s18+$0x1000] =	vst v2;
	v2 =	vld [tilespmem:s18+$0x1400];
	v4 =	vmul.f32 $3.125000000e-02, v4  }
0x7d: {  	s31 =	sor.u32 $0x1C50, s19;
	v7 =	vld [tilespmem:s18+$0x1070];
	v0 =	vmul.f32 $3.125000000e-02, v0;
	[tilespmem:s30+$0x0] =	vst v3  }
0x7e: {  	v1 =	vmul.f32 $3.125000000e-02, v1;
	[tilespmem:s18+$0x1060] =	vst v4;
	v4 =	vld [tilespmem:s31+$0x0]  }
0x7f: {  	v6 =	vmul.f32 $3.125000000e-02, v6;
	[tilespmem:s18+$0x1030] =	vst v0;
	v0 =	vld [tilespmem:s18+$0x1420]  }
0x80: {  	v5 =	vmul.f32 $3.125000000e-02, v5;
	[tilespmem:s18+$0x1020] =	vst v1;
	v1 =	vld [tilespmem:s18+$0x1410]  }
0x81: {  	[tilespmem:s18+$0x1010] =	vst v6;
	v2 =	vmul.f32 $3.125000000e-02, v2  }
0x82: {  	v6 =	vmul.f32 $3.125000000e-02, v7;
	[tilespmem:s18+$0x1050] =	vst v5;
	v5 =	vld [tilespmem:s18+$0x1430]  }
0x83: {  	[tilespmem:s18+$0x1400] =	vst v2;
	v3 =	vld [tilespmem:s18+$0x1450];
	v2 =	vmul.f32 $3.125000000e-02, v4  }
0x84: {  	[tilespmem:s18+$0x1070] =	vst v6;
	v6 =	vld [tilespmem:s18+$0x1460];
	v0 =	vmul.f32 $3.125000000e-02, v0  }
0x85: {  	s24 =	sor.u32 $0x1C60, s19;
	v7 =	vld [tilespmem:s18+$0x1470];
	v1 =	vmul.f32 $3.125000000e-02, v1;
	[tilespmem:s31+$0x0] =	vst v2  }
0x86: {  	[tilespmem:s18+$0x1420] =	vst v0;
	v0 =	vld [tilespmem:s24+$0x0]  }
0x87: {  	[tilespmem:s18+$0x1410] =	vst v1;
	v1 =	vld [tilespmem:s18+$0x1800];
	v4 =	vmul.f32 $3.125000000e-02, v5  }
0x88: {  	v5 =	vld [tilespmem:s18+$0x1810];
	v2 =	vmul.f32 $3.125000000e-02, v3  }
0x89: {  	[tilespmem:s18+$0x1430] =	vst v4;
	v4 =	vld [tilespmem:s18+$0x1820];
	v3 =	vmul.f32 $3.125000000e-02, v6  }
0x8a: {  	s22 =	simm.s32 $0xFFFF8400;
	v6 =	vmul.f32 $3.125000000e-02, v7;
	[tilespmem:s18+$0x1450] =	vst v2;
	v2 =	vld [tilespmem:s18+$0x1830]  }
0x8b: {  	s23 =	simm.s32 $0x100;
	s20 =	simm.s32 $0x0;
	s21 =	simm.s32 $0x0;
	[tilespmem:s18+$0x1460] =	vst v3;
	v3 =	vld [tilespmem:s18+$0x1850];
	v0 =	vmul.f32 $3.125000000e-02, v0  }
.LBB2_2:
0x8c: {  	p0 =	sne.s32 s23, $0xF80;
	[tilespmem:s18+$0x1470] =	vst v6;
	v1 =	vmul.f32 $3.125000000e-02, v1;
	v6 =	vld [tilespmem:s18+$0x1860]  }
0x8d: {  	v5 =	vmul.f32 $3.125000000e-02, v5;
	v7 =	vld [tilespmem:s18+$0x1870];
	[tilespmem:s24+$0x0] =	vst v0;
	s24 =	sor.u32 $0x1C70, s19  }
0x8e: {  	[tilespmem:s18+$0x1800] =	vst v1;
	v0 =	vmul.f32 $3.125000000e-02, v4;
	v1 =	vld [tilespmem:s24+$0x0]  }
0x8f: {  	v4 =	vld [tilespmem:s18+$0x40];
	[tilespmem:s18+$0x1810] =	vst v5;
	v2 =	vmul.f32 $3.125000000e-02, v2  }
0x90: {  	v5 =	vld [tilespmem:s18+$0x440];
	[tilespmem:s18+$0x1820] =	vst v0;
	v0 =	vmul.f32 $3.125000000e-02, v3  }
0x91: {  	s21 =	sadd.s32 $0x1, s21;
	v3 =	vld [tilespmem:s18+$0x840];
	[tilespmem:s18+$0x1830] =	vst v2;
	v2 =	vmul.f32 $3.125000000e-02, v6  }
0x92: {  	s19 =	sand.u32 $0x7, s21;
	v6 =	vld [tilespmem:s18+$0xC40];
	[tilespmem:s18+$0x1850] =	vst v0;
	v0 =	vmul.f32 $3.125000000e-02, v7  }
0x93: {  	s22 =	sadd.s32 $0x400, s22;
	s20 =	sadd.s32 $0x400, s20;
	s19 =	sshll.u32 s19, $0x7;
	v7 =	vld [tilespmem:s18+$0x1040];
	[tilespmem:s18+$0x1860] =	vst v2;
	v1 =	vmul.f32 $3.125000000e-02, v1  }
0x94: {  	s25 =	sadd.s32 $0x8000, s22;
	s19 =	sadd.s32 s19, s20;
	v2 =	vmul.f32 $3.125000000e-02, v4;
	v4 =	vld [tilespmem:s18+$0x1440];
	[tilespmem:s18+$0x1870] =	vst v0  }
0x95: {  	s26 =	sand.u32 $0x380, s23;
	s25 =	sand.u32 $0x6000, s25;
	s28 =	sor.u32 $0x1C00, s19;
	v0 =	vmul.f32 $3.125000000e-02, v5;
	v5 =	vld [tilespmem:s18+$0x1840];
	[tilespmem:s24+$0x0] =	vst v1  }
0x96: {  	s24 =	sor.u32 s26, s25;
	[tilespmem:s18+$0x40] =	vst v2;
	v1 =	vmul.f32 $3.125000000e-02, v3;
	v2 =	vld [tilespmem:s28+$0x0]  }
0x97: {  	v3 =	vld [tilespmem:s24+$0x0];
	[tilespmem:s18+$0x440] =	vst v0;
	v0 =	vmul.f32 $3.125000000e-02, v6  }
0x98: {  	v6 =	vld [tilespmem:s24+$0x10];
	[tilespmem:s18+$0x840] =	vst v1;
	v1 =	vmul.f32 $3.125000000e-02, v7  }
0x99: {  	v7 =	vld [tilespmem:s24+$0x20];
	[tilespmem:s18+$0xC40] =	vst v0;
	v0 =	vmul.f32 $3.125000000e-02, v4  }
0x9a: {  	v4 =	vld [tilespmem:s24+$0x30];
	[tilespmem:s18+$0x1040] =	vst v1;
	v1 =	vmul.f32 $3.125000000e-02, v5  }
0x9b: {  	v5 =	vld [tilespmem:s24+$0x50];
	[tilespmem:s18+$0x1440] =	vst v0;
	v0 =	vmul.f32 $3.125000000e-02, v2  }
0x9c: {  	v2 =	vmul.f32 $3.125000000e-02, v3;
	v3 =	vld [tilespmem:s24+$0x60];
	[tilespmem:s18+$0x1840] =	vst v1;
	s18 =	smov.u32 s24  }
0x9d: {  	s24 =	sor.u32 $0x1C10, s19;
	v1 =	vmul.f32 $3.125000000e-02, v6;
	v6 =	vld [tilespmem:s18+$0x70];
	[tilespmem:s28+$0x0] =	vst v0  }
0x9e: {  	[tilespmem:s18+$0x0] =	vst v2;
	v0 =	vmul.f32 $3.125000000e-02, v7;
	v2 =	vld [tilespmem:s24+$0x0]  }
0x9f: {  	[tilespmem:s18+$0x10] =	vst v1;
	v1 =	vmul.f32 $3.125000000e-02, v4;
	v4 =	vld [tilespmem:s18+$0x400]  }
0xa0: {  	[tilespmem:s18+$0x20] =	vst v0;
	v0 =	vmul.f32 $3.125000000e-02, v5;
	v5 =	vld [tilespmem:s18+$0x410]  }
0xa1: {  	[tilespmem:s18+$0x30] =	vst v1;
	v1 =	vmul.f32 $3.125000000e-02, v3;
	v3 =	vld [tilespmem:s18+$0x420]  }
0xa2: {  	[tilespmem:s18+$0x50] =	vst v0;
	v0 =	vmul.f32 $3.125000000e-02, v6;
	v6 =	vld [tilespmem:s18+$0x430]  }
0xa3: {  	[tilespmem:s18+$0x60] =	vst v1;
	v1 =	vld [tilespmem:s18+$0x450];
	v2 =	vmul.f32 $3.125000000e-02, v2  }
0xa4: {  	[tilespmem:s18+$0x70] =	vst v0;
	v0 =	vmul.f32 $3.125000000e-02, v4;
	v4 =	vld [tilespmem:s18+$0x460]  }
0xa5: {  	v5 =	vmul.f32 $3.125000000e-02, v5;
	v7 =	vld [tilespmem:s18+$0x470];
	[tilespmem:s24+$0x0] =	vst v2;
	s24 =	sor.u32 $0x1C20, s19  }
0xa6: {  	[tilespmem:s18+$0x400] =	vst v0;
	v0 =	vmul.f32 $3.125000000e-02, v3;
	v2 =	vld [tilespmem:s24+$0x0]  }
0xa7: {  	[tilespmem:s18+$0x410] =	vst v5;
	v3 =	vmul.f32 $3.125000000e-02, v6;
	v5 =	vld [tilespmem:s18+$0x800]  }
0xa8: {  	[tilespmem:s18+$0x420] =	vst v0;
	v0 =	vmul.f32 $3.125000000e-02, v1;
	v1 =	vld [tilespmem:s18+$0x810]  }
0xa9: {  	[tilespmem:s18+$0x430] =	vst v3;
	v3 =	vmul.f32 $3.125000000e-02, v4;
	v4 =	vld [tilespmem:s18+$0x820]  }
0xaa: {  	[tilespmem:s18+$0x450] =	vst v0;
	v0 =	vmul.f32 $3.125000000e-02, v7;
	v6 =	vld [tilespmem:s18+$0x830]  }
0xab: {  	[tilespmem:s18+$0x460] =	vst v3;
	v3 =	vld [tilespmem:s18+$0x850];
	v2 =	vmul.f32 $3.125000000e-02, v2  }
0xac: {  	[tilespmem:s18+$0x470] =	vst v0;
	v0 =	vmul.f32 $3.125000000e-02, v5;
	v5 =	vld [tilespmem:s18+$0x860]  }
0xad: {  	v1 =	vmul.f32 $3.125000000e-02, v1;
	v7 =	vld [tilespmem:s18+$0x870];
	[tilespmem:s24+$0x0] =	vst v2;
	s24 =	sor.u32 $0x1C30, s19  }
0xae: {  	[tilespmem:s18+$0x800] =	vst v0;
	v0 =	vmul.f32 $3.125000000e-02, v4;
	v2 =	vld [tilespmem:s24+$0x0]  }
0xaf: {  	[tilespmem:s18+$0x810] =	vst v1;
	v1 =	vmul.f32 $3.125000000e-02, v6;
	v4 =	vld [tilespmem:s18+$0xC00]  }
0xb0: {  	[tilespmem:s18+$0x820] =	vst v0;
	v0 =	vmul.f32 $3.125000000e-02, v3;
	v3 =	vld [tilespmem:s18+$0xC10]  }
0xb1: {  	[tilespmem:s18+$0x830] =	vst v1;
	v1 =	vmul.f32 $3.125000000e-02, v5;
	v5 =	vld [tilespmem:s18+$0xC20]  }
0xb2: {  	[tilespmem:s18+$0x850] =	vst v0;
	v0 =	vmul.f32 $3.125000000e-02, v7;
	v6 =	vld [tilespmem:s18+$0xC30]  }
0xb3: {  	[tilespmem:s18+$0x860] =	vst v1;
	v1 =	vld [tilespmem:s18+$0xC50];
	v2 =	vmul.f32 $3.125000000e-02, v2  }
0xb4: {  	[tilespmem:s18+$0x870] =	vst v0;
	v0 =	vmul.f32 $3.125000000e-02, v4;
	v4 =	vld [tilespmem:s18+$0xC60]  }
0xb5: {  	v3 =	vmul.f32 $3.125000000e-02, v3;
	v7 =	vld [tilespmem:s18+$0xC70];
	[tilespmem:s24+$0x0] =	vst v2;
	s24 =	sor.u32 $0x1C40, s19  }
0xb6: {  	[tilespmem:s18+$0xC00] =	vst v0;
	v0 =	vmul.f32 $3.125000000e-02, v5;
	v2 =	vld [tilespmem:s24+$0x0]  }
0xb7: {  	[tilespmem:s18+$0xC10] =	vst v3;
	v3 =	vmul.f32 $3.125000000e-02, v6;
	v5 =	vld [tilespmem:s18+$0x1000]  }
0xb8: {  	[tilespmem:s18+$0xC20] =	vst v0;
	v0 =	vmul.f32 $3.125000000e-02, v1;
	v1 =	vld [tilespmem:s18+$0x1010]  }
0xb9: {  	[tilespmem:s18+$0xC30] =	vst v3;
	v3 =	vmul.f32 $3.125000000e-02, v4;
	v4 =	vld [tilespmem:s18+$0x1020]  }
0xba: {  	[tilespmem:s18+$0xC50] =	vst v0;
	v0 =	vmul.f32 $3.125000000e-02, v7;
	v6 =	vld [tilespmem:s18+$0x1030]  }
0xbb: {  	[tilespmem:s18+$0xC60] =	vst v3;
	v3 =	vld [tilespmem:s18+$0x1050];
	v2 =	vmul.f32 $3.125000000e-02, v2  }
0xbc: {  	[tilespmem:s18+$0xC70] =	vst v0;
	v0 =	vmul.f32 $3.125000000e-02, v5;
	v5 =	vld [tilespmem:s18+$0x1060]  }
0xbd: {  	v1 =	vmul.f32 $3.125000000e-02, v1;
	v7 =	vld [tilespmem:s18+$0x1070];
	[tilespmem:s24+$0x0] =	vst v2;
	s24 =	sor.u32 $0x1C50, s19  }
0xbe: {  	[tilespmem:s18+$0x1000] =	vst v0;
	v0 =	vmul.f32 $3.125000000e-02, v4;
	v2 =	vld [tilespmem:s24+$0x0]  }
0xbf: {  	[tilespmem:s18+$0x1010] =	vst v1;
	v1 =	vmul.f32 $3.125000000e-02, v6;
	v4 =	vld [tilespmem:s18+$0x1400]  }
0xc0: {  	[tilespmem:s18+$0x1020] =	vst v0;
	v0 =	vmul.f32 $3.125000000e-02, v3;
	v3 =	vld [tilespmem:s18+$0x1410]  }
0xc1: {  	[tilespmem:s18+$0x1030] =	vst v1;
	v1 =	vmul.f32 $3.125000000e-02, v5;
	v5 =	vld [tilespmem:s18+$0x1420]  }
0xc2: {  	[tilespmem:s18+$0x1050] =	vst v0;
	v0 =	vmul.f32 $3.125000000e-02, v7;
	v6 =	vld [tilespmem:s18+$0x1430]  }
0xc3: {  	[tilespmem:s18+$0x1060] =	vst v1;
	v7 =	vld [tilespmem:s18+$0x1450];
	v1 =	vmul.f32 $3.125000000e-02, v2  }
0xc4: {  	[tilespmem:s18+$0x1070] =	vst v0;
	v0 =	vmul.f32 $3.125000000e-02, v4;
	v2 =	vld [tilespmem:s18+$0x1460]  }
0xc5: {  	v3 =	vmul.f32 $3.125000000e-02, v3;
	v8 =	vld [tilespmem:s18+$0x1470];
	[tilespmem:s24+$0x0] =	vst v1;
	s24 =	sor.u32 $0x1C60, s19  }
0xc6: {  	[tilespmem:s18+$0x1400] =	vst v0;
	v0 =	vmul.f32 $3.125000000e-02, v5;
	v9 =	vld [tilespmem:s24+$0x0]  }
.Ltmp0:
0xc7: {  	[tilespmem:s18+$0x1410] =	vst v3;
	v3 =	vmul.f32 $3.125000000e-02, v6;
	v1 =	vld [tilespmem:s18+$0x1800];
	(pc) =	sbr.rel @p0 .LBB2_2-.Ltmp0, $4  }
0xc8: {  	[tilespmem:s18+$0x1420] =	vst v0;
	v0 =	vmul.f32 $3.125000000e-02, v7;
	v5 =	vld [tilespmem:s18+$0x1810]  }
0xc9: {  	[tilespmem:s18+$0x1430] =	vst v3;
	v3 =	vmul.f32 $3.125000000e-02, v2;
	v4 =	vld [tilespmem:s18+$0x1820]  }
0xca: {  	[tilespmem:s18+$0x1450] =	vst v0;
	v6 =	vmul.f32 $3.125000000e-02, v8;
	v2 =	vld [tilespmem:s18+$0x1830]  }
0xcb: {  	s23 =	sadd.s32 $0x80, s23;
	[tilespmem:s18+$0x1460] =	vst v3;
	v3 =	vld [tilespmem:s18+$0x1850];
	v0 =	vmul.f32 $3.125000000e-02, v9  }
0xcc: {  	[tilespmem:s18+$0x1470] =	vst v6;
	v1 =	vmul.f32 $3.125000000e-02, v1;
	v6 =	vld [tilespmem:s18+$0x1860]  }
0xcd: {  	v7 =	vld [tilespmem:s18+$0x1870];
	v5 =	vmul.f32 $3.125000000e-02, v5  }
0xce: {  	[tilespmem:s18+$0x1800] =	vst v1;
	v1 =	vld [tilespmem:s18+$0x40];
	v4 =	vmul.f32 $3.125000000e-02, v4  }
0xcf: {  	[tilespmem:s18+$0x1810] =	vst v5;
	v2 =	vmul.f32 $3.125000000e-02, v2  }
0xd0: {  	v5 =	vld [tilespmem:s18+$0x440];
	[tilespmem:s18+$0x1820] =	vst v4;
	v3 =	vmul.f32 $3.125000000e-02, v3  }
0xd1: {  	s21 =	sadd.s32 $0x1, s21;
	v4 =	vld [tilespmem:s18+$0x840];
	[tilespmem:s18+$0x1830] =	vst v2;
	v6 =	vmul.f32 $3.125000000e-02, v6  }
0xd2: {  	s21 =	sand.u32 $0x7, s21;
	v2 =	vld [tilespmem:s18+$0xC40];
	v7 =	vmul.f32 $3.125000000e-02, v7;
	[tilespmem:s18+$0x1850] =	vst v3  }
0xd3: {  	s20 =	sadd.s32 $0x400, s20;
	s21 =	sshll.u32 s21, $0x7;
	v3 =	vld [tilespmem:s18+$0x1040];
	[tilespmem:s18+$0x1860] =	vst v6;
	v1 =	vmul.f32 $3.125000000e-02, v1  }
0xd4: {  	s20 =	sadd.s32 s21, s20;
	v6 =	vld [tilespmem:s18+$0x1440];
	[tilespmem:s18+$0x1870] =	vst v7  }
0xd5: {  	s21 =	sor.u32 $0x1C00, s20;
	v7 =	vld [tilespmem:s18+$0x1840];
	v5 =	vmul.f32 $3.125000000e-02, v5;
	[tilespmem:s18+$0x40] =	vst v1  }
0xd6: {  	v1 =	vmul.f32 $3.125000000e-02, v4;
	v4 =	vld [tilespmem:s21+$0x0]  }
0xd7: {  	[tilespmem:s18+$0x440] =	vst v5;
	v2 =	vmul.f32 $3.125000000e-02, v2  }
0xd8: {  	[tilespmem:s18+$0x840] =	vst v1;
	v1 =	vmul.f32 $3.125000000e-02, v3  }
0xd9: {  	[tilespmem:s18+$0xC40] =	vst v2;
	v2 =	vmul.f32 $3.125000000e-02, v6  }
0xda: {  	[tilespmem:s18+$0x1040] =	vst v1;
	v1 =	vmul.f32 $3.125000000e-02, v7  }
0xdb: {  	[tilespmem:s18+$0x1440] =	vst v2;
	v2 =	vmul.f32 $3.125000000e-02, v4  }
0xdc: {  	[tilespmem:s18+$0x1840] =	vst v1  }
0xdd: {  	s31 =	sor.u32 $0x1C10, s20;
	[tilespmem:s21+$0x0] =	vst v2  }
0xde: {  	v1 =	vld [tilespmem:s31+$0x0];
	_ =	sdelay $0x4  }
0xdf: {  	v1 =	vmul.f32 $3.125000000e-02, v1;
	_ =	sdelay $0x1  }
0xe0: {  	s21 =	sor.u32 $0x1C20, s20;
	[tilespmem:s31+$0x0] =	vst v1  }
0xe1: {  	v1 =	vld [tilespmem:s21+$0x0];
	_ =	sdelay $0x4  }
0xe2: {  	v1 =	vmul.f32 $3.125000000e-02, v1;
	_ =	sdelay $0x1  }
0xe3: {  	s22 =	sor.u32 $0x1C30, s20;
	[tilespmem:s21+$0x0] =	vst v1  }
0xe4: {  	v1 =	vld [tilespmem:s22+$0x0];
	_ =	sdelay $0x4  }
0xe5: {  	v1 =	vmul.f32 $3.125000000e-02, v1;
	_ =	sdelay $0x1  }
0xe6: {  	s23 =	sor.u32 $0x1C40, s20;
	[tilespmem:s22+$0x0] =	vst v1  }
0xe7: {  	v1 =	vld [tilespmem:s23+$0x0];
	_ =	sdelay $0x4  }
0xe8: {  	v1 =	vmul.f32 $3.125000000e-02, v1;
	_ =	sdelay $0x1  }
0xe9: {  	s25 =	sor.u32 $0x1C50, s20;
	[tilespmem:s23+$0x0] =	vst v1  }
0xea: {  	v1 =	vld [tilespmem:s25+$0x0];
	_ =	sdelay $0x4  }
0xeb: {  	v1 =	vmul.f32 $3.125000000e-02, v1;
	_ =	sdelay $0x1  }
0xec: {  	s26 =	sor.u32 $0x1C60, s20;
	[tilespmem:s25+$0x0] =	vst v1  }
0xed: {  	v1 =	vld [tilespmem:s26+$0x0];
	_ =	sdelay $0x4  }
0xee: {  	v1 =	vmul.f32 $3.125000000e-02, v1  }
0xef: {  	s19 =	sor.u32 $0x1C70, s19;
	[tilespmem:s24+$0x0] =	vst v0  }
0xf0: {  	v0 =	vld [tilespmem:s19+$0x0];
	s28 =	sor.u32 $0x1C70, s20;
	[tilespmem:s26+$0x0] =	vst v1  }
0xf1: {  	v1 =	vld [tilespmem:s28+$0x0];
	_ =	sdelay $0x3  }
0xf2: {  	v0 =	vmul.f32 $3.125000000e-02, v0  }
0xf3: {  	v1 =	vmul.f32 $3.125000000e-02, v1  }
0xf4: {  	[tilespmem:s19+$0x0] =	vst v0  }
0xf5: {  	s18 =	simm.s32 $0x0;
	[tilespmem:s28+$0x0] =	vst v1  }
0xf6: {  	[hbm4b:s9+s18] =	stream.linear.scatter [tilespmem:s18], [sflag:$0x3], $0x8000, $0x38;
	[tilespmem:$0x10000] =	vst v63  }
0xf7: {  	s29 =	simm.s32 $0x0;
	_ =	swait.ge [sflag:s14], $0x8000  }
0xf8: {  	s19 =	sand.u32 $0x6000, s29;
	s30 =	sand.u32 $0x380, s18;
	[sflag:s14] =	ssyncset.done $0x0  }
0xf9: {  	s31 =	sor.u32 s30, s19;
	[sflag:s14] =	ssyncadd.s32 $0xFFFF8000  }
0xfa: {  	v0 =	vld [tilespmem:s31+$0x8000]  }
0xfb: {  	v1 =	vld [tilespmem:s31+$0x8010]  }
0xfc: {  	v2 =	vld [tilespmem:s31+$0x8020]  }
0xfd: {  	v3 =	vld [tilespmem:s31+$0x8030]  }
0xfe: {  	v4 =	vld [tilespmem:s31+$0x8050]  }
0xff: {  	v5 =	vld [tilespmem:s31+$0x8060]  }
0x100: {  	v6 =	vld [tilespmem:s31+$0x8070];
	v0 =	vmul.f32 $3.125000000e-02, v0  }
0x101: {  	v7 =	vld [tilespmem:s31+$0x8400];
	v1 =	vmul.f32 $3.125000000e-02, v1  }
0x102: {  	s24 =	simm.s32 $0x400;
	s23 =	simm.s32 $0x80;
	v8 =	vld [tilespmem:s31+$0x8410];
	[tilespmem:s31+$0x8000] =	vst v0;
	v0 =	vmul.f32 $3.125000000e-02, v2  }
0x103: {  	s20 =	sand.u32 $0x6000, s24;
	s19 =	sand.u32 $0x380, s23;
	v9 =	vld [tilespmem:s31+$0x8420];
	[tilespmem:s31+$0x8010] =	vst v1;
	v1 =	vmul.f32 $3.125000000e-02, v3  }
0x104: {  	s19 =	sor.u32 s19, s20;
	v10 =	vld [tilespmem:s31+$0x8430];
	[tilespmem:s31+$0x8020] =	vst v0;
	v0 =	vmul.f32 $3.125000000e-02, v4  }
0x105: {  	v59 =	vld [tilespmem:s19+$0x8060];
	[tilespmem:s31+$0x8030] =	vst v1;
	v1 =	vmul.f32 $3.125000000e-02, v5  }
0x106: {  	v51 =	vld [tilespmem:s31+$0x8850];
	[tilespmem:s31+$0x8050] =	vst v0;
	v0 =	vmul.f32 $3.125000000e-02, v6  }
0x107: {  	v2 =	vld [tilespmem:s31+$0x8450];
	[tilespmem:s31+$0x8060] =	vst v1;
	v1 =	vmul.f32 $3.125000000e-02, v7  }
0x108: {  	v60 =	vld [tilespmem:s19+$0x8070];
	[tilespmem:s31+$0x8070] =	vst v0;
	v0 =	vmul.f32 $3.125000000e-02, v8  }
0x109: {  	v3 =	vld [tilespmem:s31+$0x8460];
	[tilespmem:s31+$0x8400] =	vst v1;
	v1 =	vmul.f32 $3.125000000e-02, v9  }
0x10a: {  	v4 =	vld [tilespmem:s31+$0x8470];
	v9 =	vmul.f32 $3.125000000e-02, v59;
	[tilespmem:s31+$0x8410] =	vst v0  }
0x10b: {  	v5 =	vld [tilespmem:s31+$0x8800];
	v0 =	vmul.f32 $3.125000000e-02, v10;
	[tilespmem:s31+$0x8420] =	vst v1  }
0x10c: {  	v6 =	vld [tilespmem:s31+$0x8810];
	v1 =	vmul.f32 $3.125000000e-02, v2;
	[tilespmem:s19+$0x8060] =	vst v9  }
0x10d: {  	v7 =	vld [tilespmem:s31+$0x8820];
	v10 =	vmul.f32 $3.125000000e-02, v60;
	[tilespmem:s31+$0x8430] =	vst v0  }
0x10e: {  	v8 =	vld [tilespmem:s31+$0x8830];
	v0 =	vmul.f32 $3.125000000e-02, v3;
	[tilespmem:s31+$0x8450] =	vst v1  }
0x10f: {  	v52 =	vld [tilespmem:s31+$0x8860];
	v1 =	vmul.f32 $3.125000000e-02, v4;
	[tilespmem:s19+$0x8070] =	vst v10  }
0x110: {  	v53 =	vld [tilespmem:s31+$0x8C70];
	[tilespmem:s31+$0x8460] =	vst v0;
	v0 =	vmul.f32 $3.125000000e-02, v5  }
0x111: {  	v2 =	vld [tilespmem:s31+$0x8870];
	[tilespmem:s31+$0x8470] =	vst v1;
	v1 =	vmul.f32 $3.125000000e-02, v6  }
0x112: {  	v3 =	vld [tilespmem:s31+$0x8C00];
	[tilespmem:s31+$0x8800] =	vst v0;
	v0 =	vmul.f32 $3.125000000e-02, v7  }
0x113: {  	v4 =	vld [tilespmem:s31+$0x8C10];
	[tilespmem:s31+$0x8810] =	vst v1;
	v1 =	vmul.f32 $3.125000000e-02, v8  }
0x114: {  	v5 =	vld [tilespmem:s31+$0x8C20];
	[tilespmem:s31+$0x8820] =	vst v0;
	v0 =	vmul.f32 $3.125000000e-02, v51  }
0x115: {  	v6 =	vld [tilespmem:s31+$0x8C30];
	[tilespmem:s31+$0x8830] =	vst v1;
	v1 =	vmul.f32 $3.125000000e-02, v52  }
0x116: {  	v7 =	vld [tilespmem:s31+$0x8C50];
	[tilespmem:s31+$0x8850] =	vst v0;
	v0 =	vmul.f32 $3.125000000e-02, v2  }
0x117: {  	v8 =	vld [tilespmem:s31+$0x8C60];
	[tilespmem:s31+$0x8860] =	vst v1;
	v1 =	vmul.f32 $3.125000000e-02, v3  }
0x118: {  	v54 =	vld [tilespmem:s31+$0x9000];
	[tilespmem:s31+$0x8870] =	vst v0;
	v0 =	vmul.f32 $3.125000000e-02, v4  }
0x119: {  	v55 =	vld [tilespmem:s31+$0x9410];
	[tilespmem:s31+$0x8C00] =	vst v1;
	v1 =	vmul.f32 $3.125000000e-02, v5  }
0x11a: {  	v2 =	vld [tilespmem:s31+$0x9010];
	[tilespmem:s31+$0x8C10] =	vst v0;
	v0 =	vmul.f32 $3.125000000e-02, v6  }
0x11b: {  	v3 =	vld [tilespmem:s31+$0x9020];
	[tilespmem:s31+$0x8C20] =	vst v1;
	v1 =	vmul.f32 $3.125000000e-02, v7  }
0x11c: {  	v4 =	vld [tilespmem:s31+$0x9030];
	[tilespmem:s31+$0x8C30] =	vst v0;
	v0 =	vmul.f32 $3.125000000e-02, v8  }
0x11d: {  	v5 =	vld [tilespmem:s31+$0x9050];
	[tilespmem:s31+$0x8C50] =	vst v1;
	v1 =	vmul.f32 $3.125000000e-02, v53  }
0x11e: {  	v6 =	vld [tilespmem:s31+$0x9060];
	[tilespmem:s31+$0x8C60] =	vst v0;
	v0 =	vmul.f32 $3.125000000e-02, v54  }
0x11f: {  	v7 =	vld [tilespmem:s31+$0x9070];
	[tilespmem:s31+$0x8C70] =	vst v1;
	v1 =	vmul.f32 $3.125000000e-02, v2  }
0x120: {  	v8 =	vld [tilespmem:s31+$0x9400];
	[tilespmem:s31+$0x9000] =	vst v0;
	v0 =	vmul.f32 $3.125000000e-02, v3  }
0x121: {  	v56 =	vld [tilespmem:s31+$0x9420];
	[tilespmem:s31+$0x9010] =	vst v1;
	v1 =	vmul.f32 $3.125000000e-02, v4  }
0x122: {  	v57 =	vld [tilespmem:s19+$0x8000];
	[tilespmem:s31+$0x9020] =	vst v0;
	v0 =	vmul.f32 $3.125000000e-02, v5  }
0x123: {  	v5 =	vld [tilespmem:s31+$0x9470];
	[tilespmem:s31+$0x9030] =	vst v1;
	v1 =	vmul.f32 $3.125000000e-02, v6  }
0x124: {  	v2 =	vld [tilespmem:s31+$0x9430];
	[tilespmem:s31+$0x9050] =	vst v0;
	v0 =	vmul.f32 $3.125000000e-02, v7  }
0x125: {  	v3 =	vld [tilespmem:s31+$0x9450];
	[tilespmem:s31+$0x9060] =	vst v1;
	v1 =	vmul.f32 $3.125000000e-02, v8  }
0x126: {  	v6 =	vld [tilespmem:s31+$0x9800];
	[tilespmem:s31+$0x9070] =	vst v0;
	v0 =	vmul.f32 $3.125000000e-02, v55  }
0x127: {  	v7 =	vld [tilespmem:s31+$0x9810];
	[tilespmem:s31+$0x9400] =	vst v1;
	v1 =	vmul.f32 $3.125000000e-02, v56  }
0x128: {  	v8 =	vld [tilespmem:s31+$0x9820];
	v5 =	vmul.f32 $3.125000000e-02, v5;
	[tilespmem:s31+$0x9410] =	vst v0  }
0x129: {  	v4 =	vld [tilespmem:s31+$0x9460];
	v0 =	vmul.f32 $3.125000000e-02, v2;
	[tilespmem:s31+$0x9420] =	vst v1  }
0x12a: {  	v58 =	vld [tilespmem:s19+$0x8010];
	v1 =	vmul.f32 $3.125000000e-02, v3;
	[tilespmem:s31+$0x9470] =	vst v5  }
0x12b: {  	v61 =	vld [tilespmem:s31+$0x8440];
	v5 =	vmul.f32 $3.125000000e-02, v6;
	[tilespmem:s31+$0x9430] =	vst v0  }
0x12c: {  	v2 =	vld [tilespmem:s19+$0x8020];
	v7 =	vmul.f32 $3.125000000e-02, v7;
	[tilespmem:s31+$0x9450] =	vst v1  }
0x12d: {  	v3 =	vld [tilespmem:s19+$0x8030];
	v8 =	vmul.f32 $3.125000000e-02, v8;
	[tilespmem:s31+$0x9800] =	vst v5  }
0x12e: {  	v0 =	vmul.f32 $3.125000000e-02, v4;
	v4 =	vld [tilespmem:s19+$0x8050];
	[tilespmem:s31+$0x9810] =	vst v7  }
0x12f: {  	v1 =	vmul.f32 $3.125000000e-02, v57;
	v7 =	vld [tilespmem:s19+$0x8420];
	[tilespmem:s31+$0x9820] =	vst v8  }
0x130: {  	v8 =	vld [tilespmem:s19+$0x8430];
	[tilespmem:s31+$0x9460] =	vst v0;
	v0 =	vmul.f32 $3.125000000e-02, v58  }
0x131: {  	[tilespmem:s19+$0x8000] =	vst v1;
	v1 =	vld [tilespmem:s31+$0x9830];
	v2 =	vmul.f32 $3.125000000e-02, v2  }
0x132: {  	v3 =	vmul.f32 $3.125000000e-02, v3;
	[tilespmem:s19+$0x8010] =	vst v0;
	v0 =	vld [tilespmem:s31+$0x9850]  }
0x133: {  	[tilespmem:s19+$0x8020] =	vst v2;
	v2 =	vld [tilespmem:s31+$0x9860];
	v4 =	vmul.f32 $3.125000000e-02, v4  }
0x134: {  	[tilespmem:s19+$0x8030] =	vst v3;
	v3 =	vld [tilespmem:s31+$0x9870];
	v7 =	vmul.f32 $3.125000000e-02, v7  }
0x135: {  	v6 =	vld [tilespmem:s19+$0x8400];
	v8 =	vmul.f32 $3.125000000e-02, v8;
	[tilespmem:s19+$0x8050] =	vst v4  }
0x136: {  	v5 =	vld [tilespmem:s19+$0x8410];
	v1 =	vmul.f32 $3.125000000e-02, v1;
	[tilespmem:s19+$0x8420] =	vst v7  }
0x137: {  	v4 =	vld [tilespmem:s31+$0x8040];
	[tilespmem:s19+$0x8430] =	vst v8;
	v0 =	vmul.f32 $3.125000000e-02, v0  }
0x138: {  	[tilespmem:s31+$0x9830] =	vst v1;
	v1 =	vld [tilespmem:s19+$0x8450];
	v2 =	vmul.f32 $3.125000000e-02, v2  }
0x139: {  	v62 =	vld [tilespmem:s31+$0x8840];
	v3 =	vmul.f32 $3.125000000e-02, v3;
	[tilespmem:s31+$0x9850] =	vst v0  }
0x13a: {  	v0 =	vmul.f32 $3.125000000e-02, v6;
	v6 =	vld [tilespmem:s19+$0x8460];
	[tilespmem:s31+$0x9860] =	vst v2  }
0x13b: {  	v7 =	vld [tilespmem:s31+$0x9440];
	v2 =	vmul.f32 $3.125000000e-02, v5;
	[tilespmem:s31+$0x9870] =	vst v3  }
0x13c: {  	s25 =	sand.u32 $0x7, s18;
	v5 =	vld [tilespmem:s19+$0x8470];
	v4 =	vmul.f32 $3.125000000e-02, v4;
	[tilespmem:s19+$0x8400] =	vst v0  }
0x13d: {  	s20 =	sshll.u32 s25, $0x7;
	v0 =	vld [tilespmem:s31+$0x8C40];
	[tilespmem:s19+$0x8410] =	vst v2;
	v1 =	vmul.f32 $3.125000000e-02, v1  }
0x13e: {  	s20 =	sadd.s32 $0x0, s20;
	v9 =	vmul.f32 $3.125000000e-02, v61;
	v2 =	vld [tilespmem:s31+$0x9040];
	[tilespmem:s31+$0x8040] =	vst v4  }
0x13f: {  	s22 =	sor.u32 $0x1C00, s20;
	v4 =	vld [tilespmem:s19+$0x8810];
	[tilespmem:s19+$0x8450] =	vst v1;
	v1 =	vmul.f32 $3.125000000e-02, v6  }
0x140: {  	v10 =	vmul.f32 $3.125000000e-02, v62;
	v8 =	vld [tilespmem:s22+$0x8000];
	[tilespmem:s31+$0x8440] =	vst v9  }
0x141: {  	v5 =	vmul.f32 $3.125000000e-02, v5;
	[tilespmem:s19+$0x8460] =	vst v1;
	v1 =	vld [tilespmem:s31+$0x9840]  }
0x142: {  	[tilespmem:s31+$0x8840] =	vst v10;
	v0 =	vmul.f32 $3.125000000e-02, v0  }
0x143: {  	v2 =	vmul.f32 $3.125000000e-02, v2;
	[tilespmem:s19+$0x8470] =	vst v5  }
0x144: {  	v5 =	vmul.f32 $3.125000000e-02, v7;
	[tilespmem:s31+$0x8C40] =	vst v0  }
0x145: {  	v4 =	vmul.f32 $3.125000000e-02, v4;
	[tilespmem:s31+$0x9040] =	vst v2  }
0x146: {  	[tilespmem:s31+$0x9440] =	vst v5;
	v1 =	vmul.f32 $3.125000000e-02, v1  }
0x147: {  	v3 =	vld [tilespmem:s19+$0x8800];
	[tilespmem:s19+$0x8810] =	vst v4;
	v4 =	vmul.f32 $3.125000000e-02, v8  }
0x148: {  	[tilespmem:s31+$0x9840] =	vst v1  }
0x149: {  	s26 =	sor.u32 $0x1C10, s20;
	v0 =	vld [tilespmem:s19+$0x8850];
	[tilespmem:s22+$0x8000] =	vst v4  }
0x14a: {  	v4 =	vld [tilespmem:s26+$0x8000]  }
0x14b: {  	v1 =	vld [tilespmem:s19+$0x8C00]  }
0x14c: {  	v2 =	vmul.f32 $3.125000000e-02, v3;
	v3 =	vld [tilespmem:s19+$0x8860];
	_ =	sdelay $0x1  }
0x14d: {  	v0 =	vmul.f32 $3.125000000e-02, v0  }
0x14e: {  	v4 =	vmul.f32 $3.125000000e-02, v4  }
0x14f: {  	[tilespmem:s19+$0x8850] =	vst v0;
	v0 =	vld [tilespmem:s19+$0x8C30];
	v1 =	vmul.f32 $3.125000000e-02, v1  }
0x150: {  	s28 =	sor.u32 $0x1C20, s20;
	v63 =	vld [tilespmem:s19+$0x8820];
	v3 =	vmul.f32 $3.125000000e-02, v3;
	[tilespmem:s26+$0x8000] =	vst v4  }
0x151: {  	[tilespmem:s19+$0x8C00] =	vst v1;
	v1 =	vld [tilespmem:s28+$0x8000]  }
0x152: {  	[tilespmem:s19+$0x8860] =	vst v3;
	v3 =	vld [tilespmem:s19+$0x8C50];
	_ =	sdelay $0x1  }
0x153: {  	v0 =	vmul.f32 $3.125000000e-02, v0  }
0x154: {  	[tilespmem:s19+$0x8800] =	vst v2;
	v2 =	vmul.f32 $3.125000000e-02, v63  }
0x155: {  	v6 =	vld [tilespmem:s19+$0x8830];
	[tilespmem:s19+$0x8C30] =	vst v0;
	v0 =	vmul.f32 $3.125000000e-02, v1  }
0x156: {  	v5 =	vld [tilespmem:s19+$0x8870];
	[tilespmem:s19+$0x8820] =	vst v2;
	v3 =	vmul.f32 $3.125000000e-02, v3  }
0x157: {  	s29 =	sor.u32 $0x1C30, s20;
	v2 =	vld [tilespmem:s19+$0x8C10];
	[tilespmem:s28+$0x8000] =	vst v0  }
0x158: {  	[tilespmem:s19+$0x8C50] =	vst v3;
	v3 =	vld [tilespmem:s29+$0x8000];
	_ =	sdelay $0x1  }
0x159: {  	v6 =	vmul.f32 $3.125000000e-02, v6;
	v4 =	vld [tilespmem:s19+$0x8C70]  }
0x15a: {  	v5 =	vmul.f32 $3.125000000e-02, v5  }
0x15b: {  	[tilespmem:s19+$0x8830] =	vst v6;
	v2 =	vmul.f32 $3.125000000e-02, v2  }
0x15c: {  	v6 =	vld [tilespmem:s19+$0x8C20];
	[tilespmem:s19+$0x8870] =	vst v5;
	v3 =	vmul.f32 $3.125000000e-02, v3  }
0x15d: {  	v5 =	vld [tilespmem:s19+$0x8C60];
	[tilespmem:s19+$0x8C10] =	vst v2  }
0x15e: {  	s30 =	sor.u32 $0x1C40, s20;
	v2 =	vld [tilespmem:s19+$0x9000];
	v4 =	vmul.f32 $3.125000000e-02, v4;
	[tilespmem:s29+$0x8000] =	vst v3  }
0x15f: {  	v3 =	vld [tilespmem:s30+$0x8000]  }
0x160: {  	[tilespmem:s19+$0x8C70] =	vst v4;
	v4 =	vld [tilespmem:s19+$0x9060]  }
0x161: {  	v6 =	vmul.f32 $3.125000000e-02, v6;
	v0 =	vld [tilespmem:s19+$0x9030]  }
0x162: {  	v5 =	vmul.f32 $3.125000000e-02, v5;
	v1 =	vld [tilespmem:s19+$0x9020]  }
0x163: {  	[tilespmem:s19+$0x8C20] =	vst v6;
	v6 =	vld [tilespmem:s19+$0x9010];
	v2 =	vmul.f32 $3.125000000e-02, v2  }
0x164: {  	[tilespmem:s19+$0x8C60] =	vst v5;
	v5 =	vld [tilespmem:s19+$0x9050];
	v3 =	vmul.f32 $3.125000000e-02, v3  }
0x165: {  	[tilespmem:s19+$0x9000] =	vst v2;
	v2 =	vld [tilespmem:s19+$0x9400];
	v4 =	vmul.f32 $3.125000000e-02, v4  }
0x166: {  	v7 =	vld [tilespmem:s19+$0x9070];
	s31 =	sor.u32 $0x1C50, s20;
	v0 =	vmul.f32 $3.125000000e-02, v0;
	[tilespmem:s30+$0x8000] =	vst v3  }
0x167: {  	v1 =	vmul.f32 $3.125000000e-02, v1;
	[tilespmem:s19+$0x9060] =	vst v4;
	v4 =	vld [tilespmem:s31+$0x8000]  }
0x168: {  	v6 =	vmul.f32 $3.125000000e-02, v6;
	[tilespmem:s19+$0x9030] =	vst v0;
	v0 =	vld [tilespmem:s19+$0x9420]  }
0x169: {  	v5 =	vmul.f32 $3.125000000e-02, v5;
	[tilespmem:s19+$0x9020] =	vst v1;
	v1 =	vld [tilespmem:s19+$0x9410]  }
0x16a: {  	[tilespmem:s19+$0x9010] =	vst v6;
	v2 =	vmul.f32 $3.125000000e-02, v2  }
0x16b: {  	v6 =	vmul.f32 $3.125000000e-02, v7;
	[tilespmem:s19+$0x9050] =	vst v5;
	v5 =	vld [tilespmem:s19+$0x9430]  }
0x16c: {  	[tilespmem:s19+$0x9400] =	vst v2;
	v3 =	vld [tilespmem:s19+$0x9450];
	v2 =	vmul.f32 $3.125000000e-02, v4  }
0x16d: {  	[tilespmem:s19+$0x9070] =	vst v6;
	v6 =	vld [tilespmem:s19+$0x9460];
	v0 =	vmul.f32 $3.125000000e-02, v0  }
0x16e: {  	s24 =	sor.u32 $0x1C60, s20;
	v7 =	vld [tilespmem:s19+$0x9470];
	v1 =	vmul.f32 $3.125000000e-02, v1;
	[tilespmem:s31+$0x8000] =	vst v2  }
0x16f: {  	[tilespmem:s19+$0x9420] =	vst v0;
	v0 =	vld [tilespmem:s24+$0x8000]  }
0x170: {  	[tilespmem:s19+$0x9410] =	vst v1;
	v1 =	vld [tilespmem:s19+$0x9800];
	v4 =	vmul.f32 $3.125000000e-02, v5  }
0x171: {  	v5 =	vld [tilespmem:s19+$0x9810];
	v2 =	vmul.f32 $3.125000000e-02, v3  }
0x172: {  	[tilespmem:s19+$0x9430] =	vst v4;
	v4 =	vld [tilespmem:s19+$0x9820];
	v3 =	vmul.f32 $3.125000000e-02, v6  }
0x173: {  	v6 =	vmul.f32 $3.125000000e-02, v7;
	[tilespmem:s19+$0x9450] =	vst v2;
	v2 =	vld [tilespmem:s19+$0x9830]  }
0x174: {  	s21 =	simm.s32 $0x0;
	s23 =	simm.s32 $0x100;
	s22 =	simm.s32 $0xFFFF8400;
	[tilespmem:s19+$0x9460] =	vst v3;
	v3 =	vld [tilespmem:s19+$0x9850];
	v0 =	vmul.f32 $3.125000000e-02, v0  }
.LBB2_4:
0x175: {  	p0 =	sne.s32 s23, $0xF80;
	[tilespmem:s19+$0x9470] =	vst v6;
	v1 =	vmul.f32 $3.125000000e-02, v1;
	v6 =	vld [tilespmem:s19+$0x9860]  }
0x176: {  	v5 =	vmul.f32 $3.125000000e-02, v5;
	v7 =	vld [tilespmem:s19+$0x9870];
	[tilespmem:s24+$0x8000] =	vst v0;
	s24 =	sor.u32 $0x1C70, s20  }
0x177: {  	[tilespmem:s19+$0x9800] =	vst v1;
	v0 =	vmul.f32 $3.125000000e-02, v4;
	v1 =	vld [tilespmem:s24+$0x8000]  }
0x178: {  	v4 =	vld [tilespmem:s19+$0x8040];
	[tilespmem:s19+$0x9810] =	vst v5;
	v2 =	vmul.f32 $3.125000000e-02, v2  }
0x179: {  	v5 =	vld [tilespmem:s19+$0x8440];
	[tilespmem:s19+$0x9820] =	vst v0;
	v0 =	vmul.f32 $3.125000000e-02, v3  }
0x17a: {  	s18 =	sadd.s32 $0x1, s18;
	v3 =	vld [tilespmem:s19+$0x8840];
	[tilespmem:s19+$0x9830] =	vst v2;
	v2 =	vmul.f32 $3.125000000e-02, v6  }
0x17b: {  	s20 =	sand.u32 $0x7, s18;
	v6 =	vld [tilespmem:s19+$0x8C40];
	[tilespmem:s19+$0x9850] =	vst v0;
	v0 =	vmul.f32 $3.125000000e-02, v7  }
0x17c: {  	s22 =	sadd.s32 $0x400, s22;
	s21 =	sadd.s32 $0x400, s21;
	s20 =	sshll.u32 s20, $0x7;
	v7 =	vld [tilespmem:s19+$0x9040];
	[tilespmem:s19+$0x9860] =	vst v2;
	v1 =	vmul.f32 $3.125000000e-02, v1  }
0x17d: {  	s25 =	sadd.s32 $0x8000, s22;
	s20 =	sadd.s32 s20, s21;
	v2 =	vmul.f32 $3.125000000e-02, v4;
	v4 =	vld [tilespmem:s19+$0x9440];
	[tilespmem:s19+$0x9870] =	vst v0  }
0x17e: {  	s26 =	sand.u32 $0x380, s23;
	s25 =	sand.u32 $0x6000, s25;
	s28 =	sor.u32 $0x1C00, s20;
	v0 =	vmul.f32 $3.125000000e-02, v5;
	v5 =	vld [tilespmem:s19+$0x9840];
	[tilespmem:s24+$0x8000] =	vst v1  }
0x17f: {  	s24 =	sor.u32 s26, s25;
	[tilespmem:s19+$0x8040] =	vst v2;
	v1 =	vmul.f32 $3.125000000e-02, v3;
	v2 =	vld [tilespmem:s28+$0x8000]  }
0x180: {  	v3 =	vld [tilespmem:s24+$0x8000];
	[tilespmem:s19+$0x8440] =	vst v0;
	v0 =	vmul.f32 $3.125000000e-02, v6  }
0x181: {  	v6 =	vld [tilespmem:s24+$0x8010];
	[tilespmem:s19+$0x8840] =	vst v1;
	v1 =	vmul.f32 $3.125000000e-02, v7  }
0x182: {  	v7 =	vld [tilespmem:s24+$0x8020];
	[tilespmem:s19+$0x8C40] =	vst v0;
	v0 =	vmul.f32 $3.125000000e-02, v4  }
0x183: {  	v4 =	vld [tilespmem:s24+$0x8030];
	[tilespmem:s19+$0x9040] =	vst v1;
	v1 =	vmul.f32 $3.125000000e-02, v5  }
0x184: {  	v5 =	vld [tilespmem:s24+$0x8050];
	[tilespmem:s19+$0x9440] =	vst v0;
	v0 =	vmul.f32 $3.125000000e-02, v2  }
0x185: {  	v2 =	vmul.f32 $3.125000000e-02, v3;
	v3 =	vld [tilespmem:s24+$0x8060];
	[tilespmem:s19+$0x9840] =	vst v1;
	s19 =	smov.u32 s24  }
0x186: {  	s24 =	sor.u32 $0x1C10, s20;
	v1 =	vmul.f32 $3.125000000e-02, v6;
	v6 =	vld [tilespmem:s19+$0x8070];
	[tilespmem:s28+$0x8000] =	vst v0  }
0x187: {  	[tilespmem:s19+$0x8000] =	vst v2;
	v0 =	vmul.f32 $3.125000000e-02, v7;
	v2 =	vld [tilespmem:s24+$0x8000]  }
0x188: {  	[tilespmem:s19+$0x8010] =	vst v1;
	v1 =	vmul.f32 $3.125000000e-02, v4;
	v4 =	vld [tilespmem:s19+$0x8400]  }
0x189: {  	[tilespmem:s19+$0x8020] =	vst v0;
	v0 =	vmul.f32 $3.125000000e-02, v5;
	v5 =	vld [tilespmem:s19+$0x8410]  }
0x18a: {  	[tilespmem:s19+$0x8030] =	vst v1;
	v1 =	vmul.f32 $3.125000000e-02, v3;
	v3 =	vld [tilespmem:s19+$0x8420]  }
0x18b: {  	[tilespmem:s19+$0x8050] =	vst v0;
	v0 =	vmul.f32 $3.125000000e-02, v6;
	v6 =	vld [tilespmem:s19+$0x8430]  }
0x18c: {  	[tilespmem:s19+$0x8060] =	vst v1;
	v1 =	vld [tilespmem:s19+$0x8450];
	v2 =	vmul.f32 $3.125000000e-02, v2  }
0x18d: {  	[tilespmem:s19+$0x8070] =	vst v0;
	v0 =	vmul.f32 $3.125000000e-02, v4;
	v4 =	vld [tilespmem:s19+$0x8460]  }
0x18e: {  	v5 =	vmul.f32 $3.125000000e-02, v5;
	v7 =	vld [tilespmem:s19+$0x8470];
	[tilespmem:s24+$0x8000] =	vst v2;
	s24 =	sor.u32 $0x1C20, s20  }
0x18f: {  	[tilespmem:s19+$0x8400] =	vst v0;
	v0 =	vmul.f32 $3.125000000e-02, v3;
	v2 =	vld [tilespmem:s24+$0x8000]  }
0x190: {  	[tilespmem:s19+$0x8410] =	vst v5;
	v3 =	vmul.f32 $3.125000000e-02, v6;
	v5 =	vld [tilespmem:s19+$0x8800]  }
0x191: {  	[tilespmem:s19+$0x8420] =	vst v0;
	v0 =	vmul.f32 $3.125000000e-02, v1;
	v1 =	vld [tilespmem:s19+$0x8810]  }
0x192: {  	[tilespmem:s19+$0x8430] =	vst v3;
	v3 =	vmul.f32 $3.125000000e-02, v4;
	v4 =	vld [tilespmem:s19+$0x8820]  }
0x193: {  	[tilespmem:s19+$0x8450] =	vst v0;
	v0 =	vmul.f32 $3.125000000e-02, v7;
	v6 =	vld [tilespmem:s19+$0x8830]  }
0x194: {  	[tilespmem:s19+$0x8460] =	vst v3;
	v3 =	vld [tilespmem:s19+$0x8850];
	v2 =	vmul.f32 $3.125000000e-02, v2  }
0x195: {  	[tilespmem:s19+$0x8470] =	vst v0;
	v0 =	vmul.f32 $3.125000000e-02, v5;
	v5 =	vld [tilespmem:s19+$0x8860]  }
0x196: {  	v1 =	vmul.f32 $3.125000000e-02, v1;
	v7 =	vld [tilespmem:s19+$0x8870];
	[tilespmem:s24+$0x8000] =	vst v2;
	s24 =	sor.u32 $0x1C30, s20  }
0x197: {  	[tilespmem:s19+$0x8800] =	vst v0;
	v0 =	vmul.f32 $3.125000000e-02, v4;
	v2 =	vld [tilespmem:s24+$0x8000]  }
0x198: {  	[tilespmem:s19+$0x8810] =	vst v1;
	v1 =	vmul.f32 $3.125000000e-02, v6;
	v4 =	vld [tilespmem:s19+$0x8C00]  }
0x199: {  	[tilespmem:s19+$0x8820] =	vst v0;
	v0 =	vmul.f32 $3.125000000e-02, v3;
	v3 =	vld [tilespmem:s19+$0x8C10]  }
0x19a: {  	[tilespmem:s19+$0x8830] =	vst v1;
	v1 =	vmul.f32 $3.125000000e-02, v5;
	v5 =	vld [tilespmem:s19+$0x8C20]  }
0x19b: {  	[tilespmem:s19+$0x8850] =	vst v0;
	v0 =	vmul.f32 $3.125000000e-02, v7;
	v6 =	vld [tilespmem:s19+$0x8C30]  }
0x19c: {  	[tilespmem:s19+$0x8860] =	vst v1;
	v1 =	vld [tilespmem:s19+$0x8C50];
	v2 =	vmul.f32 $3.125000000e-02, v2  }
0x19d: {  	[tilespmem:s19+$0x8870] =	vst v0;
	v0 =	vmul.f32 $3.125000000e-02, v4;
	v4 =	vld [tilespmem:s19+$0x8C60]  }
0x19e: {  	v3 =	vmul.f32 $3.125000000e-02, v3;
	v7 =	vld [tilespmem:s19+$0x8C70];
	[tilespmem:s24+$0x8000] =	vst v2;
	s24 =	sor.u32 $0x1C40, s20  }
0x19f: {  	[tilespmem:s19+$0x8C00] =	vst v0;
	v0 =	vmul.f32 $3.125000000e-02, v5;
	v2 =	vld [tilespmem:s24+$0x8000]  }
0x1a0: {  	[tilespmem:s19+$0x8C10] =	vst v3;
	v3 =	vmul.f32 $3.125000000e-02, v6;
	v5 =	vld [tilespmem:s19+$0x9000]  }
0x1a1: {  	[tilespmem:s19+$0x8C20] =	vst v0;
	v0 =	vmul.f32 $3.125000000e-02, v1;
	v1 =	vld [tilespmem:s19+$0x9010]  }
0x1a2: {  	[tilespmem:s19+$0x8C30] =	vst v3;
	v3 =	vmul.f32 $3.125000000e-02, v4;
	v4 =	vld [tilespmem:s19+$0x9020]  }
0x1a3: {  	[tilespmem:s19+$0x8C50] =	vst v0;
	v0 =	vmul.f32 $3.125000000e-02, v7;
	v6 =	vld [tilespmem:s19+$0x9030]  }
0x1a4: {  	[tilespmem:s19+$0x8C60] =	vst v3;
	v3 =	vld [tilespmem:s19+$0x9050];
	v2 =	vmul.f32 $3.125000000e-02, v2  }
0x1a5: {  	[tilespmem:s19+$0x8C70] =	vst v0;
	v0 =	vmul.f32 $3.125000000e-02, v5;
	v5 =	vld [tilespmem:s19+$0x9060]  }
0x1a6: {  	v1 =	vmul.f32 $3.125000000e-02, v1;
	v7 =	vld [tilespmem:s19+$0x9070];
	[tilespmem:s24+$0x8000] =	vst v2;
	s24 =	sor.u32 $0x1C50, s20  }
0x1a7: {  	[tilespmem:s19+$0x9000] =	vst v0;
	v0 =	vmul.f32 $3.125000000e-02, v4;
	v2 =	vld [tilespmem:s24+$0x8000]  }
0x1a8: {  	[tilespmem:s19+$0x9010] =	vst v1;
	v1 =	vmul.f32 $3.125000000e-02, v6;
	v4 =	vld [tilespmem:s19+$0x9400]  }
0x1a9: {  	[tilespmem:s19+$0x9020] =	vst v0;
	v0 =	vmul.f32 $3.125000000e-02, v3;
	v3 =	vld [tilespmem:s19+$0x9410]  }
0x1aa: {  	[tilespmem:s19+$0x9030] =	vst v1;
	v1 =	vmul.f32 $3.125000000e-02, v5;
	v5 =	vld [tilespmem:s19+$0x9420]  }
0x1ab: {  	[tilespmem:s19+$0x9050] =	vst v0;
	v0 =	vmul.f32 $3.125000000e-02, v7;
	v6 =	vld [tilespmem:s19+$0x9430]  }
0x1ac: {  	[tilespmem:s19+$0x9060] =	vst v1;
	v7 =	vld [tilespmem:s19+$0x9450];
	v1 =	vmul.f32 $3.125000000e-02, v2  }
0x1ad: {  	[tilespmem:s19+$0x9070] =	vst v0;
	v0 =	vmul.f32 $3.125000000e-02, v4;
	v2 =	vld [tilespmem:s19+$0x9460]  }
0x1ae: {  	v3 =	vmul.f32 $3.125000000e-02, v3;
	v8 =	vld [tilespmem:s19+$0x9470];
	[tilespmem:s24+$0x8000] =	vst v1;
	s24 =	sor.u32 $0x1C60, s20  }
0x1af: {  	[tilespmem:s19+$0x9400] =	vst v0;
	v0 =	vmul.f32 $3.125000000e-02, v5;
	v9 =	vld [tilespmem:s24+$0x8000]  }
.Ltmp1:
0x1b0: {  	[tilespmem:s19+$0x9410] =	vst v3;
	v3 =	vmul.f32 $3.125000000e-02, v6;
	v1 =	vld [tilespmem:s19+$0x9800];
	(pc) =	sbr.rel @p0 .LBB2_4-.Ltmp1, $4  }
0x1b1: {  	[tilespmem:s19+$0x9420] =	vst v0;
	v0 =	vmul.f32 $3.125000000e-02, v7;
	v5 =	vld [tilespmem:s19+$0x9810]  }
0x1b2: {  	[tilespmem:s19+$0x9430] =	vst v3;
	v3 =	vmul.f32 $3.125000000e-02, v2;
	v4 =	vld [tilespmem:s19+$0x9820]  }
0x1b3: {  	[tilespmem:s19+$0x9450] =	vst v0;
	v6 =	vmul.f32 $3.125000000e-02, v8;
	v2 =	vld [tilespmem:s19+$0x9830]  }
0x1b4: {  	s23 =	sadd.s32 $0x80, s23;
	[tilespmem:s19+$0x9460] =	vst v3;
	v3 =	vld [tilespmem:s19+$0x9850];
	v0 =	vmul.f32 $3.125000000e-02, v9  }
0x1b5: {  	v1 =	vmul.f32 $3.125000000e-02, v1;
	v50 =	vld [tilespmem:s19+$0x9860]  }
0x1b6: {  	[tilespmem:s19+$0x9470] =	vst v6;
	v7 =	vld [tilespmem:s19+$0x9870];
	v5 =	vmul.f32 $3.125000000e-02, v5  }
0x1b7: {  	v51 =	vld [tilespmem:s19+$0x8040];
	[tilespmem:s19+$0x9800] =	vst v1;
	v4 =	vmul.f32 $3.125000000e-02, v4  }
0x1b8: {  	[tilespmem:s19+$0x9810] =	vst v5;
	v2 =	vmul.f32 $3.125000000e-02, v2  }
0x1b9: {  	v52 =	vld [tilespmem:s19+$0x8440];
	[tilespmem:s19+$0x9820] =	vst v4;
	v3 =	vmul.f32 $3.125000000e-02, v3  }
0x1ba: {  	v53 =	vld [tilespmem:s19+$0x8840];
	s18 =	sadd.s32 $0x1, s18;
	[tilespmem:s19+$0x9830] =	vst v2;
	v6 =	vmul.f32 $3.125000000e-02, v50  }
0x1bb: {  	v54 =	vld [tilespmem:s19+$0x8C40];
	s18 =	sand.u32 $0x7, s18;
	v7 =	vmul.f32 $3.125000000e-02, v7;
	[tilespmem:s19+$0x9850] =	vst v3  }
0x1bc: {  	v55 =	vld [tilespmem:s19+$0x9040];
	s21 =	sadd.s32 $0x400, s21;
	s18 =	sshll.u32 s18, $0x7;
	v1 =	vmul.f32 $3.125000000e-02, v51;
	[tilespmem:s19+$0x9860] =	vst v6  }
0x1bd: {  	v56 =	vld [tilespmem:s19+$0x9440];
	s18 =	sadd.s32 s18, s21;
	[tilespmem:s19+$0x9870] =	vst v7  }
0x1be: {  	v57 =	vld [tilespmem:s19+$0x9840];
	s21 =	sor.u32 $0x1C00, s18;
	v5 =	vmul.f32 $3.125000000e-02, v52;
	[tilespmem:s19+$0x8040] =	vst v1  }
0x1bf: {  	v58 =	vmul.f32 $3.125000000e-02, v53;
	v59 =	vld [tilespmem:s21+$0x8000]  }
0x1c0: {  	v2 =	vmul.f32 $3.125000000e-02, v54;
	[tilespmem:s19+$0x8440] =	vst v5  }
0x1c1: {  	v60 =	vmul.f32 $3.125000000e-02, v55;
	[tilespmem:s19+$0x8840] =	vst v58  }
0x1c2: {  	v61 =	vmul.f32 $3.125000000e-02, v56;
	[tilespmem:s19+$0x8C40] =	vst v2  }
0x1c3: {  	v62 =	vmul.f32 $3.125000000e-02, v57;
	[tilespmem:s19+$0x9040] =	vst v60  }
0x1c4: {  	[tilespmem:s19+$0x9440] =	vst v61;
	v63 =	vmul.f32 $3.125000000e-02, v59  }
0x1c5: {  	[tilespmem:s19+$0x9840] =	vst v62  }
0x1c6: {  	s25 =	sor.u32 $0x1C10, s18;
	[tilespmem:s21+$0x8000] =	vst v63  }
0x1c7: {  	v1 =	vld [tilespmem:s25+$0x8000];
	_ =	sdelay $0x4  }
0x1c8: {  	v1 =	vmul.f32 $3.125000000e-02, v1;
	_ =	sdelay $0x1  }
0x1c9: {  	s26 =	sor.u32 $0x1C20, s18;
	[tilespmem:s25+$0x8000] =	vst v1  }
0x1ca: {  	v1 =	vld [tilespmem:s26+$0x8000];
	_ =	sdelay $0x4  }
0x1cb: {  	v1 =	vmul.f32 $3.125000000e-02, v1;
	_ =	sdelay $0x1  }
0x1cc: {  	s28 =	sor.u32 $0x1C30, s18;
	[tilespmem:s26+$0x8000] =	vst v1  }
0x1cd: {  	v1 =	vld [tilespmem:s28+$0x8000];
	_ =	sdelay $0x4  }
0x1ce: {  	v1 =	vmul.f32 $3.125000000e-02, v1;
	_ =	sdelay $0x1  }
0x1cf: {  	s29 =	sor.u32 $0x1C40, s18;
	[tilespmem:s28+$0x8000] =	vst v1  }
0x1d0: {  	v1 =	vld [tilespmem:s29+$0x8000];
	_ =	sdelay $0x4  }
0x1d1: {  	v1 =	vmul.f32 $3.125000000e-02, v1;
	_ =	sdelay $0x1  }
0x1d2: {  	s30 =	sor.u32 $0x1C50, s18;
	[tilespmem:s29+$0x8000] =	vst v1  }
0x1d3: {  	v1 =	vld [tilespmem:s30+$0x8000];
	_ =	sdelay $0x4  }
0x1d4: {  	v1 =	vmul.f32 $3.125000000e-02, v1;
	_ =	sdelay $0x1  }
0x1d5: {  	s31 =	sor.u32 $0x1C60, s18;
	[tilespmem:s30+$0x8000] =	vst v1  }
0x1d6: {  	v1 =	vld [tilespmem:s31+$0x8000];
	_ =	sdelay $0x4  }
0x1d7: {  	v1 =	vmul.f32 $3.125000000e-02, v1  }
0x1d8: {  	s20 =	sor.u32 $0x1C70, s20;
	[tilespmem:s24+$0x8000] =	vst v0  }
0x1d9: {  	v0 =	vld [tilespmem:s20+$0x8000];
	s18 =	sor.u32 $0x1C70, s18;
	[tilespmem:s31+$0x8000] =	vst v1  }
0x1da: {  	v1 =	vld [tilespmem:s18+$0x8000];
	_ =	sdelay $0x3  }
0x1db: {  	v0 =	vmul.f32 $3.125000000e-02, v0  }
0x1dc: {  	v1 =	vmul.f32 $3.125000000e-02, v1  }
0x1dd: {  	[tilespmem:s20+$0x8000] =	vst v0  }
0x1de: {  	[tilespmem:s18+$0x8000] =	vst v1;
	s18 =	simm.s32 $0x1  }
0x1df: {  	[hbm4b:s10+s4] =	stream.linear.scatter [tilespmem:s12], [sflag:$0x4], $0x8000, $0x38;
	[tilespmem:$0x10000] =	vst v63  }
.LBB2_6:
0x1e0: {  	_ =	swait.ge [sflag:s15], $0x8000;
	s19 =	sshll.u32 s18, $0xD  }
0x1e1: {  	[sflag:s15] =	ssyncset.done $0x0;
	s20 =	sadd.s32 s5, s19  }
0x1e2: {  	s21 =	simm.s32 $0x0;
	[sflag:s15] =	ssyncadd.s32 $0xFFFF8000;
	s22 =	sadd.s32 s2, s20  }
0x1e3: {  	[tilespmem:s21], [sflag:$0x1] =	stream.linear.gather [hbm4b:s22+s21], $0x8000, $0x38;
	[tilespmem:$0x10000] =	vst v63  }
0x1e4: {  	s26 =	simm.s32 $0x0;
	_ =	swait.ge [sflag:s13], $0x8000  }
0x1e5: {  	s23 =	sand.u32 $0x380, s21;
	s22 =	sand.u32 $0x6000, s26;
	[sflag:s13] =	ssyncset.done $0x0  }
0x1e6: {  	s24 =	sor.u32 s23, s22;
	[sflag:s13] =	ssyncadd.s32 $0xFFFF8000  }
0x1e7: {  	v0 =	vld [tilespmem:s24+$0x0]  }
0x1e8: {  	v1 =	vld [tilespmem:s24+$0x10]  }
0x1e9: {  	v2 =	vld [tilespmem:s24+$0x20]  }
0x1ea: {  	v3 =	vld [tilespmem:s24+$0x30]  }
0x1eb: {  	v4 =	vld [tilespmem:s24+$0x50]  }
0x1ec: {  	v5 =	vld [tilespmem:s24+$0x60]  }
0x1ed: {  	v6 =	vld [tilespmem:s24+$0x70];
	v0 =	vmul.f32 $3.125000000e-02, v0  }
0x1ee: {  	v7 =	vld [tilespmem:s24+$0x400];
	v1 =	vmul.f32 $3.125000000e-02, v1  }
0x1ef: {  	s29 =	simm.s32 $0x80;
	s30 =	simm.s32 $0x400;
	v8 =	vld [tilespmem:s24+$0x410];
	[tilespmem:s24+$0x0] =	vst v0;
	v0 =	vmul.f32 $3.125000000e-02, v2  }
0x1f0: {  	s23 =	sand.u32 $0x6000, s30;
	s22 =	sand.u32 $0x380, s29;
	v9 =	vld [tilespmem:s24+$0x420];
	[tilespmem:s24+$0x10] =	vst v1;
	v1 =	vmul.f32 $3.125000000e-02, v3  }
0x1f1: {  	s22 =	sor.u32 s22, s23;
	v10 =	vld [tilespmem:s24+$0x430];
	[tilespmem:s24+$0x20] =	vst v0;
	v0 =	vmul.f32 $3.125000000e-02, v4  }
0x1f2: {  	v59 =	vld [tilespmem:s22+$0x60];
	[tilespmem:s24+$0x30] =	vst v1;
	v1 =	vmul.f32 $3.125000000e-02, v5  }
0x1f3: {  	v51 =	vld [tilespmem:s24+$0x850];
	[tilespmem:s24+$0x50] =	vst v0;
	v0 =	vmul.f32 $3.125000000e-02, v6  }
0x1f4: {  	v2 =	vld [tilespmem:s24+$0x450];
	[tilespmem:s24+$0x60] =	vst v1;
	v1 =	vmul.f32 $3.125000000e-02, v7  }
0x1f5: {  	v60 =	vld [tilespmem:s22+$0x70];
	[tilespmem:s24+$0x70] =	vst v0;
	v0 =	vmul.f32 $3.125000000e-02, v8  }
0x1f6: {  	v3 =	vld [tilespmem:s24+$0x460];
	[tilespmem:s24+$0x400] =	vst v1;
	v1 =	vmul.f32 $3.125000000e-02, v9  }
0x1f7: {  	v4 =	vld [tilespmem:s24+$0x470];
	v9 =	vmul.f32 $3.125000000e-02, v59;
	[tilespmem:s24+$0x410] =	vst v0  }
0x1f8: {  	v5 =	vld [tilespmem:s24+$0x800];
	v0 =	vmul.f32 $3.125000000e-02, v10;
	[tilespmem:s24+$0x420] =	vst v1  }
0x1f9: {  	v6 =	vld [tilespmem:s24+$0x810];
	v1 =	vmul.f32 $3.125000000e-02, v2;
	[tilespmem:s22+$0x60] =	vst v9  }
0x1fa: {  	v7 =	vld [tilespmem:s24+$0x820];
	v10 =	vmul.f32 $3.125000000e-02, v60;
	[tilespmem:s24+$0x430] =	vst v0  }
0x1fb: {  	v8 =	vld [tilespmem:s24+$0x830];
	v0 =	vmul.f32 $3.125000000e-02, v3;
	[tilespmem:s24+$0x450] =	vst v1  }
0x1fc: {  	v52 =	vld [tilespmem:s24+$0x860];
	v1 =	vmul.f32 $3.125000000e-02, v4;
	[tilespmem:s22+$0x70] =	vst v10  }
0x1fd: {  	v53 =	vld [tilespmem:s24+$0xC70];
	[tilespmem:s24+$0x460] =	vst v0;
	v0 =	vmul.f32 $3.125000000e-02, v5  }
0x1fe: {  	v2 =	vld [tilespmem:s24+$0x870];
	[tilespmem:s24+$0x470] =	vst v1;
	v1 =	vmul.f32 $3.125000000e-02, v6  }
0x1ff: {  	v3 =	vld [tilespmem:s24+$0xC00];
	[tilespmem:s24+$0x800] =	vst v0;
	v0 =	vmul.f32 $3.125000000e-02, v7  }
0x200: {  	v4 =	vld [tilespmem:s24+$0xC10];
	[tilespmem:s24+$0x810] =	vst v1;
	v1 =	vmul.f32 $3.125000000e-02, v8  }
0x201: {  	v5 =	vld [tilespmem:s24+$0xC20];
	[tilespmem:s24+$0x820] =	vst v0;
	v0 =	vmul.f32 $3.125000000e-02, v51  }
0x202: {  	v6 =	vld [tilespmem:s24+$0xC30];
	[tilespmem:s24+$0x830] =	vst v1;
	v1 =	vmul.f32 $3.125000000e-02, v52  }
0x203: {  	v7 =	vld [tilespmem:s24+$0xC50];
	[tilespmem:s24+$0x850] =	vst v0;
	v0 =	vmul.f32 $3.125000000e-02, v2  }
0x204: {  	v8 =	vld [tilespmem:s24+$0xC60];
	[tilespmem:s24+$0x860] =	vst v1;
	v1 =	vmul.f32 $3.125000000e-02, v3  }
0x205: {  	v54 =	vld [tilespmem:s24+$0x1000];
	[tilespmem:s24+$0x870] =	vst v0;
	v0 =	vmul.f32 $3.125000000e-02, v4  }
0x206: {  	v55 =	vld [tilespmem:s24+$0x1410];
	[tilespmem:s24+$0xC00] =	vst v1;
	v1 =	vmul.f32 $3.125000000e-02, v5  }
0x207: {  	v2 =	vld [tilespmem:s24+$0x1010];
	[tilespmem:s24+$0xC10] =	vst v0;
	v0 =	vmul.f32 $3.125000000e-02, v6  }
0x208: {  	v3 =	vld [tilespmem:s24+$0x1020];
	[tilespmem:s24+$0xC20] =	vst v1;
	v1 =	vmul.f32 $3.125000000e-02, v7  }
0x209: {  	v4 =	vld [tilespmem:s24+$0x1030];
	[tilespmem:s24+$0xC30] =	vst v0;
	v0 =	vmul.f32 $3.125000000e-02, v8  }
0x20a: {  	v5 =	vld [tilespmem:s24+$0x1050];
	[tilespmem:s24+$0xC50] =	vst v1;
	v1 =	vmul.f32 $3.125000000e-02, v53  }
0x20b: {  	v6 =	vld [tilespmem:s24+$0x1060];
	[tilespmem:s24+$0xC60] =	vst v0;
	v0 =	vmul.f32 $3.125000000e-02, v54  }
0x20c: {  	v7 =	vld [tilespmem:s24+$0x1070];
	[tilespmem:s24+$0xC70] =	vst v1;
	v1 =	vmul.f32 $3.125000000e-02, v2  }
0x20d: {  	v8 =	vld [tilespmem:s24+$0x1400];
	[tilespmem:s24+$0x1000] =	vst v0;
	v0 =	vmul.f32 $3.125000000e-02, v3  }
0x20e: {  	v56 =	vld [tilespmem:s24+$0x1420];
	[tilespmem:s24+$0x1010] =	vst v1;
	v1 =	vmul.f32 $3.125000000e-02, v4  }
0x20f: {  	v57 =	vld [tilespmem:s22+$0x0];
	[tilespmem:s24+$0x1020] =	vst v0;
	v0 =	vmul.f32 $3.125000000e-02, v5  }
0x210: {  	v5 =	vld [tilespmem:s24+$0x1470];
	[tilespmem:s24+$0x1030] =	vst v1;
	v1 =	vmul.f32 $3.125000000e-02, v6  }
0x211: {  	v2 =	vld [tilespmem:s24+$0x1430];
	[tilespmem:s24+$0x1050] =	vst v0;
	v0 =	vmul.f32 $3.125000000e-02, v7  }
0x212: {  	v3 =	vld [tilespmem:s24+$0x1450];
	[tilespmem:s24+$0x1060] =	vst v1;
	v1 =	vmul.f32 $3.125000000e-02, v8  }
0x213: {  	v6 =	vld [tilespmem:s24+$0x1800];
	[tilespmem:s24+$0x1070] =	vst v0;
	v0 =	vmul.f32 $3.125000000e-02, v55  }
0x214: {  	v7 =	vld [tilespmem:s24+$0x1810];
	[tilespmem:s24+$0x1400] =	vst v1;
	v1 =	vmul.f32 $3.125000000e-02, v56  }
0x215: {  	v8 =	vld [tilespmem:s24+$0x1820];
	v5 =	vmul.f32 $3.125000000e-02, v5;
	[tilespmem:s24+$0x1410] =	vst v0  }
0x216: {  	v4 =	vld [tilespmem:s24+$0x1460];
	v0 =	vmul.f32 $3.125000000e-02, v2;
	[tilespmem:s24+$0x1420] =	vst v1  }
0x217: {  	v58 =	vld [tilespmem:s22+$0x10];
	v1 =	vmul.f32 $3.125000000e-02, v3;
	[tilespmem:s24+$0x1470] =	vst v5  }
0x218: {  	v61 =	vld [tilespmem:s24+$0x440];
	v5 =	vmul.f32 $3.125000000e-02, v6;
	[tilespmem:s24+$0x1430] =	vst v0  }
0x219: {  	v2 =	vld [tilespmem:s22+$0x20];
	v7 =	vmul.f32 $3.125000000e-02, v7;
	[tilespmem:s24+$0x1450] =	vst v1  }
0x21a: {  	v3 =	vld [tilespmem:s22+$0x30];
	v8 =	vmul.f32 $3.125000000e-02, v8;
	[tilespmem:s24+$0x1800] =	vst v5  }
0x21b: {  	v0 =	vmul.f32 $3.125000000e-02, v4;
	v4 =	vld [tilespmem:s22+$0x50];
	[tilespmem:s24+$0x1810] =	vst v7  }
0x21c: {  	v1 =	vmul.f32 $3.125000000e-02, v57;
	v7 =	vld [tilespmem:s22+$0x420];
	[tilespmem:s24+$0x1820] =	vst v8  }
0x21d: {  	v8 =	vld [tilespmem:s22+$0x430];
	[tilespmem:s24+$0x1460] =	vst v0;
	v0 =	vmul.f32 $3.125000000e-02, v58  }
0x21e: {  	[tilespmem:s22+$0x0] =	vst v1;
	v1 =	vld [tilespmem:s24+$0x1830];
	v2 =	vmul.f32 $3.125000000e-02, v2  }
0x21f: {  	v3 =	vmul.f32 $3.125000000e-02, v3;
	[tilespmem:s22+$0x10] =	vst v0;
	v0 =	vld [tilespmem:s24+$0x1850]  }
0x220: {  	[tilespmem:s22+$0x20] =	vst v2;
	v2 =	vld [tilespmem:s24+$0x1860];
	v4 =	vmul.f32 $3.125000000e-02, v4  }
0x221: {  	[tilespmem:s22+$0x30] =	vst v3;
	v3 =	vld [tilespmem:s24+$0x1870];
	v7 =	vmul.f32 $3.125000000e-02, v7  }
0x222: {  	v6 =	vld [tilespmem:s22+$0x400];
	v8 =	vmul.f32 $3.125000000e-02, v8;
	[tilespmem:s22+$0x50] =	vst v4  }
0x223: {  	v5 =	vld [tilespmem:s22+$0x410];
	v1 =	vmul.f32 $3.125000000e-02, v1;
	[tilespmem:s22+$0x420] =	vst v7  }
0x224: {  	v4 =	vld [tilespmem:s24+$0x40];
	[tilespmem:s22+$0x430] =	vst v8;
	v0 =	vmul.f32 $3.125000000e-02, v0  }
0x225: {  	[tilespmem:s24+$0x1830] =	vst v1;
	v1 =	vld [tilespmem:s22+$0x450];
	v2 =	vmul.f32 $3.125000000e-02, v2  }
0x226: {  	v62 =	vld [tilespmem:s24+$0x840];
	v3 =	vmul.f32 $3.125000000e-02, v3;
	[tilespmem:s24+$0x1850] =	vst v0  }
0x227: {  	v0 =	vmul.f32 $3.125000000e-02, v6;
	v6 =	vld [tilespmem:s22+$0x460];
	[tilespmem:s24+$0x1860] =	vst v2  }
0x228: {  	v7 =	vld [tilespmem:s24+$0x1440];
	v2 =	vmul.f32 $3.125000000e-02, v5;
	[tilespmem:s24+$0x1870] =	vst v3  }
0x229: {  	s31 =	sand.u32 $0x7, s21;
	v5 =	vld [tilespmem:s22+$0x470];
	v4 =	vmul.f32 $3.125000000e-02, v4;
	[tilespmem:s22+$0x400] =	vst v0  }
0x22a: {  	s23 =	sshll.u32 s31, $0x7;
	v0 =	vld [tilespmem:s24+$0xC40];
	[tilespmem:s22+$0x410] =	vst v2;
	v1 =	vmul.f32 $3.125000000e-02, v1  }
0x22b: {  	s23 =	sadd.s32 $0x0, s23;
	v9 =	vmul.f32 $3.125000000e-02, v61;
	v2 =	vld [tilespmem:s24+$0x1040];
	[tilespmem:s24+$0x40] =	vst v4  }
0x22c: {  	s25 =	sor.u32 $0x1C00, s23;
	v4 =	vld [tilespmem:s22+$0x810];
	[tilespmem:s22+$0x450] =	vst v1;
	v1 =	vmul.f32 $3.125000000e-02, v6  }
0x22d: {  	v10 =	vmul.f32 $3.125000000e-02, v62;
	v8 =	vld [tilespmem:s25+$0x0];
	[tilespmem:s24+$0x440] =	vst v9  }
0x22e: {  	v5 =	vmul.f32 $3.125000000e-02, v5;
	[tilespmem:s22+$0x460] =	vst v1;
	v1 =	vld [tilespmem:s24+$0x1840]  }
0x22f: {  	[tilespmem:s24+$0x840] =	vst v10;
	v0 =	vmul.f32 $3.125000000e-02, v0  }
0x230: {  	v2 =	vmul.f32 $3.125000000e-02, v2;
	[tilespmem:s22+$0x470] =	vst v5  }
0x231: {  	v5 =	vmul.f32 $3.125000000e-02, v7;
	[tilespmem:s24+$0xC40] =	vst v0  }
0x232: {  	v4 =	vmul.f32 $3.125000000e-02, v4;
	[tilespmem:s24+$0x1040] =	vst v2  }
0x233: {  	[tilespmem:s24+$0x1440] =	vst v5;
	v1 =	vmul.f32 $3.125000000e-02, v1  }
0x234: {  	v3 =	vld [tilespmem:s22+$0x800];
	[tilespmem:s22+$0x810] =	vst v4;
	v4 =	vmul.f32 $3.125000000e-02, v8  }
0x235: {  	[tilespmem:s24+$0x1840] =	vst v1  }
0x236: {  	v0 =	vld [tilespmem:s22+$0x850];
	[tilespmem:s25+$0x0] =	vst v4;
	s25 =	sor.u32 $0x1C10, s23  }
0x237: {  	v4 =	vld [tilespmem:s25+$0x0]  }
0x238: {  	v1 =	vld [tilespmem:s22+$0xC00]  }
0x239: {  	v2 =	vmul.f32 $3.125000000e-02, v3;
	v3 =	vld [tilespmem:s22+$0x860];
	_ =	sdelay $0x1  }
0x23a: {  	v0 =	vmul.f32 $3.125000000e-02, v0  }
0x23b: {  	v4 =	vmul.f32 $3.125000000e-02, v4  }
0x23c: {  	[tilespmem:s22+$0x850] =	vst v0;
	v0 =	vld [tilespmem:s22+$0xC30];
	v1 =	vmul.f32 $3.125000000e-02, v1  }
0x23d: {  	v63 =	vld [tilespmem:s22+$0x820];
	s26 =	sor.u32 $0x1C20, s23;
	v3 =	vmul.f32 $3.125000000e-02, v3;
	[tilespmem:s25+$0x0] =	vst v4  }
0x23e: {  	[tilespmem:s22+$0xC00] =	vst v1;
	v1 =	vld [tilespmem:s26+$0x0]  }
0x23f: {  	[tilespmem:s22+$0x860] =	vst v3;
	v3 =	vld [tilespmem:s22+$0xC50];
	_ =	sdelay $0x1  }
0x240: {  	v0 =	vmul.f32 $3.125000000e-02, v0  }
0x241: {  	[tilespmem:s22+$0x800] =	vst v2;
	v2 =	vmul.f32 $3.125000000e-02, v63  }
0x242: {  	v6 =	vld [tilespmem:s22+$0x830];
	[tilespmem:s22+$0xC30] =	vst v0;
	v0 =	vmul.f32 $3.125000000e-02, v1  }
0x243: {  	v5 =	vld [tilespmem:s22+$0x870];
	[tilespmem:s22+$0x820] =	vst v2;
	v3 =	vmul.f32 $3.125000000e-02, v3  }
0x244: {  	s29 =	sor.u32 $0x1C30, s23;
	v2 =	vld [tilespmem:s22+$0xC10];
	[tilespmem:s26+$0x0] =	vst v0  }
0x245: {  	[tilespmem:s22+$0xC50] =	vst v3;
	v3 =	vld [tilespmem:s29+$0x0];
	_ =	sdelay $0x1  }
0x246: {  	v6 =	vmul.f32 $3.125000000e-02, v6;
	v4 =	vld [tilespmem:s22+$0xC70]  }
0x247: {  	v5 =	vmul.f32 $3.125000000e-02, v5  }
0x248: {  	[tilespmem:s22+$0x830] =	vst v6;
	v2 =	vmul.f32 $3.125000000e-02, v2  }
0x249: {  	v6 =	vld [tilespmem:s22+$0xC20];
	[tilespmem:s22+$0x870] =	vst v5;
	v3 =	vmul.f32 $3.125000000e-02, v3  }
0x24a: {  	v5 =	vld [tilespmem:s22+$0xC60];
	[tilespmem:s22+$0xC10] =	vst v2  }
0x24b: {  	s30 =	sor.u32 $0x1C40, s23;
	v2 =	vld [tilespmem:s22+$0x1000];
	v4 =	vmul.f32 $3.125000000e-02, v4;
	[tilespmem:s29+$0x0] =	vst v3  }
0x24c: {  	v3 =	vld [tilespmem:s30+$0x0]  }
0x24d: {  	[tilespmem:s22+$0xC70] =	vst v4;
	v4 =	vld [tilespmem:s22+$0x1060]  }
0x24e: {  	v6 =	vmul.f32 $3.125000000e-02, v6;
	v0 =	vld [tilespmem:s22+$0x1030]  }
0x24f: {  	v5 =	vmul.f32 $3.125000000e-02, v5;
	v1 =	vld [tilespmem:s22+$0x1020]  }
0x250: {  	[tilespmem:s22+$0xC20] =	vst v6;
	v6 =	vld [tilespmem:s22+$0x1010];
	v2 =	vmul.f32 $3.125000000e-02, v2  }
0x251: {  	[tilespmem:s22+$0xC60] =	vst v5;
	v5 =	vld [tilespmem:s22+$0x1050];
	v3 =	vmul.f32 $3.125000000e-02, v3  }
0x252: {  	[tilespmem:s22+$0x1000] =	vst v2;
	v2 =	vld [tilespmem:s22+$0x1400];
	v4 =	vmul.f32 $3.125000000e-02, v4  }
0x253: {  	s31 =	sor.u32 $0x1C50, s23;
	v7 =	vld [tilespmem:s22+$0x1070];
	v0 =	vmul.f32 $3.125000000e-02, v0;
	[tilespmem:s30+$0x0] =	vst v3  }
0x254: {  	v1 =	vmul.f32 $3.125000000e-02, v1;
	[tilespmem:s22+$0x1060] =	vst v4;
	v4 =	vld [tilespmem:s31+$0x0]  }
0x255: {  	v6 =	vmul.f32 $3.125000000e-02, v6;
	[tilespmem:s22+$0x1030] =	vst v0;
	v0 =	vld [tilespmem:s22+$0x1420]  }
0x256: {  	v5 =	vmul.f32 $3.125000000e-02, v5;
	[tilespmem:s22+$0x1020] =	vst v1;
	v1 =	vld [tilespmem:s22+$0x1410]  }
0x257: {  	[tilespmem:s22+$0x1010] =	vst v6;
	v2 =	vmul.f32 $3.125000000e-02, v2  }
0x258: {  	v6 =	vmul.f32 $3.125000000e-02, v7;
	[tilespmem:s22+$0x1050] =	vst v5;
	v5 =	vld [tilespmem:s22+$0x1430]  }
0x259: {  	[tilespmem:s22+$0x1400] =	vst v2;
	v3 =	vld [tilespmem:s22+$0x1450];
	v2 =	vmul.f32 $3.125000000e-02, v4  }
0x25a: {  	[tilespmem:s22+$0x1070] =	vst v6;
	v6 =	vld [tilespmem:s22+$0x1460];
	v0 =	vmul.f32 $3.125000000e-02, v0  }
0x25b: {  	s28 =	sor.u32 $0x1C60, s23;
	v7 =	vld [tilespmem:s22+$0x1470];
	v1 =	vmul.f32 $3.125000000e-02, v1;
	[tilespmem:s31+$0x0] =	vst v2  }
0x25c: {  	[tilespmem:s22+$0x1420] =	vst v0;
	v0 =	vld [tilespmem:s28+$0x0]  }
0x25d: {  	[tilespmem:s22+$0x1410] =	vst v1;
	v1 =	vld [tilespmem:s22+$0x1800];
	v4 =	vmul.f32 $3.125000000e-02, v5  }
0x25e: {  	v5 =	vld [tilespmem:s22+$0x1810];
	v2 =	vmul.f32 $3.125000000e-02, v3  }
0x25f: {  	[tilespmem:s22+$0x1430] =	vst v4;
	v4 =	vld [tilespmem:s22+$0x1820];
	v3 =	vmul.f32 $3.125000000e-02, v6  }
0x260: {  	v6 =	vmul.f32 $3.125000000e-02, v7;
	[tilespmem:s22+$0x1450] =	vst v2;
	v2 =	vld [tilespmem:s22+$0x1830]  }
0x261: {  	s24 =	simm.s32 $0x0;
	s25 =	simm.s32 $0xFFFF8400;
	s26 =	simm.s32 $0x100;
	[tilespmem:s22+$0x1460] =	vst v3;
	v3 =	vld [tilespmem:s22+$0x1850];
	v0 =	vmul.f32 $3.125000000e-02, v0  }
.LBB2_7:
0x262: {  	p0 =	sne.s32 s26, $0xF80;
	[tilespmem:s22+$0x1470] =	vst v6;
	v1 =	vmul.f32 $3.125000000e-02, v1;
	v6 =	vld [tilespmem:s22+$0x1860]  }
0x263: {  	v5 =	vmul.f32 $3.125000000e-02, v5;
	v7 =	vld [tilespmem:s22+$0x1870];
	[tilespmem:s28+$0x0] =	vst v0;
	s28 =	sor.u32 $0x1C70, s23  }
0x264: {  	[tilespmem:s22+$0x1800] =	vst v1;
	v0 =	vmul.f32 $3.125000000e-02, v4;
	v1 =	vld [tilespmem:s28+$0x0]  }
0x265: {  	v4 =	vld [tilespmem:s22+$0x40];
	[tilespmem:s22+$0x1810] =	vst v5;
	v2 =	vmul.f32 $3.125000000e-02, v2  }
0x266: {  	v5 =	vld [tilespmem:s22+$0x440];
	[tilespmem:s22+$0x1820] =	vst v0;
	v0 =	vmul.f32 $3.125000000e-02, v3  }
0x267: {  	s21 =	sadd.s32 $0x1, s21;
	v3 =	vld [tilespmem:s22+$0x840];
	[tilespmem:s22+$0x1830] =	vst v2;
	v2 =	vmul.f32 $3.125000000e-02, v6  }
0x268: {  	s23 =	sand.u32 $0x7, s21;
	v6 =	vld [tilespmem:s22+$0xC40];
	[tilespmem:s22+$0x1850] =	vst v0;
	v0 =	vmul.f32 $3.125000000e-02, v7  }
0x269: {  	s25 =	sadd.s32 $0x400, s25;
	s24 =	sadd.s32 $0x400, s24;
	s23 =	sshll.u32 s23, $0x7;
	v7 =	vld [tilespmem:s22+$0x1040];
	[tilespmem:s22+$0x1860] =	vst v2;
	v1 =	vmul.f32 $3.125000000e-02, v1  }
0x26a: {  	s29 =	sadd.s32 $0x8000, s25;
	s23 =	sadd.s32 s23, s24;
	v2 =	vmul.f32 $3.125000000e-02, v4;
	v4 =	vld [tilespmem:s22+$0x1440];
	[tilespmem:s22+$0x1870] =	vst v0  }
0x26b: {  	s30 =	sand.u32 $0x380, s26;
	s29 =	sand.u32 $0x6000, s29;
	s31 =	sor.u32 $0x1C00, s23;
	v0 =	vmul.f32 $3.125000000e-02, v5;
	v5 =	vld [tilespmem:s22+$0x1840];
	[tilespmem:s28+$0x0] =	vst v1  }
0x26c: {  	s28 =	sor.u32 s30, s29;
	[tilespmem:s22+$0x40] =	vst v2;
	v1 =	vmul.f32 $3.125000000e-02, v3;
	v2 =	vld [tilespmem:s31+$0x0]  }
0x26d: {  	v3 =	vld [tilespmem:s28+$0x0];
	[tilespmem:s22+$0x440] =	vst v0;
	v0 =	vmul.f32 $3.125000000e-02, v6  }
0x26e: {  	v6 =	vld [tilespmem:s28+$0x10];
	[tilespmem:s22+$0x840] =	vst v1;
	v1 =	vmul.f32 $3.125000000e-02, v7  }
0x26f: {  	v7 =	vld [tilespmem:s28+$0x20];
	[tilespmem:s22+$0xC40] =	vst v0;
	v0 =	vmul.f32 $3.125000000e-02, v4  }
0x270: {  	v4 =	vld [tilespmem:s28+$0x30];
	[tilespmem:s22+$0x1040] =	vst v1;
	v1 =	vmul.f32 $3.125000000e-02, v5  }
0x271: {  	v5 =	vld [tilespmem:s28+$0x50];
	[tilespmem:s22+$0x1440] =	vst v0;
	v0 =	vmul.f32 $3.125000000e-02, v2  }
0x272: {  	v2 =	vmul.f32 $3.125000000e-02, v3;
	v3 =	vld [tilespmem:s28+$0x60];
	[tilespmem:s22+$0x1840] =	vst v1;
	s22 =	smov.u32 s28  }
0x273: {  	s28 =	sor.u32 $0x1C10, s23;
	v1 =	vmul.f32 $3.125000000e-02, v6;
	v6 =	vld [tilespmem:s22+$0x70];
	[tilespmem:s31+$0x0] =	vst v0  }
0x274: {  	[tilespmem:s22+$0x0] =	vst v2;
	v0 =	vmul.f32 $3.125000000e-02, v7;
	v2 =	vld [tilespmem:s28+$0x0]  }
0x275: {  	[tilespmem:s22+$0x10] =	vst v1;
	v1 =	vmul.f32 $3.125000000e-02, v4;
	v4 =	vld [tilespmem:s22+$0x400]  }
0x276: {  	[tilespmem:s22+$0x20] =	vst v0;
	v0 =	vmul.f32 $3.125000000e-02, v5;
	v5 =	vld [tilespmem:s22+$0x410]  }
0x277: {  	[tilespmem:s22+$0x30] =	vst v1;
	v1 =	vmul.f32 $3.125000000e-02, v3;
	v3 =	vld [tilespmem:s22+$0x420]  }
0x278: {  	[tilespmem:s22+$0x50] =	vst v0;
	v0 =	vmul.f32 $3.125000000e-02, v6;
	v6 =	vld [tilespmem:s22+$0x430]  }
0x279: {  	[tilespmem:s22+$0x60] =	vst v1;
	v1 =	vld [tilespmem:s22+$0x450];
	v2 =	vmul.f32 $3.125000000e-02, v2  }
0x27a: {  	[tilespmem:s22+$0x70] =	vst v0;
	v0 =	vmul.f32 $3.125000000e-02, v4;
	v4 =	vld [tilespmem:s22+$0x460]  }
0x27b: {  	v5 =	vmul.f32 $3.125000000e-02, v5;
	v7 =	vld [tilespmem:s22+$0x470];
	[tilespmem:s28+$0x0] =	vst v2;
	s28 =	sor.u32 $0x1C20, s23  }
0x27c: {  	[tilespmem:s22+$0x400] =	vst v0;
	v0 =	vmul.f32 $3.125000000e-02, v3;
	v2 =	vld [tilespmem:s28+$0x0]  }
0x27d: {  	[tilespmem:s22+$0x410] =	vst v5;
	v3 =	vmul.f32 $3.125000000e-02, v6;
	v5 =	vld [tilespmem:s22+$0x800]  }
0x27e: {  	[tilespmem:s22+$0x420] =	vst v0;
	v0 =	vmul.f32 $3.125000000e-02, v1;
	v1 =	vld [tilespmem:s22+$0x810]  }
0x27f: {  	[tilespmem:s22+$0x430] =	vst v3;
	v3 =	vmul.f32 $3.125000000e-02, v4;
	v4 =	vld [tilespmem:s22+$0x820]  }
0x280: {  	[tilespmem:s22+$0x450] =	vst v0;
	v0 =	vmul.f32 $3.125000000e-02, v7;
	v6 =	vld [tilespmem:s22+$0x830]  }
0x281: {  	[tilespmem:s22+$0x460] =	vst v3;
	v3 =	vld [tilespmem:s22+$0x850];
	v2 =	vmul.f32 $3.125000000e-02, v2  }
0x282: {  	[tilespmem:s22+$0x470] =	vst v0;
	v0 =	vmul.f32 $3.125000000e-02, v5;
	v5 =	vld [tilespmem:s22+$0x860]  }
0x283: {  	v1 =	vmul.f32 $3.125000000e-02, v1;
	v7 =	vld [tilespmem:s22+$0x870];
	[tilespmem:s28+$0x0] =	vst v2;
	s28 =	sor.u32 $0x1C30, s23  }
0x284: {  	[tilespmem:s22+$0x800] =	vst v0;
	v0 =	vmul.f32 $3.125000000e-02, v4;
	v2 =	vld [tilespmem:s28+$0x0]  }
0x285: {  	[tilespmem:s22+$0x810] =	vst v1;
	v1 =	vmul.f32 $3.125000000e-02, v6;
	v4 =	vld [tilespmem:s22+$0xC00]  }
0x286: {  	[tilespmem:s22+$0x820] =	vst v0;
	v0 =	vmul.f32 $3.125000000e-02, v3;
	v3 =	vld [tilespmem:s22+$0xC10]  }
0x287: {  	[tilespmem:s22+$0x830] =	vst v1;
	v1 =	vmul.f32 $3.125000000e-02, v5;
	v5 =	vld [tilespmem:s22+$0xC20]  }
0x288: {  	[tilespmem:s22+$0x850] =	vst v0;
	v0 =	vmul.f32 $3.125000000e-02, v7;
	v6 =	vld [tilespmem:s22+$0xC30]  }
0x289: {  	[tilespmem:s22+$0x860] =	vst v1;
	v1 =	vld [tilespmem:s22+$0xC50];
	v2 =	vmul.f32 $3.125000000e-02, v2  }
0x28a: {  	[tilespmem:s22+$0x870] =	vst v0;
	v0 =	vmul.f32 $3.125000000e-02, v4;
	v4 =	vld [tilespmem:s22+$0xC60]  }
0x28b: {  	v3 =	vmul.f32 $3.125000000e-02, v3;
	v7 =	vld [tilespmem:s22+$0xC70];
	[tilespmem:s28+$0x0] =	vst v2;
	s28 =	sor.u32 $0x1C40, s23  }
0x28c: {  	[tilespmem:s22+$0xC00] =	vst v0;
	v0 =	vmul.f32 $3.125000000e-02, v5;
	v2 =	vld [tilespmem:s28+$0x0]  }
0x28d: {  	[tilespmem:s22+$0xC10] =	vst v3;
	v3 =	vmul.f32 $3.125000000e-02, v6;
	v5 =	vld [tilespmem:s22+$0x1000]  }
0x28e: {  	[tilespmem:s22+$0xC20] =	vst v0;
	v0 =	vmul.f32 $3.125000000e-02, v1;
	v1 =	vld [tilespmem:s22+$0x1010]  }
0x28f: {  	[tilespmem:s22+$0xC30] =	vst v3;
	v3 =	vmul.f32 $3.125000000e-02, v4;
	v4 =	vld [tilespmem:s22+$0x1020]  }
0x290: {  	[tilespmem:s22+$0xC50] =	vst v0;
	v0 =	vmul.f32 $3.125000000e-02, v7;
	v6 =	vld [tilespmem:s22+$0x1030]  }
0x291: {  	[tilespmem:s22+$0xC60] =	vst v3;
	v3 =	vld [tilespmem:s22+$0x1050];
	v2 =	vmul.f32 $3.125000000e-02, v2  }
0x292: {  	[tilespmem:s22+$0xC70] =	vst v0;
	v0 =	vmul.f32 $3.125000000e-02, v5;
	v5 =	vld [tilespmem:s22+$0x1060]  }
0x293: {  	v1 =	vmul.f32 $3.125000000e-02, v1;
	v7 =	vld [tilespmem:s22+$0x1070];
	[tilespmem:s28+$0x0] =	vst v2;
	s28 =	sor.u32 $0x1C50, s23  }
0x294: {  	[tilespmem:s22+$0x1000] =	vst v0;
	v0 =	vmul.f32 $3.125000000e-02, v4;
	v2 =	vld [tilespmem:s28+$0x0]  }
0x295: {  	[tilespmem:s22+$0x1010] =	vst v1;
	v1 =	vmul.f32 $3.125000000e-02, v6;
	v4 =	vld [tilespmem:s22+$0x1400]  }
0x296: {  	[tilespmem:s22+$0x1020] =	vst v0;
	v0 =	vmul.f32 $3.125000000e-02, v3;
	v3 =	vld [tilespmem:s22+$0x1410]  }
0x297: {  	[tilespmem:s22+$0x1030] =	vst v1;
	v1 =	vmul.f32 $3.125000000e-02, v5;
	v5 =	vld [tilespmem:s22+$0x1420]  }
0x298: {  	[tilespmem:s22+$0x1050] =	vst v0;
	v0 =	vmul.f32 $3.125000000e-02, v7;
	v6 =	vld [tilespmem:s22+$0x1430]  }
0x299: {  	[tilespmem:s22+$0x1060] =	vst v1;
	v7 =	vld [tilespmem:s22+$0x1450];
	v1 =	vmul.f32 $3.125000000e-02, v2  }
0x29a: {  	[tilespmem:s22+$0x1070] =	vst v0;
	v0 =	vmul.f32 $3.125000000e-02, v4;
	v2 =	vld [tilespmem:s22+$0x1460]  }
0x29b: {  	v3 =	vmul.f32 $3.125000000e-02, v3;
	v8 =	vld [tilespmem:s22+$0x1470];
	[tilespmem:s28+$0x0] =	vst v1;
	s28 =	sor.u32 $0x1C60, s23  }
0x29c: {  	[tilespmem:s22+$0x1400] =	vst v0;
	v0 =	vmul.f32 $3.125000000e-02, v5;
	v9 =	vld [tilespmem:s28+$0x0]  }
.Ltmp2:
0x29d: {  	[tilespmem:s22+$0x1410] =	vst v3;
	v3 =	vmul.f32 $3.125000000e-02, v6;
	v1 =	vld [tilespmem:s22+$0x1800];
	(pc) =	sbr.rel @p0 .LBB2_7-.Ltmp2, $4  }
0x29e: {  	[tilespmem:s22+$0x1420] =	vst v0;
	v0 =	vmul.f32 $3.125000000e-02, v7;
	v5 =	vld [tilespmem:s22+$0x1810]  }
0x29f: {  	[tilespmem:s22+$0x1430] =	vst v3;
	v3 =	vmul.f32 $3.125000000e-02, v2;
	v4 =	vld [tilespmem:s22+$0x1820]  }
0x2a0: {  	[tilespmem:s22+$0x1450] =	vst v0;
	v6 =	vmul.f32 $3.125000000e-02, v8;
	v2 =	vld [tilespmem:s22+$0x1830]  }
0x2a1: {  	s26 =	sadd.s32 $0x80, s26;
	[tilespmem:s22+$0x1460] =	vst v3;
	v3 =	vld [tilespmem:s22+$0x1850];
	v0 =	vmul.f32 $3.125000000e-02, v9  }
0x2a2: {  	[tilespmem:s22+$0x1470] =	vst v6;
	v1 =	vmul.f32 $3.125000000e-02, v1;
	v6 =	vld [tilespmem:s22+$0x1860]  }
0x2a3: {  	v7 =	vld [tilespmem:s22+$0x1870];
	v5 =	vmul.f32 $3.125000000e-02, v5  }
0x2a4: {  	[tilespmem:s22+$0x1800] =	vst v1;
	v1 =	vld [tilespmem:s22+$0x40];
	v4 =	vmul.f32 $3.125000000e-02, v4  }
0x2a5: {  	[tilespmem:s22+$0x1810] =	vst v5;
	v2 =	vmul.f32 $3.125000000e-02, v2  }
0x2a6: {  	v5 =	vld [tilespmem:s22+$0x440];
	[tilespmem:s22+$0x1820] =	vst v4;
	v3 =	vmul.f32 $3.125000000e-02, v3  }
0x2a7: {  	s21 =	sadd.s32 $0x1, s21;
	v4 =	vld [tilespmem:s22+$0x840];
	[tilespmem:s22+$0x1830] =	vst v2;
	v6 =	vmul.f32 $3.125000000e-02, v6  }
0x2a8: {  	s21 =	sand.u32 $0x7, s21;
	v2 =	vld [tilespmem:s22+$0xC40];
	v7 =	vmul.f32 $3.125000000e-02, v7;
	[tilespmem:s22+$0x1850] =	vst v3  }
0x2a9: {  	s24 =	sadd.s32 $0x400, s24;
	s21 =	sshll.u32 s21, $0x7;
	v3 =	vld [tilespmem:s22+$0x1040];
	[tilespmem:s22+$0x1860] =	vst v6;
	v1 =	vmul.f32 $3.125000000e-02, v1  }
0x2aa: {  	s21 =	sadd.s32 s21, s24;
	v6 =	vld [tilespmem:s22+$0x1440];
	[tilespmem:s22+$0x1870] =	vst v7  }
0x2ab: {  	s24 =	sor.u32 $0x1C00, s21;
	v7 =	vld [tilespmem:s22+$0x1840];
	v5 =	vmul.f32 $3.125000000e-02, v5;
	[tilespmem:s22+$0x40] =	vst v1  }
0x2ac: {  	v1 =	vmul.f32 $3.125000000e-02, v4;
	v4 =	vld [tilespmem:s24+$0x0]  }
0x2ad: {  	[tilespmem:s22+$0x440] =	vst v5;
	v2 =	vmul.f32 $3.125000000e-02, v2  }
0x2ae: {  	[tilespmem:s22+$0x840] =	vst v1;
	v1 =	vmul.f32 $3.125000000e-02, v3  }
0x2af: {  	[tilespmem:s22+$0xC40] =	vst v2;
	v2 =	vmul.f32 $3.125000000e-02, v6  }
0x2b0: {  	[tilespmem:s22+$0x1040] =	vst v1;
	v1 =	vmul.f32 $3.125000000e-02, v7  }
0x2b1: {  	[tilespmem:s22+$0x1440] =	vst v2;
	v2 =	vmul.f32 $3.125000000e-02, v4  }
0x2b2: {  	[tilespmem:s22+$0x1840] =	vst v1  }
0x2b3: {  	[tilespmem:s24+$0x0] =	vst v2;
	s24 =	sor.u32 $0x1C10, s21  }
0x2b4: {  	v1 =	vld [tilespmem:s24+$0x0];
	_ =	sdelay $0x4  }
0x2b5: {  	v1 =	vmul.f32 $3.125000000e-02, v1;
	_ =	sdelay $0x1  }
0x2b6: {  	s25 =	sor.u32 $0x1C20, s21;
	[tilespmem:s24+$0x0] =	vst v1  }
0x2b7: {  	v1 =	vld [tilespmem:s25+$0x0];
	_ =	sdelay $0x4  }
0x2b8: {  	v1 =	vmul.f32 $3.125000000e-02, v1;
	_ =	sdelay $0x1  }
0x2b9: {  	s26 =	sor.u32 $0x1C30, s21;
	[tilespmem:s25+$0x0] =	vst v1  }
0x2ba: {  	v1 =	vld [tilespmem:s26+$0x0];
	_ =	sdelay $0x4  }
0x2bb: {  	v1 =	vmul.f32 $3.125000000e-02, v1;
	_ =	sdelay $0x1  }
0x2bc: {  	s29 =	sor.u32 $0x1C40, s21;
	[tilespmem:s26+$0x0] =	vst v1  }
0x2bd: {  	v1 =	vld [tilespmem:s29+$0x0];
	_ =	sdelay $0x4  }
0x2be: {  	v1 =	vmul.f32 $3.125000000e-02, v1;
	_ =	sdelay $0x1  }
0x2bf: {  	s30 =	sor.u32 $0x1C50, s21;
	[tilespmem:s29+$0x0] =	vst v1  }
0x2c0: {  	v1 =	vld [tilespmem:s30+$0x0];
	_ =	sdelay $0x4  }
0x2c1: {  	v1 =	vmul.f32 $3.125000000e-02, v1;
	_ =	sdelay $0x1  }
0x2c2: {  	s31 =	sor.u32 $0x1C60, s21;
	[tilespmem:s30+$0x0] =	vst v1  }
0x2c3: {  	v1 =	vld [tilespmem:s31+$0x0];
	_ =	sdelay $0x4  }
0x2c4: {  	v1 =	vmul.f32 $3.125000000e-02, v1  }
0x2c5: {  	s23 =	sor.u32 $0x1C70, s23;
	[tilespmem:s28+$0x0] =	vst v0  }
0x2c6: {  	v0 =	vld [tilespmem:s23+$0x0];
	s21 =	sor.u32 $0x1C70, s21;
	[tilespmem:s31+$0x0] =	vst v1  }
0x2c7: {  	v1 =	vld [tilespmem:s21+$0x0];
	_ =	sdelay $0x3  }
0x2c8: {  	v0 =	vmul.f32 $3.125000000e-02, v0  }
0x2c9: {  	v1 =	vmul.f32 $3.125000000e-02, v1  }
0x2ca: {  	[tilespmem:s23+$0x0] =	vst v0  }
0x2cb: {  	s24 =	sadd.s32 s3, s20;
	s20 =	simm.s32 $0x0;
	[tilespmem:s21+$0x0] =	vst v1  }
0x2cc: {  	[hbm4b:s24+s20] =	stream.linear.scatter [tilespmem:s20], [sflag:$0x3], $0x8000, $0x38;
	[tilespmem:$0x10000] =	vst v63  }
0x2cd: {  	_ =	swait.ge [sflag:s16], $0x8000  }
0x2ce: {  	s19 =	sadd.s32 s6, s19;
	[sflag:s16] =	ssyncset.done $0x0  }
0x2cf: {  	s25 =	sadd.s32 s2, s19;
	[sflag:s16] =	ssyncadd.s32 $0xFFFF8000  }
0x2d0: {  	[tilespmem:s12], [sflag:$0x2] =	stream.linear.gather [hbm4b:s25+s20], $0x8000, $0x38;
	[tilespmem:$0x10000] =	vst v63  }
0x2d1: {  	s26 =	simm.s32 $0x0;
	_ =	swait.ge [sflag:s14], $0x8000  }
0x2d2: {  	s28 =	sand.u32 $0x380, s20;
	s21 =	sand.u32 $0x6000, s26;
	[sflag:s14] =	ssyncset.done $0x0  }
0x2d3: {  	s29 =	sor.u32 s28, s21;
	[sflag:s14] =	ssyncadd.s32 $0xFFFF8000  }
0x2d4: {  	v0 =	vld [tilespmem:s29+$0x8000]  }
0x2d5: {  	v1 =	vld [tilespmem:s29+$0x8010]  }
0x2d6: {  	v2 =	vld [tilespmem:s29+$0x8020]  }
0x2d7: {  	v3 =	vld [tilespmem:s29+$0x8030]  }
0x2d8: {  	v4 =	vld [tilespmem:s29+$0x8050]  }
0x2d9: {  	v5 =	vld [tilespmem:s29+$0x8060]  }
0x2da: {  	v6 =	vld [tilespmem:s29+$0x8070];
	v0 =	vmul.f32 $3.125000000e-02, v0  }
0x2db: {  	v7 =	vld [tilespmem:s29+$0x8400];
	v1 =	vmul.f32 $3.125000000e-02, v1  }
0x2dc: {  	s30 =	simm.s32 $0x80;
	s31 =	simm.s32 $0x400;
	v8 =	vld [tilespmem:s29+$0x8410];
	[tilespmem:s29+$0x8000] =	vst v0;
	v0 =	vmul.f32 $3.125000000e-02, v2  }
0x2dd: {  	s22 =	sand.u32 $0x6000, s31;
	s21 =	sand.u32 $0x380, s30;
	v9 =	vld [tilespmem:s29+$0x8420];
	[tilespmem:s29+$0x8010] =	vst v1;
	v1 =	vmul.f32 $3.125000000e-02, v3  }
0x2de: {  	s21 =	sor.u32 s21, s22;
	v10 =	vld [tilespmem:s29+$0x8430];
	[tilespmem:s29+$0x8020] =	vst v0;
	v0 =	vmul.f32 $3.125000000e-02, v4  }
0x2df: {  	v59 =	vld [tilespmem:s21+$0x8060];
	[tilespmem:s29+$0x8030] =	vst v1;
	v1 =	vmul.f32 $3.125000000e-02, v5  }
0x2e0: {  	v51 =	vld [tilespmem:s29+$0x8850];
	[tilespmem:s29+$0x8050] =	vst v0;
	v0 =	vmul.f32 $3.125000000e-02, v6  }
0x2e1: {  	v2 =	vld [tilespmem:s29+$0x8450];
	[tilespmem:s29+$0x8060] =	vst v1;
	v1 =	vmul.f32 $3.125000000e-02, v7  }
0x2e2: {  	v60 =	vld [tilespmem:s21+$0x8070];
	[tilespmem:s29+$0x8070] =	vst v0;
	v0 =	vmul.f32 $3.125000000e-02, v8  }
0x2e3: {  	v3 =	vld [tilespmem:s29+$0x8460];
	[tilespmem:s29+$0x8400] =	vst v1;
	v1 =	vmul.f32 $3.125000000e-02, v9  }
0x2e4: {  	v4 =	vld [tilespmem:s29+$0x8470];
	v9 =	vmul.f32 $3.125000000e-02, v59;
	[tilespmem:s29+$0x8410] =	vst v0  }
0x2e5: {  	v5 =	vld [tilespmem:s29+$0x8800];
	v0 =	vmul.f32 $3.125000000e-02, v10;
	[tilespmem:s29+$0x8420] =	vst v1  }
0x2e6: {  	v6 =	vld [tilespmem:s29+$0x8810];
	v1 =	vmul.f32 $3.125000000e-02, v2;
	[tilespmem:s21+$0x8060] =	vst v9  }
0x2e7: {  	v7 =	vld [tilespmem:s29+$0x8820];
	v10 =	vmul.f32 $3.125000000e-02, v60;
	[tilespmem:s29+$0x8430] =	vst v0  }
0x2e8: {  	v8 =	vld [tilespmem:s29+$0x8830];
	v0 =	vmul.f32 $3.125000000e-02, v3;
	[tilespmem:s29+$0x8450] =	vst v1  }
0x2e9: {  	v52 =	vld [tilespmem:s29+$0x8860];
	v1 =	vmul.f32 $3.125000000e-02, v4;
	[tilespmem:s21+$0x8070] =	vst v10  }
0x2ea: {  	v53 =	vld [tilespmem:s29+$0x8C70];
	[tilespmem:s29+$0x8460] =	vst v0;
	v0 =	vmul.f32 $3.125000000e-02, v5  }
0x2eb: {  	v2 =	vld [tilespmem:s29+$0x8870];
	[tilespmem:s29+$0x8470] =	vst v1;
	v1 =	vmul.f32 $3.125000000e-02, v6  }
0x2ec: {  	v3 =	vld [tilespmem:s29+$0x8C00];
	[tilespmem:s29+$0x8800] =	vst v0;
	v0 =	vmul.f32 $3.125000000e-02, v7  }
0x2ed: {  	v4 =	vld [tilespmem:s29+$0x8C10];
	[tilespmem:s29+$0x8810] =	vst v1;
	v1 =	vmul.f32 $3.125000000e-02, v8  }
0x2ee: {  	v5 =	vld [tilespmem:s29+$0x8C20];
	[tilespmem:s29+$0x8820] =	vst v0;
	v0 =	vmul.f32 $3.125000000e-02, v51  }
0x2ef: {  	v6 =	vld [tilespmem:s29+$0x8C30];
	[tilespmem:s29+$0x8830] =	vst v1;
	v1 =	vmul.f32 $3.125000000e-02, v52  }
0x2f0: {  	v7 =	vld [tilespmem:s29+$0x8C50];
	[tilespmem:s29+$0x8850] =	vst v0;
	v0 =	vmul.f32 $3.125000000e-02, v2  }
0x2f1: {  	v8 =	vld [tilespmem:s29+$0x8C60];
	[tilespmem:s29+$0x8860] =	vst v1;
	v1 =	vmul.f32 $3.125000000e-02, v3  }
0x2f2: {  	v54 =	vld [tilespmem:s29+$0x9000];
	[tilespmem:s29+$0x8870] =	vst v0;
	v0 =	vmul.f32 $3.125000000e-02, v4  }
0x2f3: {  	v55 =	vld [tilespmem:s29+$0x9410];
	[tilespmem:s29+$0x8C00] =	vst v1;
	v1 =	vmul.f32 $3.125000000e-02, v5  }
0x2f4: {  	v2 =	vld [tilespmem:s29+$0x9010];
	[tilespmem:s29+$0x8C10] =	vst v0;
	v0 =	vmul.f32 $3.125000000e-02, v6  }
0x2f5: {  	v3 =	vld [tilespmem:s29+$0x9020];
	[tilespmem:s29+$0x8C20] =	vst v1;
	v1 =	vmul.f32 $3.125000000e-02, v7  }
0x2f6: {  	v4 =	vld [tilespmem:s29+$0x9030];
	[tilespmem:s29+$0x8C30] =	vst v0;
	v0 =	vmul.f32 $3.125000000e-02, v8  }
0x2f7: {  	v5 =	vld [tilespmem:s29+$0x9050];
	[tilespmem:s29+$0x8C50] =	vst v1;
	v1 =	vmul.f32 $3.125000000e-02, v53  }
0x2f8: {  	v6 =	vld [tilespmem:s29+$0x9060];
	[tilespmem:s29+$0x8C60] =	vst v0;
	v0 =	vmul.f32 $3.125000000e-02, v54  }
0x2f9: {  	v7 =	vld [tilespmem:s29+$0x9070];
	[tilespmem:s29+$0x8C70] =	vst v1;
	v1 =	vmul.f32 $3.125000000e-02, v2  }
0x2fa: {  	v8 =	vld [tilespmem:s29+$0x9400];
	[tilespmem:s29+$0x9000] =	vst v0;
	v0 =	vmul.f32 $3.125000000e-02, v3  }
0x2fb: {  	v56 =	vld [tilespmem:s29+$0x9420];
	[tilespmem:s29+$0x9010] =	vst v1;
	v1 =	vmul.f32 $3.125000000e-02, v4  }
0x2fc: {  	v57 =	vld [tilespmem:s21+$0x8000];
	[tilespmem:s29+$0x9020] =	vst v0;
	v0 =	vmul.f32 $3.125000000e-02, v5  }
0x2fd: {  	v5 =	vld [tilespmem:s29+$0x9470];
	[tilespmem:s29+$0x9030] =	vst v1;
	v1 =	vmul.f32 $3.125000000e-02, v6  }
0x2fe: {  	v2 =	vld [tilespmem:s29+$0x9430];
	[tilespmem:s29+$0x9050] =	vst v0;
	v0 =	vmul.f32 $3.125000000e-02, v7  }
0x2ff: {  	v3 =	vld [tilespmem:s29+$0x9450];
	[tilespmem:s29+$0x9060] =	vst v1;
	v1 =	vmul.f32 $3.125000000e-02, v8  }
0x300: {  	v6 =	vld [tilespmem:s29+$0x9800];
	[tilespmem:s29+$0x9070] =	vst v0;
	v0 =	vmul.f32 $3.125000000e-02, v55  }
0x301: {  	v7 =	vld [tilespmem:s29+$0x9810];
	[tilespmem:s29+$0x9400] =	vst v1;
	v1 =	vmul.f32 $3.125000000e-02, v56  }
0x302: {  	v8 =	vld [tilespmem:s29+$0x9820];
	v5 =	vmul.f32 $3.125000000e-02, v5;
	[tilespmem:s29+$0x9410] =	vst v0  }
0x303: {  	v4 =	vld [tilespmem:s29+$0x9460];
	v0 =	vmul.f32 $3.125000000e-02, v2;
	[tilespmem:s29+$0x9420] =	vst v1  }
0x304: {  	v58 =	vld [tilespmem:s21+$0x8010];
	v1 =	vmul.f32 $3.125000000e-02, v3;
	[tilespmem:s29+$0x9470] =	vst v5  }
0x305: {  	v61 =	vld [tilespmem:s29+$0x8440];
	v5 =	vmul.f32 $3.125000000e-02, v6;
	[tilespmem:s29+$0x9430] =	vst v0  }
0x306: {  	v2 =	vld [tilespmem:s21+$0x8020];
	v7 =	vmul.f32 $3.125000000e-02, v7;
	[tilespmem:s29+$0x9450] =	vst v1  }
0x307: {  	v3 =	vld [tilespmem:s21+$0x8030];
	v8 =	vmul.f32 $3.125000000e-02, v8;
	[tilespmem:s29+$0x9800] =	vst v5  }
0x308: {  	v0 =	vmul.f32 $3.125000000e-02, v4;
	v4 =	vld [tilespmem:s21+$0x8050];
	[tilespmem:s29+$0x9810] =	vst v7  }
0x309: {  	v1 =	vmul.f32 $3.125000000e-02, v57;
	v7 =	vld [tilespmem:s21+$0x8420];
	[tilespmem:s29+$0x9820] =	vst v8  }
0x30a: {  	v8 =	vld [tilespmem:s21+$0x8430];
	[tilespmem:s29+$0x9460] =	vst v0;
	v0 =	vmul.f32 $3.125000000e-02, v58  }
0x30b: {  	[tilespmem:s21+$0x8000] =	vst v1;
	v1 =	vld [tilespmem:s29+$0x9830];
	v2 =	vmul.f32 $3.125000000e-02, v2  }
0x30c: {  	v3 =	vmul.f32 $3.125000000e-02, v3;
	[tilespmem:s21+$0x8010] =	vst v0;
	v0 =	vld [tilespmem:s29+$0x9850]  }
0x30d: {  	[tilespmem:s21+$0x8020] =	vst v2;
	v2 =	vld [tilespmem:s29+$0x9860];
	v4 =	vmul.f32 $3.125000000e-02, v4  }
0x30e: {  	[tilespmem:s21+$0x8030] =	vst v3;
	v3 =	vld [tilespmem:s29+$0x9870];
	v7 =	vmul.f32 $3.125000000e-02, v7  }
0x30f: {  	v6 =	vld [tilespmem:s21+$0x8400];
	v8 =	vmul.f32 $3.125000000e-02, v8;
	[tilespmem:s21+$0x8050] =	vst v4  }
0x310: {  	v5 =	vld [tilespmem:s21+$0x8410];
	v1 =	vmul.f32 $3.125000000e-02, v1;
	[tilespmem:s21+$0x8420] =	vst v7  }
0x311: {  	v4 =	vld [tilespmem:s29+$0x8040];
	[tilespmem:s21+$0x8430] =	vst v8;
	v0 =	vmul.f32 $3.125000000e-02, v0  }
0x312: {  	[tilespmem:s29+$0x9830] =	vst v1;
	v1 =	vld [tilespmem:s21+$0x8450];
	v2 =	vmul.f32 $3.125000000e-02, v2  }
0x313: {  	v62 =	vld [tilespmem:s29+$0x8840];
	v3 =	vmul.f32 $3.125000000e-02, v3;
	[tilespmem:s29+$0x9850] =	vst v0  }
0x314: {  	v0 =	vmul.f32 $3.125000000e-02, v6;
	v6 =	vld [tilespmem:s21+$0x8460];
	[tilespmem:s29+$0x9860] =	vst v2  }
0x315: {  	v7 =	vld [tilespmem:s29+$0x9440];
	v2 =	vmul.f32 $3.125000000e-02, v5;
	[tilespmem:s29+$0x9870] =	vst v3  }
0x316: {  	s24 =	sand.u32 $0x7, s20;
	v5 =	vld [tilespmem:s21+$0x8470];
	v4 =	vmul.f32 $3.125000000e-02, v4;
	[tilespmem:s21+$0x8400] =	vst v0  }
0x317: {  	s22 =	sshll.u32 s24, $0x7;
	v0 =	vld [tilespmem:s29+$0x8C40];
	[tilespmem:s21+$0x8410] =	vst v2;
	v1 =	vmul.f32 $3.125000000e-02, v1  }
0x318: {  	s22 =	sadd.s32 $0x0, s22;
	v9 =	vmul.f32 $3.125000000e-02, v61;
	v2 =	vld [tilespmem:s29+$0x9040];
	[tilespmem:s29+$0x8040] =	vst v4  }
0x319: {  	s25 =	sor.u32 $0x1C00, s22;
	v4 =	vld [tilespmem:s21+$0x8810];
	[tilespmem:s21+$0x8450] =	vst v1;
	v1 =	vmul.f32 $3.125000000e-02, v6  }
0x31a: {  	v10 =	vmul.f32 $3.125000000e-02, v62;
	v8 =	vld [tilespmem:s25+$0x8000];
	[tilespmem:s29+$0x8440] =	vst v9  }
0x31b: {  	v5 =	vmul.f32 $3.125000000e-02, v5;
	[tilespmem:s21+$0x8460] =	vst v1;
	v1 =	vld [tilespmem:s29+$0x9840]  }
0x31c: {  	[tilespmem:s29+$0x8840] =	vst v10;
	v0 =	vmul.f32 $3.125000000e-02, v0  }
0x31d: {  	v2 =	vmul.f32 $3.125000000e-02, v2;
	[tilespmem:s21+$0x8470] =	vst v5  }
0x31e: {  	v5 =	vmul.f32 $3.125000000e-02, v7;
	[tilespmem:s29+$0x8C40] =	vst v0  }
0x31f: {  	v4 =	vmul.f32 $3.125000000e-02, v4;
	[tilespmem:s29+$0x9040] =	vst v2  }
0x320: {  	[tilespmem:s29+$0x9440] =	vst v5;
	v1 =	vmul.f32 $3.125000000e-02, v1  }
0x321: {  	v3 =	vld [tilespmem:s21+$0x8800];
	[tilespmem:s21+$0x8810] =	vst v4;
	v4 =	vmul.f32 $3.125000000e-02, v8  }
0x322: {  	[tilespmem:s29+$0x9840] =	vst v1  }
0x323: {  	s26 =	sor.u32 $0x1C10, s22;
	v0 =	vld [tilespmem:s21+$0x8850];
	[tilespmem:s25+$0x8000] =	vst v4  }
0x324: {  	v4 =	vld [tilespmem:s26+$0x8000]  }
0x325: {  	v1 =	vld [tilespmem:s21+$0x8C00]  }
0x326: {  	v2 =	vmul.f32 $3.125000000e-02, v3;
	v3 =	vld [tilespmem:s21+$0x8860];
	_ =	sdelay $0x1  }
0x327: {  	v0 =	vmul.f32 $3.125000000e-02, v0  }
0x328: {  	v4 =	vmul.f32 $3.125000000e-02, v4  }
0x329: {  	[tilespmem:s21+$0x8850] =	vst v0;
	v0 =	vld [tilespmem:s21+$0x8C30];
	v1 =	vmul.f32 $3.125000000e-02, v1  }
0x32a: {  	s28 =	sor.u32 $0x1C20, s22;
	v63 =	vld [tilespmem:s21+$0x8820];
	v3 =	vmul.f32 $3.125000000e-02, v3;
	[tilespmem:s26+$0x8000] =	vst v4  }
0x32b: {  	[tilespmem:s21+$0x8C00] =	vst v1;
	v1 =	vld [tilespmem:s28+$0x8000]  }
0x32c: {  	[tilespmem:s21+$0x8860] =	vst v3;
	v3 =	vld [tilespmem:s21+$0x8C50];
	_ =	sdelay $0x1  }
0x32d: {  	v0 =	vmul.f32 $3.125000000e-02, v0  }
0x32e: {  	[tilespmem:s21+$0x8800] =	vst v2;
	v2 =	vmul.f32 $3.125000000e-02, v63  }
0x32f: {  	v6 =	vld [tilespmem:s21+$0x8830];
	[tilespmem:s21+$0x8C30] =	vst v0;
	v0 =	vmul.f32 $3.125000000e-02, v1  }
0x330: {  	v5 =	vld [tilespmem:s21+$0x8870];
	[tilespmem:s21+$0x8820] =	vst v2;
	v3 =	vmul.f32 $3.125000000e-02, v3  }
0x331: {  	v2 =	vld [tilespmem:s21+$0x8C10];
	s29 =	sor.u32 $0x1C30, s22;
	[tilespmem:s28+$0x8000] =	vst v0  }
0x332: {  	[tilespmem:s21+$0x8C50] =	vst v3;
	v3 =	vld [tilespmem:s29+$0x8000];
	_ =	sdelay $0x1  }
0x333: {  	v6 =	vmul.f32 $3.125000000e-02, v6;
	v4 =	vld [tilespmem:s21+$0x8C70]  }
0x334: {  	v5 =	vmul.f32 $3.125000000e-02, v5  }
0x335: {  	[tilespmem:s21+$0x8830] =	vst v6;
	v2 =	vmul.f32 $3.125000000e-02, v2  }
0x336: {  	v6 =	vld [tilespmem:s21+$0x8C20];
	[tilespmem:s21+$0x8870] =	vst v5;
	v3 =	vmul.f32 $3.125000000e-02, v3  }
0x337: {  	v5 =	vld [tilespmem:s21+$0x8C60];
	[tilespmem:s21+$0x8C10] =	vst v2  }
0x338: {  	s30 =	sor.u32 $0x1C40, s22;
	v2 =	vld [tilespmem:s21+$0x9000];
	v4 =	vmul.f32 $3.125000000e-02, v4;
	[tilespmem:s29+$0x8000] =	vst v3  }
0x339: {  	v3 =	vld [tilespmem:s30+$0x8000]  }
0x33a: {  	[tilespmem:s21+$0x8C70] =	vst v4;
	v4 =	vld [tilespmem:s21+$0x9060]  }
0x33b: {  	v6 =	vmul.f32 $3.125000000e-02, v6;
	v0 =	vld [tilespmem:s21+$0x9030]  }
0x33c: {  	v5 =	vmul.f32 $3.125000000e-02, v5;
	v1 =	vld [tilespmem:s21+$0x9020]  }
0x33d: {  	[tilespmem:s21+$0x8C20] =	vst v6;
	v6 =	vld [tilespmem:s21+$0x9010];
	v2 =	vmul.f32 $3.125000000e-02, v2  }
0x33e: {  	[tilespmem:s21+$0x8C60] =	vst v5;
	v5 =	vld [tilespmem:s21+$0x9050];
	v3 =	vmul.f32 $3.125000000e-02, v3  }
0x33f: {  	[tilespmem:s21+$0x9000] =	vst v2;
	v2 =	vld [tilespmem:s21+$0x9400];
	v4 =	vmul.f32 $3.125000000e-02, v4  }
0x340: {  	s31 =	sor.u32 $0x1C50, s22;
	v7 =	vld [tilespmem:s21+$0x9070];
	v0 =	vmul.f32 $3.125000000e-02, v0;
	[tilespmem:s30+$0x8000] =	vst v3  }
0x341: {  	v1 =	vmul.f32 $3.125000000e-02, v1;
	[tilespmem:s21+$0x9060] =	vst v4;
	v4 =	vld [tilespmem:s31+$0x8000]  }
0x342: {  	v6 =	vmul.f32 $3.125000000e-02, v6;
	[tilespmem:s21+$0x9030] =	vst v0;
	v0 =	vld [tilespmem:s21+$0x9420]  }
0x343: {  	v5 =	vmul.f32 $3.125000000e-02, v5;
	[tilespmem:s21+$0x9020] =	vst v1;
	v1 =	vld [tilespmem:s21+$0x9410]  }
0x344: {  	[tilespmem:s21+$0x9010] =	vst v6;
	v2 =	vmul.f32 $3.125000000e-02, v2  }
0x345: {  	v6 =	vmul.f32 $3.125000000e-02, v7;
	[tilespmem:s21+$0x9050] =	vst v5;
	v5 =	vld [tilespmem:s21+$0x9430]  }
0x346: {  	[tilespmem:s21+$0x9400] =	vst v2;
	v3 =	vld [tilespmem:s21+$0x9450];
	v2 =	vmul.f32 $3.125000000e-02, v4  }
0x347: {  	[tilespmem:s21+$0x9070] =	vst v6;
	v6 =	vld [tilespmem:s21+$0x9460];
	v0 =	vmul.f32 $3.125000000e-02, v0  }
0x348: {  	s26 =	sor.u32 $0x1C60, s22;
	v7 =	vld [tilespmem:s21+$0x9470];
	v1 =	vmul.f32 $3.125000000e-02, v1;
	[tilespmem:s31+$0x8000] =	vst v2  }
0x349: {  	[tilespmem:s21+$0x9420] =	vst v0;
	v0 =	vld [tilespmem:s26+$0x8000]  }
0x34a: {  	[tilespmem:s21+$0x9410] =	vst v1;
	v1 =	vld [tilespmem:s21+$0x9800];
	v4 =	vmul.f32 $3.125000000e-02, v5  }
0x34b: {  	v5 =	vld [tilespmem:s21+$0x9810];
	v2 =	vmul.f32 $3.125000000e-02, v3  }
0x34c: {  	[tilespmem:s21+$0x9430] =	vst v4;
	v4 =	vld [tilespmem:s21+$0x9820];
	v3 =	vmul.f32 $3.125000000e-02, v6  }
0x34d: {  	v6 =	vmul.f32 $3.125000000e-02, v7;
	[tilespmem:s21+$0x9450] =	vst v2;
	v2 =	vld [tilespmem:s21+$0x9830]  }
0x34e: {  	s23 =	simm.s32 $0x0;
	s24 =	simm.s32 $0xFFFF8400;
	s25 =	simm.s32 $0x100;
	[tilespmem:s21+$0x9460] =	vst v3;
	v3 =	vld [tilespmem:s21+$0x9850];
	v0 =	vmul.f32 $3.125000000e-02, v0  }
.LBB2_9:
0x34f: {  	p0 =	sne.s32 s25, $0xF80;
	[tilespmem:s21+$0x9470] =	vst v6;
	v1 =	vmul.f32 $3.125000000e-02, v1;
	v6 =	vld [tilespmem:s21+$0x9860]  }
0x350: {  	v5 =	vmul.f32 $3.125000000e-02, v5;
	v7 =	vld [tilespmem:s21+$0x9870];
	[tilespmem:s26+$0x8000] =	vst v0;
	s26 =	sor.u32 $0x1C70, s22  }
0x351: {  	[tilespmem:s21+$0x9800] =	vst v1;
	v0 =	vmul.f32 $3.125000000e-02, v4;
	v1 =	vld [tilespmem:s26+$0x8000]  }
0x352: {  	v4 =	vld [tilespmem:s21+$0x8040];
	[tilespmem:s21+$0x9810] =	vst v5;
	v2 =	vmul.f32 $3.125000000e-02, v2  }
0x353: {  	v5 =	vld [tilespmem:s21+$0x8440];
	[tilespmem:s21+$0x9820] =	vst v0;
	v0 =	vmul.f32 $3.125000000e-02, v3  }
0x354: {  	s20 =	sadd.s32 $0x1, s20;
	v3 =	vld [tilespmem:s21+$0x8840];
	[tilespmem:s21+$0x9830] =	vst v2;
	v2 =	vmul.f32 $3.125000000e-02, v6  }
0x355: {  	s22 =	sand.u32 $0x7, s20;
	v6 =	vld [tilespmem:s21+$0x8C40];
	[tilespmem:s21+$0x9850] =	vst v0;
	v0 =	vmul.f32 $3.125000000e-02, v7  }
0x356: {  	s24 =	sadd.s32 $0x400, s24;
	s23 =	sadd.s32 $0x400, s23;
	s22 =	sshll.u32 s22, $0x7;
	v7 =	vld [tilespmem:s21+$0x9040];
	[tilespmem:s21+$0x9860] =	vst v2;
	v1 =	vmul.f32 $3.125000000e-02, v1  }
0x357: {  	s28 =	sadd.s32 $0x8000, s24;
	s22 =	sadd.s32 s22, s23;
	v2 =	vmul.f32 $3.125000000e-02, v4;
	v4 =	vld [tilespmem:s21+$0x9440];
	[tilespmem:s21+$0x9870] =	vst v0  }
0x358: {  	s29 =	sand.u32 $0x380, s25;
	s28 =	sand.u32 $0x6000, s28;
	s30 =	sor.u32 $0x1C00, s22;
	v0 =	vmul.f32 $3.125000000e-02, v5;
	v5 =	vld [tilespmem:s21+$0x9840];
	[tilespmem:s26+$0x8000] =	vst v1  }
0x359: {  	s26 =	sor.u32 s29, s28;
	[tilespmem:s21+$0x8040] =	vst v2;
	v1 =	vmul.f32 $3.125000000e-02, v3;
	v2 =	vld [tilespmem:s30+$0x8000]  }
0x35a: {  	v3 =	vld [tilespmem:s26+$0x8000];
	[tilespmem:s21+$0x8440] =	vst v0;
	v0 =	vmul.f32 $3.125000000e-02, v6  }
0x35b: {  	v6 =	vld [tilespmem:s26+$0x8010];
	[tilespmem:s21+$0x8840] =	vst v1;
	v1 =	vmul.f32 $3.125000000e-02, v7  }
0x35c: {  	v7 =	vld [tilespmem:s26+$0x8020];
	[tilespmem:s21+$0x8C40] =	vst v0;
	v0 =	vmul.f32 $3.125000000e-02, v4  }
0x35d: {  	v4 =	vld [tilespmem:s26+$0x8030];
	[tilespmem:s21+$0x9040] =	vst v1;
	v1 =	vmul.f32 $3.125000000e-02, v5  }
0x35e: {  	v5 =	vld [tilespmem:s26+$0x8050];
	[tilespmem:s21+$0x9440] =	vst v0;
	v0 =	vmul.f32 $3.125000000e-02, v2  }
0x35f: {  	v2 =	vmul.f32 $3.125000000e-02, v3;
	v3 =	vld [tilespmem:s26+$0x8060];
	[tilespmem:s21+$0x9840] =	vst v1;
	s21 =	smov.u32 s26  }
0x360: {  	s26 =	sor.u32 $0x1C10, s22;
	v1 =	vmul.f32 $3.125000000e-02, v6;
	v6 =	vld [tilespmem:s21+$0x8070];
	[tilespmem:s30+$0x8000] =	vst v0  }
0x361: {  	[tilespmem:s21+$0x8000] =	vst v2;
	v0 =	vmul.f32 $3.125000000e-02, v7;
	v2 =	vld [tilespmem:s26+$0x8000]  }
0x362: {  	[tilespmem:s21+$0x8010] =	vst v1;
	v1 =	vmul.f32 $3.125000000e-02, v4;
	v4 =	vld [tilespmem:s21+$0x8400]  }
0x363: {  	[tilespmem:s21+$0x8020] =	vst v0;
	v0 =	vmul.f32 $3.125000000e-02, v5;
	v5 =	vld [tilespmem:s21+$0x8410]  }
0x364: {  	[tilespmem:s21+$0x8030] =	vst v1;
	v1 =	vmul.f32 $3.125000000e-02, v3;
	v3 =	vld [tilespmem:s21+$0x8420]  }
0x365: {  	[tilespmem:s21+$0x8050] =	vst v0;
	v0 =	vmul.f32 $3.125000000e-02, v6;
	v6 =	vld [tilespmem:s21+$0x8430]  }
0x366: {  	[tilespmem:s21+$0x8060] =	vst v1;
	v1 =	vld [tilespmem:s21+$0x8450];
	v2 =	vmul.f32 $3.125000000e-02, v2  }
0x367: {  	[tilespmem:s21+$0x8070] =	vst v0;
	v0 =	vmul.f32 $3.125000000e-02, v4;
	v4 =	vld [tilespmem:s21+$0x8460]  }
0x368: {  	v5 =	vmul.f32 $3.125000000e-02, v5;
	v7 =	vld [tilespmem:s21+$0x8470];
	[tilespmem:s26+$0x8000] =	vst v2;
	s26 =	sor.u32 $0x1C20, s22  }
0x369: {  	[tilespmem:s21+$0x8400] =	vst v0;
	v0 =	vmul.f32 $3.125000000e-02, v3;
	v2 =	vld [tilespmem:s26+$0x8000]  }
0x36a: {  	[tilespmem:s21+$0x8410] =	vst v5;
	v3 =	vmul.f32 $3.125000000e-02, v6;
	v5 =	vld [tilespmem:s21+$0x8800]  }
0x36b: {  	[tilespmem:s21+$0x8420] =	vst v0;
	v0 =	vmul.f32 $3.125000000e-02, v1;
	v1 =	vld [tilespmem:s21+$0x8810]  }
0x36c: {  	[tilespmem:s21+$0x8430] =	vst v3;
	v3 =	vmul.f32 $3.125000000e-02, v4;
	v4 =	vld [tilespmem:s21+$0x8820]  }
0x36d: {  	[tilespmem:s21+$0x8450] =	vst v0;
	v0 =	vmul.f32 $3.125000000e-02, v7;
	v6 =	vld [tilespmem:s21+$0x8830]  }
0x36e: {  	[tilespmem:s21+$0x8460] =	vst v3;
	v3 =	vld [tilespmem:s21+$0x8850];
	v2 =	vmul.f32 $3.125000000e-02, v2  }
0x36f: {  	[tilespmem:s21+$0x8470] =	vst v0;
	v0 =	vmul.f32 $3.125000000e-02, v5;
	v5 =	vld [tilespmem:s21+$0x8860]  }
0x370: {  	v1 =	vmul.f32 $3.125000000e-02, v1;
	v7 =	vld [tilespmem:s21+$0x8870];
	[tilespmem:s26+$0x8000] =	vst v2;
	s26 =	sor.u32 $0x1C30, s22  }
0x371: {  	[tilespmem:s21+$0x8800] =	vst v0;
	v0 =	vmul.f32 $3.125000000e-02, v4;
	v2 =	vld [tilespmem:s26+$0x8000]  }
0x372: {  	[tilespmem:s21+$0x8810] =	vst v1;
	v1 =	vmul.f32 $3.125000000e-02, v6;
	v4 =	vld [tilespmem:s21+$0x8C00]  }
0x373: {  	[tilespmem:s21+$0x8820] =	vst v0;
	v0 =	vmul.f32 $3.125000000e-02, v3;
	v3 =	vld [tilespmem:s21+$0x8C10]  }
0x374: {  	[tilespmem:s21+$0x8830] =	vst v1;
	v1 =	vmul.f32 $3.125000000e-02, v5;
	v5 =	vld [tilespmem:s21+$0x8C20]  }
0x375: {  	[tilespmem:s21+$0x8850] =	vst v0;
	v0 =	vmul.f32 $3.125000000e-02, v7;
	v6 =	vld [tilespmem:s21+$0x8C30]  }
0x376: {  	[tilespmem:s21+$0x8860] =	vst v1;
	v1 =	vld [tilespmem:s21+$0x8C50];
	v2 =	vmul.f32 $3.125000000e-02, v2  }
0x377: {  	[tilespmem:s21+$0x8870] =	vst v0;
	v0 =	vmul.f32 $3.125000000e-02, v4;
	v4 =	vld [tilespmem:s21+$0x8C60]  }
0x378: {  	v3 =	vmul.f32 $3.125000000e-02, v3;
	v7 =	vld [tilespmem:s21+$0x8C70];
	[tilespmem:s26+$0x8000] =	vst v2;
	s26 =	sor.u32 $0x1C40, s22  }
0x379: {  	[tilespmem:s21+$0x8C00] =	vst v0;
	v0 =	vmul.f32 $3.125000000e-02, v5;
	v2 =	vld [tilespmem:s26+$0x8000]  }
0x37a: {  	[tilespmem:s21+$0x8C10] =	vst v3;
	v3 =	vmul.f32 $3.125000000e-02, v6;
	v5 =	vld [tilespmem:s21+$0x9000]  }
0x37b: {  	[tilespmem:s21+$0x8C20] =	vst v0;
	v0 =	vmul.f32 $3.125000000e-02, v1;
	v1 =	vld [tilespmem:s21+$0x9010]  }
0x37c: {  	[tilespmem:s21+$0x8C30] =	vst v3;
	v3 =	vmul.f32 $3.125000000e-02, v4;
	v4 =	vld [tilespmem:s21+$0x9020]  }
0x37d: {  	[tilespmem:s21+$0x8C50] =	vst v0;
	v0 =	vmul.f32 $3.125000000e-02, v7;
	v6 =	vld [tilespmem:s21+$0x9030]  }
0x37e: {  	[tilespmem:s21+$0x8C60] =	vst v3;
	v3 =	vld [tilespmem:s21+$0x9050];
	v2 =	vmul.f32 $3.125000000e-02, v2  }
0x37f: {  	[tilespmem:s21+$0x8C70] =	vst v0;
	v0 =	vmul.f32 $3.125000000e-02, v5;
	v5 =	vld [tilespmem:s21+$0x9060]  }
0x380: {  	v1 =	vmul.f32 $3.125000000e-02, v1;
	v7 =	vld [tilespmem:s21+$0x9070];
	[tilespmem:s26+$0x8000] =	vst v2;
	s26 =	sor.u32 $0x1C50, s22  }
0x381: {  	[tilespmem:s21+$0x9000] =	vst v0;
	v0 =	vmul.f32 $3.125000000e-02, v4;
	v2 =	vld [tilespmem:s26+$0x8000]  }
0x382: {  	[tilespmem:s21+$0x9010] =	vst v1;
	v1 =	vmul.f32 $3.125000000e-02, v6;
	v4 =	vld [tilespmem:s21+$0x9400]  }
0x383: {  	[tilespmem:s21+$0x9020] =	vst v0;
	v0 =	vmul.f32 $3.125000000e-02, v3;
	v3 =	vld [tilespmem:s21+$0x9410]  }
0x384: {  	[tilespmem:s21+$0x9030] =	vst v1;
	v1 =	vmul.f32 $3.125000000e-02, v5;
	v5 =	vld [tilespmem:s21+$0x9420]  }
0x385: {  	[tilespmem:s21+$0x9050] =	vst v0;
	v0 =	vmul.f32 $3.125000000e-02, v7;
	v6 =	vld [tilespmem:s21+$0x9430]  }
0x386: {  	[tilespmem:s21+$0x9060] =	vst v1;
	v7 =	vld [tilespmem:s21+$0x9450];
	v1 =	vmul.f32 $3.125000000e-02, v2  }
0x387: {  	[tilespmem:s21+$0x9070] =	vst v0;
	v0 =	vmul.f32 $3.125000000e-02, v4;
	v2 =	vld [tilespmem:s21+$0x9460]  }
0x388: {  	v3 =	vmul.f32 $3.125000000e-02, v3;
	v8 =	vld [tilespmem:s21+$0x9470];
	[tilespmem:s26+$0x8000] =	vst v1;
	s26 =	sor.u32 $0x1C60, s22  }
0x389: {  	[tilespmem:s21+$0x9400] =	vst v0;
	v0 =	vmul.f32 $3.125000000e-02, v5;
	v9 =	vld [tilespmem:s26+$0x8000]  }
.Ltmp3:
0x38a: {  	[tilespmem:s21+$0x9410] =	vst v3;
	v3 =	vmul.f32 $3.125000000e-02, v6;
	v1 =	vld [tilespmem:s21+$0x9800];
	(pc) =	sbr.rel @p0 .LBB2_9-.Ltmp3, $4  }
0x38b: {  	[tilespmem:s21+$0x9420] =	vst v0;
	v0 =	vmul.f32 $3.125000000e-02, v7;
	v5 =	vld [tilespmem:s21+$0x9810]  }
0x38c: {  	[tilespmem:s21+$0x9430] =	vst v3;
	v3 =	vmul.f32 $3.125000000e-02, v2;
	v4 =	vld [tilespmem:s21+$0x9820]  }
0x38d: {  	[tilespmem:s21+$0x9450] =	vst v0;
	v6 =	vmul.f32 $3.125000000e-02, v8;
	v2 =	vld [tilespmem:s21+$0x9830]  }
0x38e: {  	s25 =	sadd.s32 $0x80, s25;
	[tilespmem:s21+$0x9460] =	vst v3;
	v3 =	vld [tilespmem:s21+$0x9850];
	v0 =	vmul.f32 $3.125000000e-02, v9  }
0x38f: {  	v1 =	vmul.f32 $3.125000000e-02, v1;
	v50 =	vld [tilespmem:s21+$0x9860]  }
0x390: {  	[tilespmem:s21+$0x9470] =	vst v6;
	v7 =	vld [tilespmem:s21+$0x9870];
	v5 =	vmul.f32 $3.125000000e-02, v5  }
0x391: {  	v51 =	vld [tilespmem:s21+$0x8040];
	[tilespmem:s21+$0x9800] =	vst v1;
	v4 =	vmul.f32 $3.125000000e-02, v4  }
0x392: {  	[tilespmem:s21+$0x9810] =	vst v5;
	v2 =	vmul.f32 $3.125000000e-02, v2  }
0x393: {  	v52 =	vld [tilespmem:s21+$0x8440];
	[tilespmem:s21+$0x9820] =	vst v4;
	v3 =	vmul.f32 $3.125000000e-02, v3  }
0x394: {  	v53 =	vld [tilespmem:s21+$0x8840];
	s20 =	sadd.s32 $0x1, s20;
	[tilespmem:s21+$0x9830] =	vst v2;
	v6 =	vmul.f32 $3.125000000e-02, v50  }
0x395: {  	v54 =	vld [tilespmem:s21+$0x8C40];
	s20 =	sand.u32 $0x7, s20;
	v7 =	vmul.f32 $3.125000000e-02, v7;
	[tilespmem:s21+$0x9850] =	vst v3  }
0x396: {  	v55 =	vld [tilespmem:s21+$0x9040];
	s23 =	sadd.s32 $0x400, s23;
	s20 =	sshll.u32 s20, $0x7;
	v1 =	vmul.f32 $3.125000000e-02, v51;
	[tilespmem:s21+$0x9860] =	vst v6  }
0x397: {  	v56 =	vld [tilespmem:s21+$0x9440];
	s20 =	sadd.s32 s20, s23;
	[tilespmem:s21+$0x9870] =	vst v7  }
0x398: {  	v57 =	vld [tilespmem:s21+$0x9840];
	s23 =	sor.u32 $0x1C00, s20;
	v5 =	vmul.f32 $3.125000000e-02, v52;
	[tilespmem:s21+$0x8040] =	vst v1  }
0x399: {  	v58 =	vmul.f32 $3.125000000e-02, v53;
	v59 =	vld [tilespmem:s23+$0x8000]  }
0x39a: {  	v2 =	vmul.f32 $3.125000000e-02, v54;
	[tilespmem:s21+$0x8440] =	vst v5  }
0x39b: {  	v60 =	vmul.f32 $3.125000000e-02, v55;
	[tilespmem:s21+$0x8840] =	vst v58  }
0x39c: {  	v61 =	vmul.f32 $3.125000000e-02, v56;
	[tilespmem:s21+$0x8C40] =	vst v2  }
0x39d: {  	v62 =	vmul.f32 $3.125000000e-02, v57;
	[tilespmem:s21+$0x9040] =	vst v60  }
0x39e: {  	[tilespmem:s21+$0x9440] =	vst v61;
	v63 =	vmul.f32 $3.125000000e-02, v59  }
0x39f: {  	[tilespmem:s21+$0x9840] =	vst v62  }
0x3a0: {  	s24 =	sor.u32 $0x1C10, s20;
	[tilespmem:s23+$0x8000] =	vst v63  }
0x3a1: {  	v1 =	vld [tilespmem:s24+$0x8000];
	_ =	sdelay $0x4  }
0x3a2: {  	v1 =	vmul.f32 $3.125000000e-02, v1;
	_ =	sdelay $0x1  }
0x3a3: {  	s25 =	sor.u32 $0x1C20, s20;
	[tilespmem:s24+$0x8000] =	vst v1  }
0x3a4: {  	v1 =	vld [tilespmem:s25+$0x8000];
	_ =	sdelay $0x4  }
0x3a5: {  	v1 =	vmul.f32 $3.125000000e-02, v1;
	_ =	sdelay $0x1  }
0x3a6: {  	s28 =	sor.u32 $0x1C30, s20;
	[tilespmem:s25+$0x8000] =	vst v1  }
0x3a7: {  	v1 =	vld [tilespmem:s28+$0x8000];
	_ =	sdelay $0x4  }
0x3a8: {  	v1 =	vmul.f32 $3.125000000e-02, v1;
	_ =	sdelay $0x1  }
0x3a9: {  	s29 =	sor.u32 $0x1C40, s20;
	[tilespmem:s28+$0x8000] =	vst v1  }
0x3aa: {  	v1 =	vld [tilespmem:s29+$0x8000];
	_ =	sdelay $0x4  }
0x3ab: {  	v1 =	vmul.f32 $3.125000000e-02, v1;
	_ =	sdelay $0x1  }
0x3ac: {  	s30 =	sor.u32 $0x1C50, s20;
	[tilespmem:s29+$0x8000] =	vst v1  }
0x3ad: {  	v1 =	vld [tilespmem:s30+$0x8000];
	_ =	sdelay $0x4  }
0x3ae: {  	v1 =	vmul.f32 $3.125000000e-02, v1;
	_ =	sdelay $0x1  }
0x3af: {  	s31 =	sor.u32 $0x1C60, s20;
	[tilespmem:s30+$0x8000] =	vst v1  }
0x3b0: {  	v1 =	vld [tilespmem:s31+$0x8000];
	_ =	sdelay $0x4  }
0x3b1: {  	v1 =	vmul.f32 $3.125000000e-02, v1  }
0x3b2: {  	s22 =	sor.u32 $0x1C70, s22;
	[tilespmem:s26+$0x8000] =	vst v0  }
0x3b3: {  	v0 =	vld [tilespmem:s22+$0x8000];
	s20 =	sor.u32 $0x1C70, s20;
	[tilespmem:s31+$0x8000] =	vst v1  }
0x3b4: {  	v1 =	vld [tilespmem:s20+$0x8000];
	_ =	sdelay $0x1  }
0x3b5: {  	s18 =	sadd.s32 $0x1, s18  }
0x3b6: {  	p0 =	sne.s32 s18, $0x4  }
.Ltmp4:
0x3b7: {  	v0 =	vmul.f32 $3.125000000e-02, v0;
	(pc) =	sbr.rel @p0 .LBB2_6-.Ltmp4, $4  }
0x3b8: {  	v1 =	vmul.f32 $3.125000000e-02, v1  }
0x3b9: {  	[tilespmem:s22+$0x8000] =	vst v0  }
0x3ba: {  	s19 =	sadd.s32 s3, s19;
	[tilespmem:s20+$0x8000] =	vst v1  }
0x3bb: {  	[hbm4b:s19+s4] =	stream.linear.scatter [tilespmem:s12], [sflag:$0x4], $0x8000, $0x38;
	[tilespmem:$0x10000] =	vst v63  }
0x3bc: {  	s17 =	sadd.s32 $0x1, s17  }
0x3bd: {  	_ =	swait.ge [sflag:s15], $0x8000;
	p0 =	sne.s32 s17, s11  }
.Ltmp5:
0x3be: {  	[sflag:s15] =	ssyncset.done $0x0;
	(pc) =	sbr.rel @p0 .LBB2_1-.Ltmp5, $4  }
0x3bf: {  	[sflag:s15] =	ssyncadd.s32 $0xFFFF8000  }
0x3c0: {  	_ =	swait.ge [sflag:s16], $0x8000  }
0x3c1: {  	[sflag:s16] =	ssyncset.done $0x0  }
0x3c2: {  	[sflag:s16] =	ssyncadd.s32 $0xFFFF8000  }
0x3c3: {  	_ =	sfence.sel $0x180000  }
0x3c4: {  	[bflag:$0x0] =	sbarrier.arrive $0xFFFF  }
0x3c5: {  	p0 =	sne.s32 s1, $0x0;
	_ =	strace $0x90000047  }
0x3c6: {  	s0 =	sadd.s32 @!p0 $0x100000, s0;
	[bflag:$0x2] =	sbarrier.arrive $0xFFFF  }
0x3c7: {  	[sflag:s0] =	ssyncadd.tile.s32 @!p0 $0x1;
	_ =	shalt  }
.Lfunc_end2:
_tile_overlayer_lowered:
.L_overlay_start_2:
0x3c8: {  	(tag) =	ssettag $0x2  }
0x3c9: {  	s0 =	rddreg [dreg:$0x0];
	s2 =	stileid.u32  }
0x3ca: {  	s1 =	rddreg [dreg:$0x1];
	p0 =	sne.s32 s2, $0x0  }
0x3cb: {  	s3 =	rddreg [dreg:$0x2];
	[bflag:$0x3] =	sbarrier.arrive $0xFFFF;
	s2 =	simm.s32 @!p0 $0x1C05  }
0x3cc: {  	[timem:s3], [sflag:s2] =	dma.local @!p0 [hbm:s0], s1  }
0x3cd: {  	s0 =	simm.s32 @!p0 $0x5  }
0x3ce: {  	_ =	swait.ge @!p0 [sflag:s0], s1  }
0x3cf: {  	s1 =	ssub.s32 @!p0 $0x0, s1;
	[sflag:s0] =	ssyncset.done @!p0 $0x0  }
0x3d0: {  	[sflag:s0] =	ssyncadd.s32 @!p0 s1  }
0x3d1: {  	[bflag:$0x3] =	sbarrier.arrive $0xFFFF  }
0x3d2: {  	_ =	shalt  }

</sc_bundles>
